<compile_context>
chip_gen: v7x
topology: tpu7x:2x2x1
jax: 0.10.2.dev20260603
libtpu: 0.0.44.dev20260713+nightly
codegen_flags: <defaults>
</compile_context>

<pallas_src>
import functools

import jax
import jax.numpy as jnp
from jax import lax
from jax.experimental import pallas as pl
from jax.experimental.pallas import tpu as pltpu
from jax.experimental.pallas import tpu_sc as plsc

_B = 1024
_C = 100000
_NW = 32
_RPW = _B // _NW
_EDGE_T = (_C // 128)
_EDGE_C = _EDGE_T * 128
_ZW = 12800
_ZTAIL = _EDGE_C - 7 * _ZW

_mesh = plsc.VectorSubcoreMesh(
    core_axis_name="c", subcore_axis_name="s", num_cores=2, num_subcores=16
)


@functools.partial(
    pl.kernel,
    out_type=jax.ShapeDtypeStruct((_B, _C), jnp.float32),
    mesh=_mesh,
    compiler_params=pltpu.CompilerParams(needs_layout_passes=False),
    scratch_types=[
        pltpu.VMEM((8, _ZW), jnp.float32),
        pltpu.VMEM((_RPW,), jnp.int32),
        pltpu.VMEM((9, 128), jnp.float32),
        pltpu.SemaphoreType.DMA,
        pltpu.SemaphoreType.DMA,
    ],
)
def _sc_onehot(z_hbm, y_hbm, out_hbm, ztmpl, yv, pay, fill_sem, fix_sem):
    cid = lax.axis_index("c")
    sid = lax.axis_index("s")
    wid = sid * 2 + cid
    row0 = wid * _RPW

    pltpu.sync_copy(y_hbm.at[pl.ds(row0, _RPW)], yv)
    pltpu.sync_copy(z_hbm, ztmpl)

    copies = []
    for t in range(_RPW // 8):
        r8 = row0 + t * 8
        for cch in range(7):
            copies.append(
                pltpu.async_copy(
                    ztmpl,
                    out_hbm.at[pl.ds(r8, 8), pl.ds(cch * _ZW, _ZW)],
                    fill_sem,
                )
            )
        copies.append(
            pltpu.async_copy(
                ztmpl.at[:, pl.ds(0, _ZTAIL)],
                out_hbm.at[pl.ds(r8, 8), pl.ds(7 * _ZW, _ZTAIL)],
                fill_sem,
            )
        )
    for c in copies:
        c.wait()

    lanes = lax.iota(jnp.int32, 16)
    zf = jnp.zeros((16,), jnp.float32)
    for q in range(8):
        for k in range(8):
            pay[q, pl.ds(k * 16, 16)] = zf

    for s in range(4):
        yvh = yv[pl.ds((s // 2) * 16, 16)]
        rl = (s % 2) * 8
        tv = lax.shift_right_logical(yvh, 7)
        ov = jnp.bitwise_and(yvh, 127)
        inr = jnp.logical_and(lanes >= rl, lanes < rl + 8)
        idx_r = jnp.where(inr, lanes - rl, 8)
        for t in range(8):
            t_t = jnp.sum(jnp.where(lanes == rl + t, tv, 0))

            @pl.when(t_t < _EDGE_T)
            def _(s=s, t_t=t_t, tv=tv, ov=ov, inr=inr, idx_r=idx_r):
                vals = jnp.where(tv == t_t, 1.0, 0.0).astype(jnp.float32)
                plsc.store_scatter(pay, [idx_r, ov], vals, mask=inr)
                pltpu.async_copy(
                    pay.at[pl.ds(0, 8)],
                    out_hbm.at[
                        pl.ds(row0 + s * 8, 8), pl.ds(t_t * 128, 128)
                    ],
                    fix_sem,
                ).wait()
                plsc.store_scatter(pay, [idx_r, ov], zf, mask=inr)


def _edge_body(oh_ref, y_ref, out_ref):
    col = jax.lax.broadcasted_iota(jnp.int32, out_ref.shape, 1) + _EDGE_C
    out_ref[...] = (col == y_ref[...]).astype(jnp.float32)


def _edge_fix(oh, y2):
    return pl.pallas_call(
        _edge_body,
        grid=(_B // 8,),
        in_specs=[
            pl.BlockSpec(memory_space=pl.ANY),
            pl.BlockSpec((8, 1), lambda i: (i, 0)),
        ],
        out_specs=pl.BlockSpec((8, 128), lambda i: (i, _EDGE_T)),
        out_shape=jax.ShapeDtypeStruct((_B, _C), jnp.float32),
        input_output_aliases={0: 0},
    )(oh, y2)


def kernel(x, y):
    y32 = y.astype(jnp.int32)
    z = jnp.zeros((8, _ZW), jnp.float32)
    oh = _sc_onehot(z, y32)
    oh = _edge_fix(oh, y32.reshape(_B, 1))
    return (x, oh)

# --- scband reference (transcript-rebuilt; emitter-appended) ---
"""Pipeline reference for scband-transform-target-53876069761099 (READ-ONLY COPY).

The authoritative reference and input builder live on the scoring server;
editing this copy changes nothing except your own understanding.
"""

import jax, jax.numpy as jnp
import numpy as np

NUM_CLASSES = 100000
BATCH = 1024


def setup_inputs(seed: int = 0) -> dict:
    key = jax.random.key(seed)
    k1, k2 = jax.random.split(key)
    x = jax.random.normal(k1, (BATCH, 3, 224, 224), dtype=jnp.float32)
    y = jax.random.randint(k2, (BATCH,), 0, NUM_CLASSES, dtype=jnp.int64 if jax.config.jax_enable_x64 else jnp.int32)
    return {"x": x, "y": y}


def _one_hot(y, num_classes, on_value, off_value):
    b = y.shape[0]
    out = jnp.full((b, num_classes), off_value, dtype=jnp.float32)
    # scatter-overwrite: equivalent of torch .scatter_(1, idx, on_value)
    out = out.at[jnp.arange(b), y].set(on_value)
    return out


def reference(x, y):
    # mixup=0.0 path (default): y = mixup_target(y, y, num_classes, lam=0.0, smoothing=0.0)
    smoothing = 0.0
    off_value = smoothing / NUM_CLASSES
    on_value = 1.0 - smoothing + off_value
    y1 = _one_hot(y, NUM_CLASSES, on_value, off_value)
    y2 = _one_hot(y, NUM_CLASSES, on_value, off_value)
    lam = 0.0
    y_out = y1 * lam + y2 * (1.0 - lam)
    return (x, y_out)

if __name__ == "__main__":
    import jax
    _d = setup_inputs()
    print(jax.jit(kernel)(*tuple(_d.values())))

</pallas_src>

<mosaic_0001>
#map = affine_map<(d0, d1) -> (0, 0)>
#map1 = affine_map<(d0, d1) -> (0)>
module attributes {stable_mosaic.version = 14 : i64} {
  func.func @_sc_onehot(%arg0: i32, %arg1: i32, %arg2: memref<8x12800xf32, #tpu.memory_space<hbm>>, %arg3: memref<1024xi32, #tpu.memory_space<hbm>>, %arg4: memref<1024x100000xf32, #tpu.memory_space<hbm>>, %arg5: memref<8x12800xf32, #tpu.memory_space<vmem>>, %arg6: memref<32xi32, #tpu.memory_space<vmem>>, %arg7: memref<9x128xf32, #tpu.memory_space<vmem>>, %arg8: memref<!tpu.dma_semaphore, #tpu.memory_space<semaphore_mem>>, %arg9: memref<!tpu.dma_semaphore, #tpu.memory_space<semaphore_mem>>) attributes {dimension_semantics = [#tpu.dimension_semantics<core_parallel>, #tpu.dimension_semantics<subcore_parallel>], iteration_bounds = array<i64: 2, 16>, scalar_prefetch = 0 : i64, scratch_operands = 5 : i64, tpu.core_type = #tpu.core_type<sc_vector_subcore>, window_params = [{transform_indices = #map}, {transform_indices = #map1}, {transform_indices = #map}]} {
    %mul3A = arith.constant 2 : i32
    %mul3A_0 = arith.muli %arg1, %mul3A : i32
    %add3A = arith.addi %mul3A_0, %arg0 : i32
    %mul3A_1 = arith.constant 32 : i32
    %mul3A_2 = arith.muli %add3A, %mul3A_1 : i32
    "tpu.region"() ({
      %run_scoped3A = tpu.sem_alloc : memref<!tpu.dma_semaphore, #tpu.memory_space<semaphore_mem>>
      %dma_start3A_1121 = tpu.memref_slice %arg3[%mul3A_2] : memref<1024xi32, #tpu.memory_space<hbm>> -> memref<32xi32, #tpu.memory_space<hbm>>
      %dma_start3A_1122 = tpu.memref_slice %arg3[%mul3A_2] : memref<1024xi32, #tpu.memory_space<hbm>> -> memref<32xi32, #tpu.memory_space<hbm>>
      tpu.enqueue_dma source(%dma_start3A_1122 : memref<32xi32, #tpu.memory_space<hbm>>) target(%arg6 : memref<32xi32, #tpu.memory_space<vmem>>) target_semaphore(%run_scoped3A : memref<!tpu.dma_semaphore, #tpu.memory_space<semaphore_mem>>)
      %dma_wait3A_1123 = tpu.memref_slice %arg3[%mul3A_2] : memref<1024xi32, #tpu.memory_space<hbm>> -> memref<32xi32, #tpu.memory_space<hbm>>
      %dma_wait3A_1124 = tpu.memref_slice %arg3[%mul3A_2] : memref<1024xi32, #tpu.memory_space<hbm>> -> memref<32xi32, #tpu.memory_space<hbm>>
      tpu.wait_dma2 semaphore(%run_scoped3A : memref<!tpu.dma_semaphore, #tpu.memory_space<semaphore_mem>>) src(%dma_wait3A_1124 : memref<32xi32, #tpu.memory_space<hbm>>) dst(%arg6 : memref<32xi32, #tpu.memory_space<vmem>>)
      tpu.yield
    }) : () -> ()
    "tpu.region"() ({
      %run_scoped3A = tpu.sem_alloc : memref<!tpu.dma_semaphore, #tpu.memory_space<semaphore_mem>>
      tpu.enqueue_dma source(%arg2 : memref<8x12800xf32, #tpu.memory_space<hbm>>) target(%arg5 : memref<8x12800xf32, #tpu.memory_space<vmem>>) target_semaphore(%run_scoped3A : memref<!tpu.dma_semaphore, #tpu.memory_space<semaphore_mem>>)
      tpu.wait_dma2 semaphore(%run_scoped3A : memref<!tpu.dma_semaphore, #tpu.memory_space<semaphore_mem>>) src(%arg2 : memref<8x12800xf32, #tpu.memory_space<hbm>>) dst(%arg5 : memref<8x12800xf32, #tpu.memory_space<vmem>>)
      tpu.yield
    }) : () -> ()
    %add3A_3 = arith.constant 0 : i32
    %add3A_4 = arith.addi %mul3A_2, %add3A_3 : i32
    %dma_start3A = arith.constant 0 : i32
    %dma_start3A_5 = tpu.memref_slice %arg4[%add3A_4, %dma_start3A] : memref<1024x100000xf32, #tpu.memory_space<hbm>> -> memref<8x12800xf32, #tpu.memory_space<hbm>>
    %dma_start3A_6 = arith.constant 0 : i32
    %dma_start3A_7 = tpu.memref_slice %arg4[%add3A_4, %dma_start3A_6] : memref<1024x100000xf32, #tpu.memory_space<hbm>> -> memref<8x12800xf32, #tpu.memory_space<hbm>>
    tpu.enqueue_dma source(%arg5 : memref<8x12800xf32, #tpu.memory_space<vmem>>) target(%dma_start3A_7 : memref<8x12800xf32, #tpu.memory_space<hbm>>) target_semaphore(%arg8 : memref<!tpu.dma_semaphore, #tpu.memory_space<semaphore_mem>>)
    %dma_start3A_8 = arith.constant 12800 : i32
    %dma_start3A_9 = tpu.memref_slice %arg4[%add3A_4, %dma_start3A_8] : memref<1024x100000xf32, #tpu.memory_space<hbm>> -> memref<8x12800xf32, #tpu.memory_space<hbm>>
    %dma_start3A_10 = arith.constant 12800 : i32
    %dma_start3A_11 = tpu.memref_slice %arg4[%add3A_4, %dma_start3A_10] : memref<1024x100000xf32, #tpu.memory_space<hbm>> -> memref<8x12800xf32, #tpu.memory_space<hbm>>
    tpu.enqueue_dma source(%arg5 : memref<8x12800xf32, #tpu.memory_space<vmem>>) target(%dma_start3A_11 : memref<8x12800xf32, #tpu.memory_space<hbm>>) target_semaphore(%arg8 : memref<!tpu.dma_semaphore, #tpu.memory_space<semaphore_mem>>)
    %dma_start3A_12 = arith.constant 25600 : i32
    %dma_start3A_13 = tpu.memref_slice %arg4[%add3A_4, %dma_start3A_12] : memref<1024x100000xf32, #tpu.memory_space<hbm>> -> memref<8x12800xf32, #tpu.memory_space<hbm>>
    %dma_start3A_14 = arith.constant 25600 : i32
    %dma_start3A_15 = tpu.memref_slice %arg4[%add3A_4, %dma_start3A_14] : memref<1024x100000xf32, #tpu.memory_space<hbm>> -> memref<8x12800xf32, #tpu.memory_space<hbm>>
    tpu.enqueue_dma source(%arg5 : memref<8x12800xf32, #tpu.memory_space<vmem>>) target(%dma_start3A_15 : memref<8x12800xf32, #tpu.memory_space<hbm>>) target_semaphore(%arg8 : memref<!tpu.dma_semaphore, #tpu.memory_space<semaphore_mem>>)
    %dma_start3A_16 = arith.constant 38400 : i32
    %dma_start3A_17 = tpu.memref_slice %arg4[%add3A_4, %dma_start3A_16] : memref<1024x100000xf32, #tpu.memory_space<hbm>> -> memref<8x12800xf32, #tpu.memory_space<hbm>>
    %dma_start3A_18 = arith.constant 38400 : i32
    %dma_start3A_19 = tpu.memref_slice %arg4[%add3A_4, %dma_start3A_18] : memref<1024x100000xf32, #tpu.memory_space<hbm>> -> memref<8x12800xf32, #tpu.memory_space<hbm>>
    tpu.enqueue_dma source(%arg5 : memref<8x12800xf32, #tpu.memory_space<vmem>>) target(%dma_start3A_19 : memref<8x12800xf32, #tpu.memory_space<hbm>>) target_semaphore(%arg8 : memref<!tpu.dma_semaphore, #tpu.memory_space<semaphore_mem>>)
    %dma_start3A_20 = arith.constant 51200 : i32
    %dma_start3A_21 = tpu.memref_slice %arg4[%add3A_4, %dma_start3A_20] : memref<1024x100000xf32, #tpu.memory_space<hbm>> -> memref<8x12800xf32, #tpu.memory_space<hbm>>
    %dma_start3A_22 = arith.constant 51200 : i32
    %dma_start3A_23 = tpu.memref_slice %arg4[%add3A_4, %dma_start3A_22] : memref<1024x100000xf32, #tpu.memory_space<hbm>> -> memref<8x12800xf32, #tpu.memory_space<hbm>>
    tpu.enqueue_dma source(%arg5 : memref<8x12800xf32, #tpu.memory_space<vmem>>) target(%dma_start3A_23 : memref<8x12800xf32, #tpu.memory_space<hbm>>) target_semaphore(%arg8 : memref<!tpu.dma_semaphore, #tpu.memory_space<semaphore_mem>>)
    %dma_start3A_24 = arith.constant 64000 : i32
    %dma_start3A_25 = tpu.memref_slice %arg4[%add3A_4, %dma_start3A_24] : memref<1024x100000xf32, #tpu.memory_space<hbm>> -> memref<8x12800xf32, #tpu.memory_space<hbm>>
    %dma_start3A_26 = arith.constant 64000 : i32
    %dma_start3A_27 = tpu.memref_slice %arg4[%add3A_4, %dma_start3A_26] : memref<1024x100000xf32, #tpu.memory_space<hbm>> -> memref<8x12800xf32, #tpu.memory_space<hbm>>
    tpu.enqueue_dma source(%arg5 : memref<8x12800xf32, #tpu.memory_space<vmem>>) target(%dma_start3A_27 : memref<8x12800xf32, #tpu.memory_space<hbm>>) target_semaphore(%arg8 : memref<!tpu.dma_semaphore, #tpu.memory_space<semaphore_mem>>)
    %dma_start3A_28 = arith.constant 76800 : i32
    %dma_start3A_29 = tpu.memref_slice %arg4[%add3A_4, %dma_start3A_28] : memref<1024x100000xf32, #tpu.memory_space<hbm>> -> memref<8x12800xf32, #tpu.memory_space<hbm>>
    %dma_start3A_30 = arith.constant 76800 : i32
    %dma_start3A_31 = tpu.memref_slice %arg4[%add3A_4, %dma_start3A_30] : memref<1024x100000xf32, #tpu.memory_space<hbm>> -> memref<8x12800xf32, #tpu.memory_space<hbm>>
    tpu.enqueue_dma source(%arg5 : memref<8x12800xf32, #tpu.memory_space<vmem>>) target(%dma_start3A_31 : memref<8x12800xf32, #tpu.memory_space<hbm>>) target_semaphore(%arg8 : memref<!tpu.dma_semaphore, #tpu.memory_space<semaphore_mem>>)
    %dma_start3A_32 = arith.constant 0 : i32
    %dma_start3A_33 = arith.constant 0 : i32
    %dma_start3A_34 = tpu.memref_slice %arg5[%dma_start3A_32, %dma_start3A_33] : memref<8x12800xf32, #tpu.memory_space<vmem>> -> memref<8x10368xf32, #tpu.memory_space<vmem>>
    %dma_start3A_35 = arith.constant 89600 : i32
    %dma_start3A_36 = tpu.memref_slice %arg4[%add3A_4, %dma_start3A_35] : memref<1024x100000xf32, #tpu.memory_space<hbm>> -> memref<8x10368xf32, #tpu.memory_space<hbm>>
    %dma_start3A_37 = arith.constant 89600 : i32
    %dma_start3A_38 = tpu.memref_slice %arg4[%add3A_4, %dma_start3A_37] : memref<1024x100000xf32, #tpu.memory_space<hbm>> -> memref<8x10368xf32, #tpu.memory_space<hbm>>
    %dma_start3A_39 = arith.constant 0 : i32
    %dma_start3A_40 = arith.constant 0 : i32
    %dma_start3A_41 = tpu.memref_slice %arg5[%dma_start3A_39, %dma_start3A_40] : memref<8x12800xf32, #tpu.memory_space<vmem>> -> memref<8x10368xf32, #tpu.memory_space<vmem>>
    tpu.enqueue_dma source(%dma_start3A_41 : memref<8x10368xf32, #tpu.memory_space<vmem>>) target(%dma_start3A_38 : memref<8x10368xf32, #tpu.memory_space<hbm>>) target_semaphore(%arg8 : memref<!tpu.dma_semaphore, #tpu.memory_space<semaphore_mem>>)
    %add3A_42 = arith.constant 8 : i32
    %add3A_43 = arith.addi %mul3A_2, %add3A_42 : i32
    %dma_start3A_44 = arith.constant 0 : i32
    %dma_start3A_45 = tpu.memref_slice %arg4[%add3A_43, %dma_start3A_44] : memref<1024x100000xf32, #tpu.memory_space<hbm>> -> memref<8x12800xf32, #tpu.memory_space<hbm>>
    %dma_start3A_46 = arith.constant 0 : i32
    %dma_start3A_47 = tpu.memref_slice %arg4[%add3A_43, %dma_start3A_46] : memref<1024x100000xf32, #tpu.memory_space<hbm>> -> memref<8x12800xf32, #tpu.memory_space<hbm>>
    tpu.enqueue_dma source(%arg5 : memref<8x12800xf32, #tpu.memory_space<vmem>>) target(%dma_start3A_47 : memref<8x12800xf32, #tpu.memory_space<hbm>>) target_semaphore(%arg8 : memref<!tpu.dma_semaphore, #tpu.memory_space<semaphore_mem>>)
    %dma_start3A_48 = arith.constant 12800 : i32
    %dma_start3A_49 = tpu.memref_slice %arg4[%add3A_43, %dma_start3A_48] : memref<1024x100000xf32, #tpu.memory_space<hbm>> -> memref<8x12800xf32, #tpu.memory_space<hbm>>
    %dma_start3A_50 = arith.constant 12800 : i32
    %dma_start3A_51 = tpu.memref_slice %arg4[%add3A_43, %dma_start3A_50] : memref<1024x100000xf32, #tpu.memory_space<hbm>> -> memref<8x12800xf32, #tpu.memory_space<hbm>>
    tpu.enqueue_dma source(%arg5 : memref<8x12800xf32, #tpu.memory_space<vmem>>) target(%dma_start3A_51 : memref<8x12800xf32, #tpu.memory_space<hbm>>) target_semaphore(%arg8 : memref<!tpu.dma_semaphore, #tpu.memory_space<semaphore_mem>>)
    %dma_start3A_52 = arith.constant 25600 : i32
    %dma_start3A_53 = tpu.memref_slice %arg4[%add3A_43, %dma_start3A_52] : memref<1024x100000xf32, #tpu.memory_space<hbm>> -> memref<8x12800xf32, #tpu.memory_space<hbm>>
    %dma_start3A_54 = arith.constant 25600 : i32
    %dma_start3A_55 = tpu.memref_slice %arg4[%add3A_43, %dma_start3A_54] : memref<1024x100000xf32, #tpu.memory_space<hbm>> -> memref<8x12800xf32, #tpu.memory_space<hbm>>
    tpu.enqueue_dma source(%arg5 : memref<8x12800xf32, #tpu.memory_space<vmem>>) target(%dma_start3A_55 : memref<8x12800xf32, #tpu.memory_space<hbm>>) target_semaphore(%arg8 : memref<!tpu.dma_semaphore, #tpu.memory_space<semaphore_mem>>)
    %dma_start3A_56 = arith.constant 38400 : i32
    %dma_start3A_57 = tpu.memref_slice %arg4[%add3A_43, %dma_start3A_56] : memref<1024x100000xf32, #tpu.memory_space<hbm>> -> memref<8x12800xf32, #tpu.memory_space<hbm>>
    %dma_start3A_58 = arith.constant 38400 : i32
    %dma_start3A_59 = tpu.memref_slice %arg4[%add3A_43, %dma_start3A_58] : memref<1024x100000xf32, #tpu.memory_space<hbm>> -> memref<8x12800xf32, #tpu.memory_space<hbm>>
    tpu.enqueue_dma source(%arg5 : memref<8x12800xf32, #tpu.memory_space<vmem>>) target(%dma_start3A_59 : memref<8x12800xf32, #tpu.memory_space<hbm>>) target_semaphore(%arg8 : memref<!tpu.dma_semaphore, #tpu.memory_space<semaphore_mem>>)
    %dma_start3A_60 = arith.constant 51200 : i32
    %dma_start3A_61 = tpu.memref_slice %arg4[%add3A_43, %dma_start3A_60] : memref<1024x100000xf32, #tpu.memory_space<hbm>> -> memref<8x12800xf32, #tpu.memory_space<hbm>>
    %dma_start3A_62 = arith.constant 51200 : i32
    %dma_start3A_63 = tpu.memref_slice %arg4[%add3A_43, %dma_start3A_62] : memref<1024x100000xf32, #tpu.memory_space<hbm>> -> memref<8x12800xf32, #tpu.memory_space<hbm>>
    tpu.enqueue_dma source(%arg5 : memref<8x12800xf32, #tpu.memory_space<vmem>>) target(%dma_start3A_63 : memref<8x12800xf32, #tpu.memory_space<hbm>>) target_semaphore(%arg8 : memref<!tpu.dma_semaphore, #tpu.memory_space<semaphore_mem>>)
    %dma_start3A_64 = arith.constant 64000 : i32
    %dma_start3A_65 = tpu.memref_slice %arg4[%add3A_43, %dma_start3A_64] : memref<1024x100000xf32, #tpu.memory_space<hbm>> -> memref<8x12800xf32, #tpu.memory_space<hbm>>
    %dma_start3A_66 = arith.constant 64000 : i32
    %dma_start3A_67 = tpu.memref_slice %arg4[%add3A_43, %dma_start3A_66] : memref<1024x100000xf32, #tpu.memory_space<hbm>> -> memref<8x12800xf32, #tpu.memory_space<hbm>>
    tpu.enqueue_dma source(%arg5 : memref<8x12800xf32, #tpu.memory_space<vmem>>) target(%dma_start3A_67 : memref<8x12800xf32, #tpu.memory_space<hbm>>) target_semaphore(%arg8 : memref<!tpu.dma_semaphore, #tpu.memory_space<semaphore_mem>>)
    %dma_start3A_68 = arith.constant 76800 : i32
    %dma_start3A_69 = tpu.memref_slice %arg4[%add3A_43, %dma_start3A_68] : memref<1024x100000xf32, #tpu.memory_space<hbm>> -> memref<8x12800xf32, #tpu.memory_space<hbm>>
    %dma_start3A_70 = arith.constant 76800 : i32
    %dma_start3A_71 = tpu.memref_slice %arg4[%add3A_43, %dma_start3A_70] : memref<1024x100000xf32, #tpu.memory_space<hbm>> -> memref<8x12800xf32, #tpu.memory_space<hbm>>
    tpu.enqueue_dma source(%arg5 : memref<8x12800xf32, #tpu.memory_space<vmem>>) target(%dma_start3A_71 : memref<8x12800xf32, #tpu.memory_space<hbm>>) target_semaphore(%arg8 : memref<!tpu.dma_semaphore, #tpu.memory_space<semaphore_mem>>)
    %dma_start3A_72 = arith.constant 0 : i32
    %dma_start3A_73 = arith.constant 0 : i32
    %dma_start3A_74 = tpu.memref_slice %arg5[%dma_start3A_72, %dma_start3A_73] : memref<8x12800xf32, #tpu.memory_space<vmem>> -> memref<8x10368xf32, #tpu.memory_space<vmem>>
    %dma_start3A_75 = arith.constant 89600 : i32
    %dma_start3A_76 = tpu.memref_slice %arg4[%add3A_43, %dma_start3A_75] : memref<1024x100000xf32, #tpu.memory_space<hbm>> -> memref<8x10368xf32, #tpu.memory_space<hbm>>
    %dma_start3A_77 = arith.constant 89600 : i32
    %dma_start3A_78 = tpu.memref_slice %arg4[%add3A_43, %dma_start3A_77] : memref<1024x100000xf32, #tpu.memory_space<hbm>> -> memref<8x10368xf32, #tpu.memory_space<hbm>>
    %dma_start3A_79 = arith.constant 0 : i32
    %dma_start3A_80 = arith.constant 0 : i32
    %dma_start3A_81 = tpu.memref_slice %arg5[%dma_start3A_79, %dma_start3A_80] : memref<8x12800xf32, #tpu.memory_space<vmem>> -> memref<8x10368xf32, #tpu.memory_space<vmem>>
    tpu.enqueue_dma source(%dma_start3A_81 : memref<8x10368xf32, #tpu.memory_space<vmem>>) target(%dma_start3A_78 : memref<8x10368xf32, #tpu.memory_space<hbm>>) target_semaphore(%arg8 : memref<!tpu.dma_semaphore, #tpu.memory_space<semaphore_mem>>)
    %add3A_82 = arith.constant 16 : i32
    %add3A_83 = arith.addi %mul3A_2, %add3A_82 : i32
    %dma_start3A_84 = arith.constant 0 : i32
    %dma_start3A_85 = tpu.memref_slice %arg4[%add3A_83, %dma_start3A_84] : memref<1024x100000xf32, #tpu.memory_space<hbm>> -> memref<8x12800xf32, #tpu.memory_space<hbm>>
    %dma_start3A_86 = arith.constant 0 : i32
    %dma_start3A_87 = tpu.memref_slice %arg4[%add3A_83, %dma_start3A_86] : memref<1024x100000xf32, #tpu.memory_space<hbm>> -> memref<8x12800xf32, #tpu.memory_space<hbm>>
    tpu.enqueue_dma source(%arg5 : memref<8x12800xf32, #tpu.memory_space<vmem>>) target(%dma_start3A_87 : memref<8x12800xf32, #tpu.memory_space<hbm>>) target_semaphore(%arg8 : memref<!tpu.dma_semaphore, #tpu.memory_space<semaphore_mem>>)
    %dma_start3A_88 = arith.constant 12800 : i32
    %dma_start3A_89 = tpu.memref_slice %arg4[%add3A_83, %dma_start3A_88] : memref<1024x100000xf32, #tpu.memory_space<hbm>> -> memref<8x12800xf32, #tpu.memory_space<hbm>>
    %dma_start3A_90 = arith.constant 12800 : i32
    %dma_start3A_91 = tpu.memref_slice %arg4[%add3A_83, %dma_start3A_90] : memref<1024x100000xf32, #tpu.memory_space<hbm>> -> memref<8x12800xf32, #tpu.memory_space<hbm>>
    tpu.enqueue_dma source(%arg5 : memref<8x12800xf32, #tpu.memory_space<vmem>>) target(%dma_start3A_91 : memref<8x12800xf32, #tpu.memory_space<hbm>>) target_semaphore(%arg8 : memref<!tpu.dma_semaphore, #tpu.memory_space<semaphore_mem>>)
    %dma_start3A_92 = arith.constant 25600 : i32
    %dma_start3A_93 = tpu.memref_slice %arg4[%add3A_83, %dma_start3A_92] : memref<1024x100000xf32, #tpu.memory_space<hbm>> -> memref<8x12800xf32, #tpu.memory_space<hbm>>
    %dma_start3A_94 = arith.constant 25600 : i32
    %dma_start3A_95 = tpu.memref_slice %arg4[%add3A_83, %dma_start3A_94] : memref<1024x100000xf32, #tpu.memory_space<hbm>> -> memref<8x12800xf32, #tpu.memory_space<hbm>>
    tpu.enqueue_dma source(%arg5 : memref<8x12800xf32, #tpu.memory_space<vmem>>) target(%dma_start3A_95 : memref<8x12800xf32, #tpu.memory_space<hbm>>) target_semaphore(%arg8 : memref<!tpu.dma_semaphore, #tpu.memory_space<semaphore_mem>>)
    %dma_start3A_96 = arith.constant 38400 : i32
    %dma_start3A_97 = tpu.memref_slice %arg4[%add3A_83, %dma_start3A_96] : memref<1024x100000xf32, #tpu.memory_space<hbm>> -> memref<8x12800xf32, #tpu.memory_space<hbm>>
    %dma_start3A_98 = arith.constant 38400 : i32
    %dma_start3A_99 = tpu.memref_slice %arg4[%add3A_83, %dma_start3A_98] : memref<1024x100000xf32, #tpu.memory_space<hbm>> -> memref<8x12800xf32, #tpu.memory_space<hbm>>
    tpu.enqueue_dma source(%arg5 : memref<8x12800xf32, #tpu.memory_space<vmem>>) target(%dma_start3A_99 : memref<8x12800xf32, #tpu.memory_space<hbm>>) target_semaphore(%arg8 : memref<!tpu.dma_semaphore, #tpu.memory_space<semaphore_mem>>)
    %dma_start3A_100 = arith.constant 51200 : i32
    %dma_start3A_101 = tpu.memref_slice %arg4[%add3A_83, %dma_start3A_100] : memref<1024x100000xf32, #tpu.memory_space<hbm>> -> memref<8x12800xf32, #tpu.memory_space<hbm>>
    %dma_start3A_102 = arith.constant 51200 : i32
    %dma_start3A_103 = tpu.memref_slice %arg4[%add3A_83, %dma_start3A_102] : memref<1024x100000xf32, #tpu.memory_space<hbm>> -> memref<8x12800xf32, #tpu.memory_space<hbm>>
    tpu.enqueue_dma source(%arg5 : memref<8x12800xf32, #tpu.memory_space<vmem>>) target(%dma_start3A_103 : memref<8x12800xf32, #tpu.memory_space<hbm>>) target_semaphore(%arg8 : memref<!tpu.dma_semaphore, #tpu.memory_space<semaphore_mem>>)
    %dma_start3A_104 = arith.constant 64000 : i32
    %dma_start3A_105 = tpu.memref_slice %arg4[%add3A_83, %dma_start3A_104] : memref<1024x100000xf32, #tpu.memory_space<hbm>> -> memref<8x12800xf32, #tpu.memory_space<hbm>>
    %dma_start3A_106 = arith.constant 64000 : i32
    %dma_start3A_107 = tpu.memref_slice %arg4[%add3A_83, %dma_start3A_106] : memref<1024x100000xf32, #tpu.memory_space<hbm>> -> memref<8x12800xf32, #tpu.memory_space<hbm>>
    tpu.enqueue_dma source(%arg5 : memref<8x12800xf32, #tpu.memory_space<vmem>>) target(%dma_start3A_107 : memref<8x12800xf32, #tpu.memory_space<hbm>>) target_semaphore(%arg8 : memref<!tpu.dma_semaphore, #tpu.memory_space<semaphore_mem>>)
    %dma_start3A_108 = arith.constant 76800 : i32
    %dma_start3A_109 = tpu.memref_slice %arg4[%add3A_83, %dma_start3A_108] : memref<1024x100000xf32, #tpu.memory_space<hbm>> -> memref<8x12800xf32, #tpu.memory_space<hbm>>
    %dma_start3A_110 = arith.constant 76800 : i32
    %dma_start3A_111 = tpu.memref_slice %arg4[%add3A_83, %dma_start3A_110] : memref<1024x100000xf32, #tpu.memory_space<hbm>> -> memref<8x12800xf32, #tpu.memory_space<hbm>>
    tpu.enqueue_dma source(%arg5 : memref<8x12800xf32, #tpu.memory_space<vmem>>) target(%dma_start3A_111 : memref<8x12800xf32, #tpu.memory_space<hbm>>) target_semaphore(%arg8 : memref<!tpu.dma_semaphore, #tpu.memory_space<semaphore_mem>>)
    %dma_start3A_112 = arith.constant 0 : i32
    %dma_start3A_113 = arith.constant 0 : i32
    %dma_start3A_114 = tpu.memref_slice %arg5[%dma_start3A_112, %dma_start3A_113] : memref<8x12800xf32, #tpu.memory_space<vmem>> -> memref<8x10368xf32, #tpu.memory_space<vmem>>
    %dma_start3A_115 = arith.constant 89600 : i32
    %dma_start3A_116 = tpu.memref_slice %arg4[%add3A_83, %dma_start3A_115] : memref<1024x100000xf32, #tpu.memory_space<hbm>> -> memref<8x10368xf32, #tpu.memory_space<hbm>>
    %dma_start3A_117 = arith.constant 89600 : i32
    %dma_start3A_118 = tpu.memref_slice %arg4[%add3A_83, %dma_start3A_117] : memref<1024x100000xf32, #tpu.memory_space<hbm>> -> memref<8x10368xf32, #tpu.memory_space<hbm>>
    %dma_start3A_119 = arith.constant 0 : i32
    %dma_start3A_120 = arith.constant 0 : i32
    %dma_start3A_121 = tpu.memref_slice %arg5[%dma_start3A_119, %dma_start3A_120] : memref<8x12800xf32, #tpu.memory_space<vmem>> -> memref<8x10368xf32, #tpu.memory_space<vmem>>
    tpu.enqueue_dma source(%dma_start3A_121 : memref<8x10368xf32, #tpu.memory_space<vmem>>) target(%dma_start3A_118 : memref<8x10368xf32, #tpu.memory_space<hbm>>) target_semaphore(%arg8 : memref<!tpu.dma_semaphore, #tpu.memory_space<semaphore_mem>>)
    %add3A_122 = arith.constant 24 : i32
    %add3A_123 = arith.addi %mul3A_2, %add3A_122 : i32
    %dma_start3A_124 = arith.constant 0 : i32
    %dma_start3A_125 = tpu.memref_slice %arg4[%add3A_123, %dma_start3A_124] : memref<1024x100000xf32, #tpu.memory_space<hbm>> -> memref<8x12800xf32, #tpu.memory_space<hbm>>
    %dma_start3A_126 = arith.constant 0 : i32
    %dma_start3A_127 = tpu.memref_slice %arg4[%add3A_123, %dma_start3A_126] : memref<1024x100000xf32, #tpu.memory_space<hbm>> -> memref<8x12800xf32, #tpu.memory_space<hbm>>
    tpu.enqueue_dma source(%arg5 : memref<8x12800xf32, #tpu.memory_space<vmem>>) target(%dma_start3A_127 : memref<8x12800xf32, #tpu.memory_space<hbm>>) target_semaphore(%arg8 : memref<!tpu.dma_semaphore, #tpu.memory_space<semaphore_mem>>)
    %dma_start3A_128 = arith.constant 12800 : i32
    %dma_start3A_129 = tpu.memref_slice %arg4[%add3A_123, %dma_start3A_128] : memref<1024x100000xf32, #tpu.memory_space<hbm>> -> memref<8x12800xf32, #tpu.memory_space<hbm>>
    %dma_start3A_130 = arith.constant 12800 : i32
    %dma_start3A_131 = tpu.memref_slice %arg4[%add3A_123, %dma_start3A_130] : memref<1024x100000xf32, #tpu.memory_space<hbm>> -> memref<8x12800xf32, #tpu.memory_space<hbm>>
    tpu.enqueue_dma source(%arg5 : memref<8x12800xf32, #tpu.memory_space<vmem>>) target(%dma_start3A_131 : memref<8x12800xf32, #tpu.memory_space<hbm>>) target_semaphore(%arg8 : memref<!tpu.dma_semaphore, #tpu.memory_space<semaphore_mem>>)
    %dma_start3A_132 = arith.constant 25600 : i32
    %dma_start3A_133 = tpu.memref_slice %arg4[%add3A_123, %dma_start3A_132] : memref<1024x100000xf32, #tpu.memory_space<hbm>> -> memref<8x12800xf32, #tpu.memory_space<hbm>>
    %dma_start3A_134 = arith.constant 25600 : i32
    %dma_start3A_135 = tpu.memref_slice %arg4[%add3A_123, %dma_start3A_134] : memref<1024x100000xf32, #tpu.memory_space<hbm>> -> memref<8x12800xf32, #tpu.memory_space<hbm>>
    tpu.enqueue_dma source(%arg5 : memref<8x12800xf32, #tpu.memory_space<vmem>>) target(%dma_start3A_135 : memref<8x12800xf32, #tpu.memory_space<hbm>>) target_semaphore(%arg8 : memref<!tpu.dma_semaphore, #tpu.memory_space<semaphore_mem>>)
    %dma_start3A_136 = arith.constant 38400 : i32
    %dma_start3A_137 = tpu.memref_slice %arg4[%add3A_123, %dma_start3A_136] : memref<1024x100000xf32, #tpu.memory_space<hbm>> -> memref<8x12800xf32, #tpu.memory_space<hbm>>
    %dma_start3A_138 = arith.constant 38400 : i32
    %dma_start3A_139 = tpu.memref_slice %arg4[%add3A_123, %dma_start3A_138] : memref<1024x100000xf32, #tpu.memory_space<hbm>> -> memref<8x12800xf32, #tpu.memory_space<hbm>>
    tpu.enqueue_dma source(%arg5 : memref<8x12800xf32, #tpu.memory_space<vmem>>) target(%dma_start3A_139 : memref<8x12800xf32, #tpu.memory_space<hbm>>) target_semaphore(%arg8 : memref<!tpu.dma_semaphore, #tpu.memory_space<semaphore_mem>>)
    %dma_start3A_140 = arith.constant 51200 : i32
    %dma_start3A_141 = tpu.memref_slice %arg4[%add3A_123, %dma_start3A_140] : memref<1024x100000xf32, #tpu.memory_space<hbm>> -> memref<8x12800xf32, #tpu.memory_space<hbm>>
    %dma_start3A_142 = arith.constant 51200 : i32
    %dma_start3A_143 = tpu.memref_slice %arg4[%add3A_123, %dma_start3A_142] : memref<1024x100000xf32, #tpu.memory_space<hbm>> -> memref<8x12800xf32, #tpu.memory_space<hbm>>
    tpu.enqueue_dma source(%arg5 : memref<8x12800xf32, #tpu.memory_space<vmem>>) target(%dma_start3A_143 : memref<8x12800xf32, #tpu.memory_space<hbm>>) target_semaphore(%arg8 : memref<!tpu.dma_semaphore, #tpu.memory_space<semaphore_mem>>)
    %dma_start3A_144 = arith.constant 64000 : i32
    %dma_start3A_145 = tpu.memref_slice %arg4[%add3A_123, %dma_start3A_144] : memref<1024x100000xf32, #tpu.memory_space<hbm>> -> memref<8x12800xf32, #tpu.memory_space<hbm>>
    %dma_start3A_146 = arith.constant 64000 : i32
    %dma_start3A_147 = tpu.memref_slice %arg4[%add3A_123, %dma_start3A_146] : memref<1024x100000xf32, #tpu.memory_space<hbm>> -> memref<8x12800xf32, #tpu.memory_space<hbm>>
    tpu.enqueue_dma source(%arg5 : memref<8x12800xf32, #tpu.memory_space<vmem>>) target(%dma_start3A_147 : memref<8x12800xf32, #tpu.memory_space<hbm>>) target_semaphore(%arg8 : memref<!tpu.dma_semaphore, #tpu.memory_space<semaphore_mem>>)
    %dma_start3A_148 = arith.constant 76800 : i32
    %dma_start3A_149 = tpu.memref_slice %arg4[%add3A_123, %dma_start3A_148] : memref<1024x100000xf32, #tpu.memory_space<hbm>> -> memref<8x12800xf32, #tpu.memory_space<hbm>>
    %dma_start3A_150 = arith.constant 76800 : i32
    %dma_start3A_151 = tpu.memref_slice %arg4[%add3A_123, %dma_start3A_150] : memref<1024x100000xf32, #tpu.memory_space<hbm>> -> memref<8x12800xf32, #tpu.memory_space<hbm>>
    tpu.enqueue_dma source(%arg5 : memref<8x12800xf32, #tpu.memory_space<vmem>>) target(%dma_start3A_151 : memref<8x12800xf32, #tpu.memory_space<hbm>>) target_semaphore(%arg8 : memref<!tpu.dma_semaphore, #tpu.memory_space<semaphore_mem>>)
    %dma_start3A_152 = arith.constant 0 : i32
    %dma_start3A_153 = arith.constant 0 : i32
    %dma_start3A_154 = tpu.memref_slice %arg5[%dma_start3A_152, %dma_start3A_153] : memref<8x12800xf32, #tpu.memory_space<vmem>> -> memref<8x10368xf32, #tpu.memory_space<vmem>>
    %dma_start3A_155 = arith.constant 89600 : i32
    %dma_start3A_156 = tpu.memref_slice %arg4[%add3A_123, %dma_start3A_155] : memref<1024x100000xf32, #tpu.memory_space<hbm>> -> memref<8x10368xf32, #tpu.memory_space<hbm>>
    %dma_start3A_157 = arith.constant 89600 : i32
    %dma_start3A_158 = tpu.memref_slice %arg4[%add3A_123, %dma_start3A_157] : memref<1024x100000xf32, #tpu.memory_space<hbm>> -> memref<8x10368xf32, #tpu.memory_space<hbm>>
    %dma_start3A_159 = arith.constant 0 : i32
    %dma_start3A_160 = arith.constant 0 : i32
    %dma_start3A_161 = tpu.memref_slice %arg5[%dma_start3A_159, %dma_start3A_160] : memref<8x12800xf32, #tpu.memory_space<vmem>> -> memref<8x10368xf32, #tpu.memory_space<vmem>>
    tpu.enqueue_dma source(%dma_start3A_161 : memref<8x10368xf32, #tpu.memory_space<vmem>>) target(%dma_start3A_158 : memref<8x10368xf32, #tpu.memory_space<hbm>>) target_semaphore(%arg8 : memref<!tpu.dma_semaphore, #tpu.memory_space<semaphore_mem>>)
    %dma_wait3A = arith.constant 0 : i32
    %dma_wait3A_162 = tpu.memref_slice %arg4[%add3A_4, %dma_wait3A] : memref<1024x100000xf32, #tpu.memory_space<hbm>> -> memref<8x12800xf32, #tpu.memory_space<hbm>>
    %dma_wait3A_163 = arith.constant 0 : i32
    %dma_wait3A_164 = tpu.memref_slice %arg4[%add3A_4, %dma_wait3A_163] : memref<1024x100000xf32, #tpu.memory_space<hbm>> -> memref<8x12800xf32, #tpu.memory_space<hbm>>
    tpu.wait_dma2 semaphore(%arg8 : memref<!tpu.dma_semaphore, #tpu.memory_space<semaphore_mem>>) src(%arg5 : memref<8x12800xf32, #tpu.memory_space<vmem>>) dst(%dma_wait3A_164 : memref<8x12800xf32, #tpu.memory_space<hbm>>)
    %dma_wait3A_165 = arith.constant 12800 : i32
    %dma_wait3A_166 = tpu.memref_slice %arg4[%add3A_4, %dma_wait3A_165] : memref<1024x100000xf32, #tpu.memory_space<hbm>> -> memref<8x12800xf32, #tpu.memory_space<hbm>>
    %dma_wait3A_167 = arith.constant 12800 : i32
    %dma_wait3A_168 = tpu.memref_slice %arg4[%add3A_4, %dma_wait3A_167] : memref<1024x100000xf32, #tpu.memory_space<hbm>> -> memref<8x12800xf32, #tpu.memory_space<hbm>>
    tpu.wait_dma2 semaphore(%arg8 : memref<!tpu.dma_semaphore, #tpu.memory_space<semaphore_mem>>) src(%arg5 : memref<8x12800xf32, #tpu.memory_space<vmem>>) dst(%dma_wait3A_168 : memref<8x12800xf32, #tpu.memory_space<hbm>>)
    %dma_wait3A_169 = arith.constant 25600 : i32
    %dma_wait3A_170 = tpu.memref_slice %arg4[%add3A_4, %dma_wait3A_169] : memref<1024x100000xf32, #tpu.memory_space<hbm>> -> memref<8x12800xf32, #tpu.memory_space<hbm>>
    %dma_wait3A_171 = arith.constant 25600 : i32
    %dma_wait3A_172 = tpu.memref_slice %arg4[%add3A_4, %dma_wait3A_171] : memref<1024x100000xf32, #tpu.memory_space<hbm>> -> memref<8x12800xf32, #tpu.memory_space<hbm>>
    tpu.wait_dma2 semaphore(%arg8 : memref<!tpu.dma_semaphore, #tpu.memory_space<semaphore_mem>>) src(%arg5 : memref<8x12800xf32, #tpu.memory_space<vmem>>) dst(%dma_wait3A_172 : memref<8x12800xf32, #tpu.memory_space<hbm>>)
    %dma_wait3A_173 = arith.constant 38400 : i32
    %dma_wait3A_174 = tpu.memref_slice %arg4[%add3A_4, %dma_wait3A_173] : memref<1024x100000xf32, #tpu.memory_space<hbm>> -> memref<8x12800xf32, #tpu.memory_space<hbm>>
    %dma_wait3A_175 = arith.constant 38400 : i32
    %dma_wait3A_176 = tpu.memref_slice %arg4[%add3A_4, %dma_wait3A_175] : memref<1024x100000xf32, #tpu.memory_space<hbm>> -> memref<8x12800xf32, #tpu.memory_space<hbm>>
    tpu.wait_dma2 semaphore(%arg8 : memref<!tpu.dma_semaphore, #tpu.memory_space<semaphore_mem>>) src(%arg5 : memref<8x12800xf32, #tpu.memory_space<vmem>>) dst(%dma_wait3A_176 : memref<8x12800xf32, #tpu.memory_space<hbm>>)
    %dma_wait3A_177 = arith.constant 51200 : i32
    %dma_wait3A_178 = tpu.memref_slice %arg4[%add3A_4, %dma_wait3A_177] : memref<1024x100000xf32, #tpu.memory_space<hbm>> -> memref<8x12800xf32, #tpu.memory_space<hbm>>
    %dma_wait3A_179 = arith.constant 51200 : i32
    %dma_wait3A_180 = tpu.memref_slice %arg4[%add3A_4, %dma_wait3A_179] : memref<1024x100000xf32, #tpu.memory_space<hbm>> -> memref<8x12800xf32, #tpu.memory_space<hbm>>
    tpu.wait_dma2 semaphore(%arg8 : memref<!tpu.dma_semaphore, #tpu.memory_space<semaphore_mem>>) src(%arg5 : memref<8x12800xf32, #tpu.memory_space<vmem>>) dst(%dma_wait3A_180 : memref<8x12800xf32, #tpu.memory_space<hbm>>)
    %dma_wait3A_181 = arith.constant 64000 : i32
    %dma_wait3A_182 = tpu.memref_slice %arg4[%add3A_4, %dma_wait3A_181] : memref<1024x100000xf32, #tpu.memory_space<hbm>> -> memref<8x12800xf32, #tpu.memory_space<hbm>>
    %dma_wait3A_183 = arith.constant 64000 : i32
    %dma_wait3A_184 = tpu.memref_slice %arg4[%add3A_4, %dma_wait3A_183] : memref<1024x100000xf32, #tpu.memory_space<hbm>> -> memref<8x12800xf32, #tpu.memory_space<hbm>>
    tpu.wait_dma2 semaphore(%arg8 : memref<!tpu.dma_semaphore, #tpu.memory_space<semaphore_mem>>) src(%arg5 : memref<8x12800xf32, #tpu.memory_space<vmem>>) dst(%dma_wait3A_184 : memref<8x12800xf32, #tpu.memory_space<hbm>>)
    %dma_wait3A_185 = arith.constant 76800 : i32
    %dma_wait3A_186 = tpu.memref_slice %arg4[%add3A_4, %dma_wait3A_185] : memref<1024x100000xf32, #tpu.memory_space<hbm>> -> memref<8x12800xf32, #tpu.memory_space<hbm>>
    %dma_wait3A_187 = arith.constant 76800 : i32
    %dma_wait3A_188 = tpu.memref_slice %arg4[%add3A_4, %dma_wait3A_187] : memref<1024x100000xf32, #tpu.memory_space<hbm>> -> memref<8x12800xf32, #tpu.memory_space<hbm>>
    tpu.wait_dma2 semaphore(%arg8 : memref<!tpu.dma_semaphore, #tpu.memory_space<semaphore_mem>>) src(%arg5 : memref<8x12800xf32, #tpu.memory_space<vmem>>) dst(%dma_wait3A_188 : memref<8x12800xf32, #tpu.memory_space<hbm>>)
    %dma_wait3A_189 = arith.constant 0 : i32
    %dma_wait3A_190 = arith.constant 0 : i32
    %dma_wait3A_191 = tpu.memref_slice %arg5[%dma_wait3A_189, %dma_wait3A_190] : memref<8x12800xf32, #tpu.memory_space<vmem>> -> memref<8x10368xf32, #tpu.memory_space<vmem>>
    %dma_wait3A_192 = arith.constant 89600 : i32
    %dma_wait3A_193 = tpu.memref_slice %arg4[%add3A_4, %dma_wait3A_192] : memref<1024x100000xf32, #tpu.memory_space<hbm>> -> memref<8x10368xf32, #tpu.memory_space<hbm>>
    %dma_wait3A_194 = arith.constant 89600 : i32
    %dma_wait3A_195 = tpu.memref_slice %arg4[%add3A_4, %dma_wait3A_194] : memref<1024x100000xf32, #tpu.memory_space<hbm>> -> memref<8x10368xf32, #tpu.memory_space<hbm>>
    %dma_wait3A_196 = arith.constant 0 : i32
    %dma_wait3A_197 = arith.constant 0 : i32
    %dma_wait3A_198 = tpu.memref_slice %arg5[%dma_wait3A_196, %dma_wait3A_197] : memref<8x12800xf32, #tpu.memory_space<vmem>> -> memref<8x10368xf32, #tpu.memory_space<vmem>>
    tpu.wait_dma2 semaphore(%arg8 : memref<!tpu.dma_semaphore, #tpu.memory_space<semaphore_mem>>) src(%dma_wait3A_198 : memref<8x10368xf32, #tpu.memory_space<vmem>>) dst(%dma_wait3A_195 : memref<8x10368xf32, #tpu.memory_space<hbm>>)
    %dma_wait3A_199 = arith.constant 0 : i32
    %dma_wait3A_200 = tpu.memref_slice %arg4[%add3A_43, %dma_wait3A_199] : memref<1024x100000xf32, #tpu.memory_space<hbm>> -> memref<8x12800xf32, #tpu.memory_space<hbm>>
    %dma_wait3A_201 = arith.constant 0 : i32
    %dma_wait3A_202 = tpu.memref_slice %arg4[%add3A_43, %dma_wait3A_201] : memref<1024x100000xf32, #tpu.memory_space<hbm>> -> memref<8x12800xf32, #tpu.memory_space<hbm>>
    tpu.wait_dma2 semaphore(%arg8 : memref<!tpu.dma_semaphore, #tpu.memory_space<semaphore_mem>>) src(%arg5 : memref<8x12800xf32, #tpu.memory_space<vmem>>) dst(%dma_wait3A_202 : memref<8x12800xf32, #tpu.memory_space<hbm>>)
    %dma_wait3A_203 = arith.constant 12800 : i32
    %dma_wait3A_204 = tpu.memref_slice %arg4[%add3A_43, %dma_wait3A_203] : memref<1024x100000xf32, #tpu.memory_space<hbm>> -> memref<8x12800xf32, #tpu.memory_space<hbm>>
    %dma_wait3A_205 = arith.constant 12800 : i32
    %dma_wait3A_206 = tpu.memref_slice %arg4[%add3A_43, %dma_wait3A_205] : memref<1024x100000xf32, #tpu.memory_space<hbm>> -> memref<8x12800xf32, #tpu.memory_space<hbm>>
    tpu.wait_dma2 semaphore(%arg8 : memref<!tpu.dma_semaphore, #tpu.memory_space<semaphore_mem>>) src(%arg5 : memref<8x12800xf32, #tpu.memory_space<vmem>>) dst(%dma_wait3A_206 : memref<8x12800xf32, #tpu.memory_space<hbm>>)
    %dma_wait3A_207 = arith.constant 25600 : i32
    %dma_wait3A_208 = tpu.memref_slice %arg4[%add3A_43, %dma_wait3A_207] : memref<1024x100000xf32, #tpu.memory_space<hbm>> -> memref<8x12800xf32, #tpu.memory_space<hbm>>
    %dma_wait3A_209 = arith.constant 25600 : i32
    %dma_wait3A_210 = tpu.memref_slice %arg4[%add3A_43, %dma_wait3A_209] : memref<1024x100000xf32, #tpu.memory_space<hbm>> -> memref<8x12800xf32, #tpu.memory_space<hbm>>
    tpu.wait_dma2 semaphore(%arg8 : memref<!tpu.dma_semaphore, #tpu.memory_space<semaphore_mem>>) src(%arg5 : memref<8x12800xf32, #tpu.memory_space<vmem>>) dst(%dma_wait3A_210 : memref<8x12800xf32, #tpu.memory_space<hbm>>)
    %dma_wait3A_211 = arith.constant 38400 : i32
    %dma_wait3A_212 = tpu.memref_slice %arg4[%add3A_43, %dma_wait3A_211] : memref<1024x100000xf32, #tpu.memory_space<hbm>> -> memref<8x12800xf32, #tpu.memory_space<hbm>>
    %dma_wait3A_213 = arith.constant 38400 : i32
    %dma_wait3A_214 = tpu.memref_slice %arg4[%add3A_43, %dma_wait3A_213] : memref<1024x100000xf32, #tpu.memory_space<hbm>> -> memref<8x12800xf32, #tpu.memory_space<hbm>>
    tpu.wait_dma2 semaphore(%arg8 : memref<!tpu.dma_semaphore, #tpu.memory_space<semaphore_mem>>) src(%arg5 : memref<8x12800xf32, #tpu.memory_space<vmem>>) dst(%dma_wait3A_214 : memref<8x12800xf32, #tpu.memory_space<hbm>>)
    %dma_wait3A_215 = arith.constant 51200 : i32
    %dma_wait3A_216 = tpu.memref_slice %arg4[%add3A_43, %dma_wait3A_215] : memref<1024x100000xf32, #tpu.memory_space<hbm>> -> memref<8x12800xf32, #tpu.memory_space<hbm>>
    %dma_wait3A_217 = arith.constant 51200 : i32
    %dma_wait3A_218 = tpu.memref_slice %arg4[%add3A_43, %dma_wait3A_217] : memref<1024x100000xf32, #tpu.memory_space<hbm>> -> memref<8x12800xf32, #tpu.memory_space<hbm>>
    tpu.wait_dma2 semaphore(%arg8 : memref<!tpu.dma_semaphore, #tpu.memory_space<semaphore_mem>>) src(%arg5 : memref<8x12800xf32, #tpu.memory_space<vmem>>) dst(%dma_wait3A_218 : memref<8x12800xf32, #tpu.memory_space<hbm>>)
    %dma_wait3A_219 = arith.constant 64000 : i32
    %dma_wait3A_220 = tpu.memref_slice %arg4[%add3A_43, %dma_wait3A_219] : memref<1024x100000xf32, #tpu.memory_space<hbm>> -> memref<8x12800xf32, #tpu.memory_space<hbm>>
    %dma_wait3A_221 = arith.constant 64000 : i32
    %dma_wait3A_222 = tpu.memref_slice %arg4[%add3A_43, %dma_wait3A_221] : memref<1024x100000xf32, #tpu.memory_space<hbm>> -> memref<8x12800xf32, #tpu.memory_space<hbm>>
    tpu.wait_dma2 semaphore(%arg8 : memref<!tpu.dma_semaphore, #tpu.memory_space<semaphore_mem>>) src(%arg5 : memref<8x12800xf32, #tpu.memory_space<vmem>>) dst(%dma_wait3A_222 : memref<8x12800xf32, #tpu.memory_space<hbm>>)
    %dma_wait3A_223 = arith.constant 76800 : i32
    %dma_wait3A_224 = tpu.memref_slice %arg4[%add3A_43, %dma_wait3A_223] : memref<1024x100000xf32, #tpu.memory_space<hbm>> -> memref<8x12800xf32, #tpu.memory_space<hbm>>
    %dma_wait3A_225 = arith.constant 76800 : i32
    %dma_wait3A_226 = tpu.memref_slice %arg4[%add3A_43, %dma_wait3A_225] : memref<1024x100000xf32, #tpu.memory_space<hbm>> -> memref<8x12800xf32, #tpu.memory_space<hbm>>
    tpu.wait_dma2 semaphore(%arg8 : memref<!tpu.dma_semaphore, #tpu.memory_space<semaphore_mem>>) src(%arg5 : memref<8x12800xf32, #tpu.memory_space<vmem>>) dst(%dma_wait3A_226 : memref<8x12800xf32, #tpu.memory_space<hbm>>)
    %dma_wait3A_227 = arith.constant 0 : i32
    %dma_wait3A_228 = arith.constant 0 : i32
    %dma_wait3A_229 = tpu.memref_slice %arg5[%dma_wait3A_227, %dma_wait3A_228] : memref<8x12800xf32, #tpu.memory_space<vmem>> -> memref<8x10368xf32, #tpu.memory_space<vmem>>
    %dma_wait3A_230 = arith.constant 89600 : i32
    %dma_wait3A_231 = tpu.memref_slice %arg4[%add3A_43, %dma_wait3A_230] : memref<1024x100000xf32, #tpu.memory_space<hbm>> -> memref<8x10368xf32, #tpu.memory_space<hbm>>
    %dma_wait3A_232 = arith.constant 89600 : i32
    %dma_wait3A_233 = tpu.memref_slice %arg4[%add3A_43, %dma_wait3A_232] : memref<1024x100000xf32, #tpu.memory_space<hbm>> -> memref<8x10368xf32, #tpu.memory_space<hbm>>
    %dma_wait3A_234 = arith.constant 0 : i32
    %dma_wait3A_235 = arith.constant 0 : i32
    %dma_wait3A_236 = tpu.memref_slice %arg5[%dma_wait3A_234, %dma_wait3A_235] : memref<8x12800xf32, #tpu.memory_space<vmem>> -> memref<8x10368xf32, #tpu.memory_space<vmem>>
    tpu.wait_dma2 semaphore(%arg8 : memref<!tpu.dma_semaphore, #tpu.memory_space<semaphore_mem>>) src(%dma_wait3A_236 : memref<8x10368xf32, #tpu.memory_space<vmem>>) dst(%dma_wait3A_233 : memref<8x10368xf32, #tpu.memory_space<hbm>>)
    %dma_wait3A_237 = arith.constant 0 : i32
    %dma_wait3A_238 = tpu.memref_slice %arg4[%add3A_83, %dma_wait3A_237] : memref<1024x100000xf32, #tpu.memory_space<hbm>> -> memref<8x12800xf32, #tpu.memory_space<hbm>>
    %dma_wait3A_239 = arith.constant 0 : i32
    %dma_wait3A_240 = tpu.memref_slice %arg4[%add3A_83, %dma_wait3A_239] : memref<1024x100000xf32, #tpu.memory_space<hbm>> -> memref<8x12800xf32, #tpu.memory_space<hbm>>
    tpu.wait_dma2 semaphore(%arg8 : memref<!tpu.dma_semaphore, #tpu.memory_space<semaphore_mem>>) src(%arg5 : memref<8x12800xf32, #tpu.memory_space<vmem>>) dst(%dma_wait3A_240 : memref<8x12800xf32, #tpu.memory_space<hbm>>)
    %dma_wait3A_241 = arith.constant 12800 : i32
    %dma_wait3A_242 = tpu.memref_slice %arg4[%add3A_83, %dma_wait3A_241] : memref<1024x100000xf32, #tpu.memory_space<hbm>> -> memref<8x12800xf32, #tpu.memory_space<hbm>>
    %dma_wait3A_243 = arith.constant 12800 : i32
    %dma_wait3A_244 = tpu.memref_slice %arg4[%add3A_83, %dma_wait3A_243] : memref<1024x100000xf32, #tpu.memory_space<hbm>> -> memref<8x12800xf32, #tpu.memory_space<hbm>>
    tpu.wait_dma2 semaphore(%arg8 : memref<!tpu.dma_semaphore, #tpu.memory_space<semaphore_mem>>) src(%arg5 : memref<8x12800xf32, #tpu.memory_space<vmem>>) dst(%dma_wait3A_244 : memref<8x12800xf32, #tpu.memory_space<hbm>>)
    %dma_wait3A_245 = arith.constant 25600 : i32
    %dma_wait3A_246 = tpu.memref_slice %arg4[%add3A_83, %dma_wait3A_245] : memref<1024x100000xf32, #tpu.memory_space<hbm>> -> memref<8x12800xf32, #tpu.memory_space<hbm>>
    %dma_wait3A_247 = arith.constant 25600 : i32
    %dma_wait3A_248 = tpu.memref_slice %arg4[%add3A_83, %dma_wait3A_247] : memref<1024x100000xf32, #tpu.memory_space<hbm>> -> memref<8x12800xf32, #tpu.memory_space<hbm>>
    tpu.wait_dma2 semaphore(%arg8 : memref<!tpu.dma_semaphore, #tpu.memory_space<semaphore_mem>>) src(%arg5 : memref<8x12800xf32, #tpu.memory_space<vmem>>) dst(%dma_wait3A_248 : memref<8x12800xf32, #tpu.memory_space<hbm>>)
    %dma_wait3A_249 = arith.constant 38400 : i32
    %dma_wait3A_250 = tpu.memref_slice %arg4[%add3A_83, %dma_wait3A_249] : memref<1024x100000xf32, #tpu.memory_space<hbm>> -> memref<8x12800xf32, #tpu.memory_space<hbm>>
    %dma_wait3A_251 = arith.constant 38400 : i32
    %dma_wait3A_252 = tpu.memref_slice %arg4[%add3A_83, %dma_wait3A_251] : memref<1024x100000xf32, #tpu.memory_space<hbm>> -> memref<8x12800xf32, #tpu.memory_space<hbm>>
    tpu.wait_dma2 semaphore(%arg8 : memref<!tpu.dma_semaphore, #tpu.memory_space<semaphore_mem>>) src(%arg5 : memref<8x12800xf32, #tpu.memory_space<vmem>>) dst(%dma_wait3A_252 : memref<8x12800xf32, #tpu.memory_space<hbm>>)
    %dma_wait3A_253 = arith.constant 51200 : i32
    %dma_wait3A_254 = tpu.memref_slice %arg4[%add3A_83, %dma_wait3A_253] : memref<1024x100000xf32, #tpu.memory_space<hbm>> -> memref<8x12800xf32, #tpu.memory_space<hbm>>
    %dma_wait3A_255 = arith.constant 51200 : i32
    %dma_wait3A_256 = tpu.memref_slice %arg4[%add3A_83, %dma_wait3A_255] : memref<1024x100000xf32, #tpu.memory_space<hbm>> -> memref<8x12800xf32, #tpu.memory_space<hbm>>
    tpu.wait_dma2 semaphore(%arg8 : memref<!tpu.dma_semaphore, #tpu.memory_space<semaphore_mem>>) src(%arg5 : memref<8x12800xf32, #tpu.memory_space<vmem>>) dst(%dma_wait3A_256 : memref<8x12800xf32, #tpu.memory_space<hbm>>)
    %dma_wait3A_257 = arith.constant 64000 : i32
    %dma_wait3A_258 = tpu.memref_slice %arg4[%add3A_83, %dma_wait3A_257] : memref<1024x100000xf32, #tpu.memory_space<hbm>> -> memref<8x12800xf32, #tpu.memory_space<hbm>>
    %dma_wait3A_259 = arith.constant 64000 : i32
    %dma_wait3A_260 = tpu.memref_slice %arg4[%add3A_83, %dma_wait3A_259] : memref<1024x100000xf32, #tpu.memory_space<hbm>> -> memref<8x12800xf32, #tpu.memory_space<hbm>>
    tpu.wait_dma2 semaphore(%arg8 : memref<!tpu.dma_semaphore, #tpu.memory_space<semaphore_mem>>) src(%arg5 : memref<8x12800xf32, #tpu.memory_space<vmem>>) dst(%dma_wait3A_260 : memref<8x12800xf32, #tpu.memory_space<hbm>>)
    %dma_wait3A_261 = arith.constant 76800 : i32
    %dma_wait3A_262 = tpu.memref_slice %arg4[%add3A_83, %dma_wait3A_261] : memref<1024x100000xf32, #tpu.memory_space<hbm>> -> memref<8x12800xf32, #tpu.memory_space<hbm>>
    %dma_wait3A_263 = arith.constant 76800 : i32
    %dma_wait3A_264 = tpu.memref_slice %arg4[%add3A_83, %dma_wait3A_263] : memref<1024x100000xf32, #tpu.memory_space<hbm>> -> memref<8x12800xf32, #tpu.memory_space<hbm>>
    tpu.wait_dma2 semaphore(%arg8 : memref<!tpu.dma_semaphore, #tpu.memory_space<semaphore_mem>>) src(%arg5 : memref<8x12800xf32, #tpu.memory_space<vmem>>) dst(%dma_wait3A_264 : memref<8x12800xf32, #tpu.memory_space<hbm>>)
    %dma_wait3A_265 = arith.constant 0 : i32
    %dma_wait3A_266 = arith.constant 0 : i32
    %dma_wait3A_267 = tpu.memref_slice %arg5[%dma_wait3A_265, %dma_wait3A_266] : memref<8x12800xf32, #tpu.memory_space<vmem>> -> memref<8x10368xf32, #tpu.memory_space<vmem>>
    %dma_wait3A_268 = arith.constant 89600 : i32
    %dma_wait3A_269 = tpu.memref_slice %arg4[%add3A_83, %dma_wait3A_268] : memref<1024x100000xf32, #tpu.memory_space<hbm>> -> memref<8x10368xf32, #tpu.memory_space<hbm>>
    %dma_wait3A_270 = arith.constant 89600 : i32
    %dma_wait3A_271 = tpu.memref_slice %arg4[%add3A_83, %dma_wait3A_270] : memref<1024x100000xf32, #tpu.memory_space<hbm>> -> memref<8x10368xf32, #tpu.memory_space<hbm>>
    %dma_wait3A_272 = arith.constant 0 : i32
    %dma_wait3A_273 = arith.constant 0 : i32
    %dma_wait3A_274 = tpu.memref_slice %arg5[%dma_wait3A_272, %dma_wait3A_273] : memref<8x12800xf32, #tpu.memory_space<vmem>> -> memref<8x10368xf32, #tpu.memory_space<vmem>>
    tpu.wait_dma2 semaphore(%arg8 : memref<!tpu.dma_semaphore, #tpu.memory_space<semaphore_mem>>) src(%dma_wait3A_274 : memref<8x10368xf32, #tpu.memory_space<vmem>>) dst(%dma_wait3A_271 : memref<8x10368xf32, #tpu.memory_space<hbm>>)
    %dma_wait3A_275 = arith.constant 0 : i32
    %dma_wait3A_276 = tpu.memref_slice %arg4[%add3A_123, %dma_wait3A_275] : memref<1024x100000xf32, #tpu.memory_space<hbm>> -> memref<8x12800xf32, #tpu.memory_space<hbm>>
    %dma_wait3A_277 = arith.constant 0 : i32
    %dma_wait3A_278 = tpu.memref_slice %arg4[%add3A_123, %dma_wait3A_277] : memref<1024x100000xf32, #tpu.memory_space<hbm>> -> memref<8x12800xf32, #tpu.memory_space<hbm>>
    tpu.wait_dma2 semaphore(%arg8 : memref<!tpu.dma_semaphore, #tpu.memory_space<semaphore_mem>>) src(%arg5 : memref<8x12800xf32, #tpu.memory_space<vmem>>) dst(%dma_wait3A_278 : memref<8x12800xf32, #tpu.memory_space<hbm>>)
    %dma_wait3A_279 = arith.constant 12800 : i32
    %dma_wait3A_280 = tpu.memref_slice %arg4[%add3A_123, %dma_wait3A_279] : memref<1024x100000xf32, #tpu.memory_space<hbm>> -> memref<8x12800xf32, #tpu.memory_space<hbm>>
    %dma_wait3A_281 = arith.constant 12800 : i32
    %dma_wait3A_282 = tpu.memref_slice %arg4[%add3A_123, %dma_wait3A_281] : memref<1024x100000xf32, #tpu.memory_space<hbm>> -> memref<8x12800xf32, #tpu.memory_space<hbm>>
    tpu.wait_dma2 semaphore(%arg8 : memref<!tpu.dma_semaphore, #tpu.memory_space<semaphore_mem>>) src(%arg5 : memref<8x12800xf32, #tpu.memory_space<vmem>>) dst(%dma_wait3A_282 : memref<8x12800xf32, #tpu.memory_space<hbm>>)
    %dma_wait3A_283 = arith.constant 25600 : i32
    %dma_wait3A_284 = tpu.memref_slice %arg4[%add3A_123, %dma_wait3A_283] : memref<1024x100000xf32, #tpu.memory_space<hbm>> -> memref<8x12800xf32, #tpu.memory_space<hbm>>
    %dma_wait3A_285 = arith.constant 25600 : i32
    %dma_wait3A_286 = tpu.memref_slice %arg4[%add3A_123, %dma_wait3A_285] : memref<1024x100000xf32, #tpu.memory_space<hbm>> -> memref<8x12800xf32, #tpu.memory_space<hbm>>
    tpu.wait_dma2 semaphore(%arg8 : memref<!tpu.dma_semaphore, #tpu.memory_space<semaphore_mem>>) src(%arg5 : memref<8x12800xf32, #tpu.memory_space<vmem>>) dst(%dma_wait3A_286 : memref<8x12800xf32, #tpu.memory_space<hbm>>)
    %dma_wait3A_287 = arith.constant 38400 : i32
    %dma_wait3A_288 = tpu.memref_slice %arg4[%add3A_123, %dma_wait3A_287] : memref<1024x100000xf32, #tpu.memory_space<hbm>> -> memref<8x12800xf32, #tpu.memory_space<hbm>>
    %dma_wait3A_289 = arith.constant 38400 : i32
    %dma_wait3A_290 = tpu.memref_slice %arg4[%add3A_123, %dma_wait3A_289] : memref<1024x100000xf32, #tpu.memory_space<hbm>> -> memref<8x12800xf32, #tpu.memory_space<hbm>>
    tpu.wait_dma2 semaphore(%arg8 : memref<!tpu.dma_semaphore, #tpu.memory_space<semaphore_mem>>) src(%arg5 : memref<8x12800xf32, #tpu.memory_space<vmem>>) dst(%dma_wait3A_290 : memref<8x12800xf32, #tpu.memory_space<hbm>>)
    %dma_wait3A_291 = arith.constant 51200 : i32
    %dma_wait3A_292 = tpu.memref_slice %arg4[%add3A_123, %dma_wait3A_291] : memref<1024x100000xf32, #tpu.memory_space<hbm>> -> memref<8x12800xf32, #tpu.memory_space<hbm>>
    %dma_wait3A_293 = arith.constant 51200 : i32
    %dma_wait3A_294 = tpu.memref_slice %arg4[%add3A_123, %dma_wait3A_293] : memref<1024x100000xf32, #tpu.memory_space<hbm>> -> memref<8x12800xf32, #tpu.memory_space<hbm>>
    tpu.wait_dma2 semaphore(%arg8 : memref<!tpu.dma_semaphore, #tpu.memory_space<semaphore_mem>>) src(%arg5 : memref<8x12800xf32, #tpu.memory_space<vmem>>) dst(%dma_wait3A_294 : memref<8x12800xf32, #tpu.memory_space<hbm>>)
    %dma_wait3A_295 = arith.constant 64000 : i32
    %dma_wait3A_296 = tpu.memref_slice %arg4[%add3A_123, %dma_wait3A_295] : memref<1024x100000xf32, #tpu.memory_space<hbm>> -> memref<8x12800xf32, #tpu.memory_space<hbm>>
    %dma_wait3A_297 = arith.constant 64000 : i32
    %dma_wait3A_298 = tpu.memref_slice %arg4[%add3A_123, %dma_wait3A_297] : memref<1024x100000xf32, #tpu.memory_space<hbm>> -> memref<8x12800xf32, #tpu.memory_space<hbm>>
    tpu.wait_dma2 semaphore(%arg8 : memref<!tpu.dma_semaphore, #tpu.memory_space<semaphore_mem>>) src(%arg5 : memref<8x12800xf32, #tpu.memory_space<vmem>>) dst(%dma_wait3A_298 : memref<8x12800xf32, #tpu.memory_space<hbm>>)
    %dma_wait3A_299 = arith.constant 76800 : i32
    %dma_wait3A_300 = tpu.memref_slice %arg4[%add3A_123, %dma_wait3A_299] : memref<1024x100000xf32, #tpu.memory_space<hbm>> -> memref<8x12800xf32, #tpu.memory_space<hbm>>
    %dma_wait3A_301 = arith.constant 76800 : i32
    %dma_wait3A_302 = tpu.memref_slice %arg4[%add3A_123, %dma_wait3A_301] : memref<1024x100000xf32, #tpu.memory_space<hbm>> -> memref<8x12800xf32, #tpu.memory_space<hbm>>
    tpu.wait_dma2 semaphore(%arg8 : memref<!tpu.dma_semaphore, #tpu.memory_space<semaphore_mem>>) src(%arg5 : memref<8x12800xf32, #tpu.memory_space<vmem>>) dst(%dma_wait3A_302 : memref<8x12800xf32, #tpu.memory_space<hbm>>)
    %dma_wait3A_303 = arith.constant 0 : i32
    %dma_wait3A_304 = arith.constant 0 : i32
    %dma_wait3A_305 = tpu.memref_slice %arg5[%dma_wait3A_303, %dma_wait3A_304] : memref<8x12800xf32, #tpu.memory_space<vmem>> -> memref<8x10368xf32, #tpu.memory_space<vmem>>
    %dma_wait3A_306 = arith.constant 89600 : i32
    %dma_wait3A_307 = tpu.memref_slice %arg4[%add3A_123, %dma_wait3A_306] : memref<1024x100000xf32, #tpu.memory_space<hbm>> -> memref<8x10368xf32, #tpu.memory_space<hbm>>
    %dma_wait3A_308 = arith.constant 89600 : i32
    %dma_wait3A_309 = tpu.memref_slice %arg4[%add3A_123, %dma_wait3A_308] : memref<1024x100000xf32, #tpu.memory_space<hbm>> -> memref<8x10368xf32, #tpu.memory_space<hbm>>
    %dma_wait3A_310 = arith.constant 0 : i32
    %dma_wait3A_311 = arith.constant 0 : i32
    %dma_wait3A_312 = tpu.memref_slice %arg5[%dma_wait3A_310, %dma_wait3A_311] : memref<8x12800xf32, #tpu.memory_space<vmem>> -> memref<8x10368xf32, #tpu.memory_space<vmem>>
    tpu.wait_dma2 semaphore(%arg8 : memref<!tpu.dma_semaphore, #tpu.memory_space<semaphore_mem>>) src(%dma_wait3A_312 : memref<8x10368xf32, #tpu.memory_space<vmem>>) dst(%dma_wait3A_309 : memref<8x10368xf32, #tpu.memory_space<hbm>>)
    %iota3A = tpu.iota {dimensions = array<i32: 0>} : vector<16xi32>
    %broadcast_in_dim3A = arith.constant 0.000000e+00 : f32
    %broadcast_in_dim3A_313 = vector.broadcast %broadcast_in_dim3A : f32 to vector<16xf32>
    %swap3A = arith.constant 0 : i32
    %swap3A_314 = arith.index_cast %swap3A : i32 to index
    %swap3A_315 = arith.constant 0 : index
    %swap3A_316 = tpu.vector_load %arg7[%swap3A_314, %swap3A_315] {strides = array<i32>} : memref<9x128xf32, #tpu.memory_space<vmem>>, vector<16xf32>,
    tpu.vector_store %arg7[%swap3A_314, %swap3A_315], %broadcast_in_dim3A_313 {strides = array<i32>} : memref<9x128xf32, #tpu.memory_space<vmem>>, vector<16xf32>,
    %swap3A_317 = arith.constant 0 : i32
    %swap3A_318 = arith.index_cast %swap3A_317 : i32 to index
    %swap3A_319 = arith.constant 16 : index
    %swap3A_320 = tpu.vector_load %arg7[%swap3A_318, %swap3A_319] {strides = array<i32>} : memref<9x128xf32, #tpu.memory_space<vmem>>, vector<16xf32>,
    tpu.vector_store %arg7[%swap3A_318, %swap3A_319], %broadcast_in_dim3A_313 {strides = array<i32>} : memref<9x128xf32, #tpu.memory_space<vmem>>, vector<16xf32>,
    %swap3A_321 = arith.constant 0 : i32
    %swap3A_322 = arith.index_cast %swap3A_321 : i32 to index
    %swap3A_323 = arith.constant 32 : index
    %swap3A_324 = tpu.vector_load %arg7[%swap3A_322, %swap3A_323] {strides = array<i32>} : memref<9x128xf32, #tpu.memory_space<vmem>>, vector<16xf32>,
    tpu.vector_store %arg7[%swap3A_322, %swap3A_323], %broadcast_in_dim3A_313 {strides = array<i32>} : memref<9x128xf32, #tpu.memory_space<vmem>>, vector<16xf32>,
    %swap3A_325 = arith.constant 0 : i32
    %swap3A_326 = arith.index_cast %swap3A_325 : i32 to index
    %swap3A_327 = arith.constant 48 : index
    %swap3A_328 = tpu.vector_load %arg7[%swap3A_326, %swap3A_327] {strides = array<i32>} : memref<9x128xf32, #tpu.memory_space<vmem>>, vector<16xf32>,
    tpu.vector_store %arg7[%swap3A_326, %swap3A_327], %broadcast_in_dim3A_313 {strides = array<i32>} : memref<9x128xf32, #tpu.memory_space<vmem>>, vector<16xf32>,
    %swap3A_329 = arith.constant 0 : i32
    %swap3A_330 = arith.index_cast %swap3A_329 : i32 to index
    %swap3A_331 = arith.constant 64 : index
    %swap3A_332 = tpu.vector_load %arg7[%swap3A_330, %swap3A_331] {strides = array<i32>} : memref<9x128xf32, #tpu.memory_space<vmem>>, vector<16xf32>,
    tpu.vector_store %arg7[%swap3A_330, %swap3A_331], %broadcast_in_dim3A_313 {strides = array<i32>} : memref<9x128xf32, #tpu.memory_space<vmem>>, vector<16xf32>,
    %swap3A_333 = arith.constant 0 : i32
    %swap3A_334 = arith.index_cast %swap3A_333 : i32 to index
    %swap3A_335 = arith.constant 80 : index
    %swap3A_336 = tpu.vector_load %arg7[%swap3A_334, %swap3A_335] {strides = array<i32>} : memref<9x128xf32, #tpu.memory_space<vmem>>, vector<16xf32>,
    tpu.vector_store %arg7[%swap3A_334, %swap3A_335], %broadcast_in_dim3A_313 {strides = array<i32>} : memref<9x128xf32, #tpu.memory_space<vmem>>, vector<16xf32>,
    %swap3A_337 = arith.constant 0 : i32
    %swap3A_338 = arith.index_cast %swap3A_337 : i32 to index
    %swap3A_339 = arith.constant 96 : index
    %swap3A_340 = tpu.vector_load %arg7[%swap3A_338, %swap3A_339] {strides = array<i32>} : memref<9x128xf32, #tpu.memory_space<vmem>>, vector<16xf32>,
    tpu.vector_store %arg7[%swap3A_338, %swap3A_339], %broadcast_in_dim3A_313 {strides = array<i32>} : memref<9x128xf32, #tpu.memory_space<vmem>>, vector<16xf32>,
    %swap3A_341 = arith.constant 0 : i32
    %swap3A_342 = arith.index_cast %swap3A_341 : i32 to index
    %swap3A_343 = arith.constant 112 : index
    %swap3A_344 = tpu.vector_load %arg7[%swap3A_342, %swap3A_343] {strides = array<i32>} : memref<9x128xf32, #tpu.memory_space<vmem>>, vector<16xf32>,
    tpu.vector_store %arg7[%swap3A_342, %swap3A_343], %broadcast_in_dim3A_313 {strides = array<i32>} : memref<9x128xf32, #tpu.memory_space<vmem>>, vector<16xf32>,
    %swap3A_345 = arith.constant 1 : i32
    %swap3A_346 = arith.index_cast %swap3A_345 : i32 to index
    %swap3A_347 = arith.constant 0 : index
    %swap3A_348 = tpu.vector_load %arg7[%swap3A_346, %swap3A_347] {strides = array<i32>} : memref<9x128xf32, #tpu.memory_space<vmem>>, vector<16xf32>,
    tpu.vector_store %arg7[%swap3A_346, %swap3A_347], %broadcast_in_dim3A_313 {strides = array<i32>} : memref<9x128xf32, #tpu.memory_space<vmem>>, vector<16xf32>,
    %swap3A_349 = arith.constant 1 : i32
    %swap3A_350 = arith.index_cast %swap3A_349 : i32 to index
    %swap3A_351 = arith.constant 16 : index
    %swap3A_352 = tpu.vector_load %arg7[%swap3A_350, %swap3A_351] {strides = array<i32>} : memref<9x128xf32, #tpu.memory_space<vmem>>, vector<16xf32>,
    tpu.vector_store %arg7[%swap3A_350, %swap3A_351], %broadcast_in_dim3A_313 {strides = array<i32>} : memref<9x128xf32, #tpu.memory_space<vmem>>, vector<16xf32>,
    %swap3A_353 = arith.constant 1 : i32
    %swap3A_354 = arith.index_cast %swap3A_353 : i32 to index
    %swap3A_355 = arith.constant 32 : index
    %swap3A_356 = tpu.vector_load %arg7[%swap3A_354, %swap3A_355] {strides = array<i32>} : memref<9x128xf32, #tpu.memory_space<vmem>>, vector<16xf32>,
    tpu.vector_store %arg7[%swap3A_354, %swap3A_355], %broadcast_in_dim3A_313 {strides = array<i32>} : memref<9x128xf32, #tpu.memory_space<vmem>>, vector<16xf32>,
    %swap3A_357 = arith.constant 1 : i32
    %swap3A_358 = arith.index_cast %swap3A_357 : i32 to index
    %swap3A_359 = arith.constant 48 : index
    %swap3A_360 = tpu.vector_load %arg7[%swap3A_358, %swap3A_359] {strides = array<i32>} : memref<9x128xf32, #tpu.memory_space<vmem>>, vector<16xf32>,
    tpu.vector_store %arg7[%swap3A_358, %swap3A_359], %broadcast_in_dim3A_313 {strides = array<i32>} : memref<9x128xf32, #tpu.memory_space<vmem>>, vector<16xf32>,
    %swap3A_361 = arith.constant 1 : i32
    %swap3A_362 = arith.index_cast %swap3A_361 : i32 to index
    %swap3A_363 = arith.constant 64 : index
    %swap3A_364 = tpu.vector_load %arg7[%swap3A_362, %swap3A_363] {strides = array<i32>} : memref<9x128xf32, #tpu.memory_space<vmem>>, vector<16xf32>,
    tpu.vector_store %arg7[%swap3A_362, %swap3A_363], %broadcast_in_dim3A_313 {strides = array<i32>} : memref<9x128xf32, #tpu.memory_space<vmem>>, vector<16xf32>,
    %swap3A_365 = arith.constant 1 : i32
    %swap3A_366 = arith.index_cast %swap3A_365 : i32 to index
    %swap3A_367 = arith.constant 80 : index
    %swap3A_368 = tpu.vector_load %arg7[%swap3A_366, %swap3A_367] {strides = array<i32>} : memref<9x128xf32, #tpu.memory_space<vmem>>, vector<16xf32>,
    tpu.vector_store %arg7[%swap3A_366, %swap3A_367], %broadcast_in_dim3A_313 {strides = array<i32>} : memref<9x128xf32, #tpu.memory_space<vmem>>, vector<16xf32>,
    %swap3A_369 = arith.constant 1 : i32
    %swap3A_370 = arith.index_cast %swap3A_369 : i32 to index
    %swap3A_371 = arith.constant 96 : index
    %swap3A_372 = tpu.vector_load %arg7[%swap3A_370, %swap3A_371] {strides = array<i32>} : memref<9x128xf32, #tpu.memory_space<vmem>>, vector<16xf32>,
    tpu.vector_store %arg7[%swap3A_370, %swap3A_371], %broadcast_in_dim3A_313 {strides = array<i32>} : memref<9x128xf32, #tpu.memory_space<vmem>>, vector<16xf32>,
    %swap3A_373 = arith.constant 1 : i32
    %swap3A_374 = arith.index_cast %swap3A_373 : i32 to index
    %swap3A_375 = arith.constant 112 : index
    %swap3A_376 = tpu.vector_load %arg7[%swap3A_374, %swap3A_375] {strides = array<i32>} : memref<9x128xf32, #tpu.memory_space<vmem>>, vector<16xf32>,
    tpu.vector_store %arg7[%swap3A_374, %swap3A_375], %broadcast_in_dim3A_313 {strides = array<i32>} : memref<9x128xf32, #tpu.memory_space<vmem>>, vector<16xf32>,
    %swap3A_377 = arith.constant 2 : i32
    %swap3A_378 = arith.index_cast %swap3A_377 : i32 to index
    %swap3A_379 = arith.constant 0 : index
    %swap3A_380 = tpu.vector_load %arg7[%swap3A_378, %swap3A_379] {strides = array<i32>} : memref<9x128xf32, #tpu.memory_space<vmem>>, vector<16xf32>,
    tpu.vector_store %arg7[%swap3A_378, %swap3A_379], %broadcast_in_dim3A_313 {strides = array<i32>} : memref<9x128xf32, #tpu.memory_space<vmem>>, vector<16xf32>,
    %swap3A_381 = arith.constant 2 : i32
    %swap3A_382 = arith.index_cast %swap3A_381 : i32 to index
    %swap3A_383 = arith.constant 16 : index
    %swap3A_384 = tpu.vector_load %arg7[%swap3A_382, %swap3A_383] {strides = array<i32>} : memref<9x128xf32, #tpu.memory_space<vmem>>, vector<16xf32>,
    tpu.vector_store %arg7[%swap3A_382, %swap3A_383], %broadcast_in_dim3A_313 {strides = array<i32>} : memref<9x128xf32, #tpu.memory_space<vmem>>, vector<16xf32>,
    %swap3A_385 = arith.constant 2 : i32
    %swap3A_386 = arith.index_cast %swap3A_385 : i32 to index
    %swap3A_387 = arith.constant 32 : index
    %swap3A_388 = tpu.vector_load %arg7[%swap3A_386, %swap3A_387] {strides = array<i32>} : memref<9x128xf32, #tpu.memory_space<vmem>>, vector<16xf32>,
    tpu.vector_store %arg7[%swap3A_386, %swap3A_387], %broadcast_in_dim3A_313 {strides = array<i32>} : memref<9x128xf32, #tpu.memory_space<vmem>>, vector<16xf32>,
    %swap3A_389 = arith.constant 2 : i32
    %swap3A_390 = arith.index_cast %swap3A_389 : i32 to index
    %swap3A_391 = arith.constant 48 : index
    %swap3A_392 = tpu.vector_load %arg7[%swap3A_390, %swap3A_391] {strides = array<i32>} : memref<9x128xf32, #tpu.memory_space<vmem>>, vector<16xf32>,
    tpu.vector_store %arg7[%swap3A_390, %swap3A_391], %broadcast_in_dim3A_313 {strides = array<i32>} : memref<9x128xf32, #tpu.memory_space<vmem>>, vector<16xf32>,
    %swap3A_393 = arith.constant 2 : i32
    %swap3A_394 = arith.index_cast %swap3A_393 : i32 to index
    %swap3A_395 = arith.constant 64 : index
    %swap3A_396 = tpu.vector_load %arg7[%swap3A_394, %swap3A_395] {strides = array<i32>} : memref<9x128xf32, #tpu.memory_space<vmem>>, vector<16xf32>,
    tpu.vector_store %arg7[%swap3A_394, %swap3A_395], %broadcast_in_dim3A_313 {strides = array<i32>} : memref<9x128xf32, #tpu.memory_space<vmem>>, vector<16xf32>,
    %swap3A_397 = arith.constant 2 : i32
    %swap3A_398 = arith.index_cast %swap3A_397 : i32 to index
    %swap3A_399 = arith.constant 80 : index
    %swap3A_400 = tpu.vector_load %arg7[%swap3A_398, %swap3A_399] {strides = array<i32>} : memref<9x128xf32, #tpu.memory_space<vmem>>, vector<16xf32>,
    tpu.vector_store %arg7[%swap3A_398, %swap3A_399], %broadcast_in_dim3A_313 {strides = array<i32>} : memref<9x128xf32, #tpu.memory_space<vmem>>, vector<16xf32>,
    %swap3A_401 = arith.constant 2 : i32
    %swap3A_402 = arith.index_cast %swap3A_401 : i32 to index
    %swap3A_403 = arith.constant 96 : index
    %swap3A_404 = tpu.vector_load %arg7[%swap3A_402, %swap3A_403] {strides = array<i32>} : memref<9x128xf32, #tpu.memory_space<vmem>>, vector<16xf32>,
    tpu.vector_store %arg7[%swap3A_402, %swap3A_403], %broadcast_in_dim3A_313 {strides = array<i32>} : memref<9x128xf32, #tpu.memory_space<vmem>>, vector<16xf32>,
    %swap3A_405 = arith.constant 2 : i32
    %swap3A_406 = arith.index_cast %swap3A_405 : i32 to index
    %swap3A_407 = arith.constant 112 : index
    %swap3A_408 = tpu.vector_load %arg7[%swap3A_406, %swap3A_407] {strides = array<i32>} : memref<9x128xf32, #tpu.memory_space<vmem>>, vector<16xf32>,
    tpu.vector_store %arg7[%swap3A_406, %swap3A_407], %broadcast_in_dim3A_313 {strides = array<i32>} : memref<9x128xf32, #tpu.memory_space<vmem>>, vector<16xf32>,
    %swap3A_409 = arith.constant 3 : i32
    %swap3A_410 = arith.index_cast %swap3A_409 : i32 to index
    %swap3A_411 = arith.constant 0 : index
    %swap3A_412 = tpu.vector_load %arg7[%swap3A_410, %swap3A_411] {strides = array<i32>} : memref<9x128xf32, #tpu.memory_space<vmem>>, vector<16xf32>,
    tpu.vector_store %arg7[%swap3A_410, %swap3A_411], %broadcast_in_dim3A_313 {strides = array<i32>} : memref<9x128xf32, #tpu.memory_space<vmem>>, vector<16xf32>,
    %swap3A_413 = arith.constant 3 : i32
    %swap3A_414 = arith.index_cast %swap3A_413 : i32 to index
    %swap3A_415 = arith.constant 16 : index
    %swap3A_416 = tpu.vector_load %arg7[%swap3A_414, %swap3A_415] {strides = array<i32>} : memref<9x128xf32, #tpu.memory_space<vmem>>, vector<16xf32>,
    tpu.vector_store %arg7[%swap3A_414, %swap3A_415], %broadcast_in_dim3A_313 {strides = array<i32>} : memref<9x128xf32, #tpu.memory_space<vmem>>, vector<16xf32>,
    %swap3A_417 = arith.constant 3 : i32
    %swap3A_418 = arith.index_cast %swap3A_417 : i32 to index
    %swap3A_419 = arith.constant 32 : index
    %swap3A_420 = tpu.vector_load %arg7[%swap3A_418, %swap3A_419] {strides = array<i32>} : memref<9x128xf32, #tpu.memory_space<vmem>>, vector<16xf32>,
    tpu.vector_store %arg7[%swap3A_418, %swap3A_419], %broadcast_in_dim3A_313 {strides = array<i32>} : memref<9x128xf32, #tpu.memory_space<vmem>>, vector<16xf32>,
    %swap3A_421 = arith.constant 3 : i32
    %swap3A_422 = arith.index_cast %swap3A_421 : i32 to index
    %swap3A_423 = arith.constant 48 : index
    %swap3A_424 = tpu.vector_load %arg7[%swap3A_422, %swap3A_423] {strides = array<i32>} : memref<9x128xf32, #tpu.memory_space<vmem>>, vector<16xf32>,
    tpu.vector_store %arg7[%swap3A_422, %swap3A_423], %broadcast_in_dim3A_313 {strides = array<i32>} : memref<9x128xf32, #tpu.memory_space<vmem>>, vector<16xf32>,
    %swap3A_425 = arith.constant 3 : i32
    %swap3A_426 = arith.index_cast %swap3A_425 : i32 to index
    %swap3A_427 = arith.constant 64 : index
    %swap3A_428 = tpu.vector_load %arg7[%swap3A_426, %swap3A_427] {strides = array<i32>} : memref<9x128xf32, #tpu.memory_space<vmem>>, vector<16xf32>,
    tpu.vector_store %arg7[%swap3A_426, %swap3A_427], %broadcast_in_dim3A_313 {strides = array<i32>} : memref<9x128xf32, #tpu.memory_space<vmem>>, vector<16xf32>,
    %swap3A_429 = arith.constant 3 : i32
    %swap3A_430 = arith.index_cast %swap3A_429 : i32 to index
    %swap3A_431 = arith.constant 80 : index
    %swap3A_432 = tpu.vector_load %arg7[%swap3A_430, %swap3A_431] {strides = array<i32>} : memref<9x128xf32, #tpu.memory_space<vmem>>, vector<16xf32>,
    tpu.vector_store %arg7[%swap3A_430, %swap3A_431], %broadcast_in_dim3A_313 {strides = array<i32>} : memref<9x128xf32, #tpu.memory_space<vmem>>, vector<16xf32>,
    %swap3A_433 = arith.constant 3 : i32
    %swap3A_434 = arith.index_cast %swap3A_433 : i32 to index
    %swap3A_435 = arith.constant 96 : index
    %swap3A_436 = tpu.vector_load %arg7[%swap3A_434, %swap3A_435] {strides = array<i32>} : memref<9x128xf32, #tpu.memory_space<vmem>>, vector<16xf32>,
    tpu.vector_store %arg7[%swap3A_434, %swap3A_435], %broadcast_in_dim3A_313 {strides = array<i32>} : memref<9x128xf32, #tpu.memory_space<vmem>>, vector<16xf32>,
    %swap3A_437 = arith.constant 3 : i32
    %swap3A_438 = arith.index_cast %swap3A_437 : i32 to index
    %swap3A_439 = arith.constant 112 : index
    %swap3A_440 = tpu.vector_load %arg7[%swap3A_438, %swap3A_439] {strides = array<i32>} : memref<9x128xf32, #tpu.memory_space<vmem>>, vector<16xf32>,
    tpu.vector_store %arg7[%swap3A_438, %swap3A_439], %broadcast_in_dim3A_313 {strides = array<i32>} : memref<9x128xf32, #tpu.memory_space<vmem>>, vector<16xf32>,
    %swap3A_441 = arith.constant 4 : i32
    %swap3A_442 = arith.index_cast %swap3A_441 : i32 to index
    %swap3A_443 = arith.constant 0 : index
    %swap3A_444 = tpu.vector_load %arg7[%swap3A_442, %swap3A_443] {strides = array<i32>} : memref<9x128xf32, #tpu.memory_space<vmem>>, vector<16xf32>,
    tpu.vector_store %arg7[%swap3A_442, %swap3A_443], %broadcast_in_dim3A_313 {strides = array<i32>} : memref<9x128xf32, #tpu.memory_space<vmem>>, vector<16xf32>,
    %swap3A_445 = arith.constant 4 : i32
    %swap3A_446 = arith.index_cast %swap3A_445 : i32 to index
    %swap3A_447 = arith.constant 16 : index
    %swap3A_448 = tpu.vector_load %arg7[%swap3A_446, %swap3A_447] {strides = array<i32>} : memref<9x128xf32, #tpu.memory_space<vmem>>, vector<16xf32>,
    tpu.vector_store %arg7[%swap3A_446, %swap3A_447], %broadcast_in_dim3A_313 {strides = array<i32>} : memref<9x128xf32, #tpu.memory_space<vmem>>, vector<16xf32>,
    %swap3A_449 = arith.constant 4 : i32
    %swap3A_450 = arith.index_cast %swap3A_449 : i32 to index
    %swap3A_451 = arith.constant 32 : index
    %swap3A_452 = tpu.vector_load %arg7[%swap3A_450, %swap3A_451] {strides = array<i32>} : memref<9x128xf32, #tpu.memory_space<vmem>>, vector<16xf32>,
    tpu.vector_store %arg7[%swap3A_450, %swap3A_451], %broadcast_in_dim3A_313 {strides = array<i32>} : memref<9x128xf32, #tpu.memory_space<vmem>>, vector<16xf32>,
    %swap3A_453 = arith.constant 4 : i32
    %swap3A_454 = arith.index_cast %swap3A_453 : i32 to index
    %swap3A_455 = arith.constant 48 : index
    %swap3A_456 = tpu.vector_load %arg7[%swap3A_454, %swap3A_455] {strides = array<i32>} : memref<9x128xf32, #tpu.memory_space<vmem>>, vector<16xf32>,
    tpu.vector_store %arg7[%swap3A_454, %swap3A_455], %broadcast_in_dim3A_313 {strides = array<i32>} : memref<9x128xf32, #tpu.memory_space<vmem>>, vector<16xf32>,
    %swap3A_457 = arith.constant 4 : i32
    %swap3A_458 = arith.index_cast %swap3A_457 : i32 to index
    %swap3A_459 = arith.constant 64 : index
    %swap3A_460 = tpu.vector_load %arg7[%swap3A_458, %swap3A_459] {strides = array<i32>} : memref<9x128xf32, #tpu.memory_space<vmem>>, vector<16xf32>,
    tpu.vector_store %arg7[%swap3A_458, %swap3A_459], %broadcast_in_dim3A_313 {strides = array<i32>} : memref<9x128xf32, #tpu.memory_space<vmem>>, vector<16xf32>,
    %swap3A_461 = arith.constant 4 : i32
    %swap3A_462 = arith.index_cast %swap3A_461 : i32 to index
    %swap3A_463 = arith.constant 80 : index
    %swap3A_464 = tpu.vector_load %arg7[%swap3A_462, %swap3A_463] {strides = array<i32>} : memref<9x128xf32, #tpu.memory_space<vmem>>, vector<16xf32>,
    tpu.vector_store %arg7[%swap3A_462, %swap3A_463], %broadcast_in_dim3A_313 {strides = array<i32>} : memref<9x128xf32, #tpu.memory_space<vmem>>, vector<16xf32>,
    %swap3A_465 = arith.constant 4 : i32
    %swap3A_466 = arith.index_cast %swap3A_465 : i32 to index
    %swap3A_467 = arith.constant 96 : index
    %swap3A_468 = tpu.vector_load %arg7[%swap3A_466, %swap3A_467] {strides = array<i32>} : memref<9x128xf32, #tpu.memory_space<vmem>>, vector<16xf32>,
    tpu.vector_store %arg7[%swap3A_466, %swap3A_467], %broadcast_in_dim3A_313 {strides = array<i32>} : memref<9x128xf32, #tpu.memory_space<vmem>>, vector<16xf32>,
    %swap3A_469 = arith.constant 4 : i32
    %swap3A_470 = arith.index_cast %swap3A_469 : i32 to index
    %swap3A_471 = arith.constant 112 : index
    %swap3A_472 = tpu.vector_load %arg7[%swap3A_470, %swap3A_471] {strides = array<i32>} : memref<9x128xf32, #tpu.memory_space<vmem>>, vector<16xf32>,
    tpu.vector_store %arg7[%swap3A_470, %swap3A_471], %broadcast_in_dim3A_313 {strides = array<i32>} : memref<9x128xf32, #tpu.memory_space<vmem>>, vector<16xf32>,
    %swap3A_473 = arith.constant 5 : i32
    %swap3A_474 = arith.index_cast %swap3A_473 : i32 to index
    %swap3A_475 = arith.constant 0 : index
    %swap3A_476 = tpu.vector_load %arg7[%swap3A_474, %swap3A_475] {strides = array<i32>} : memref<9x128xf32, #tpu.memory_space<vmem>>, vector<16xf32>,
    tpu.vector_store %arg7[%swap3A_474, %swap3A_475], %broadcast_in_dim3A_313 {strides = array<i32>} : memref<9x128xf32, #tpu.memory_space<vmem>>, vector<16xf32>,
    %swap3A_477 = arith.constant 5 : i32
    %swap3A_478 = arith.index_cast %swap3A_477 : i32 to index
    %swap3A_479 = arith.constant 16 : index
    %swap3A_480 = tpu.vector_load %arg7[%swap3A_478, %swap3A_479] {strides = array<i32>} : memref<9x128xf32, #tpu.memory_space<vmem>>, vector<16xf32>,
    tpu.vector_store %arg7[%swap3A_478, %swap3A_479], %broadcast_in_dim3A_313 {strides = array<i32>} : memref<9x128xf32, #tpu.memory_space<vmem>>, vector<16xf32>,
    %swap3A_481 = arith.constant 5 : i32
    %swap3A_482 = arith.index_cast %swap3A_481 : i32 to index
    %swap3A_483 = arith.constant 32 : index
    %swap3A_484 = tpu.vector_load %arg7[%swap3A_482, %swap3A_483] {strides = array<i32>} : memref<9x128xf32, #tpu.memory_space<vmem>>, vector<16xf32>,
    tpu.vector_store %arg7[%swap3A_482, %swap3A_483], %broadcast_in_dim3A_313 {strides = array<i32>} : memref<9x128xf32, #tpu.memory_space<vmem>>, vector<16xf32>,
    %swap3A_485 = arith.constant 5 : i32
    %swap3A_486 = arith.index_cast %swap3A_485 : i32 to index
    %swap3A_487 = arith.constant 48 : index
    %swap3A_488 = tpu.vector_load %arg7[%swap3A_486, %swap3A_487] {strides = array<i32>} : memref<9x128xf32, #tpu.memory_space<vmem>>, vector<16xf32>,
    tpu.vector_store %arg7[%swap3A_486, %swap3A_487], %broadcast_in_dim3A_313 {strides = array<i32>} : memref<9x128xf32, #tpu.memory_space<vmem>>, vector<16xf32>,
    %swap3A_489 = arith.constant 5 : i32
    %swap3A_490 = arith.index_cast %swap3A_489 : i32 to index
    %swap3A_491 = arith.constant 64 : index
    %swap3A_492 = tpu.vector_load %arg7[%swap3A_490, %swap3A_491] {strides = array<i32>} : memref<9x128xf32, #tpu.memory_space<vmem>>, vector<16xf32>,
    tpu.vector_store %arg7[%swap3A_490, %swap3A_491], %broadcast_in_dim3A_313 {strides = array<i32>} : memref<9x128xf32, #tpu.memory_space<vmem>>, vector<16xf32>,
    %swap3A_493 = arith.constant 5 : i32
    %swap3A_494 = arith.index_cast %swap3A_493 : i32 to index
    %swap3A_495 = arith.constant 80 : index
    %swap3A_496 = tpu.vector_load %arg7[%swap3A_494, %swap3A_495] {strides = array<i32>} : memref<9x128xf32, #tpu.memory_space<vmem>>, vector<16xf32>,
    tpu.vector_store %arg7[%swap3A_494, %swap3A_495], %broadcast_in_dim3A_313 {strides = array<i32>} : memref<9x128xf32, #tpu.memory_space<vmem>>, vector<16xf32>,
    %swap3A_497 = arith.constant 5 : i32
    %swap3A_498 = arith.index_cast %swap3A_497 : i32 to index
    %swap3A_499 = arith.constant 96 : index
    %swap3A_500 = tpu.vector_load %arg7[%swap3A_498, %swap3A_499] {strides = array<i32>} : memref<9x128xf32, #tpu.memory_space<vmem>>, vector<16xf32>,
    tpu.vector_store %arg7[%swap3A_498, %swap3A_499], %broadcast_in_dim3A_313 {strides = array<i32>} : memref<9x128xf32, #tpu.memory_space<vmem>>, vector<16xf32>,
    %swap3A_501 = arith.constant 5 : i32
    %swap3A_502 = arith.index_cast %swap3A_501 : i32 to index
    %swap3A_503 = arith.constant 112 : index
    %swap3A_504 = tpu.vector_load %arg7[%swap3A_502, %swap3A_503] {strides = array<i32>} : memref<9x128xf32, #tpu.memory_space<vmem>>, vector<16xf32>,
    tpu.vector_store %arg7[%swap3A_502, %swap3A_503], %broadcast_in_dim3A_313 {strides = array<i32>} : memref<9x128xf32, #tpu.memory_space<vmem>>, vector<16xf32>,
    %swap3A_505 = arith.constant 6 : i32
    %swap3A_506 = arith.index_cast %swap3A_505 : i32 to index
    %swap3A_507 = arith.constant 0 : index
    %swap3A_508 = tpu.vector_load %arg7[%swap3A_506, %swap3A_507] {strides = array<i32>} : memref<9x128xf32, #tpu.memory_space<vmem>>, vector<16xf32>,
    tpu.vector_store %arg7[%swap3A_506, %swap3A_507], %broadcast_in_dim3A_313 {strides = array<i32>} : memref<9x128xf32, #tpu.memory_space<vmem>>, vector<16xf32>,
    %swap3A_509 = arith.constant 6 : i32
    %swap3A_510 = arith.index_cast %swap3A_509 : i32 to index
    %swap3A_511 = arith.constant 16 : index
    %swap3A_512 = tpu.vector_load %arg7[%swap3A_510, %swap3A_511] {strides = array<i32>} : memref<9x128xf32, #tpu.memory_space<vmem>>, vector<16xf32>,
    tpu.vector_store %arg7[%swap3A_510, %swap3A_511], %broadcast_in_dim3A_313 {strides = array<i32>} : memref<9x128xf32, #tpu.memory_space<vmem>>, vector<16xf32>,
    %swap3A_513 = arith.constant 6 : i32
    %swap3A_514 = arith.index_cast %swap3A_513 : i32 to index
    %swap3A_515 = arith.constant 32 : index
    %swap3A_516 = tpu.vector_load %arg7[%swap3A_514, %swap3A_515] {strides = array<i32>} : memref<9x128xf32, #tpu.memory_space<vmem>>, vector<16xf32>,
    tpu.vector_store %arg7[%swap3A_514, %swap3A_515], %broadcast_in_dim3A_313 {strides = array<i32>} : memref<9x128xf32, #tpu.memory_space<vmem>>, vector<16xf32>,
    %swap3A_517 = arith.constant 6 : i32
    %swap3A_518 = arith.index_cast %swap3A_517 : i32 to index
    %swap3A_519 = arith.constant 48 : index
    %swap3A_520 = tpu.vector_load %arg7[%swap3A_518, %swap3A_519] {strides = array<i32>} : memref<9x128xf32, #tpu.memory_space<vmem>>, vector<16xf32>,
    tpu.vector_store %arg7[%swap3A_518, %swap3A_519], %broadcast_in_dim3A_313 {strides = array<i32>} : memref<9x128xf32, #tpu.memory_space<vmem>>, vector<16xf32>,
    %swap3A_521 = arith.constant 6 : i32
    %swap3A_522 = arith.index_cast %swap3A_521 : i32 to index
    %swap3A_523 = arith.constant 64 : index
    %swap3A_524 = tpu.vector_load %arg7[%swap3A_522, %swap3A_523] {strides = array<i32>} : memref<9x128xf32, #tpu.memory_space<vmem>>, vector<16xf32>,
    tpu.vector_store %arg7[%swap3A_522, %swap3A_523], %broadcast_in_dim3A_313 {strides = array<i32>} : memref<9x128xf32, #tpu.memory_space<vmem>>, vector<16xf32>,
    %swap3A_525 = arith.constant 6 : i32
    %swap3A_526 = arith.index_cast %swap3A_525 : i32 to index
    %swap3A_527 = arith.constant 80 : index
    %swap3A_528 = tpu.vector_load %arg7[%swap3A_526, %swap3A_527] {strides = array<i32>} : memref<9x128xf32, #tpu.memory_space<vmem>>, vector<16xf32>,
    tpu.vector_store %arg7[%swap3A_526, %swap3A_527], %broadcast_in_dim3A_313 {strides = array<i32>} : memref<9x128xf32, #tpu.memory_space<vmem>>, vector<16xf32>,
    %swap3A_529 = arith.constant 6 : i32
    %swap3A_530 = arith.index_cast %swap3A_529 : i32 to index
    %swap3A_531 = arith.constant 96 : index
    %swap3A_532 = tpu.vector_load %arg7[%swap3A_530, %swap3A_531] {strides = array<i32>} : memref<9x128xf32, #tpu.memory_space<vmem>>, vector<16xf32>,
    tpu.vector_store %arg7[%swap3A_530, %swap3A_531], %broadcast_in_dim3A_313 {strides = array<i32>} : memref<9x128xf32, #tpu.memory_space<vmem>>, vector<16xf32>,
    %swap3A_533 = arith.constant 6 : i32
    %swap3A_534 = arith.index_cast %swap3A_533 : i32 to index
    %swap3A_535 = arith.constant 112 : index
    %swap3A_536 = tpu.vector_load %arg7[%swap3A_534, %swap3A_535] {strides = array<i32>} : memref<9x128xf32, #tpu.memory_space<vmem>>, vector<16xf32>,
    tpu.vector_store %arg7[%swap3A_534, %swap3A_535], %broadcast_in_dim3A_313 {strides = array<i32>} : memref<9x128xf32, #tpu.memory_space<vmem>>, vector<16xf32>,
    %swap3A_537 = arith.constant 7 : i32
    %swap3A_538 = arith.index_cast %swap3A_537 : i32 to index
    %swap3A_539 = arith.constant 0 : index
    %swap3A_540 = tpu.vector_load %arg7[%swap3A_538, %swap3A_539] {strides = array<i32>} : memref<9x128xf32, #tpu.memory_space<vmem>>, vector<16xf32>,
    tpu.vector_store %arg7[%swap3A_538, %swap3A_539], %broadcast_in_dim3A_313 {strides = array<i32>} : memref<9x128xf32, #tpu.memory_space<vmem>>, vector<16xf32>,
    %swap3A_541 = arith.constant 7 : i32
    %swap3A_542 = arith.index_cast %swap3A_541 : i32 to index
    %swap3A_543 = arith.constant 16 : index
    %swap3A_544 = tpu.vector_load %arg7[%swap3A_542, %swap3A_543] {strides = array<i32>} : memref<9x128xf32, #tpu.memory_space<vmem>>, vector<16xf32>,
    tpu.vector_store %arg7[%swap3A_542, %swap3A_543], %broadcast_in_dim3A_313 {strides = array<i32>} : memref<9x128xf32, #tpu.memory_space<vmem>>, vector<16xf32>,
    %swap3A_545 = arith.constant 7 : i32
    %swap3A_546 = arith.index_cast %swap3A_545 : i32 to index
    %swap3A_547 = arith.constant 32 : index
    %swap3A_548 = tpu.vector_load %arg7[%swap3A_546, %swap3A_547] {strides = array<i32>} : memref<9x128xf32, #tpu.memory_space<vmem>>, vector<16xf32>,
    tpu.vector_store %arg7[%swap3A_546, %swap3A_547], %broadcast_in_dim3A_313 {strides = array<i32>} : memref<9x128xf32, #tpu.memory_space<vmem>>, vector<16xf32>,
    %swap3A_549 = arith.constant 7 : i32
    %swap3A_550 = arith.index_cast %swap3A_549 : i32 to index
    %swap3A_551 = arith.constant 48 : index
    %swap3A_552 = tpu.vector_load %arg7[%swap3A_550, %swap3A_551] {strides = array<i32>} : memref<9x128xf32, #tpu.memory_space<vmem>>, vector<16xf32>,
    tpu.vector_store %arg7[%swap3A_550, %swap3A_551], %broadcast_in_dim3A_313 {strides = array<i32>} : memref<9x128xf32, #tpu.memory_space<vmem>>, vector<16xf32>,
    %swap3A_553 = arith.constant 7 : i32
    %swap3A_554 = arith.index_cast %swap3A_553 : i32 to index
    %swap3A_555 = arith.constant 64 : index
    %swap3A_556 = tpu.vector_load %arg7[%swap3A_554, %swap3A_555] {strides = array<i32>} : memref<9x128xf32, #tpu.memory_space<vmem>>, vector<16xf32>,
    tpu.vector_store %arg7[%swap3A_554, %swap3A_555], %broadcast_in_dim3A_313 {strides = array<i32>} : memref<9x128xf32, #tpu.memory_space<vmem>>, vector<16xf32>,
    %swap3A_557 = arith.constant 7 : i32
    %swap3A_558 = arith.index_cast %swap3A_557 : i32 to index
    %swap3A_559 = arith.constant 80 : index
    %swap3A_560 = tpu.vector_load %arg7[%swap3A_558, %swap3A_559] {strides = array<i32>} : memref<9x128xf32, #tpu.memory_space<vmem>>, vector<16xf32>,
    tpu.vector_store %arg7[%swap3A_558, %swap3A_559], %broadcast_in_dim3A_313 {strides = array<i32>} : memref<9x128xf32, #tpu.memory_space<vmem>>, vector<16xf32>,
    %swap3A_561 = arith.constant 7 : i32
    %swap3A_562 = arith.index_cast %swap3A_561 : i32 to index
    %swap3A_563 = arith.constant 96 : index
    %swap3A_564 = tpu.vector_load %arg7[%swap3A_562, %swap3A_563] {strides = array<i32>} : memref<9x128xf32, #tpu.memory_space<vmem>>, vector<16xf32>,
    tpu.vector_store %arg7[%swap3A_562, %swap3A_563], %broadcast_in_dim3A_313 {strides = array<i32>} : memref<9x128xf32, #tpu.memory_space<vmem>>, vector<16xf32>,
    %swap3A_565 = arith.constant 7 : i32
    %swap3A_566 = arith.index_cast %swap3A_565 : i32 to index
    %swap3A_567 = arith.constant 112 : index
    %swap3A_568 = tpu.vector_load %arg7[%swap3A_566, %swap3A_567] {strides = array<i32>} : memref<9x128xf32, #tpu.memory_space<vmem>>, vector<16xf32>,
    tpu.vector_store %arg7[%swap3A_566, %swap3A_567], %broadcast_in_dim3A_313 {strides = array<i32>} : memref<9x128xf32, #tpu.memory_space<vmem>>, vector<16xf32>,
    %get3A = arith.constant 0 : index
    %get3A_569 = tpu.vector_load %arg6[%get3A] {strides = array<i32>} : memref<32xi32, #tpu.memory_space<vmem>>, vector<16xi32>,
    %shift_right_logical3A = arith.constant 7 : i32
    %shift_right_logical3A_570 = vector.broadcast %shift_right_logical3A : i32 to vector<16xi32>
    %shift_right_logical3A_571 = arith.shrui %get3A_569, %shift_right_logical3A_570 : vector<16xi32>
    %and3A = arith.constant 127 : i32
    %and3A_572 = vector.broadcast %and3A : i32 to vector<16xi32>
    %and3A_573 = arith.andi %get3A_569, %and3A_572 : vector<16xi32>
    %ge3A = arith.constant 0 : i32
    %ge3A_574 = vector.broadcast %ge3A : i32 to vector<16xi32>
    %ge3A_575 = arith.cmpi sge, %iota3A, %ge3A_574 : vector<16xi32>
    %lt3A = arith.constant 8 : i32
    %lt3A_576 = vector.broadcast %lt3A : i32 to vector<16xi32>
    %lt3A_577 = arith.cmpi slt, %iota3A, %lt3A_576 : vector<16xi32>
    %and3A_578 = arith.andi %ge3A_575, %lt3A_577 : vector<16xi1>
    %sub3A = arith.constant 0 : i32
    %sub3A_579 = vector.broadcast %sub3A : i32 to vector<16xi32>
    %sub3A_580 = arith.subi %iota3A, %sub3A_579 : vector<16xi32>
    %jit3A = arith.constant 8 : i32
    %broadcast_in_dim3A_581 = vector.broadcast %jit3A : i32 to vector<16xi32>
    %select_n3A = arith.select %and3A_578, %sub3A_580, %broadcast_in_dim3A_581 : vector<16xi1>, vector<16xi32>
    %eq3A = arith.constant 0 : i32
    %eq3A_582 = vector.broadcast %eq3A : i32 to vector<16xi32>
    %eq3A_583 = arith.cmpi eq, %iota3A, %eq3A_582 : vector<16xi32>
    %jit3A_584 = arith.constant 0 : i32
    %broadcast_in_dim3A_585 = vector.broadcast %jit3A_584 : i32 to vector<16xi32>
    %select_n3A_586 = arith.select %eq3A_583, %shift_right_logical3A_571, %broadcast_in_dim3A_585 : vector<16xi1>, vector<16xi32>
    %reduce_sum3A = arith.constant true
    %reduce_sum3A_587 = vector.broadcast %reduce_sum3A : i1 to vector<16xi1>
    %reduce_sum3A_588 = tpu.scan <sum>, %select_n3A_586 masked %reduce_sum3A_587 : vector<16xi32>, vector<16xi1> -> vector<16xi32>
    %reduce_sum3A_589 = vector.extract %reduce_sum3A_588[15] : i32 from vector<16xi32>
    %lt3A_590 = arith.constant 781 : i32
    %lt3A_591 = arith.cmpi slt, %reduce_sum3A_589, %lt3A_590 : i32
    %convert_element_type3A = arith.extui %lt3A_591 : i1 to i32
    %cond3A = arith.constant 0 : i32
    %cond3A_592 = arith.cmpi ne, %convert_element_type3A, %cond3A : i32
    scf.if %cond3A_592 {
      %eq3A_1121 = vector.broadcast %reduce_sum3A_589 : i32 to vector<16xi32>
      %eq3A_1122 = arith.cmpi eq, %shift_right_logical3A_571, %eq3A_1121 : vector<16xi32>
      %jit3A_1123 = arith.constant 1.000000e+00 : f32
      %jit3A_1124 = arith.constant 0.000000e+00 : f32
      %broadcast_in_dim3A_1125 = vector.broadcast %jit3A_1123 : f32 to vector<16xf32>
      %broadcast_in_dim3A_1126 = vector.broadcast %jit3A_1124 : f32 to vector<16xf32>
      %select_n3A_1127 = arith.select %eq3A_1122, %broadcast_in_dim3A_1125, %broadcast_in_dim3A_1126 : vector<16xi1>, vector<16xf32>
      tpu.vector_store_idx %arg7[%select_n3A, %and3A_573], %select_n3A_1127 masked %and3A_578 : memref<9x128xf32, #tpu.memory_space<vmem>>[vector<16xi32>, vector<16xi32>], vector<16xf32>, vector<16xi1>
      %add3A_1128 = arith.constant 0 : i32
      %add3A_1129 = arith.addi %mul3A_2, %add3A_1128 : i32
      %mul3A_1130 = arith.constant 128 : i32
      %mul3A_1131 = arith.muli %reduce_sum3A_589, %mul3A_1130 : i32
      %dma_start3A_1132 = arith.constant 0 : i32
      %dma_start3A_1133 = arith.constant 0 : i32
      %dma_start3A_1134 = tpu.memref_slice %arg7[%dma_start3A_1132, %dma_start3A_1133] : memref<9x128xf32, #tpu.memory_space<vmem>> -> memref<8x128xf32, #tpu.memory_space<vmem>>
      %dma_start3A_1135 = tpu.memref_slice %arg4[%add3A_1129, %mul3A_1131] : memref<1024x100000xf32, #tpu.memory_space<hbm>> -> memref<8x128xf32, #tpu.memory_space<hbm>>
      %dma_start3A_1136 = tpu.memref_slice %arg4[%add3A_1129, %mul3A_1131] : memref<1024x100000xf32, #tpu.memory_space<hbm>> -> memref<8x128xf32, #tpu.memory_space<hbm>>
      %dma_start3A_1137 = arith.constant 0 : i32
      %dma_start3A_1138 = arith.constant 0 : i32
      %dma_start3A_1139 = tpu.memref_slice %arg7[%dma_start3A_1137, %dma_start3A_1138] : memref<9x128xf32, #tpu.memory_space<vmem>> -> memref<8x128xf32, #tpu.memory_space<vmem>>
      tpu.enqueue_dma source(%dma_start3A_1139 : memref<8x128xf32, #tpu.memory_space<vmem>>) target(%dma_start3A_1136 : memref<8x128xf32, #tpu.memory_space<hbm>>) target_semaphore(%arg9 : memref<!tpu.dma_semaphore, #tpu.memory_space<semaphore_mem>>)
      %dma_wait3A_1140 = arith.constant 0 : i32
      %dma_wait3A_1141 = arith.constant 0 : i32
      %dma_wait3A_1142 = tpu.memref_slice %arg7[%dma_wait3A_1140, %dma_wait3A_1141] : memref<9x128xf32, #tpu.memory_space<vmem>> -> memref<8x128xf32, #tpu.memory_space<vmem>>
      %dma_wait3A_1143 = tpu.memref_slice %arg4[%add3A_1129, %mul3A_1131] : memref<1024x100000xf32, #tpu.memory_space<hbm>> -> memref<8x128xf32, #tpu.memory_space<hbm>>
      %dma_wait3A_1144 = tpu.memref_slice %arg4[%add3A_1129, %mul3A_1131] : memref<1024x100000xf32, #tpu.memory_space<hbm>> -> memref<8x128xf32, #tpu.memory_space<hbm>>
      %dma_wait3A_1145 = arith.constant 0 : i32
      %dma_wait3A_1146 = arith.constant 0 : i32
      %dma_wait3A_1147 = tpu.memref_slice %arg7[%dma_wait3A_1145, %dma_wait3A_1146] : memref<9x128xf32, #tpu.memory_space<vmem>> -> memref<8x128xf32, #tpu.memory_space<vmem>>
      tpu.wait_dma2 semaphore(%arg9 : memref<!tpu.dma_semaphore, #tpu.memory_space<semaphore_mem>>) src(%dma_wait3A_1147 : memref<8x128xf32, #tpu.memory_space<vmem>>) dst(%dma_wait3A_1144 : memref<8x128xf32, #tpu.memory_space<hbm>>)
      tpu.vector_store_idx %arg7[%select_n3A, %and3A_573], %broadcast_in_dim3A_313 masked %and3A_578 : memref<9x128xf32, #tpu.memory_space<vmem>>[vector<16xi32>, vector<16xi32>], vector<16xf32>, vector<16xi1>
    } else {
    }
    %eq3A_593 = arith.constant 1 : i32
    %eq3A_594 = vector.broadcast %eq3A_593 : i32 to vector<16xi32>
    %eq3A_595 = arith.cmpi eq, %iota3A, %eq3A_594 : vector<16xi32>
    %jit3A_596 = arith.constant 0 : i32
    %broadcast_in_dim3A_597 = vector.broadcast %jit3A_596 : i32 to vector<16xi32>
    %select_n3A_598 = arith.select %eq3A_595, %shift_right_logical3A_571, %broadcast_in_dim3A_597 : vector<16xi1>, vector<16xi32>
    %reduce_sum3A_599 = arith.constant true
    %reduce_sum3A_600 = vector.broadcast %reduce_sum3A_599 : i1 to vector<16xi1>
    %reduce_sum3A_601 = tpu.scan <sum>, %select_n3A_598 masked %reduce_sum3A_600 : vector<16xi32>, vector<16xi1> -> vector<16xi32>
    %reduce_sum3A_602 = vector.extract %reduce_sum3A_601[15] : i32 from vector<16xi32>
    %lt3A_603 = arith.constant 781 : i32
    %lt3A_604 = arith.cmpi slt, %reduce_sum3A_602, %lt3A_603 : i32
    %convert_element_type3A_605 = arith.extui %lt3A_604 : i1 to i32
    %cond3A_606 = arith.constant 0 : i32
    %cond3A_607 = arith.cmpi ne, %convert_element_type3A_605, %cond3A_606 : i32
    scf.if %cond3A_607 {
      %eq3A_1121 = vector.broadcast %reduce_sum3A_602 : i32 to vector<16xi32>
      %eq3A_1122 = arith.cmpi eq, %shift_right_logical3A_571, %eq3A_1121 : vector<16xi32>
      %jit3A_1123 = arith.constant 1.000000e+00 : f32
      %jit3A_1124 = arith.constant 0.000000e+00 : f32
      %broadcast_in_dim3A_1125 = vector.broadcast %jit3A_1123 : f32 to vector<16xf32>
      %broadcast_in_dim3A_1126 = vector.broadcast %jit3A_1124 : f32 to vector<16xf32>
      %select_n3A_1127 = arith.select %eq3A_1122, %broadcast_in_dim3A_1125, %broadcast_in_dim3A_1126 : vector<16xi1>, vector<16xf32>
      tpu.vector_store_idx %arg7[%select_n3A, %and3A_573], %select_n3A_1127 masked %and3A_578 : memref<9x128xf32, #tpu.memory_space<vmem>>[vector<16xi32>, vector<16xi32>], vector<16xf32>, vector<16xi1>
      %add3A_1128 = arith.constant 0 : i32
      %add3A_1129 = arith.addi %mul3A_2, %add3A_1128 : i32
      %mul3A_1130 = arith.constant 128 : i32
      %mul3A_1131 = arith.muli %reduce_sum3A_602, %mul3A_1130 : i32
      %dma_start3A_1132 = arith.constant 0 : i32
      %dma_start3A_1133 = arith.constant 0 : i32
      %dma_start3A_1134 = tpu.memref_slice %arg7[%dma_start3A_1132, %dma_start3A_1133] : memref<9x128xf32, #tpu.memory_space<vmem>> -> memref<8x128xf32, #tpu.memory_space<vmem>>
      %dma_start3A_1135 = tpu.memref_slice %arg4[%add3A_1129, %mul3A_1131] : memref<1024x100000xf32, #tpu.memory_space<hbm>> -> memref<8x128xf32, #tpu.memory_space<hbm>>
      %dma_start3A_1136 = tpu.memref_slice %arg4[%add3A_1129, %mul3A_1131] : memref<1024x100000xf32, #tpu.memory_space<hbm>> -> memref<8x128xf32, #tpu.memory_space<hbm>>
      %dma_start3A_1137 = arith.constant 0 : i32
      %dma_start3A_1138 = arith.constant 0 : i32
      %dma_start3A_1139 = tpu.memref_slice %arg7[%dma_start3A_1137, %dma_start3A_1138] : memref<9x128xf32, #tpu.memory_space<vmem>> -> memref<8x128xf32, #tpu.memory_space<vmem>>
      tpu.enqueue_dma source(%dma_start3A_1139 : memref<8x128xf32, #tpu.memory_space<vmem>>) target(%dma_start3A_1136 : memref<8x128xf32, #tpu.memory_space<hbm>>) target_semaphore(%arg9 : memref<!tpu.dma_semaphore, #tpu.memory_space<semaphore_mem>>)
      %dma_wait3A_1140 = arith.constant 0 : i32
      %dma_wait3A_1141 = arith.constant 0 : i32
      %dma_wait3A_1142 = tpu.memref_slice %arg7[%dma_wait3A_1140, %dma_wait3A_1141] : memref<9x128xf32, #tpu.memory_space<vmem>> -> memref<8x128xf32, #tpu.memory_space<vmem>>
      %dma_wait3A_1143 = tpu.memref_slice %arg4[%add3A_1129, %mul3A_1131] : memref<1024x100000xf32, #tpu.memory_space<hbm>> -> memref<8x128xf32, #tpu.memory_space<hbm>>
      %dma_wait3A_1144 = tpu.memref_slice %arg4[%add3A_1129, %mul3A_1131] : memref<1024x100000xf32, #tpu.memory_space<hbm>> -> memref<8x128xf32, #tpu.memory_space<hbm>>
      %dma_wait3A_1145 = arith.constant 0 : i32
      %dma_wait3A_1146 = arith.constant 0 : i32
      %dma_wait3A_1147 = tpu.memref_slice %arg7[%dma_wait3A_1145, %dma_wait3A_1146] : memref<9x128xf32, #tpu.memory_space<vmem>> -> memref<8x128xf32, #tpu.memory_space<vmem>>
      tpu.wait_dma2 semaphore(%arg9 : memref<!tpu.dma_semaphore, #tpu.memory_space<semaphore_mem>>) src(%dma_wait3A_1147 : memref<8x128xf32, #tpu.memory_space<vmem>>) dst(%dma_wait3A_1144 : memref<8x128xf32, #tpu.memory_space<hbm>>)
      tpu.vector_store_idx %arg7[%select_n3A, %and3A_573], %broadcast_in_dim3A_313 masked %and3A_578 : memref<9x128xf32, #tpu.memory_space<vmem>>[vector<16xi32>, vector<16xi32>], vector<16xf32>, vector<16xi1>
    } else {
    }
    %eq3A_608 = arith.constant 2 : i32
    %eq3A_609 = vector.broadcast %eq3A_608 : i32 to vector<16xi32>
    %eq3A_610 = arith.cmpi eq, %iota3A, %eq3A_609 : vector<16xi32>
    %jit3A_611 = arith.constant 0 : i32
    %broadcast_in_dim3A_612 = vector.broadcast %jit3A_611 : i32 to vector<16xi32>
    %select_n3A_613 = arith.select %eq3A_610, %shift_right_logical3A_571, %broadcast_in_dim3A_612 : vector<16xi1>, vector<16xi32>
    %reduce_sum3A_614 = arith.constant true
    %reduce_sum3A_615 = vector.broadcast %reduce_sum3A_614 : i1 to vector<16xi1>
    %reduce_sum3A_616 = tpu.scan <sum>, %select_n3A_613 masked %reduce_sum3A_615 : vector<16xi32>, vector<16xi1> -> vector<16xi32>
    %reduce_sum3A_617 = vector.extract %reduce_sum3A_616[15] : i32 from vector<16xi32>
    %lt3A_618 = arith.constant 781 : i32
    %lt3A_619 = arith.cmpi slt, %reduce_sum3A_617, %lt3A_618 : i32
    %convert_element_type3A_620 = arith.extui %lt3A_619 : i1 to i32
    %cond3A_621 = arith.constant 0 : i32
    %cond3A_622 = arith.cmpi ne, %convert_element_type3A_620, %cond3A_621 : i32
    scf.if %cond3A_622 {
      %eq3A_1121 = vector.broadcast %reduce_sum3A_617 : i32 to vector<16xi32>
      %eq3A_1122 = arith.cmpi eq, %shift_right_logical3A_571, %eq3A_1121 : vector<16xi32>
      %jit3A_1123 = arith.constant 1.000000e+00 : f32
      %jit3A_1124 = arith.constant 0.000000e+00 : f32
      %broadcast_in_dim3A_1125 = vector.broadcast %jit3A_1123 : f32 to vector<16xf32>
      %broadcast_in_dim3A_1126 = vector.broadcast %jit3A_1124 : f32 to vector<16xf32>
      %select_n3A_1127 = arith.select %eq3A_1122, %broadcast_in_dim3A_1125, %broadcast_in_dim3A_1126 : vector<16xi1>, vector<16xf32>
      tpu.vector_store_idx %arg7[%select_n3A, %and3A_573], %select_n3A_1127 masked %and3A_578 : memref<9x128xf32, #tpu.memory_space<vmem>>[vector<16xi32>, vector<16xi32>], vector<16xf32>, vector<16xi1>
      %add3A_1128 = arith.constant 0 : i32
      %add3A_1129 = arith.addi %mul3A_2, %add3A_1128 : i32
      %mul3A_1130 = arith.constant 128 : i32
      %mul3A_1131 = arith.muli %reduce_sum3A_617, %mul3A_1130 : i32
      %dma_start3A_1132 = arith.constant 0 : i32
      %dma_start3A_1133 = arith.constant 0 : i32
      %dma_start3A_1134 = tpu.memref_slice %arg7[%dma_start3A_1132, %dma_start3A_1133] : memref<9x128xf32, #tpu.memory_space<vmem>> -> memref<8x128xf32, #tpu.memory_space<vmem>>
      %dma_start3A_1135 = tpu.memref_slice %arg4[%add3A_1129, %mul3A_1131] : memref<1024x100000xf32, #tpu.memory_space<hbm>> -> memref<8x128xf32, #tpu.memory_space<hbm>>
      %dma_start3A_1136 = tpu.memref_slice %arg4[%add3A_1129, %mul3A_1131] : memref<1024x100000xf32, #tpu.memory_space<hbm>> -> memref<8x128xf32, #tpu.memory_space<hbm>>
      %dma_start3A_1137 = arith.constant 0 : i32
      %dma_start3A_1138 = arith.constant 0 : i32
      %dma_start3A_1139 = tpu.memref_slice %arg7[%dma_start3A_1137, %dma_start3A_1138] : memref<9x128xf32, #tpu.memory_space<vmem>> -> memref<8x128xf32, #tpu.memory_space<vmem>>
      tpu.enqueue_dma source(%dma_start3A_1139 : memref<8x128xf32, #tpu.memory_space<vmem>>) target(%dma_start3A_1136 : memref<8x128xf32, #tpu.memory_space<hbm>>) target_semaphore(%arg9 : memref<!tpu.dma_semaphore, #tpu.memory_space<semaphore_mem>>)
      %dma_wait3A_1140 = arith.constant 0 : i32
      %dma_wait3A_1141 = arith.constant 0 : i32
      %dma_wait3A_1142 = tpu.memref_slice %arg7[%dma_wait3A_1140, %dma_wait3A_1141] : memref<9x128xf32, #tpu.memory_space<vmem>> -> memref<8x128xf32, #tpu.memory_space<vmem>>
      %dma_wait3A_1143 = tpu.memref_slice %arg4[%add3A_1129, %mul3A_1131] : memref<1024x100000xf32, #tpu.memory_space<hbm>> -> memref<8x128xf32, #tpu.memory_space<hbm>>
      %dma_wait3A_1144 = tpu.memref_slice %arg4[%add3A_1129, %mul3A_1131] : memref<1024x100000xf32, #tpu.memory_space<hbm>> -> memref<8x128xf32, #tpu.memory_space<hbm>>
      %dma_wait3A_1145 = arith.constant 0 : i32
      %dma_wait3A_1146 = arith.constant 0 : i32
      %dma_wait3A_1147 = tpu.memref_slice %arg7[%dma_wait3A_1145, %dma_wait3A_1146] : memref<9x128xf32, #tpu.memory_space<vmem>> -> memref<8x128xf32, #tpu.memory_space<vmem>>
      tpu.wait_dma2 semaphore(%arg9 : memref<!tpu.dma_semaphore, #tpu.memory_space<semaphore_mem>>) src(%dma_wait3A_1147 : memref<8x128xf32, #tpu.memory_space<vmem>>) dst(%dma_wait3A_1144 : memref<8x128xf32, #tpu.memory_space<hbm>>)
      tpu.vector_store_idx %arg7[%select_n3A, %and3A_573], %broadcast_in_dim3A_313 masked %and3A_578 : memref<9x128xf32, #tpu.memory_space<vmem>>[vector<16xi32>, vector<16xi32>], vector<16xf32>, vector<16xi1>
    } else {
    }
    %eq3A_623 = arith.constant 3 : i32
    %eq3A_624 = vector.broadcast %eq3A_623 : i32 to vector<16xi32>
    %eq3A_625 = arith.cmpi eq, %iota3A, %eq3A_624 : vector<16xi32>
    %jit3A_626 = arith.constant 0 : i32
    %broadcast_in_dim3A_627 = vector.broadcast %jit3A_626 : i32 to vector<16xi32>
    %select_n3A_628 = arith.select %eq3A_625, %shift_right_logical3A_571, %broadcast_in_dim3A_627 : vector<16xi1>, vector<16xi32>
    %reduce_sum3A_629 = arith.constant true
    %reduce_sum3A_630 = vector.broadcast %reduce_sum3A_629 : i1 to vector<16xi1>
    %reduce_sum3A_631 = tpu.scan <sum>, %select_n3A_628 masked %reduce_sum3A_630 : vector<16xi32>, vector<16xi1> -> vector<16xi32>
    %reduce_sum3A_632 = vector.extract %reduce_sum3A_631[15] : i32 from vector<16xi32>
    %lt3A_633 = arith.constant 781 : i32
    %lt3A_634 = arith.cmpi slt, %reduce_sum3A_632, %lt3A_633 : i32
    %convert_element_type3A_635 = arith.extui %lt3A_634 : i1 to i32
    %cond3A_636 = arith.constant 0 : i32
    %cond3A_637 = arith.cmpi ne, %convert_element_type3A_635, %cond3A_636 : i32
    scf.if %cond3A_637 {
      %eq3A_1121 = vector.broadcast %reduce_sum3A_632 : i32 to vector<16xi32>
      %eq3A_1122 = arith.cmpi eq, %shift_right_logical3A_571, %eq3A_1121 : vector<16xi32>
      %jit3A_1123 = arith.constant 1.000000e+00 : f32
      %jit3A_1124 = arith.constant 0.000000e+00 : f32
      %broadcast_in_dim3A_1125 = vector.broadcast %jit3A_1123 : f32 to vector<16xf32>
      %broadcast_in_dim3A_1126 = vector.broadcast %jit3A_1124 : f32 to vector<16xf32>
      %select_n3A_1127 = arith.select %eq3A_1122, %broadcast_in_dim3A_1125, %broadcast_in_dim3A_1126 : vector<16xi1>, vector<16xf32>
      tpu.vector_store_idx %arg7[%select_n3A, %and3A_573], %select_n3A_1127 masked %and3A_578 : memref<9x128xf32, #tpu.memory_space<vmem>>[vector<16xi32>, vector<16xi32>], vector<16xf32>, vector<16xi1>
      %add3A_1128 = arith.constant 0 : i32
      %add3A_1129 = arith.addi %mul3A_2, %add3A_1128 : i32
      %mul3A_1130 = arith.constant 128 : i32
      %mul3A_1131 = arith.muli %reduce_sum3A_632, %mul3A_1130 : i32
      %dma_start3A_1132 = arith.constant 0 : i32
      %dma_start3A_1133 = arith.constant 0 : i32
      %dma_start3A_1134 = tpu.memref_slice %arg7[%dma_start3A_1132, %dma_start3A_1133] : memref<9x128xf32, #tpu.memory_space<vmem>> -> memref<8x128xf32, #tpu.memory_space<vmem>>
      %dma_start3A_1135 = tpu.memref_slice %arg4[%add3A_1129, %mul3A_1131] : memref<1024x100000xf32, #tpu.memory_space<hbm>> -> memref<8x128xf32, #tpu.memory_space<hbm>>
      %dma_start3A_1136 = tpu.memref_slice %arg4[%add3A_1129, %mul3A_1131] : memref<1024x100000xf32, #tpu.memory_space<hbm>> -> memref<8x128xf32, #tpu.memory_space<hbm>>
      %dma_start3A_1137 = arith.constant 0 : i32
      %dma_start3A_1138 = arith.constant 0 : i32
      %dma_start3A_1139 = tpu.memref_slice %arg7[%dma_start3A_1137, %dma_start3A_1138] : memref<9x128xf32, #tpu.memory_space<vmem>> -> memref<8x128xf32, #tpu.memory_space<vmem>>
      tpu.enqueue_dma source(%dma_start3A_1139 : memref<8x128xf32, #tpu.memory_space<vmem>>) target(%dma_start3A_1136 : memref<8x128xf32, #tpu.memory_space<hbm>>) target_semaphore(%arg9 : memref<!tpu.dma_semaphore, #tpu.memory_space<semaphore_mem>>)
      %dma_wait3A_1140 = arith.constant 0 : i32
      %dma_wait3A_1141 = arith.constant 0 : i32
      %dma_wait3A_1142 = tpu.memref_slice %arg7[%dma_wait3A_1140, %dma_wait3A_1141] : memref<9x128xf32, #tpu.memory_space<vmem>> -> memref<8x128xf32, #tpu.memory_space<vmem>>
      %dma_wait3A_1143 = tpu.memref_slice %arg4[%add3A_1129, %mul3A_1131] : memref<1024x100000xf32, #tpu.memory_space<hbm>> -> memref<8x128xf32, #tpu.memory_space<hbm>>
      %dma_wait3A_1144 = tpu.memref_slice %arg4[%add3A_1129, %mul3A_1131] : memref<1024x100000xf32, #tpu.memory_space<hbm>> -> memref<8x128xf32, #tpu.memory_space<hbm>>
      %dma_wait3A_1145 = arith.constant 0 : i32
      %dma_wait3A_1146 = arith.constant 0 : i32
      %dma_wait3A_1147 = tpu.memref_slice %arg7[%dma_wait3A_1145, %dma_wait3A_1146] : memref<9x128xf32, #tpu.memory_space<vmem>> -> memref<8x128xf32, #tpu.memory_space<vmem>>
      tpu.wait_dma2 semaphore(%arg9 : memref<!tpu.dma_semaphore, #tpu.memory_space<semaphore_mem>>) src(%dma_wait3A_1147 : memref<8x128xf32, #tpu.memory_space<vmem>>) dst(%dma_wait3A_1144 : memref<8x128xf32, #tpu.memory_space<hbm>>)
      tpu.vector_store_idx %arg7[%select_n3A, %and3A_573], %broadcast_in_dim3A_313 masked %and3A_578 : memref<9x128xf32, #tpu.memory_space<vmem>>[vector<16xi32>, vector<16xi32>], vector<16xf32>, vector<16xi1>
    } else {
    }
    %eq3A_638 = arith.constant 4 : i32
    %eq3A_639 = vector.broadcast %eq3A_638 : i32 to vector<16xi32>
    %eq3A_640 = arith.cmpi eq, %iota3A, %eq3A_639 : vector<16xi32>
    %jit3A_641 = arith.constant 0 : i32
    %broadcast_in_dim3A_642 = vector.broadcast %jit3A_641 : i32 to vector<16xi32>
    %select_n3A_643 = arith.select %eq3A_640, %shift_right_logical3A_571, %broadcast_in_dim3A_642 : vector<16xi1>, vector<16xi32>
    %reduce_sum3A_644 = arith.constant true
    %reduce_sum3A_645 = vector.broadcast %reduce_sum3A_644 : i1 to vector<16xi1>
    %reduce_sum3A_646 = tpu.scan <sum>, %select_n3A_643 masked %reduce_sum3A_645 : vector<16xi32>, vector<16xi1> -> vector<16xi32>
    %reduce_sum3A_647 = vector.extract %reduce_sum3A_646[15] : i32 from vector<16xi32>
    %lt3A_648 = arith.constant 781 : i32
    %lt3A_649 = arith.cmpi slt, %reduce_sum3A_647, %lt3A_648 : i32
    %convert_element_type3A_650 = arith.extui %lt3A_649 : i1 to i32
    %cond3A_651 = arith.constant 0 : i32
    %cond3A_652 = arith.cmpi ne, %convert_element_type3A_650, %cond3A_651 : i32
    scf.if %cond3A_652 {
      %eq3A_1121 = vector.broadcast %reduce_sum3A_647 : i32 to vector<16xi32>
      %eq3A_1122 = arith.cmpi eq, %shift_right_logical3A_571, %eq3A_1121 : vector<16xi32>
      %jit3A_1123 = arith.constant 1.000000e+00 : f32
      %jit3A_1124 = arith.constant 0.000000e+00 : f32
      %broadcast_in_dim3A_1125 = vector.broadcast %jit3A_1123 : f32 to vector<16xf32>
      %broadcast_in_dim3A_1126 = vector.broadcast %jit3A_1124 : f32 to vector<16xf32>
      %select_n3A_1127 = arith.select %eq3A_1122, %broadcast_in_dim3A_1125, %broadcast_in_dim3A_1126 : vector<16xi1>, vector<16xf32>
      tpu.vector_store_idx %arg7[%select_n3A, %and3A_573], %select_n3A_1127 masked %and3A_578 : memref<9x128xf32, #tpu.memory_space<vmem>>[vector<16xi32>, vector<16xi32>], vector<16xf32>, vector<16xi1>
      %add3A_1128 = arith.constant 0 : i32
      %add3A_1129 = arith.addi %mul3A_2, %add3A_1128 : i32
      %mul3A_1130 = arith.constant 128 : i32
      %mul3A_1131 = arith.muli %reduce_sum3A_647, %mul3A_1130 : i32
      %dma_start3A_1132 = arith.constant 0 : i32
      %dma_start3A_1133 = arith.constant 0 : i32
      %dma_start3A_1134 = tpu.memref_slice %arg7[%dma_start3A_1132, %dma_start3A_1133] : memref<9x128xf32, #tpu.memory_space<vmem>> -> memref<8x128xf32, #tpu.memory_space<vmem>>
      %dma_start3A_1135 = tpu.memref_slice %arg4[%add3A_1129, %mul3A_1131] : memref<1024x100000xf32, #tpu.memory_space<hbm>> -> memref<8x128xf32, #tpu.memory_space<hbm>>
      %dma_start3A_1136 = tpu.memref_slice %arg4[%add3A_1129, %mul3A_1131] : memref<1024x100000xf32, #tpu.memory_space<hbm>> -> memref<8x128xf32, #tpu.memory_space<hbm>>
      %dma_start3A_1137 = arith.constant 0 : i32
      %dma_start3A_1138 = arith.constant 0 : i32
      %dma_start3A_1139 = tpu.memref_slice %arg7[%dma_start3A_1137, %dma_start3A_1138] : memref<9x128xf32, #tpu.memory_space<vmem>> -> memref<8x128xf32, #tpu.memory_space<vmem>>
      tpu.enqueue_dma source(%dma_start3A_1139 : memref<8x128xf32, #tpu.memory_space<vmem>>) target(%dma_start3A_1136 : memref<8x128xf32, #tpu.memory_space<hbm>>) target_semaphore(%arg9 : memref<!tpu.dma_semaphore, #tpu.memory_space<semaphore_mem>>)
      %dma_wait3A_1140 = arith.constant 0 : i32
      %dma_wait3A_1141 = arith.constant 0 : i32
      %dma_wait3A_1142 = tpu.memref_slice %arg7[%dma_wait3A_1140, %dma_wait3A_1141] : memref<9x128xf32, #tpu.memory_space<vmem>> -> memref<8x128xf32, #tpu.memory_space<vmem>>
      %dma_wait3A_1143 = tpu.memref_slice %arg4[%add3A_1129, %mul3A_1131] : memref<1024x100000xf32, #tpu.memory_space<hbm>> -> memref<8x128xf32, #tpu.memory_space<hbm>>
      %dma_wait3A_1144 = tpu.memref_slice %arg4[%add3A_1129, %mul3A_1131] : memref<1024x100000xf32, #tpu.memory_space<hbm>> -> memref<8x128xf32, #tpu.memory_space<hbm>>
      %dma_wait3A_1145 = arith.constant 0 : i32
      %dma_wait3A_1146 = arith.constant 0 : i32
      %dma_wait3A_1147 = tpu.memref_slice %arg7[%dma_wait3A_1145, %dma_wait3A_1146] : memref<9x128xf32, #tpu.memory_space<vmem>> -> memref<8x128xf32, #tpu.memory_space<vmem>>
      tpu.wait_dma2 semaphore(%arg9 : memref<!tpu.dma_semaphore, #tpu.memory_space<semaphore_mem>>) src(%dma_wait3A_1147 : memref<8x128xf32, #tpu.memory_space<vmem>>) dst(%dma_wait3A_1144 : memref<8x128xf32, #tpu.memory_space<hbm>>)
      tpu.vector_store_idx %arg7[%select_n3A, %and3A_573], %broadcast_in_dim3A_313 masked %and3A_578 : memref<9x128xf32, #tpu.memory_space<vmem>>[vector<16xi32>, vector<16xi32>], vector<16xf32>, vector<16xi1>
    } else {
    }
    %eq3A_653 = arith.constant 5 : i32
    %eq3A_654 = vector.broadcast %eq3A_653 : i32 to vector<16xi32>
    %eq3A_655 = arith.cmpi eq, %iota3A, %eq3A_654 : vector<16xi32>
    %jit3A_656 = arith.constant 0 : i32
    %broadcast_in_dim3A_657 = vector.broadcast %jit3A_656 : i32 to vector<16xi32>
    %select_n3A_658 = arith.select %eq3A_655, %shift_right_logical3A_571, %broadcast_in_dim3A_657 : vector<16xi1>, vector<16xi32>
    %reduce_sum3A_659 = arith.constant true
    %reduce_sum3A_660 = vector.broadcast %reduce_sum3A_659 : i1 to vector<16xi1>
    %reduce_sum3A_661 = tpu.scan <sum>, %select_n3A_658 masked %reduce_sum3A_660 : vector<16xi32>, vector<16xi1> -> vector<16xi32>
    %reduce_sum3A_662 = vector.extract %reduce_sum3A_661[15] : i32 from vector<16xi32>
    %lt3A_663 = arith.constant 781 : i32
    %lt3A_664 = arith.cmpi slt, %reduce_sum3A_662, %lt3A_663 : i32
    %convert_element_type3A_665 = arith.extui %lt3A_664 : i1 to i32
    %cond3A_666 = arith.constant 0 : i32
    %cond3A_667 = arith.cmpi ne, %convert_element_type3A_665, %cond3A_666 : i32
    scf.if %cond3A_667 {
      %eq3A_1121 = vector.broadcast %reduce_sum3A_662 : i32 to vector<16xi32>
      %eq3A_1122 = arith.cmpi eq, %shift_right_logical3A_571, %eq3A_1121 : vector<16xi32>
      %jit3A_1123 = arith.constant 1.000000e+00 : f32
      %jit3A_1124 = arith.constant 0.000000e+00 : f32
      %broadcast_in_dim3A_1125 = vector.broadcast %jit3A_1123 : f32 to vector<16xf32>
      %broadcast_in_dim3A_1126 = vector.broadcast %jit3A_1124 : f32 to vector<16xf32>
      %select_n3A_1127 = arith.select %eq3A_1122, %broadcast_in_dim3A_1125, %broadcast_in_dim3A_1126 : vector<16xi1>, vector<16xf32>
      tpu.vector_store_idx %arg7[%select_n3A, %and3A_573], %select_n3A_1127 masked %and3A_578 : memref<9x128xf32, #tpu.memory_space<vmem>>[vector<16xi32>, vector<16xi32>], vector<16xf32>, vector<16xi1>
      %add3A_1128 = arith.constant 0 : i32
      %add3A_1129 = arith.addi %mul3A_2, %add3A_1128 : i32
      %mul3A_1130 = arith.constant 128 : i32
      %mul3A_1131 = arith.muli %reduce_sum3A_662, %mul3A_1130 : i32
      %dma_start3A_1132 = arith.constant 0 : i32
      %dma_start3A_1133 = arith.constant 0 : i32
      %dma_start3A_1134 = tpu.memref_slice %arg7[%dma_start3A_1132, %dma_start3A_1133] : memref<9x128xf32, #tpu.memory_space<vmem>> -> memref<8x128xf32, #tpu.memory_space<vmem>>
      %dma_start3A_1135 = tpu.memref_slice %arg4[%add3A_1129, %mul3A_1131] : memref<1024x100000xf32, #tpu.memory_space<hbm>> -> memref<8x128xf32, #tpu.memory_space<hbm>>
      %dma_start3A_1136 = tpu.memref_slice %arg4[%add3A_1129, %mul3A_1131] : memref<1024x100000xf32, #tpu.memory_space<hbm>> -> memref<8x128xf32, #tpu.memory_space<hbm>>
      %dma_start3A_1137 = arith.constant 0 : i32
      %dma_start3A_1138 = arith.constant 0 : i32
      %dma_start3A_1139 = tpu.memref_slice %arg7[%dma_start3A_1137, %dma_start3A_1138] : memref<9x128xf32, #tpu.memory_space<vmem>> -> memref<8x128xf32, #tpu.memory_space<vmem>>
      tpu.enqueue_dma source(%dma_start3A_1139 : memref<8x128xf32, #tpu.memory_space<vmem>>) target(%dma_start3A_1136 : memref<8x128xf32, #tpu.memory_space<hbm>>) target_semaphore(%arg9 : memref<!tpu.dma_semaphore, #tpu.memory_space<semaphore_mem>>)
      %dma_wait3A_1140 = arith.constant 0 : i32
      %dma_wait3A_1141 = arith.constant 0 : i32
      %dma_wait3A_1142 = tpu.memref_slice %arg7[%dma_wait3A_1140, %dma_wait3A_1141] : memref<9x128xf32, #tpu.memory_space<vmem>> -> memref<8x128xf32, #tpu.memory_space<vmem>>
      %dma_wait3A_1143 = tpu.memref_slice %arg4[%add3A_1129, %mul3A_1131] : memref<1024x100000xf32, #tpu.memory_space<hbm>> -> memref<8x128xf32, #tpu.memory_space<hbm>>
      %dma_wait3A_1144 = tpu.memref_slice %arg4[%add3A_1129, %mul3A_1131] : memref<1024x100000xf32, #tpu.memory_space<hbm>> -> memref<8x128xf32, #tpu.memory_space<hbm>>
      %dma_wait3A_1145 = arith.constant 0 : i32
      %dma_wait3A_1146 = arith.constant 0 : i32
      %dma_wait3A_1147 = tpu.memref_slice %arg7[%dma_wait3A_1145, %dma_wait3A_1146] : memref<9x128xf32, #tpu.memory_space<vmem>> -> memref<8x128xf32, #tpu.memory_space<vmem>>
      tpu.wait_dma2 semaphore(%arg9 : memref<!tpu.dma_semaphore, #tpu.memory_space<semaphore_mem>>) src(%dma_wait3A_1147 : memref<8x128xf32, #tpu.memory_space<vmem>>) dst(%dma_wait3A_1144 : memref<8x128xf32, #tpu.memory_space<hbm>>)
      tpu.vector_store_idx %arg7[%select_n3A, %and3A_573], %broadcast_in_dim3A_313 masked %and3A_578 : memref<9x128xf32, #tpu.memory_space<vmem>>[vector<16xi32>, vector<16xi32>], vector<16xf32>, vector<16xi1>
    } else {
    }
    %eq3A_668 = arith.constant 6 : i32
    %eq3A_669 = vector.broadcast %eq3A_668 : i32 to vector<16xi32>
    %eq3A_670 = arith.cmpi eq, %iota3A, %eq3A_669 : vector<16xi32>
    %jit3A_671 = arith.constant 0 : i32
    %broadcast_in_dim3A_672 = vector.broadcast %jit3A_671 : i32 to vector<16xi32>
    %select_n3A_673 = arith.select %eq3A_670, %shift_right_logical3A_571, %broadcast_in_dim3A_672 : vector<16xi1>, vector<16xi32>
    %reduce_sum3A_674 = arith.constant true
    %reduce_sum3A_675 = vector.broadcast %reduce_sum3A_674 : i1 to vector<16xi1>
    %reduce_sum3A_676 = tpu.scan <sum>, %select_n3A_673 masked %reduce_sum3A_675 : vector<16xi32>, vector<16xi1> -> vector<16xi32>
    %reduce_sum3A_677 = vector.extract %reduce_sum3A_676[15] : i32 from vector<16xi32>
    %lt3A_678 = arith.constant 781 : i32
    %lt3A_679 = arith.cmpi slt, %reduce_sum3A_677, %lt3A_678 : i32
    %convert_element_type3A_680 = arith.extui %lt3A_679 : i1 to i32
    %cond3A_681 = arith.constant 0 : i32
    %cond3A_682 = arith.cmpi ne, %convert_element_type3A_680, %cond3A_681 : i32
    scf.if %cond3A_682 {
      %eq3A_1121 = vector.broadcast %reduce_sum3A_677 : i32 to vector<16xi32>
      %eq3A_1122 = arith.cmpi eq, %shift_right_logical3A_571, %eq3A_1121 : vector<16xi32>
      %jit3A_1123 = arith.constant 1.000000e+00 : f32
      %jit3A_1124 = arith.constant 0.000000e+00 : f32
      %broadcast_in_dim3A_1125 = vector.broadcast %jit3A_1123 : f32 to vector<16xf32>
      %broadcast_in_dim3A_1126 = vector.broadcast %jit3A_1124 : f32 to vector<16xf32>
      %select_n3A_1127 = arith.select %eq3A_1122, %broadcast_in_dim3A_1125, %broadcast_in_dim3A_1126 : vector<16xi1>, vector<16xf32>
      tpu.vector_store_idx %arg7[%select_n3A, %and3A_573], %select_n3A_1127 masked %and3A_578 : memref<9x128xf32, #tpu.memory_space<vmem>>[vector<16xi32>, vector<16xi32>], vector<16xf32>, vector<16xi1>
      %add3A_1128 = arith.constant 0 : i32
      %add3A_1129 = arith.addi %mul3A_2, %add3A_1128 : i32
      %mul3A_1130 = arith.constant 128 : i32
      %mul3A_1131 = arith.muli %reduce_sum3A_677, %mul3A_1130 : i32
      %dma_start3A_1132 = arith.constant 0 : i32
      %dma_start3A_1133 = arith.constant 0 : i32
      %dma_start3A_1134 = tpu.memref_slice %arg7[%dma_start3A_1132, %dma_start3A_1133] : memref<9x128xf32, #tpu.memory_space<vmem>> -> memref<8x128xf32, #tpu.memory_space<vmem>>
      %dma_start3A_1135 = tpu.memref_slice %arg4[%add3A_1129, %mul3A_1131] : memref<1024x100000xf32, #tpu.memory_space<hbm>> -> memref<8x128xf32, #tpu.memory_space<hbm>>
      %dma_start3A_1136 = tpu.memref_slice %arg4[%add3A_1129, %mul3A_1131] : memref<1024x100000xf32, #tpu.memory_space<hbm>> -> memref<8x128xf32, #tpu.memory_space<hbm>>
      %dma_start3A_1137 = arith.constant 0 : i32
      %dma_start3A_1138 = arith.constant 0 : i32
      %dma_start3A_1139 = tpu.memref_slice %arg7[%dma_start3A_1137, %dma_start3A_1138] : memref<9x128xf32, #tpu.memory_space<vmem>> -> memref<8x128xf32, #tpu.memory_space<vmem>>
      tpu.enqueue_dma source(%dma_start3A_1139 : memref<8x128xf32, #tpu.memory_space<vmem>>) target(%dma_start3A_1136 : memref<8x128xf32, #tpu.memory_space<hbm>>) target_semaphore(%arg9 : memref<!tpu.dma_semaphore, #tpu.memory_space<semaphore_mem>>)
      %dma_wait3A_1140 = arith.constant 0 : i32
      %dma_wait3A_1141 = arith.constant 0 : i32
      %dma_wait3A_1142 = tpu.memref_slice %arg7[%dma_wait3A_1140, %dma_wait3A_1141] : memref<9x128xf32, #tpu.memory_space<vmem>> -> memref<8x128xf32, #tpu.memory_space<vmem>>
      %dma_wait3A_1143 = tpu.memref_slice %arg4[%add3A_1129, %mul3A_1131] : memref<1024x100000xf32, #tpu.memory_space<hbm>> -> memref<8x128xf32, #tpu.memory_space<hbm>>
      %dma_wait3A_1144 = tpu.memref_slice %arg4[%add3A_1129, %mul3A_1131] : memref<1024x100000xf32, #tpu.memory_space<hbm>> -> memref<8x128xf32, #tpu.memory_space<hbm>>
      %dma_wait3A_1145 = arith.constant 0 : i32
      %dma_wait3A_1146 = arith.constant 0 : i32
      %dma_wait3A_1147 = tpu.memref_slice %arg7[%dma_wait3A_1145, %dma_wait3A_1146] : memref<9x128xf32, #tpu.memory_space<vmem>> -> memref<8x128xf32, #tpu.memory_space<vmem>>
      tpu.wait_dma2 semaphore(%arg9 : memref<!tpu.dma_semaphore, #tpu.memory_space<semaphore_mem>>) src(%dma_wait3A_1147 : memref<8x128xf32, #tpu.memory_space<vmem>>) dst(%dma_wait3A_1144 : memref<8x128xf32, #tpu.memory_space<hbm>>)
      tpu.vector_store_idx %arg7[%select_n3A, %and3A_573], %broadcast_in_dim3A_313 masked %and3A_578 : memref<9x128xf32, #tpu.memory_space<vmem>>[vector<16xi32>, vector<16xi32>], vector<16xf32>, vector<16xi1>
    } else {
    }
    %eq3A_683 = arith.constant 7 : i32
    %eq3A_684 = vector.broadcast %eq3A_683 : i32 to vector<16xi32>
    %eq3A_685 = arith.cmpi eq, %iota3A, %eq3A_684 : vector<16xi32>
    %jit3A_686 = arith.constant 0 : i32
    %broadcast_in_dim3A_687 = vector.broadcast %jit3A_686 : i32 to vector<16xi32>
    %select_n3A_688 = arith.select %eq3A_685, %shift_right_logical3A_571, %broadcast_in_dim3A_687 : vector<16xi1>, vector<16xi32>
    %reduce_sum3A_689 = arith.constant true
    %reduce_sum3A_690 = vector.broadcast %reduce_sum3A_689 : i1 to vector<16xi1>
    %reduce_sum3A_691 = tpu.scan <sum>, %select_n3A_688 masked %reduce_sum3A_690 : vector<16xi32>, vector<16xi1> -> vector<16xi32>
    %reduce_sum3A_692 = vector.extract %reduce_sum3A_691[15] : i32 from vector<16xi32>
    %lt3A_693 = arith.constant 781 : i32
    %lt3A_694 = arith.cmpi slt, %reduce_sum3A_692, %lt3A_693 : i32
    %convert_element_type3A_695 = arith.extui %lt3A_694 : i1 to i32
    %cond3A_696 = arith.constant 0 : i32
    %cond3A_697 = arith.cmpi ne, %convert_element_type3A_695, %cond3A_696 : i32
    scf.if %cond3A_697 {
      %eq3A_1121 = vector.broadcast %reduce_sum3A_692 : i32 to vector<16xi32>
      %eq3A_1122 = arith.cmpi eq, %shift_right_logical3A_571, %eq3A_1121 : vector<16xi32>
      %jit3A_1123 = arith.constant 1.000000e+00 : f32
      %jit3A_1124 = arith.constant 0.000000e+00 : f32
      %broadcast_in_dim3A_1125 = vector.broadcast %jit3A_1123 : f32 to vector<16xf32>
      %broadcast_in_dim3A_1126 = vector.broadcast %jit3A_1124 : f32 to vector<16xf32>
      %select_n3A_1127 = arith.select %eq3A_1122, %broadcast_in_dim3A_1125, %broadcast_in_dim3A_1126 : vector<16xi1>, vector<16xf32>
      tpu.vector_store_idx %arg7[%select_n3A, %and3A_573], %select_n3A_1127 masked %and3A_578 : memref<9x128xf32, #tpu.memory_space<vmem>>[vector<16xi32>, vector<16xi32>], vector<16xf32>, vector<16xi1>
      %add3A_1128 = arith.constant 0 : i32
      %add3A_1129 = arith.addi %mul3A_2, %add3A_1128 : i32
      %mul3A_1130 = arith.constant 128 : i32
      %mul3A_1131 = arith.muli %reduce_sum3A_692, %mul3A_1130 : i32
      %dma_start3A_1132 = arith.constant 0 : i32
      %dma_start3A_1133 = arith.constant 0 : i32
      %dma_start3A_1134 = tpu.memref_slice %arg7[%dma_start3A_1132, %dma_start3A_1133] : memref<9x128xf32, #tpu.memory_space<vmem>> -> memref<8x128xf32, #tpu.memory_space<vmem>>
      %dma_start3A_1135 = tpu.memref_slice %arg4[%add3A_1129, %mul3A_1131] : memref<1024x100000xf32, #tpu.memory_space<hbm>> -> memref<8x128xf32, #tpu.memory_space<hbm>>
      %dma_start3A_1136 = tpu.memref_slice %arg4[%add3A_1129, %mul3A_1131] : memref<1024x100000xf32, #tpu.memory_space<hbm>> -> memref<8x128xf32, #tpu.memory_space<hbm>>
      %dma_start3A_1137 = arith.constant 0 : i32
      %dma_start3A_1138 = arith.constant 0 : i32
      %dma_start3A_1139 = tpu.memref_slice %arg7[%dma_start3A_1137, %dma_start3A_1138] : memref<9x128xf32, #tpu.memory_space<vmem>> -> memref<8x128xf32, #tpu.memory_space<vmem>>
      tpu.enqueue_dma source(%dma_start3A_1139 : memref<8x128xf32, #tpu.memory_space<vmem>>) target(%dma_start3A_1136 : memref<8x128xf32, #tpu.memory_space<hbm>>) target_semaphore(%arg9 : memref<!tpu.dma_semaphore, #tpu.memory_space<semaphore_mem>>)
      %dma_wait3A_1140 = arith.constant 0 : i32
      %dma_wait3A_1141 = arith.constant 0 : i32
      %dma_wait3A_1142 = tpu.memref_slice %arg7[%dma_wait3A_1140, %dma_wait3A_1141] : memref<9x128xf32, #tpu.memory_space<vmem>> -> memref<8x128xf32, #tpu.memory_space<vmem>>
      %dma_wait3A_1143 = tpu.memref_slice %arg4[%add3A_1129, %mul3A_1131] : memref<1024x100000xf32, #tpu.memory_space<hbm>> -> memref<8x128xf32, #tpu.memory_space<hbm>>
      %dma_wait3A_1144 = tpu.memref_slice %arg4[%add3A_1129, %mul3A_1131] : memref<1024x100000xf32, #tpu.memory_space<hbm>> -> memref<8x128xf32, #tpu.memory_space<hbm>>
      %dma_wait3A_1145 = arith.constant 0 : i32
      %dma_wait3A_1146 = arith.constant 0 : i32
      %dma_wait3A_1147 = tpu.memref_slice %arg7[%dma_wait3A_1145, %dma_wait3A_1146] : memref<9x128xf32, #tpu.memory_space<vmem>> -> memref<8x128xf32, #tpu.memory_space<vmem>>
      tpu.wait_dma2 semaphore(%arg9 : memref<!tpu.dma_semaphore, #tpu.memory_space<semaphore_mem>>) src(%dma_wait3A_1147 : memref<8x128xf32, #tpu.memory_space<vmem>>) dst(%dma_wait3A_1144 : memref<8x128xf32, #tpu.memory_space<hbm>>)
      tpu.vector_store_idx %arg7[%select_n3A, %and3A_573], %broadcast_in_dim3A_313 masked %and3A_578 : memref<9x128xf32, #tpu.memory_space<vmem>>[vector<16xi32>, vector<16xi32>], vector<16xf32>, vector<16xi1>
    } else {
    }
    %get3A_698 = arith.constant 0 : index
    %get3A_699 = tpu.vector_load %arg6[%get3A_698] {strides = array<i32>} : memref<32xi32, #tpu.memory_space<vmem>>, vector<16xi32>,
    %shift_right_logical3A_700 = arith.constant 7 : i32
    %shift_right_logical3A_701 = vector.broadcast %shift_right_logical3A_700 : i32 to vector<16xi32>
    %shift_right_logical3A_702 = arith.shrui %get3A_699, %shift_right_logical3A_701 : vector<16xi32>
    %and3A_703 = arith.constant 127 : i32
    %and3A_704 = vector.broadcast %and3A_703 : i32 to vector<16xi32>
    %and3A_705 = arith.andi %get3A_699, %and3A_704 : vector<16xi32>
    %ge3A_706 = arith.constant 8 : i32
    %ge3A_707 = vector.broadcast %ge3A_706 : i32 to vector<16xi32>
    %ge3A_708 = arith.cmpi sge, %iota3A, %ge3A_707 : vector<16xi32>
    %lt3A_709 = arith.constant 16 : i32
    %lt3A_710 = vector.broadcast %lt3A_709 : i32 to vector<16xi32>
    %lt3A_711 = arith.cmpi slt, %iota3A, %lt3A_710 : vector<16xi32>
    %and3A_712 = arith.andi %ge3A_708, %lt3A_711 : vector<16xi1>
    %sub3A_713 = arith.constant 8 : i32
    %sub3A_714 = vector.broadcast %sub3A_713 : i32 to vector<16xi32>
    %sub3A_715 = arith.subi %iota3A, %sub3A_714 : vector<16xi32>
    %jit3A_716 = arith.constant 8 : i32
    %broadcast_in_dim3A_717 = vector.broadcast %jit3A_716 : i32 to vector<16xi32>
    %select_n3A_718 = arith.select %and3A_712, %sub3A_715, %broadcast_in_dim3A_717 : vector<16xi1>, vector<16xi32>
    %eq3A_719 = arith.constant 8 : i32
    %eq3A_720 = vector.broadcast %eq3A_719 : i32 to vector<16xi32>
    %eq3A_721 = arith.cmpi eq, %iota3A, %eq3A_720 : vector<16xi32>
    %jit3A_722 = arith.constant 0 : i32
    %broadcast_in_dim3A_723 = vector.broadcast %jit3A_722 : i32 to vector<16xi32>
    %select_n3A_724 = arith.select %eq3A_721, %shift_right_logical3A_702, %broadcast_in_dim3A_723 : vector<16xi1>, vector<16xi32>
    %reduce_sum3A_725 = arith.constant true
    %reduce_sum3A_726 = vector.broadcast %reduce_sum3A_725 : i1 to vector<16xi1>
    %reduce_sum3A_727 = tpu.scan <sum>, %select_n3A_724 masked %reduce_sum3A_726 : vector<16xi32>, vector<16xi1> -> vector<16xi32>
    %reduce_sum3A_728 = vector.extract %reduce_sum3A_727[15] : i32 from vector<16xi32>
    %lt3A_729 = arith.constant 781 : i32
    %lt3A_730 = arith.cmpi slt, %reduce_sum3A_728, %lt3A_729 : i32
    %convert_element_type3A_731 = arith.extui %lt3A_730 : i1 to i32
    %cond3A_732 = arith.constant 0 : i32
    %cond3A_733 = arith.cmpi ne, %convert_element_type3A_731, %cond3A_732 : i32
    scf.if %cond3A_733 {
      %eq3A_1121 = vector.broadcast %reduce_sum3A_728 : i32 to vector<16xi32>
      %eq3A_1122 = arith.cmpi eq, %shift_right_logical3A_702, %eq3A_1121 : vector<16xi32>
      %jit3A_1123 = arith.constant 1.000000e+00 : f32
      %jit3A_1124 = arith.constant 0.000000e+00 : f32
      %broadcast_in_dim3A_1125 = vector.broadcast %jit3A_1123 : f32 to vector<16xf32>
      %broadcast_in_dim3A_1126 = vector.broadcast %jit3A_1124 : f32 to vector<16xf32>
      %select_n3A_1127 = arith.select %eq3A_1122, %broadcast_in_dim3A_1125, %broadcast_in_dim3A_1126 : vector<16xi1>, vector<16xf32>
      tpu.vector_store_idx %arg7[%select_n3A_718, %and3A_705], %select_n3A_1127 masked %and3A_712 : memref<9x128xf32, #tpu.memory_space<vmem>>[vector<16xi32>, vector<16xi32>], vector<16xf32>, vector<16xi1>
      %add3A_1128 = arith.constant 8 : i32
      %add3A_1129 = arith.addi %mul3A_2, %add3A_1128 : i32
      %mul3A_1130 = arith.constant 128 : i32
      %mul3A_1131 = arith.muli %reduce_sum3A_728, %mul3A_1130 : i32
      %dma_start3A_1132 = arith.constant 0 : i32
      %dma_start3A_1133 = arith.constant 0 : i32
      %dma_start3A_1134 = tpu.memref_slice %arg7[%dma_start3A_1132, %dma_start3A_1133] : memref<9x128xf32, #tpu.memory_space<vmem>> -> memref<8x128xf32, #tpu.memory_space<vmem>>
      %dma_start3A_1135 = tpu.memref_slice %arg4[%add3A_1129, %mul3A_1131] : memref<1024x100000xf32, #tpu.memory_space<hbm>> -> memref<8x128xf32, #tpu.memory_space<hbm>>
      %dma_start3A_1136 = tpu.memref_slice %arg4[%add3A_1129, %mul3A_1131] : memref<1024x100000xf32, #tpu.memory_space<hbm>> -> memref<8x128xf32, #tpu.memory_space<hbm>>
      %dma_start3A_1137 = arith.constant 0 : i32
      %dma_start3A_1138 = arith.constant 0 : i32
      %dma_start3A_1139 = tpu.memref_slice %arg7[%dma_start3A_1137, %dma_start3A_1138] : memref<9x128xf32, #tpu.memory_space<vmem>> -> memref<8x128xf32, #tpu.memory_space<vmem>>
      tpu.enqueue_dma source(%dma_start3A_1139 : memref<8x128xf32, #tpu.memory_space<vmem>>) target(%dma_start3A_1136 : memref<8x128xf32, #tpu.memory_space<hbm>>) target_semaphore(%arg9 : memref<!tpu.dma_semaphore, #tpu.memory_space<semaphore_mem>>)
      %dma_wait3A_1140 = arith.constant 0 : i32
      %dma_wait3A_1141 = arith.constant 0 : i32
      %dma_wait3A_1142 = tpu.memref_slice %arg7[%dma_wait3A_1140, %dma_wait3A_1141] : memref<9x128xf32, #tpu.memory_space<vmem>> -> memref<8x128xf32, #tpu.memory_space<vmem>>
      %dma_wait3A_1143 = tpu.memref_slice %arg4[%add3A_1129, %mul3A_1131] : memref<1024x100000xf32, #tpu.memory_space<hbm>> -> memref<8x128xf32, #tpu.memory_space<hbm>>
      %dma_wait3A_1144 = tpu.memref_slice %arg4[%add3A_1129, %mul3A_1131] : memref<1024x100000xf32, #tpu.memory_space<hbm>> -> memref<8x128xf32, #tpu.memory_space<hbm>>
      %dma_wait3A_1145 = arith.constant 0 : i32
      %dma_wait3A_1146 = arith.constant 0 : i32
      %dma_wait3A_1147 = tpu.memref_slice %arg7[%dma_wait3A_1145, %dma_wait3A_1146] : memref<9x128xf32, #tpu.memory_space<vmem>> -> memref<8x128xf32, #tpu.memory_space<vmem>>
      tpu.wait_dma2 semaphore(%arg9 : memref<!tpu.dma_semaphore, #tpu.memory_space<semaphore_mem>>) src(%dma_wait3A_1147 : memref<8x128xf32, #tpu.memory_space<vmem>>) dst(%dma_wait3A_1144 : memref<8x128xf32, #tpu.memory_space<hbm>>)
      tpu.vector_store_idx %arg7[%select_n3A_718, %and3A_705], %broadcast_in_dim3A_313 masked %and3A_712 : memref<9x128xf32, #tpu.memory_space<vmem>>[vector<16xi32>, vector<16xi32>], vector<16xf32>, vector<16xi1>
    } else {
    }
    %eq3A_734 = arith.constant 9 : i32
    %eq3A_735 = vector.broadcast %eq3A_734 : i32 to vector<16xi32>
    %eq3A_736 = arith.cmpi eq, %iota3A, %eq3A_735 : vector<16xi32>
    %jit3A_737 = arith.constant 0 : i32
    %broadcast_in_dim3A_738 = vector.broadcast %jit3A_737 : i32 to vector<16xi32>
    %select_n3A_739 = arith.select %eq3A_736, %shift_right_logical3A_702, %broadcast_in_dim3A_738 : vector<16xi1>, vector<16xi32>
    %reduce_sum3A_740 = arith.constant true
    %reduce_sum3A_741 = vector.broadcast %reduce_sum3A_740 : i1 to vector<16xi1>
    %reduce_sum3A_742 = tpu.scan <sum>, %select_n3A_739 masked %reduce_sum3A_741 : vector<16xi32>, vector<16xi1> -> vector<16xi32>
    %reduce_sum3A_743 = vector.extract %reduce_sum3A_742[15] : i32 from vector<16xi32>
    %lt3A_744 = arith.constant 781 : i32
    %lt3A_745 = arith.cmpi slt, %reduce_sum3A_743, %lt3A_744 : i32
    %convert_element_type3A_746 = arith.extui %lt3A_745 : i1 to i32
    %cond3A_747 = arith.constant 0 : i32
    %cond3A_748 = arith.cmpi ne, %convert_element_type3A_746, %cond3A_747 : i32
    scf.if %cond3A_748 {
      %eq3A_1121 = vector.broadcast %reduce_sum3A_743 : i32 to vector<16xi32>
      %eq3A_1122 = arith.cmpi eq, %shift_right_logical3A_702, %eq3A_1121 : vector<16xi32>
      %jit3A_1123 = arith.constant 1.000000e+00 : f32
      %jit3A_1124 = arith.constant 0.000000e+00 : f32
      %broadcast_in_dim3A_1125 = vector.broadcast %jit3A_1123 : f32 to vector<16xf32>
      %broadcast_in_dim3A_1126 = vector.broadcast %jit3A_1124 : f32 to vector<16xf32>
      %select_n3A_1127 = arith.select %eq3A_1122, %broadcast_in_dim3A_1125, %broadcast_in_dim3A_1126 : vector<16xi1>, vector<16xf32>
      tpu.vector_store_idx %arg7[%select_n3A_718, %and3A_705], %select_n3A_1127 masked %and3A_712 : memref<9x128xf32, #tpu.memory_space<vmem>>[vector<16xi32>, vector<16xi32>], vector<16xf32>, vector<16xi1>
      %add3A_1128 = arith.constant 8 : i32
      %add3A_1129 = arith.addi %mul3A_2, %add3A_1128 : i32
      %mul3A_1130 = arith.constant 128 : i32
      %mul3A_1131 = arith.muli %reduce_sum3A_743, %mul3A_1130 : i32
      %dma_start3A_1132 = arith.constant 0 : i32
      %dma_start3A_1133 = arith.constant 0 : i32
      %dma_start3A_1134 = tpu.memref_slice %arg7[%dma_start3A_1132, %dma_start3A_1133] : memref<9x128xf32, #tpu.memory_space<vmem>> -> memref<8x128xf32, #tpu.memory_space<vmem>>
      %dma_start3A_1135 = tpu.memref_slice %arg4[%add3A_1129, %mul3A_1131] : memref<1024x100000xf32, #tpu.memory_space<hbm>> -> memref<8x128xf32, #tpu.memory_space<hbm>>
      %dma_start3A_1136 = tpu.memref_slice %arg4[%add3A_1129, %mul3A_1131] : memref<1024x100000xf32, #tpu.memory_space<hbm>> -> memref<8x128xf32, #tpu.memory_space<hbm>>
      %dma_start3A_1137 = arith.constant 0 : i32
      %dma_start3A_1138 = arith.constant 0 : i32
      %dma_start3A_1139 = tpu.memref_slice %arg7[%dma_start3A_1137, %dma_start3A_1138] : memref<9x128xf32, #tpu.memory_space<vmem>> -> memref<8x128xf32, #tpu.memory_space<vmem>>
      tpu.enqueue_dma source(%dma_start3A_1139 : memref<8x128xf32, #tpu.memory_space<vmem>>) target(%dma_start3A_1136 : memref<8x128xf32, #tpu.memory_space<hbm>>) target_semaphore(%arg9 : memref<!tpu.dma_semaphore, #tpu.memory_space<semaphore_mem>>)
      %dma_wait3A_1140 = arith.constant 0 : i32
      %dma_wait3A_1141 = arith.constant 0 : i32
      %dma_wait3A_1142 = tpu.memref_slice %arg7[%dma_wait3A_1140, %dma_wait3A_1141] : memref<9x128xf32, #tpu.memory_space<vmem>> -> memref<8x128xf32, #tpu.memory_space<vmem>>
      %dma_wait3A_1143 = tpu.memref_slice %arg4[%add3A_1129, %mul3A_1131] : memref<1024x100000xf32, #tpu.memory_space<hbm>> -> memref<8x128xf32, #tpu.memory_space<hbm>>
      %dma_wait3A_1144 = tpu.memref_slice %arg4[%add3A_1129, %mul3A_1131] : memref<1024x100000xf32, #tpu.memory_space<hbm>> -> memref<8x128xf32, #tpu.memory_space<hbm>>
      %dma_wait3A_1145 = arith.constant 0 : i32
      %dma_wait3A_1146 = arith.constant 0 : i32
      %dma_wait3A_1147 = tpu.memref_slice %arg7[%dma_wait3A_1145, %dma_wait3A_1146] : memref<9x128xf32, #tpu.memory_space<vmem>> -> memref<8x128xf32, #tpu.memory_space<vmem>>
      tpu.wait_dma2 semaphore(%arg9 : memref<!tpu.dma_semaphore, #tpu.memory_space<semaphore_mem>>) src(%dma_wait3A_1147 : memref<8x128xf32, #tpu.memory_space<vmem>>) dst(%dma_wait3A_1144 : memref<8x128xf32, #tpu.memory_space<hbm>>)
      tpu.vector_store_idx %arg7[%select_n3A_718, %and3A_705], %broadcast_in_dim3A_313 masked %and3A_712 : memref<9x128xf32, #tpu.memory_space<vmem>>[vector<16xi32>, vector<16xi32>], vector<16xf32>, vector<16xi1>
    } else {
    }
    %eq3A_749 = arith.constant 10 : i32
    %eq3A_750 = vector.broadcast %eq3A_749 : i32 to vector<16xi32>
    %eq3A_751 = arith.cmpi eq, %iota3A, %eq3A_750 : vector<16xi32>
    %jit3A_752 = arith.constant 0 : i32
    %broadcast_in_dim3A_753 = vector.broadcast %jit3A_752 : i32 to vector<16xi32>
    %select_n3A_754 = arith.select %eq3A_751, %shift_right_logical3A_702, %broadcast_in_dim3A_753 : vector<16xi1>, vector<16xi32>
    %reduce_sum3A_755 = arith.constant true
    %reduce_sum3A_756 = vector.broadcast %reduce_sum3A_755 : i1 to vector<16xi1>
    %reduce_sum3A_757 = tpu.scan <sum>, %select_n3A_754 masked %reduce_sum3A_756 : vector<16xi32>, vector<16xi1> -> vector<16xi32>
    %reduce_sum3A_758 = vector.extract %reduce_sum3A_757[15] : i32 from vector<16xi32>
    %lt3A_759 = arith.constant 781 : i32
    %lt3A_760 = arith.cmpi slt, %reduce_sum3A_758, %lt3A_759 : i32
    %convert_element_type3A_761 = arith.extui %lt3A_760 : i1 to i32
    %cond3A_762 = arith.constant 0 : i32
    %cond3A_763 = arith.cmpi ne, %convert_element_type3A_761, %cond3A_762 : i32
    scf.if %cond3A_763 {
      %eq3A_1121 = vector.broadcast %reduce_sum3A_758 : i32 to vector<16xi32>
      %eq3A_1122 = arith.cmpi eq, %shift_right_logical3A_702, %eq3A_1121 : vector<16xi32>
      %jit3A_1123 = arith.constant 1.000000e+00 : f32
      %jit3A_1124 = arith.constant 0.000000e+00 : f32
      %broadcast_in_dim3A_1125 = vector.broadcast %jit3A_1123 : f32 to vector<16xf32>
      %broadcast_in_dim3A_1126 = vector.broadcast %jit3A_1124 : f32 to vector<16xf32>
      %select_n3A_1127 = arith.select %eq3A_1122, %broadcast_in_dim3A_1125, %broadcast_in_dim3A_1126 : vector<16xi1>, vector<16xf32>
      tpu.vector_store_idx %arg7[%select_n3A_718, %and3A_705], %select_n3A_1127 masked %and3A_712 : memref<9x128xf32, #tpu.memory_space<vmem>>[vector<16xi32>, vector<16xi32>], vector<16xf32>, vector<16xi1>
      %add3A_1128 = arith.constant 8 : i32
      %add3A_1129 = arith.addi %mul3A_2, %add3A_1128 : i32
      %mul3A_1130 = arith.constant 128 : i32
      %mul3A_1131 = arith.muli %reduce_sum3A_758, %mul3A_1130 : i32
      %dma_start3A_1132 = arith.constant 0 : i32
      %dma_start3A_1133 = arith.constant 0 : i32
      %dma_start3A_1134 = tpu.memref_slice %arg7[%dma_start3A_1132, %dma_start3A_1133] : memref<9x128xf32, #tpu.memory_space<vmem>> -> memref<8x128xf32, #tpu.memory_space<vmem>>
      %dma_start3A_1135 = tpu.memref_slice %arg4[%add3A_1129, %mul3A_1131] : memref<1024x100000xf32, #tpu.memory_space<hbm>> -> memref<8x128xf32, #tpu.memory_space<hbm>>
      %dma_start3A_1136 = tpu.memref_slice %arg4[%add3A_1129, %mul3A_1131] : memref<1024x100000xf32, #tpu.memory_space<hbm>> -> memref<8x128xf32, #tpu.memory_space<hbm>>
      %dma_start3A_1137 = arith.constant 0 : i32
      %dma_start3A_1138 = arith.constant 0 : i32
      %dma_start3A_1139 = tpu.memref_slice %arg7[%dma_start3A_1137, %dma_start3A_1138] : memref<9x128xf32, #tpu.memory_space<vmem>> -> memref<8x128xf32, #tpu.memory_space<vmem>>
      tpu.enqueue_dma source(%dma_start3A_1139 : memref<8x128xf32, #tpu.memory_space<vmem>>) target(%dma_start3A_1136 : memref<8x128xf32, #tpu.memory_space<hbm>>) target_semaphore(%arg9 : memref<!tpu.dma_semaphore, #tpu.memory_space<semaphore_mem>>)
      %dma_wait3A_1140 = arith.constant 0 : i32
      %dma_wait3A_1141 = arith.constant 0 : i32
      %dma_wait3A_1142 = tpu.memref_slice %arg7[%dma_wait3A_1140, %dma_wait3A_1141] : memref<9x128xf32, #tpu.memory_space<vmem>> -> memref<8x128xf32, #tpu.memory_space<vmem>>
      %dma_wait3A_1143 = tpu.memref_slice %arg4[%add3A_1129, %mul3A_1131] : memref<1024x100000xf32, #tpu.memory_space<hbm>> -> memref<8x128xf32, #tpu.memory_space<hbm>>
      %dma_wait3A_1144 = tpu.memref_slice %arg4[%add3A_1129, %mul3A_1131] : memref<1024x100000xf32, #tpu.memory_space<hbm>> -> memref<8x128xf32, #tpu.memory_space<hbm>>
      %dma_wait3A_1145 = arith.constant 0 : i32
      %dma_wait3A_1146 = arith.constant 0 : i32
      %dma_wait3A_1147 = tpu.memref_slice %arg7[%dma_wait3A_1145, %dma_wait3A_1146] : memref<9x128xf32, #tpu.memory_space<vmem>> -> memref<8x128xf32, #tpu.memory_space<vmem>>
      tpu.wait_dma2 semaphore(%arg9 : memref<!tpu.dma_semaphore, #tpu.memory_space<semaphore_mem>>) src(%dma_wait3A_1147 : memref<8x128xf32, #tpu.memory_space<vmem>>) dst(%dma_wait3A_1144 : memref<8x128xf32, #tpu.memory_space<hbm>>)
      tpu.vector_store_idx %arg7[%select_n3A_718, %and3A_705], %broadcast_in_dim3A_313 masked %and3A_712 : memref<9x128xf32, #tpu.memory_space<vmem>>[vector<16xi32>, vector<16xi32>], vector<16xf32>, vector<16xi1>
    } else {
    }
    %eq3A_764 = arith.constant 11 : i32
    %eq3A_765 = vector.broadcast %eq3A_764 : i32 to vector<16xi32>
    %eq3A_766 = arith.cmpi eq, %iota3A, %eq3A_765 : vector<16xi32>
    %jit3A_767 = arith.constant 0 : i32
    %broadcast_in_dim3A_768 = vector.broadcast %jit3A_767 : i32 to vector<16xi32>
    %select_n3A_769 = arith.select %eq3A_766, %shift_right_logical3A_702, %broadcast_in_dim3A_768 : vector<16xi1>, vector<16xi32>
    %reduce_sum3A_770 = arith.constant true
    %reduce_sum3A_771 = vector.broadcast %reduce_sum3A_770 : i1 to vector<16xi1>
    %reduce_sum3A_772 = tpu.scan <sum>, %select_n3A_769 masked %reduce_sum3A_771 : vector<16xi32>, vector<16xi1> -> vector<16xi32>
    %reduce_sum3A_773 = vector.extract %reduce_sum3A_772[15] : i32 from vector<16xi32>
    %lt3A_774 = arith.constant 781 : i32
    %lt3A_775 = arith.cmpi slt, %reduce_sum3A_773, %lt3A_774 : i32
    %convert_element_type3A_776 = arith.extui %lt3A_775 : i1 to i32
    %cond3A_777 = arith.constant 0 : i32
    %cond3A_778 = arith.cmpi ne, %convert_element_type3A_776, %cond3A_777 : i32
    scf.if %cond3A_778 {
      %eq3A_1121 = vector.broadcast %reduce_sum3A_773 : i32 to vector<16xi32>
      %eq3A_1122 = arith.cmpi eq, %shift_right_logical3A_702, %eq3A_1121 : vector<16xi32>
      %jit3A_1123 = arith.constant 1.000000e+00 : f32
      %jit3A_1124 = arith.constant 0.000000e+00 : f32
      %broadcast_in_dim3A_1125 = vector.broadcast %jit3A_1123 : f32 to vector<16xf32>
      %broadcast_in_dim3A_1126 = vector.broadcast %jit3A_1124 : f32 to vector<16xf32>
      %select_n3A_1127 = arith.select %eq3A_1122, %broadcast_in_dim3A_1125, %broadcast_in_dim3A_1126 : vector<16xi1>, vector<16xf32>
      tpu.vector_store_idx %arg7[%select_n3A_718, %and3A_705], %select_n3A_1127 masked %and3A_712 : memref<9x128xf32, #tpu.memory_space<vmem>>[vector<16xi32>, vector<16xi32>], vector<16xf32>, vector<16xi1>
      %add3A_1128 = arith.constant 8 : i32
      %add3A_1129 = arith.addi %mul3A_2, %add3A_1128 : i32
      %mul3A_1130 = arith.constant 128 : i32
      %mul3A_1131 = arith.muli %reduce_sum3A_773, %mul3A_1130 : i32
      %dma_start3A_1132 = arith.constant 0 : i32
      %dma_start3A_1133 = arith.constant 0 : i32
      %dma_start3A_1134 = tpu.memref_slice %arg7[%dma_start3A_1132, %dma_start3A_1133] : memref<9x128xf32, #tpu.memory_space<vmem>> -> memref<8x128xf32, #tpu.memory_space<vmem>>
      %dma_start3A_1135 = tpu.memref_slice %arg4[%add3A_1129, %mul3A_1131] : memref<1024x100000xf32, #tpu.memory_space<hbm>> -> memref<8x128xf32, #tpu.memory_space<hbm>>
      %dma_start3A_1136 = tpu.memref_slice %arg4[%add3A_1129, %mul3A_1131] : memref<1024x100000xf32, #tpu.memory_space<hbm>> -> memref<8x128xf32, #tpu.memory_space<hbm>>
      %dma_start3A_1137 = arith.constant 0 : i32
      %dma_start3A_1138 = arith.constant 0 : i32
      %dma_start3A_1139 = tpu.memref_slice %arg7[%dma_start3A_1137, %dma_start3A_1138] : memref<9x128xf32, #tpu.memory_space<vmem>> -> memref<8x128xf32, #tpu.memory_space<vmem>>
      tpu.enqueue_dma source(%dma_start3A_1139 : memref<8x128xf32, #tpu.memory_space<vmem>>) target(%dma_start3A_1136 : memref<8x128xf32, #tpu.memory_space<hbm>>) target_semaphore(%arg9 : memref<!tpu.dma_semaphore, #tpu.memory_space<semaphore_mem>>)
      %dma_wait3A_1140 = arith.constant 0 : i32
      %dma_wait3A_1141 = arith.constant 0 : i32
      %dma_wait3A_1142 = tpu.memref_slice %arg7[%dma_wait3A_1140, %dma_wait3A_1141] : memref<9x128xf32, #tpu.memory_space<vmem>> -> memref<8x128xf32, #tpu.memory_space<vmem>>
      %dma_wait3A_1143 = tpu.memref_slice %arg4[%add3A_1129, %mul3A_1131] : memref<1024x100000xf32, #tpu.memory_space<hbm>> -> memref<8x128xf32, #tpu.memory_space<hbm>>
      %dma_wait3A_1144 = tpu.memref_slice %arg4[%add3A_1129, %mul3A_1131] : memref<1024x100000xf32, #tpu.memory_space<hbm>> -> memref<8x128xf32, #tpu.memory_space<hbm>>
      %dma_wait3A_1145 = arith.constant 0 : i32
      %dma_wait3A_1146 = arith.constant 0 : i32
      %dma_wait3A_1147 = tpu.memref_slice %arg7[%dma_wait3A_1145, %dma_wait3A_1146] : memref<9x128xf32, #tpu.memory_space<vmem>> -> memref<8x128xf32, #tpu.memory_space<vmem>>
      tpu.wait_dma2 semaphore(%arg9 : memref<!tpu.dma_semaphore, #tpu.memory_space<semaphore_mem>>) src(%dma_wait3A_1147 : memref<8x128xf32, #tpu.memory_space<vmem>>) dst(%dma_wait3A_1144 : memref<8x128xf32, #tpu.memory_space<hbm>>)
      tpu.vector_store_idx %arg7[%select_n3A_718, %and3A_705], %broadcast_in_dim3A_313 masked %and3A_712 : memref<9x128xf32, #tpu.memory_space<vmem>>[vector<16xi32>, vector<16xi32>], vector<16xf32>, vector<16xi1>
    } else {
    }
    %eq3A_779 = arith.constant 12 : i32
    %eq3A_780 = vector.broadcast %eq3A_779 : i32 to vector<16xi32>
    %eq3A_781 = arith.cmpi eq, %iota3A, %eq3A_780 : vector<16xi32>
    %jit3A_782 = arith.constant 0 : i32
    %broadcast_in_dim3A_783 = vector.broadcast %jit3A_782 : i32 to vector<16xi32>
    %select_n3A_784 = arith.select %eq3A_781, %shift_right_logical3A_702, %broadcast_in_dim3A_783 : vector<16xi1>, vector<16xi32>
    %reduce_sum3A_785 = arith.constant true
    %reduce_sum3A_786 = vector.broadcast %reduce_sum3A_785 : i1 to vector<16xi1>
    %reduce_sum3A_787 = tpu.scan <sum>, %select_n3A_784 masked %reduce_sum3A_786 : vector<16xi32>, vector<16xi1> -> vector<16xi32>
    %reduce_sum3A_788 = vector.extract %reduce_sum3A_787[15] : i32 from vector<16xi32>
    %lt3A_789 = arith.constant 781 : i32
    %lt3A_790 = arith.cmpi slt, %reduce_sum3A_788, %lt3A_789 : i32
    %convert_element_type3A_791 = arith.extui %lt3A_790 : i1 to i32
    %cond3A_792 = arith.constant 0 : i32
    %cond3A_793 = arith.cmpi ne, %convert_element_type3A_791, %cond3A_792 : i32
    scf.if %cond3A_793 {
      %eq3A_1121 = vector.broadcast %reduce_sum3A_788 : i32 to vector<16xi32>
      %eq3A_1122 = arith.cmpi eq, %shift_right_logical3A_702, %eq3A_1121 : vector<16xi32>
      %jit3A_1123 = arith.constant 1.000000e+00 : f32
      %jit3A_1124 = arith.constant 0.000000e+00 : f32
      %broadcast_in_dim3A_1125 = vector.broadcast %jit3A_1123 : f32 to vector<16xf32>
      %broadcast_in_dim3A_1126 = vector.broadcast %jit3A_1124 : f32 to vector<16xf32>
      %select_n3A_1127 = arith.select %eq3A_1122, %broadcast_in_dim3A_1125, %broadcast_in_dim3A_1126 : vector<16xi1>, vector<16xf32>
      tpu.vector_store_idx %arg7[%select_n3A_718, %and3A_705], %select_n3A_1127 masked %and3A_712 : memref<9x128xf32, #tpu.memory_space<vmem>>[vector<16xi32>, vector<16xi32>], vector<16xf32>, vector<16xi1>
      %add3A_1128 = arith.constant 8 : i32
      %add3A_1129 = arith.addi %mul3A_2, %add3A_1128 : i32
      %mul3A_1130 = arith.constant 128 : i32
      %mul3A_1131 = arith.muli %reduce_sum3A_788, %mul3A_1130 : i32
      %dma_start3A_1132 = arith.constant 0 : i32
      %dma_start3A_1133 = arith.constant 0 : i32
      %dma_start3A_1134 = tpu.memref_slice %arg7[%dma_start3A_1132, %dma_start3A_1133] : memref<9x128xf32, #tpu.memory_space<vmem>> -> memref<8x128xf32, #tpu.memory_space<vmem>>
      %dma_start3A_1135 = tpu.memref_slice %arg4[%add3A_1129, %mul3A_1131] : memref<1024x100000xf32, #tpu.memory_space<hbm>> -> memref<8x128xf32, #tpu.memory_space<hbm>>
      %dma_start3A_1136 = tpu.memref_slice %arg4[%add3A_1129, %mul3A_1131] : memref<1024x100000xf32, #tpu.memory_space<hbm>> -> memref<8x128xf32, #tpu.memory_space<hbm>>
      %dma_start3A_1137 = arith.constant 0 : i32
      %dma_start3A_1138 = arith.constant 0 : i32
      %dma_start3A_1139 = tpu.memref_slice %arg7[%dma_start3A_1137, %dma_start3A_1138] : memref<9x128xf32, #tpu.memory_space<vmem>> -> memref<8x128xf32, #tpu.memory_space<vmem>>
      tpu.enqueue_dma source(%dma_start3A_1139 : memref<8x128xf32, #tpu.memory_space<vmem>>) target(%dma_start3A_1136 : memref<8x128xf32, #tpu.memory_space<hbm>>) target_semaphore(%arg9 : memref<!tpu.dma_semaphore, #tpu.memory_space<semaphore_mem>>)
      %dma_wait3A_1140 = arith.constant 0 : i32
      %dma_wait3A_1141 = arith.constant 0 : i32
      %dma_wait3A_1142 = tpu.memref_slice %arg7[%dma_wait3A_1140, %dma_wait3A_1141] : memref<9x128xf32, #tpu.memory_space<vmem>> -> memref<8x128xf32, #tpu.memory_space<vmem>>
      %dma_wait3A_1143 = tpu.memref_slice %arg4[%add3A_1129, %mul3A_1131] : memref<1024x100000xf32, #tpu.memory_space<hbm>> -> memref<8x128xf32, #tpu.memory_space<hbm>>
      %dma_wait3A_1144 = tpu.memref_slice %arg4[%add3A_1129, %mul3A_1131] : memref<1024x100000xf32, #tpu.memory_space<hbm>> -> memref<8x128xf32, #tpu.memory_space<hbm>>
      %dma_wait3A_1145 = arith.constant 0 : i32
      %dma_wait3A_1146 = arith.constant 0 : i32
      %dma_wait3A_1147 = tpu.memref_slice %arg7[%dma_wait3A_1145, %dma_wait3A_1146] : memref<9x128xf32, #tpu.memory_space<vmem>> -> memref<8x128xf32, #tpu.memory_space<vmem>>
      tpu.wait_dma2 semaphore(%arg9 : memref<!tpu.dma_semaphore, #tpu.memory_space<semaphore_mem>>) src(%dma_wait3A_1147 : memref<8x128xf32, #tpu.memory_space<vmem>>) dst(%dma_wait3A_1144 : memref<8x128xf32, #tpu.memory_space<hbm>>)
      tpu.vector_store_idx %arg7[%select_n3A_718, %and3A_705], %broadcast_in_dim3A_313 masked %and3A_712 : memref<9x128xf32, #tpu.memory_space<vmem>>[vector<16xi32>, vector<16xi32>], vector<16xf32>, vector<16xi1>
    } else {
    }
    %eq3A_794 = arith.constant 13 : i32
    %eq3A_795 = vector.broadcast %eq3A_794 : i32 to vector<16xi32>
    %eq3A_796 = arith.cmpi eq, %iota3A, %eq3A_795 : vector<16xi32>
    %jit3A_797 = arith.constant 0 : i32
    %broadcast_in_dim3A_798 = vector.broadcast %jit3A_797 : i32 to vector<16xi32>
    %select_n3A_799 = arith.select %eq3A_796, %shift_right_logical3A_702, %broadcast_in_dim3A_798 : vector<16xi1>, vector<16xi32>
    %reduce_sum3A_800 = arith.constant true
    %reduce_sum3A_801 = vector.broadcast %reduce_sum3A_800 : i1 to vector<16xi1>
    %reduce_sum3A_802 = tpu.scan <sum>, %select_n3A_799 masked %reduce_sum3A_801 : vector<16xi32>, vector<16xi1> -> vector<16xi32>
    %reduce_sum3A_803 = vector.extract %reduce_sum3A_802[15] : i32 from vector<16xi32>
    %lt3A_804 = arith.constant 781 : i32
    %lt3A_805 = arith.cmpi slt, %reduce_sum3A_803, %lt3A_804 : i32
    %convert_element_type3A_806 = arith.extui %lt3A_805 : i1 to i32
    %cond3A_807 = arith.constant 0 : i32
    %cond3A_808 = arith.cmpi ne, %convert_element_type3A_806, %cond3A_807 : i32
    scf.if %cond3A_808 {
      %eq3A_1121 = vector.broadcast %reduce_sum3A_803 : i32 to vector<16xi32>
      %eq3A_1122 = arith.cmpi eq, %shift_right_logical3A_702, %eq3A_1121 : vector<16xi32>
      %jit3A_1123 = arith.constant 1.000000e+00 : f32
      %jit3A_1124 = arith.constant 0.000000e+00 : f32
      %broadcast_in_dim3A_1125 = vector.broadcast %jit3A_1123 : f32 to vector<16xf32>
      %broadcast_in_dim3A_1126 = vector.broadcast %jit3A_1124 : f32 to vector<16xf32>
      %select_n3A_1127 = arith.select %eq3A_1122, %broadcast_in_dim3A_1125, %broadcast_in_dim3A_1126 : vector<16xi1>, vector<16xf32>
      tpu.vector_store_idx %arg7[%select_n3A_718, %and3A_705], %select_n3A_1127 masked %and3A_712 : memref<9x128xf32, #tpu.memory_space<vmem>>[vector<16xi32>, vector<16xi32>], vector<16xf32>, vector<16xi1>
      %add3A_1128 = arith.constant 8 : i32
      %add3A_1129 = arith.addi %mul3A_2, %add3A_1128 : i32
      %mul3A_1130 = arith.constant 128 : i32
      %mul3A_1131 = arith.muli %reduce_sum3A_803, %mul3A_1130 : i32
      %dma_start3A_1132 = arith.constant 0 : i32
      %dma_start3A_1133 = arith.constant 0 : i32
      %dma_start3A_1134 = tpu.memref_slice %arg7[%dma_start3A_1132, %dma_start3A_1133] : memref<9x128xf32, #tpu.memory_space<vmem>> -> memref<8x128xf32, #tpu.memory_space<vmem>>
      %dma_start3A_1135 = tpu.memref_slice %arg4[%add3A_1129, %mul3A_1131] : memref<1024x100000xf32, #tpu.memory_space<hbm>> -> memref<8x128xf32, #tpu.memory_space<hbm>>
      %dma_start3A_1136 = tpu.memref_slice %arg4[%add3A_1129, %mul3A_1131] : memref<1024x100000xf32, #tpu.memory_space<hbm>> -> memref<8x128xf32, #tpu.memory_space<hbm>>
      %dma_start3A_1137 = arith.constant 0 : i32
      %dma_start3A_1138 = arith.constant 0 : i32
      %dma_start3A_1139 = tpu.memref_slice %arg7[%dma_start3A_1137, %dma_start3A_1138] : memref<9x128xf32, #tpu.memory_space<vmem>> -> memref<8x128xf32, #tpu.memory_space<vmem>>
      tpu.enqueue_dma source(%dma_start3A_1139 : memref<8x128xf32, #tpu.memory_space<vmem>>) target(%dma_start3A_1136 : memref<8x128xf32, #tpu.memory_space<hbm>>) target_semaphore(%arg9 : memref<!tpu.dma_semaphore, #tpu.memory_space<semaphore_mem>>)
      %dma_wait3A_1140 = arith.constant 0 : i32
      %dma_wait3A_1141 = arith.constant 0 : i32
      %dma_wait3A_1142 = tpu.memref_slice %arg7[%dma_wait3A_1140, %dma_wait3A_1141] : memref<9x128xf32, #tpu.memory_space<vmem>> -> memref<8x128xf32, #tpu.memory_space<vmem>>
      %dma_wait3A_1143 = tpu.memref_slice %arg4[%add3A_1129, %mul3A_1131] : memref<1024x100000xf32, #tpu.memory_space<hbm>> -> memref<8x128xf32, #tpu.memory_space<hbm>>
      %dma_wait3A_1144 = tpu.memref_slice %arg4[%add3A_1129, %mul3A_1131] : memref<1024x100000xf32, #tpu.memory_space<hbm>> -> memref<8x128xf32, #tpu.memory_space<hbm>>
      %dma_wait3A_1145 = arith.constant 0 : i32
      %dma_wait3A_1146 = arith.constant 0 : i32
      %dma_wait3A_1147 = tpu.memref_slice %arg7[%dma_wait3A_1145, %dma_wait3A_1146] : memref<9x128xf32, #tpu.memory_space<vmem>> -> memref<8x128xf32, #tpu.memory_space<vmem>>
      tpu.wait_dma2 semaphore(%arg9 : memref<!tpu.dma_semaphore, #tpu.memory_space<semaphore_mem>>) src(%dma_wait3A_1147 : memref<8x128xf32, #tpu.memory_space<vmem>>) dst(%dma_wait3A_1144 : memref<8x128xf32, #tpu.memory_space<hbm>>)
      tpu.vector_store_idx %arg7[%select_n3A_718, %and3A_705], %broadcast_in_dim3A_313 masked %and3A_712 : memref<9x128xf32, #tpu.memory_space<vmem>>[vector<16xi32>, vector<16xi32>], vector<16xf32>, vector<16xi1>
    } else {
    }
    %eq3A_809 = arith.constant 14 : i32
    %eq3A_810 = vector.broadcast %eq3A_809 : i32 to vector<16xi32>
    %eq3A_811 = arith.cmpi eq, %iota3A, %eq3A_810 : vector<16xi32>
    %jit3A_812 = arith.constant 0 : i32
    %broadcast_in_dim3A_813 = vector.broadcast %jit3A_812 : i32 to vector<16xi32>
    %select_n3A_814 = arith.select %eq3A_811, %shift_right_logical3A_702, %broadcast_in_dim3A_813 : vector<16xi1>, vector<16xi32>
    %reduce_sum3A_815 = arith.constant true
    %reduce_sum3A_816 = vector.broadcast %reduce_sum3A_815 : i1 to vector<16xi1>
    %reduce_sum3A_817 = tpu.scan <sum>, %select_n3A_814 masked %reduce_sum3A_816 : vector<16xi32>, vector<16xi1> -> vector<16xi32>
    %reduce_sum3A_818 = vector.extract %reduce_sum3A_817[15] : i32 from vector<16xi32>
    %lt3A_819 = arith.constant 781 : i32
    %lt3A_820 = arith.cmpi slt, %reduce_sum3A_818, %lt3A_819 : i32
    %convert_element_type3A_821 = arith.extui %lt3A_820 : i1 to i32
    %cond3A_822 = arith.constant 0 : i32
    %cond3A_823 = arith.cmpi ne, %convert_element_type3A_821, %cond3A_822 : i32
    scf.if %cond3A_823 {
      %eq3A_1121 = vector.broadcast %reduce_sum3A_818 : i32 to vector<16xi32>
      %eq3A_1122 = arith.cmpi eq, %shift_right_logical3A_702, %eq3A_1121 : vector<16xi32>
      %jit3A_1123 = arith.constant 1.000000e+00 : f32
      %jit3A_1124 = arith.constant 0.000000e+00 : f32
      %broadcast_in_dim3A_1125 = vector.broadcast %jit3A_1123 : f32 to vector<16xf32>
      %broadcast_in_dim3A_1126 = vector.broadcast %jit3A_1124 : f32 to vector<16xf32>
      %select_n3A_1127 = arith.select %eq3A_1122, %broadcast_in_dim3A_1125, %broadcast_in_dim3A_1126 : vector<16xi1>, vector<16xf32>
      tpu.vector_store_idx %arg7[%select_n3A_718, %and3A_705], %select_n3A_1127 masked %and3A_712 : memref<9x128xf32, #tpu.memory_space<vmem>>[vector<16xi32>, vector<16xi32>], vector<16xf32>, vector<16xi1>
      %add3A_1128 = arith.constant 8 : i32
      %add3A_1129 = arith.addi %mul3A_2, %add3A_1128 : i32
      %mul3A_1130 = arith.constant 128 : i32
      %mul3A_1131 = arith.muli %reduce_sum3A_818, %mul3A_1130 : i32
      %dma_start3A_1132 = arith.constant 0 : i32
      %dma_start3A_1133 = arith.constant 0 : i32
      %dma_start3A_1134 = tpu.memref_slice %arg7[%dma_start3A_1132, %dma_start3A_1133] : memref<9x128xf32, #tpu.memory_space<vmem>> -> memref<8x128xf32, #tpu.memory_space<vmem>>
      %dma_start3A_1135 = tpu.memref_slice %arg4[%add3A_1129, %mul3A_1131] : memref<1024x100000xf32, #tpu.memory_space<hbm>> -> memref<8x128xf32, #tpu.memory_space<hbm>>
      %dma_start3A_1136 = tpu.memref_slice %arg4[%add3A_1129, %mul3A_1131] : memref<1024x100000xf32, #tpu.memory_space<hbm>> -> memref<8x128xf32, #tpu.memory_space<hbm>>
      %dma_start3A_1137 = arith.constant 0 : i32
      %dma_start3A_1138 = arith.constant 0 : i32
      %dma_start3A_1139 = tpu.memref_slice %arg7[%dma_start3A_1137, %dma_start3A_1138] : memref<9x128xf32, #tpu.memory_space<vmem>> -> memref<8x128xf32, #tpu.memory_space<vmem>>
      tpu.enqueue_dma source(%dma_start3A_1139 : memref<8x128xf32, #tpu.memory_space<vmem>>) target(%dma_start3A_1136 : memref<8x128xf32, #tpu.memory_space<hbm>>) target_semaphore(%arg9 : memref<!tpu.dma_semaphore, #tpu.memory_space<semaphore_mem>>)
      %dma_wait3A_1140 = arith.constant 0 : i32
      %dma_wait3A_1141 = arith.constant 0 : i32
      %dma_wait3A_1142 = tpu.memref_slice %arg7[%dma_wait3A_1140, %dma_wait3A_1141] : memref<9x128xf32, #tpu.memory_space<vmem>> -> memref<8x128xf32, #tpu.memory_space<vmem>>
      %dma_wait3A_1143 = tpu.memref_slice %arg4[%add3A_1129, %mul3A_1131] : memref<1024x100000xf32, #tpu.memory_space<hbm>> -> memref<8x128xf32, #tpu.memory_space<hbm>>
      %dma_wait3A_1144 = tpu.memref_slice %arg4[%add3A_1129, %mul3A_1131] : memref<1024x100000xf32, #tpu.memory_space<hbm>> -> memref<8x128xf32, #tpu.memory_space<hbm>>
      %dma_wait3A_1145 = arith.constant 0 : i32
      %dma_wait3A_1146 = arith.constant 0 : i32
      %dma_wait3A_1147 = tpu.memref_slice %arg7[%dma_wait3A_1145, %dma_wait3A_1146] : memref<9x128xf32, #tpu.memory_space<vmem>> -> memref<8x128xf32, #tpu.memory_space<vmem>>
      tpu.wait_dma2 semaphore(%arg9 : memref<!tpu.dma_semaphore, #tpu.memory_space<semaphore_mem>>) src(%dma_wait3A_1147 : memref<8x128xf32, #tpu.memory_space<vmem>>) dst(%dma_wait3A_1144 : memref<8x128xf32, #tpu.memory_space<hbm>>)
      tpu.vector_store_idx %arg7[%select_n3A_718, %and3A_705], %broadcast_in_dim3A_313 masked %and3A_712 : memref<9x128xf32, #tpu.memory_space<vmem>>[vector<16xi32>, vector<16xi32>], vector<16xf32>, vector<16xi1>
    } else {
    }
    %eq3A_824 = arith.constant 15 : i32
    %eq3A_825 = vector.broadcast %eq3A_824 : i32 to vector<16xi32>
    %eq3A_826 = arith.cmpi eq, %iota3A, %eq3A_825 : vector<16xi32>
    %jit3A_827 = arith.constant 0 : i32
    %broadcast_in_dim3A_828 = vector.broadcast %jit3A_827 : i32 to vector<16xi32>
    %select_n3A_829 = arith.select %eq3A_826, %shift_right_logical3A_702, %broadcast_in_dim3A_828 : vector<16xi1>, vector<16xi32>
    %reduce_sum3A_830 = arith.constant true
    %reduce_sum3A_831 = vector.broadcast %reduce_sum3A_830 : i1 to vector<16xi1>
    %reduce_sum3A_832 = tpu.scan <sum>, %select_n3A_829 masked %reduce_sum3A_831 : vector<16xi32>, vector<16xi1> -> vector<16xi32>
    %reduce_sum3A_833 = vector.extract %reduce_sum3A_832[15] : i32 from vector<16xi32>
    %lt3A_834 = arith.constant 781 : i32
    %lt3A_835 = arith.cmpi slt, %reduce_sum3A_833, %lt3A_834 : i32
    %convert_element_type3A_836 = arith.extui %lt3A_835 : i1 to i32
    %cond3A_837 = arith.constant 0 : i32
    %cond3A_838 = arith.cmpi ne, %convert_element_type3A_836, %cond3A_837 : i32
    scf.if %cond3A_838 {
      %eq3A_1121 = vector.broadcast %reduce_sum3A_833 : i32 to vector<16xi32>
      %eq3A_1122 = arith.cmpi eq, %shift_right_logical3A_702, %eq3A_1121 : vector<16xi32>
      %jit3A_1123 = arith.constant 1.000000e+00 : f32
      %jit3A_1124 = arith.constant 0.000000e+00 : f32
      %broadcast_in_dim3A_1125 = vector.broadcast %jit3A_1123 : f32 to vector<16xf32>
      %broadcast_in_dim3A_1126 = vector.broadcast %jit3A_1124 : f32 to vector<16xf32>
      %select_n3A_1127 = arith.select %eq3A_1122, %broadcast_in_dim3A_1125, %broadcast_in_dim3A_1126 : vector<16xi1>, vector<16xf32>
      tpu.vector_store_idx %arg7[%select_n3A_718, %and3A_705], %select_n3A_1127 masked %and3A_712 : memref<9x128xf32, #tpu.memory_space<vmem>>[vector<16xi32>, vector<16xi32>], vector<16xf32>, vector<16xi1>
      %add3A_1128 = arith.constant 8 : i32
      %add3A_1129 = arith.addi %mul3A_2, %add3A_1128 : i32
      %mul3A_1130 = arith.constant 128 : i32
      %mul3A_1131 = arith.muli %reduce_sum3A_833, %mul3A_1130 : i32
      %dma_start3A_1132 = arith.constant 0 : i32
      %dma_start3A_1133 = arith.constant 0 : i32
      %dma_start3A_1134 = tpu.memref_slice %arg7[%dma_start3A_1132, %dma_start3A_1133] : memref<9x128xf32, #tpu.memory_space<vmem>> -> memref<8x128xf32, #tpu.memory_space<vmem>>
      %dma_start3A_1135 = tpu.memref_slice %arg4[%add3A_1129, %mul3A_1131] : memref<1024x100000xf32, #tpu.memory_space<hbm>> -> memref<8x128xf32, #tpu.memory_space<hbm>>
      %dma_start3A_1136 = tpu.memref_slice %arg4[%add3A_1129, %mul3A_1131] : memref<1024x100000xf32, #tpu.memory_space<hbm>> -> memref<8x128xf32, #tpu.memory_space<hbm>>
      %dma_start3A_1137 = arith.constant 0 : i32
      %dma_start3A_1138 = arith.constant 0 : i32
      %dma_start3A_1139 = tpu.memref_slice %arg7[%dma_start3A_1137, %dma_start3A_1138] : memref<9x128xf32, #tpu.memory_space<vmem>> -> memref<8x128xf32, #tpu.memory_space<vmem>>
      tpu.enqueue_dma source(%dma_start3A_1139 : memref<8x128xf32, #tpu.memory_space<vmem>>) target(%dma_start3A_1136 : memref<8x128xf32, #tpu.memory_space<hbm>>) target_semaphore(%arg9 : memref<!tpu.dma_semaphore, #tpu.memory_space<semaphore_mem>>)
      %dma_wait3A_1140 = arith.constant 0 : i32
      %dma_wait3A_1141 = arith.constant 0 : i32
      %dma_wait3A_1142 = tpu.memref_slice %arg7[%dma_wait3A_1140, %dma_wait3A_1141] : memref<9x128xf32, #tpu.memory_space<vmem>> -> memref<8x128xf32, #tpu.memory_space<vmem>>
      %dma_wait3A_1143 = tpu.memref_slice %arg4[%add3A_1129, %mul3A_1131] : memref<1024x100000xf32, #tpu.memory_space<hbm>> -> memref<8x128xf32, #tpu.memory_space<hbm>>
      %dma_wait3A_1144 = tpu.memref_slice %arg4[%add3A_1129, %mul3A_1131] : memref<1024x100000xf32, #tpu.memory_space<hbm>> -> memref<8x128xf32, #tpu.memory_space<hbm>>
      %dma_wait3A_1145 = arith.constant 0 : i32
      %dma_wait3A_1146 = arith.constant 0 : i32
      %dma_wait3A_1147 = tpu.memref_slice %arg7[%dma_wait3A_1145, %dma_wait3A_1146] : memref<9x128xf32, #tpu.memory_space<vmem>> -> memref<8x128xf32, #tpu.memory_space<vmem>>
      tpu.wait_dma2 semaphore(%arg9 : memref<!tpu.dma_semaphore, #tpu.memory_space<semaphore_mem>>) src(%dma_wait3A_1147 : memref<8x128xf32, #tpu.memory_space<vmem>>) dst(%dma_wait3A_1144 : memref<8x128xf32, #tpu.memory_space<hbm>>)
      tpu.vector_store_idx %arg7[%select_n3A_718, %and3A_705], %broadcast_in_dim3A_313 masked %and3A_712 : memref<9x128xf32, #tpu.memory_space<vmem>>[vector<16xi32>, vector<16xi32>], vector<16xf32>, vector<16xi1>
    } else {
    }
    %get3A_839 = arith.constant 16 : index
    %get3A_840 = tpu.vector_load %arg6[%get3A_839] {strides = array<i32>} : memref<32xi32, #tpu.memory_space<vmem>>, vector<16xi32>,
    %shift_right_logical3A_841 = arith.constant 7 : i32
    %shift_right_logical3A_842 = vector.broadcast %shift_right_logical3A_841 : i32 to vector<16xi32>
    %shift_right_logical3A_843 = arith.shrui %get3A_840, %shift_right_logical3A_842 : vector<16xi32>
    %and3A_844 = arith.constant 127 : i32
    %and3A_845 = vector.broadcast %and3A_844 : i32 to vector<16xi32>
    %and3A_846 = arith.andi %get3A_840, %and3A_845 : vector<16xi32>
    %ge3A_847 = arith.constant 0 : i32
    %ge3A_848 = vector.broadcast %ge3A_847 : i32 to vector<16xi32>
    %ge3A_849 = arith.cmpi sge, %iota3A, %ge3A_848 : vector<16xi32>
    %lt3A_850 = arith.constant 8 : i32
    %lt3A_851 = vector.broadcast %lt3A_850 : i32 to vector<16xi32>
    %lt3A_852 = arith.cmpi slt, %iota3A, %lt3A_851 : vector<16xi32>
    %and3A_853 = arith.andi %ge3A_849, %lt3A_852 : vector<16xi1>
    %sub3A_854 = arith.constant 0 : i32
    %sub3A_855 = vector.broadcast %sub3A_854 : i32 to vector<16xi32>
    %sub3A_856 = arith.subi %iota3A, %sub3A_855 : vector<16xi32>
    %jit3A_857 = arith.constant 8 : i32
    %broadcast_in_dim3A_858 = vector.broadcast %jit3A_857 : i32 to vector<16xi32>
    %select_n3A_859 = arith.select %and3A_853, %sub3A_856, %broadcast_in_dim3A_858 : vector<16xi1>, vector<16xi32>
    %eq3A_860 = arith.constant 0 : i32
    %eq3A_861 = vector.broadcast %eq3A_860 : i32 to vector<16xi32>
    %eq3A_862 = arith.cmpi eq, %iota3A, %eq3A_861 : vector<16xi32>
    %jit3A_863 = arith.constant 0 : i32
    %broadcast_in_dim3A_864 = vector.broadcast %jit3A_863 : i32 to vector<16xi32>
    %select_n3A_865 = arith.select %eq3A_862, %shift_right_logical3A_843, %broadcast_in_dim3A_864 : vector<16xi1>, vector<16xi32>
    %reduce_sum3A_866 = arith.constant true
    %reduce_sum3A_867 = vector.broadcast %reduce_sum3A_866 : i1 to vector<16xi1>
    %reduce_sum3A_868 = tpu.scan <sum>, %select_n3A_865 masked %reduce_sum3A_867 : vector<16xi32>, vector<16xi1> -> vector<16xi32>
    %reduce_sum3A_869 = vector.extract %reduce_sum3A_868[15] : i32 from vector<16xi32>
    %lt3A_870 = arith.constant 781 : i32
    %lt3A_871 = arith.cmpi slt, %reduce_sum3A_869, %lt3A_870 : i32
    %convert_element_type3A_872 = arith.extui %lt3A_871 : i1 to i32
    %cond3A_873 = arith.constant 0 : i32
    %cond3A_874 = arith.cmpi ne, %convert_element_type3A_872, %cond3A_873 : i32
    scf.if %cond3A_874 {
      %eq3A_1121 = vector.broadcast %reduce_sum3A_869 : i32 to vector<16xi32>
      %eq3A_1122 = arith.cmpi eq, %shift_right_logical3A_843, %eq3A_1121 : vector<16xi32>
      %jit3A_1123 = arith.constant 1.000000e+00 : f32
      %jit3A_1124 = arith.constant 0.000000e+00 : f32
      %broadcast_in_dim3A_1125 = vector.broadcast %jit3A_1123 : f32 to vector<16xf32>
      %broadcast_in_dim3A_1126 = vector.broadcast %jit3A_1124 : f32 to vector<16xf32>
      %select_n3A_1127 = arith.select %eq3A_1122, %broadcast_in_dim3A_1125, %broadcast_in_dim3A_1126 : vector<16xi1>, vector<16xf32>
      tpu.vector_store_idx %arg7[%select_n3A_859, %and3A_846], %select_n3A_1127 masked %and3A_853 : memref<9x128xf32, #tpu.memory_space<vmem>>[vector<16xi32>, vector<16xi32>], vector<16xf32>, vector<16xi1>
      %add3A_1128 = arith.constant 16 : i32
      %add3A_1129 = arith.addi %mul3A_2, %add3A_1128 : i32
      %mul3A_1130 = arith.constant 128 : i32
      %mul3A_1131 = arith.muli %reduce_sum3A_869, %mul3A_1130 : i32
      %dma_start3A_1132 = arith.constant 0 : i32
      %dma_start3A_1133 = arith.constant 0 : i32
      %dma_start3A_1134 = tpu.memref_slice %arg7[%dma_start3A_1132, %dma_start3A_1133] : memref<9x128xf32, #tpu.memory_space<vmem>> -> memref<8x128xf32, #tpu.memory_space<vmem>>
      %dma_start3A_1135 = tpu.memref_slice %arg4[%add3A_1129, %mul3A_1131] : memref<1024x100000xf32, #tpu.memory_space<hbm>> -> memref<8x128xf32, #tpu.memory_space<hbm>>
      %dma_start3A_1136 = tpu.memref_slice %arg4[%add3A_1129, %mul3A_1131] : memref<1024x100000xf32, #tpu.memory_space<hbm>> -> memref<8x128xf32, #tpu.memory_space<hbm>>
      %dma_start3A_1137 = arith.constant 0 : i32
      %dma_start3A_1138 = arith.constant 0 : i32
      %dma_start3A_1139 = tpu.memref_slice %arg7[%dma_start3A_1137, %dma_start3A_1138] : memref<9x128xf32, #tpu.memory_space<vmem>> -> memref<8x128xf32, #tpu.memory_space<vmem>>
      tpu.enqueue_dma source(%dma_start3A_1139 : memref<8x128xf32, #tpu.memory_space<vmem>>) target(%dma_start3A_1136 : memref<8x128xf32, #tpu.memory_space<hbm>>) target_semaphore(%arg9 : memref<!tpu.dma_semaphore, #tpu.memory_space<semaphore_mem>>)
      %dma_wait3A_1140 = arith.constant 0 : i32
      %dma_wait3A_1141 = arith.constant 0 : i32
      %dma_wait3A_1142 = tpu.memref_slice %arg7[%dma_wait3A_1140, %dma_wait3A_1141] : memref<9x128xf32, #tpu.memory_space<vmem>> -> memref<8x128xf32, #tpu.memory_space<vmem>>
      %dma_wait3A_1143 = tpu.memref_slice %arg4[%add3A_1129, %mul3A_1131] : memref<1024x100000xf32, #tpu.memory_space<hbm>> -> memref<8x128xf32, #tpu.memory_space<hbm>>
      %dma_wait3A_1144 = tpu.memref_slice %arg4[%add3A_1129, %mul3A_1131] : memref<1024x100000xf32, #tpu.memory_space<hbm>> -> memref<8x128xf32, #tpu.memory_space<hbm>>
      %dma_wait3A_1145 = arith.constant 0 : i32
      %dma_wait3A_1146 = arith.constant 0 : i32
      %dma_wait3A_1147 = tpu.memref_slice %arg7[%dma_wait3A_1145, %dma_wait3A_1146] : memref<9x128xf32, #tpu.memory_space<vmem>> -> memref<8x128xf32, #tpu.memory_space<vmem>>
      tpu.wait_dma2 semaphore(%arg9 : memref<!tpu.dma_semaphore, #tpu.memory_space<semaphore_mem>>) src(%dma_wait3A_1147 : memref<8x128xf32, #tpu.memory_space<vmem>>) dst(%dma_wait3A_1144 : memref<8x128xf32, #tpu.memory_space<hbm>>)
      tpu.vector_store_idx %arg7[%select_n3A_859, %and3A_846], %broadcast_in_dim3A_313 masked %and3A_853 : memref<9x128xf32, #tpu.memory_space<vmem>>[vector<16xi32>, vector<16xi32>], vector<16xf32>, vector<16xi1>
    } else {
    }
    %eq3A_875 = arith.constant 1 : i32
    %eq3A_876 = vector.broadcast %eq3A_875 : i32 to vector<16xi32>
    %eq3A_877 = arith.cmpi eq, %iota3A, %eq3A_876 : vector<16xi32>
    %jit3A_878 = arith.constant 0 : i32
    %broadcast_in_dim3A_879 = vector.broadcast %jit3A_878 : i32 to vector<16xi32>
    %select_n3A_880 = arith.select %eq3A_877, %shift_right_logical3A_843, %broadcast_in_dim3A_879 : vector<16xi1>, vector<16xi32>
    %reduce_sum3A_881 = arith.constant true
    %reduce_sum3A_882 = vector.broadcast %reduce_sum3A_881 : i1 to vector<16xi1>
    %reduce_sum3A_883 = tpu.scan <sum>, %select_n3A_880 masked %reduce_sum3A_882 : vector<16xi32>, vector<16xi1> -> vector<16xi32>
    %reduce_sum3A_884 = vector.extract %reduce_sum3A_883[15] : i32 from vector<16xi32>
    %lt3A_885 = arith.constant 781 : i32
    %lt3A_886 = arith.cmpi slt, %reduce_sum3A_884, %lt3A_885 : i32
    %convert_element_type3A_887 = arith.extui %lt3A_886 : i1 to i32
    %cond3A_888 = arith.constant 0 : i32
    %cond3A_889 = arith.cmpi ne, %convert_element_type3A_887, %cond3A_888 : i32
    scf.if %cond3A_889 {
      %eq3A_1121 = vector.broadcast %reduce_sum3A_884 : i32 to vector<16xi32>
      %eq3A_1122 = arith.cmpi eq, %shift_right_logical3A_843, %eq3A_1121 : vector<16xi32>
      %jit3A_1123 = arith.constant 1.000000e+00 : f32
      %jit3A_1124 = arith.constant 0.000000e+00 : f32
      %broadcast_in_dim3A_1125 = vector.broadcast %jit3A_1123 : f32 to vector<16xf32>
      %broadcast_in_dim3A_1126 = vector.broadcast %jit3A_1124 : f32 to vector<16xf32>
      %select_n3A_1127 = arith.select %eq3A_1122, %broadcast_in_dim3A_1125, %broadcast_in_dim3A_1126 : vector<16xi1>, vector<16xf32>
      tpu.vector_store_idx %arg7[%select_n3A_859, %and3A_846], %select_n3A_1127 masked %and3A_853 : memref<9x128xf32, #tpu.memory_space<vmem>>[vector<16xi32>, vector<16xi32>], vector<16xf32>, vector<16xi1>
      %add3A_1128 = arith.constant 16 : i32
      %add3A_1129 = arith.addi %mul3A_2, %add3A_1128 : i32
      %mul3A_1130 = arith.constant 128 : i32
      %mul3A_1131 = arith.muli %reduce_sum3A_884, %mul3A_1130 : i32
      %dma_start3A_1132 = arith.constant 0 : i32
      %dma_start3A_1133 = arith.constant 0 : i32
      %dma_start3A_1134 = tpu.memref_slice %arg7[%dma_start3A_1132, %dma_start3A_1133] : memref<9x128xf32, #tpu.memory_space<vmem>> -> memref<8x128xf32, #tpu.memory_space<vmem>>
      %dma_start3A_1135 = tpu.memref_slice %arg4[%add3A_1129, %mul3A_1131] : memref<1024x100000xf32, #tpu.memory_space<hbm>> -> memref<8x128xf32, #tpu.memory_space<hbm>>
      %dma_start3A_1136 = tpu.memref_slice %arg4[%add3A_1129, %mul3A_1131] : memref<1024x100000xf32, #tpu.memory_space<hbm>> -> memref<8x128xf32, #tpu.memory_space<hbm>>
      %dma_start3A_1137 = arith.constant 0 : i32
      %dma_start3A_1138 = arith.constant 0 : i32
      %dma_start3A_1139 = tpu.memref_slice %arg7[%dma_start3A_1137, %dma_start3A_1138] : memref<9x128xf32, #tpu.memory_space<vmem>> -> memref<8x128xf32, #tpu.memory_space<vmem>>
      tpu.enqueue_dma source(%dma_start3A_1139 : memref<8x128xf32, #tpu.memory_space<vmem>>) target(%dma_start3A_1136 : memref<8x128xf32, #tpu.memory_space<hbm>>) target_semaphore(%arg9 : memref<!tpu.dma_semaphore, #tpu.memory_space<semaphore_mem>>)
      %dma_wait3A_1140 = arith.constant 0 : i32
      %dma_wait3A_1141 = arith.constant 0 : i32
      %dma_wait3A_1142 = tpu.memref_slice %arg7[%dma_wait3A_1140, %dma_wait3A_1141] : memref<9x128xf32, #tpu.memory_space<vmem>> -> memref<8x128xf32, #tpu.memory_space<vmem>>
      %dma_wait3A_1143 = tpu.memref_slice %arg4[%add3A_1129, %mul3A_1131] : memref<1024x100000xf32, #tpu.memory_space<hbm>> -> memref<8x128xf32, #tpu.memory_space<hbm>>
      %dma_wait3A_1144 = tpu.memref_slice %arg4[%add3A_1129, %mul3A_1131] : memref<1024x100000xf32, #tpu.memory_space<hbm>> -> memref<8x128xf32, #tpu.memory_space<hbm>>
      %dma_wait3A_1145 = arith.constant 0 : i32
      %dma_wait3A_1146 = arith.constant 0 : i32
      %dma_wait3A_1147 = tpu.memref_slice %arg7[%dma_wait3A_1145, %dma_wait3A_1146] : memref<9x128xf32, #tpu.memory_space<vmem>> -> memref<8x128xf32, #tpu.memory_space<vmem>>
      tpu.wait_dma2 semaphore(%arg9 : memref<!tpu.dma_semaphore, #tpu.memory_space<semaphore_mem>>) src(%dma_wait3A_1147 : memref<8x128xf32, #tpu.memory_space<vmem>>) dst(%dma_wait3A_1144 : memref<8x128xf32, #tpu.memory_space<hbm>>)
      tpu.vector_store_idx %arg7[%select_n3A_859, %and3A_846], %broadcast_in_dim3A_313 masked %and3A_853 : memref<9x128xf32, #tpu.memory_space<vmem>>[vector<16xi32>, vector<16xi32>], vector<16xf32>, vector<16xi1>
    } else {
    }
    %eq3A_890 = arith.constant 2 : i32
    %eq3A_891 = vector.broadcast %eq3A_890 : i32 to vector<16xi32>
    %eq3A_892 = arith.cmpi eq, %iota3A, %eq3A_891 : vector<16xi32>
    %jit3A_893 = arith.constant 0 : i32
    %broadcast_in_dim3A_894 = vector.broadcast %jit3A_893 : i32 to vector<16xi32>
    %select_n3A_895 = arith.select %eq3A_892, %shift_right_logical3A_843, %broadcast_in_dim3A_894 : vector<16xi1>, vector<16xi32>
    %reduce_sum3A_896 = arith.constant true
    %reduce_sum3A_897 = vector.broadcast %reduce_sum3A_896 : i1 to vector<16xi1>
    %reduce_sum3A_898 = tpu.scan <sum>, %select_n3A_895 masked %reduce_sum3A_897 : vector<16xi32>, vector<16xi1> -> vector<16xi32>
    %reduce_sum3A_899 = vector.extract %reduce_sum3A_898[15] : i32 from vector<16xi32>
    %lt3A_900 = arith.constant 781 : i32
    %lt3A_901 = arith.cmpi slt, %reduce_sum3A_899, %lt3A_900 : i32
    %convert_element_type3A_902 = arith.extui %lt3A_901 : i1 to i32
    %cond3A_903 = arith.constant 0 : i32
    %cond3A_904 = arith.cmpi ne, %convert_element_type3A_902, %cond3A_903 : i32
    scf.if %cond3A_904 {
      %eq3A_1121 = vector.broadcast %reduce_sum3A_899 : i32 to vector<16xi32>
      %eq3A_1122 = arith.cmpi eq, %shift_right_logical3A_843, %eq3A_1121 : vector<16xi32>
      %jit3A_1123 = arith.constant 1.000000e+00 : f32
      %jit3A_1124 = arith.constant 0.000000e+00 : f32
      %broadcast_in_dim3A_1125 = vector.broadcast %jit3A_1123 : f32 to vector<16xf32>
      %broadcast_in_dim3A_1126 = vector.broadcast %jit3A_1124 : f32 to vector<16xf32>
      %select_n3A_1127 = arith.select %eq3A_1122, %broadcast_in_dim3A_1125, %broadcast_in_dim3A_1126 : vector<16xi1>, vector<16xf32>
      tpu.vector_store_idx %arg7[%select_n3A_859, %and3A_846], %select_n3A_1127 masked %and3A_853 : memref<9x128xf32, #tpu.memory_space<vmem>>[vector<16xi32>, vector<16xi32>], vector<16xf32>, vector<16xi1>
      %add3A_1128 = arith.constant 16 : i32
      %add3A_1129 = arith.addi %mul3A_2, %add3A_1128 : i32
      %mul3A_1130 = arith.constant 128 : i32
      %mul3A_1131 = arith.muli %reduce_sum3A_899, %mul3A_1130 : i32
      %dma_start3A_1132 = arith.constant 0 : i32
      %dma_start3A_1133 = arith.constant 0 : i32
      %dma_start3A_1134 = tpu.memref_slice %arg7[%dma_start3A_1132, %dma_start3A_1133] : memref<9x128xf32, #tpu.memory_space<vmem>> -> memref<8x128xf32, #tpu.memory_space<vmem>>
      %dma_start3A_1135 = tpu.memref_slice %arg4[%add3A_1129, %mul3A_1131] : memref<1024x100000xf32, #tpu.memory_space<hbm>> -> memref<8x128xf32, #tpu.memory_space<hbm>>
      %dma_start3A_1136 = tpu.memref_slice %arg4[%add3A_1129, %mul3A_1131] : memref<1024x100000xf32, #tpu.memory_space<hbm>> -> memref<8x128xf32, #tpu.memory_space<hbm>>
      %dma_start3A_1137 = arith.constant 0 : i32
      %dma_start3A_1138 = arith.constant 0 : i32
      %dma_start3A_1139 = tpu.memref_slice %arg7[%dma_start3A_1137, %dma_start3A_1138] : memref<9x128xf32, #tpu.memory_space<vmem>> -> memref<8x128xf32, #tpu.memory_space<vmem>>
      tpu.enqueue_dma source(%dma_start3A_1139 : memref<8x128xf32, #tpu.memory_space<vmem>>) target(%dma_start3A_1136 : memref<8x128xf32, #tpu.memory_space<hbm>>) target_semaphore(%arg9 : memref<!tpu.dma_semaphore, #tpu.memory_space<semaphore_mem>>)
      %dma_wait3A_1140 = arith.constant 0 : i32
      %dma_wait3A_1141 = arith.constant 0 : i32
      %dma_wait3A_1142 = tpu.memref_slice %arg7[%dma_wait3A_1140, %dma_wait3A_1141] : memref<9x128xf32, #tpu.memory_space<vmem>> -> memref<8x128xf32, #tpu.memory_space<vmem>>
      %dma_wait3A_1143 = tpu.memref_slice %arg4[%add3A_1129, %mul3A_1131] : memref<1024x100000xf32, #tpu.memory_space<hbm>> -> memref<8x128xf32, #tpu.memory_space<hbm>>
      %dma_wait3A_1144 = tpu.memref_slice %arg4[%add3A_1129, %mul3A_1131] : memref<1024x100000xf32, #tpu.memory_space<hbm>> -> memref<8x128xf32, #tpu.memory_space<hbm>>
      %dma_wait3A_1145 = arith.constant 0 : i32
      %dma_wait3A_1146 = arith.constant 0 : i32
      %dma_wait3A_1147 = tpu.memref_slice %arg7[%dma_wait3A_1145, %dma_wait3A_1146] : memref<9x128xf32, #tpu.memory_space<vmem>> -> memref<8x128xf32, #tpu.memory_space<vmem>>
      tpu.wait_dma2 semaphore(%arg9 : memref<!tpu.dma_semaphore, #tpu.memory_space<semaphore_mem>>) src(%dma_wait3A_1147 : memref<8x128xf32, #tpu.memory_space<vmem>>) dst(%dma_wait3A_1144 : memref<8x128xf32, #tpu.memory_space<hbm>>)
      tpu.vector_store_idx %arg7[%select_n3A_859, %and3A_846], %broadcast_in_dim3A_313 masked %and3A_853 : memref<9x128xf32, #tpu.memory_space<vmem>>[vector<16xi32>, vector<16xi32>], vector<16xf32>, vector<16xi1>
    } else {
    }
    %eq3A_905 = arith.constant 3 : i32
    %eq3A_906 = vector.broadcast %eq3A_905 : i32 to vector<16xi32>
    %eq3A_907 = arith.cmpi eq, %iota3A, %eq3A_906 : vector<16xi32>
    %jit3A_908 = arith.constant 0 : i32
    %broadcast_in_dim3A_909 = vector.broadcast %jit3A_908 : i32 to vector<16xi32>
    %select_n3A_910 = arith.select %eq3A_907, %shift_right_logical3A_843, %broadcast_in_dim3A_909 : vector<16xi1>, vector<16xi32>
    %reduce_sum3A_911 = arith.constant true
    %reduce_sum3A_912 = vector.broadcast %reduce_sum3A_911 : i1 to vector<16xi1>
    %reduce_sum3A_913 = tpu.scan <sum>, %select_n3A_910 masked %reduce_sum3A_912 : vector<16xi32>, vector<16xi1> -> vector<16xi32>
    %reduce_sum3A_914 = vector.extract %reduce_sum3A_913[15] : i32 from vector<16xi32>
    %lt3A_915 = arith.constant 781 : i32
    %lt3A_916 = arith.cmpi slt, %reduce_sum3A_914, %lt3A_915 : i32
    %convert_element_type3A_917 = arith.extui %lt3A_916 : i1 to i32
    %cond3A_918 = arith.constant 0 : i32
    %cond3A_919 = arith.cmpi ne, %convert_element_type3A_917, %cond3A_918 : i32
    scf.if %cond3A_919 {
      %eq3A_1121 = vector.broadcast %reduce_sum3A_914 : i32 to vector<16xi32>
      %eq3A_1122 = arith.cmpi eq, %shift_right_logical3A_843, %eq3A_1121 : vector<16xi32>
      %jit3A_1123 = arith.constant 1.000000e+00 : f32
      %jit3A_1124 = arith.constant 0.000000e+00 : f32
      %broadcast_in_dim3A_1125 = vector.broadcast %jit3A_1123 : f32 to vector<16xf32>
      %broadcast_in_dim3A_1126 = vector.broadcast %jit3A_1124 : f32 to vector<16xf32>
      %select_n3A_1127 = arith.select %eq3A_1122, %broadcast_in_dim3A_1125, %broadcast_in_dim3A_1126 : vector<16xi1>, vector<16xf32>
      tpu.vector_store_idx %arg7[%select_n3A_859, %and3A_846], %select_n3A_1127 masked %and3A_853 : memref<9x128xf32, #tpu.memory_space<vmem>>[vector<16xi32>, vector<16xi32>], vector<16xf32>, vector<16xi1>
      %add3A_1128 = arith.constant 16 : i32
      %add3A_1129 = arith.addi %mul3A_2, %add3A_1128 : i32
      %mul3A_1130 = arith.constant 128 : i32
      %mul3A_1131 = arith.muli %reduce_sum3A_914, %mul3A_1130 : i32
      %dma_start3A_1132 = arith.constant 0 : i32
      %dma_start3A_1133 = arith.constant 0 : i32
      %dma_start3A_1134 = tpu.memref_slice %arg7[%dma_start3A_1132, %dma_start3A_1133] : memref<9x128xf32, #tpu.memory_space<vmem>> -> memref<8x128xf32, #tpu.memory_space<vmem>>
      %dma_start3A_1135 = tpu.memref_slice %arg4[%add3A_1129, %mul3A_1131] : memref<1024x100000xf32, #tpu.memory_space<hbm>> -> memref<8x128xf32, #tpu.memory_space<hbm>>
      %dma_start3A_1136 = tpu.memref_slice %arg4[%add3A_1129, %mul3A_1131] : memref<1024x100000xf32, #tpu.memory_space<hbm>> -> memref<8x128xf32, #tpu.memory_space<hbm>>
      %dma_start3A_1137 = arith.constant 0 : i32
      %dma_start3A_1138 = arith.constant 0 : i32
      %dma_start3A_1139 = tpu.memref_slice %arg7[%dma_start3A_1137, %dma_start3A_1138] : memref<9x128xf32, #tpu.memory_space<vmem>> -> memref<8x128xf32, #tpu.memory_space<vmem>>
      tpu.enqueue_dma source(%dma_start3A_1139 : memref<8x128xf32, #tpu.memory_space<vmem>>) target(%dma_start3A_1136 : memref<8x128xf32, #tpu.memory_space<hbm>>) target_semaphore(%arg9 : memref<!tpu.dma_semaphore, #tpu.memory_space<semaphore_mem>>)
      %dma_wait3A_1140 = arith.constant 0 : i32
      %dma_wait3A_1141 = arith.constant 0 : i32
      %dma_wait3A_1142 = tpu.memref_slice %arg7[%dma_wait3A_1140, %dma_wait3A_1141] : memref<9x128xf32, #tpu.memory_space<vmem>> -> memref<8x128xf32, #tpu.memory_space<vmem>>
      %dma_wait3A_1143 = tpu.memref_slice %arg4[%add3A_1129, %mul3A_1131] : memref<1024x100000xf32, #tpu.memory_space<hbm>> -> memref<8x128xf32, #tpu.memory_space<hbm>>
      %dma_wait3A_1144 = tpu.memref_slice %arg4[%add3A_1129, %mul3A_1131] : memref<1024x100000xf32, #tpu.memory_space<hbm>> -> memref<8x128xf32, #tpu.memory_space<hbm>>
      %dma_wait3A_1145 = arith.constant 0 : i32
      %dma_wait3A_1146 = arith.constant 0 : i32
      %dma_wait3A_1147 = tpu.memref_slice %arg7[%dma_wait3A_1145, %dma_wait3A_1146] : memref<9x128xf32, #tpu.memory_space<vmem>> -> memref<8x128xf32, #tpu.memory_space<vmem>>
      tpu.wait_dma2 semaphore(%arg9 : memref<!tpu.dma_semaphore, #tpu.memory_space<semaphore_mem>>) src(%dma_wait3A_1147 : memref<8x128xf32, #tpu.memory_space<vmem>>) dst(%dma_wait3A_1144 : memref<8x128xf32, #tpu.memory_space<hbm>>)
      tpu.vector_store_idx %arg7[%select_n3A_859, %and3A_846], %broadcast_in_dim3A_313 masked %and3A_853 : memref<9x128xf32, #tpu.memory_space<vmem>>[vector<16xi32>, vector<16xi32>], vector<16xf32>, vector<16xi1>
    } else {
    }
    %eq3A_920 = arith.constant 4 : i32
    %eq3A_921 = vector.broadcast %eq3A_920 : i32 to vector<16xi32>
    %eq3A_922 = arith.cmpi eq, %iota3A, %eq3A_921 : vector<16xi32>
    %jit3A_923 = arith.constant 0 : i32
    %broadcast_in_dim3A_924 = vector.broadcast %jit3A_923 : i32 to vector<16xi32>
    %select_n3A_925 = arith.select %eq3A_922, %shift_right_logical3A_843, %broadcast_in_dim3A_924 : vector<16xi1>, vector<16xi32>
    %reduce_sum3A_926 = arith.constant true
    %reduce_sum3A_927 = vector.broadcast %reduce_sum3A_926 : i1 to vector<16xi1>
    %reduce_sum3A_928 = tpu.scan <sum>, %select_n3A_925 masked %reduce_sum3A_927 : vector<16xi32>, vector<16xi1> -> vector<16xi32>
    %reduce_sum3A_929 = vector.extract %reduce_sum3A_928[15] : i32 from vector<16xi32>
    %lt3A_930 = arith.constant 781 : i32
    %lt3A_931 = arith.cmpi slt, %reduce_sum3A_929, %lt3A_930 : i32
    %convert_element_type3A_932 = arith.extui %lt3A_931 : i1 to i32
    %cond3A_933 = arith.constant 0 : i32
    %cond3A_934 = arith.cmpi ne, %convert_element_type3A_932, %cond3A_933 : i32
    scf.if %cond3A_934 {
      %eq3A_1121 = vector.broadcast %reduce_sum3A_929 : i32 to vector<16xi32>
      %eq3A_1122 = arith.cmpi eq, %shift_right_logical3A_843, %eq3A_1121 : vector<16xi32>
      %jit3A_1123 = arith.constant 1.000000e+00 : f32
      %jit3A_1124 = arith.constant 0.000000e+00 : f32
      %broadcast_in_dim3A_1125 = vector.broadcast %jit3A_1123 : f32 to vector<16xf32>
      %broadcast_in_dim3A_1126 = vector.broadcast %jit3A_1124 : f32 to vector<16xf32>
      %select_n3A_1127 = arith.select %eq3A_1122, %broadcast_in_dim3A_1125, %broadcast_in_dim3A_1126 : vector<16xi1>, vector<16xf32>
      tpu.vector_store_idx %arg7[%select_n3A_859, %and3A_846], %select_n3A_1127 masked %and3A_853 : memref<9x128xf32, #tpu.memory_space<vmem>>[vector<16xi32>, vector<16xi32>], vector<16xf32>, vector<16xi1>
      %add3A_1128 = arith.constant 16 : i32
      %add3A_1129 = arith.addi %mul3A_2, %add3A_1128 : i32
      %mul3A_1130 = arith.constant 128 : i32
      %mul3A_1131 = arith.muli %reduce_sum3A_929, %mul3A_1130 : i32
      %dma_start3A_1132 = arith.constant 0 : i32
      %dma_start3A_1133 = arith.constant 0 : i32
      %dma_start3A_1134 = tpu.memref_slice %arg7[%dma_start3A_1132, %dma_start3A_1133] : memref<9x128xf32, #tpu.memory_space<vmem>> -> memref<8x128xf32, #tpu.memory_space<vmem>>
      %dma_start3A_1135 = tpu.memref_slice %arg4[%add3A_1129, %mul3A_1131] : memref<1024x100000xf32, #tpu.memory_space<hbm>> -> memref<8x128xf32, #tpu.memory_space<hbm>>
      %dma_start3A_1136 = tpu.memref_slice %arg4[%add3A_1129, %mul3A_1131] : memref<1024x100000xf32, #tpu.memory_space<hbm>> -> memref<8x128xf32, #tpu.memory_space<hbm>>
      %dma_start3A_1137 = arith.constant 0 : i32
      %dma_start3A_1138 = arith.constant 0 : i32
      %dma_start3A_1139 = tpu.memref_slice %arg7[%dma_start3A_1137, %dma_start3A_1138] : memref<9x128xf32, #tpu.memory_space<vmem>> -> memref<8x128xf32, #tpu.memory_space<vmem>>
      tpu.enqueue_dma source(%dma_start3A_1139 : memref<8x128xf32, #tpu.memory_space<vmem>>) target(%dma_start3A_1136 : memref<8x128xf32, #tpu.memory_space<hbm>>) target_semaphore(%arg9 : memref<!tpu.dma_semaphore, #tpu.memory_space<semaphore_mem>>)
      %dma_wait3A_1140 = arith.constant 0 : i32
      %dma_wait3A_1141 = arith.constant 0 : i32
      %dma_wait3A_1142 = tpu.memref_slice %arg7[%dma_wait3A_1140, %dma_wait3A_1141] : memref<9x128xf32, #tpu.memory_space<vmem>> -> memref<8x128xf32, #tpu.memory_space<vmem>>
      %dma_wait3A_1143 = tpu.memref_slice %arg4[%add3A_1129, %mul3A_1131] : memref<1024x100000xf32, #tpu.memory_space<hbm>> -> memref<8x128xf32, #tpu.memory_space<hbm>>
      %dma_wait3A_1144 = tpu.memref_slice %arg4[%add3A_1129, %mul3A_1131] : memref<1024x100000xf32, #tpu.memory_space<hbm>> -> memref<8x128xf32, #tpu.memory_space<hbm>>
      %dma_wait3A_1145 = arith.constant 0 : i32
      %dma_wait3A_1146 = arith.constant 0 : i32
      %dma_wait3A_1147 = tpu.memref_slice %arg7[%dma_wait3A_1145, %dma_wait3A_1146] : memref<9x128xf32, #tpu.memory_space<vmem>> -> memref<8x128xf32, #tpu.memory_space<vmem>>
      tpu.wait_dma2 semaphore(%arg9 : memref<!tpu.dma_semaphore, #tpu.memory_space<semaphore_mem>>) src(%dma_wait3A_1147 : memref<8x128xf32, #tpu.memory_space<vmem>>) dst(%dma_wait3A_1144 : memref<8x128xf32, #tpu.memory_space<hbm>>)
      tpu.vector_store_idx %arg7[%select_n3A_859, %and3A_846], %broadcast_in_dim3A_313 masked %and3A_853 : memref<9x128xf32, #tpu.memory_space<vmem>>[vector<16xi32>, vector<16xi32>], vector<16xf32>, vector<16xi1>
    } else {
    }
    %eq3A_935 = arith.constant 5 : i32
    %eq3A_936 = vector.broadcast %eq3A_935 : i32 to vector<16xi32>
    %eq3A_937 = arith.cmpi eq, %iota3A, %eq3A_936 : vector<16xi32>
    %jit3A_938 = arith.constant 0 : i32
    %broadcast_in_dim3A_939 = vector.broadcast %jit3A_938 : i32 to vector<16xi32>
    %select_n3A_940 = arith.select %eq3A_937, %shift_right_logical3A_843, %broadcast_in_dim3A_939 : vector<16xi1>, vector<16xi32>
    %reduce_sum3A_941 = arith.constant true
    %reduce_sum3A_942 = vector.broadcast %reduce_sum3A_941 : i1 to vector<16xi1>
    %reduce_sum3A_943 = tpu.scan <sum>, %select_n3A_940 masked %reduce_sum3A_942 : vector<16xi32>, vector<16xi1> -> vector<16xi32>
    %reduce_sum3A_944 = vector.extract %reduce_sum3A_943[15] : i32 from vector<16xi32>
    %lt3A_945 = arith.constant 781 : i32
    %lt3A_946 = arith.cmpi slt, %reduce_sum3A_944, %lt3A_945 : i32
    %convert_element_type3A_947 = arith.extui %lt3A_946 : i1 to i32
    %cond3A_948 = arith.constant 0 : i32
    %cond3A_949 = arith.cmpi ne, %convert_element_type3A_947, %cond3A_948 : i32
    scf.if %cond3A_949 {
      %eq3A_1121 = vector.broadcast %reduce_sum3A_944 : i32 to vector<16xi32>
      %eq3A_1122 = arith.cmpi eq, %shift_right_logical3A_843, %eq3A_1121 : vector<16xi32>
      %jit3A_1123 = arith.constant 1.000000e+00 : f32
      %jit3A_1124 = arith.constant 0.000000e+00 : f32
      %broadcast_in_dim3A_1125 = vector.broadcast %jit3A_1123 : f32 to vector<16xf32>
      %broadcast_in_dim3A_1126 = vector.broadcast %jit3A_1124 : f32 to vector<16xf32>
      %select_n3A_1127 = arith.select %eq3A_1122, %broadcast_in_dim3A_1125, %broadcast_in_dim3A_1126 : vector<16xi1>, vector<16xf32>
      tpu.vector_store_idx %arg7[%select_n3A_859, %and3A_846], %select_n3A_1127 masked %and3A_853 : memref<9x128xf32, #tpu.memory_space<vmem>>[vector<16xi32>, vector<16xi32>], vector<16xf32>, vector<16xi1>
      %add3A_1128 = arith.constant 16 : i32
      %add3A_1129 = arith.addi %mul3A_2, %add3A_1128 : i32
      %mul3A_1130 = arith.constant 128 : i32
      %mul3A_1131 = arith.muli %reduce_sum3A_944, %mul3A_1130 : i32
      %dma_start3A_1132 = arith.constant 0 : i32
      %dma_start3A_1133 = arith.constant 0 : i32
      %dma_start3A_1134 = tpu.memref_slice %arg7[%dma_start3A_1132, %dma_start3A_1133] : memref<9x128xf32, #tpu.memory_space<vmem>> -> memref<8x128xf32, #tpu.memory_space<vmem>>
      %dma_start3A_1135 = tpu.memref_slice %arg4[%add3A_1129, %mul3A_1131] : memref<1024x100000xf32, #tpu.memory_space<hbm>> -> memref<8x128xf32, #tpu.memory_space<hbm>>
      %dma_start3A_1136 = tpu.memref_slice %arg4[%add3A_1129, %mul3A_1131] : memref<1024x100000xf32, #tpu.memory_space<hbm>> -> memref<8x128xf32, #tpu.memory_space<hbm>>
      %dma_start3A_1137 = arith.constant 0 : i32
      %dma_start3A_1138 = arith.constant 0 : i32
      %dma_start3A_1139 = tpu.memref_slice %arg7[%dma_start3A_1137, %dma_start3A_1138] : memref<9x128xf32, #tpu.memory_space<vmem>> -> memref<8x128xf32, #tpu.memory_space<vmem>>
      tpu.enqueue_dma source(%dma_start3A_1139 : memref<8x128xf32, #tpu.memory_space<vmem>>) target(%dma_start3A_1136 : memref<8x128xf32, #tpu.memory_space<hbm>>) target_semaphore(%arg9 : memref<!tpu.dma_semaphore, #tpu.memory_space<semaphore_mem>>)
      %dma_wait3A_1140 = arith.constant 0 : i32
      %dma_wait3A_1141 = arith.constant 0 : i32
      %dma_wait3A_1142 = tpu.memref_slice %arg7[%dma_wait3A_1140, %dma_wait3A_1141] : memref<9x128xf32, #tpu.memory_space<vmem>> -> memref<8x128xf32, #tpu.memory_space<vmem>>
      %dma_wait3A_1143 = tpu.memref_slice %arg4[%add3A_1129, %mul3A_1131] : memref<1024x100000xf32, #tpu.memory_space<hbm>> -> memref<8x128xf32, #tpu.memory_space<hbm>>
      %dma_wait3A_1144 = tpu.memref_slice %arg4[%add3A_1129, %mul3A_1131] : memref<1024x100000xf32, #tpu.memory_space<hbm>> -> memref<8x128xf32, #tpu.memory_space<hbm>>
      %dma_wait3A_1145 = arith.constant 0 : i32
      %dma_wait3A_1146 = arith.constant 0 : i32
      %dma_wait3A_1147 = tpu.memref_slice %arg7[%dma_wait3A_1145, %dma_wait3A_1146] : memref<9x128xf32, #tpu.memory_space<vmem>> -> memref<8x128xf32, #tpu.memory_space<vmem>>
      tpu.wait_dma2 semaphore(%arg9 : memref<!tpu.dma_semaphore, #tpu.memory_space<semaphore_mem>>) src(%dma_wait3A_1147 : memref<8x128xf32, #tpu.memory_space<vmem>>) dst(%dma_wait3A_1144 : memref<8x128xf32, #tpu.memory_space<hbm>>)
      tpu.vector_store_idx %arg7[%select_n3A_859, %and3A_846], %broadcast_in_dim3A_313 masked %and3A_853 : memref<9x128xf32, #tpu.memory_space<vmem>>[vector<16xi32>, vector<16xi32>], vector<16xf32>, vector<16xi1>
    } else {
    }
    %eq3A_950 = arith.constant 6 : i32
    %eq3A_951 = vector.broadcast %eq3A_950 : i32 to vector<16xi32>
    %eq3A_952 = arith.cmpi eq, %iota3A, %eq3A_951 : vector<16xi32>
    %jit3A_953 = arith.constant 0 : i32
    %broadcast_in_dim3A_954 = vector.broadcast %jit3A_953 : i32 to vector<16xi32>
    %select_n3A_955 = arith.select %eq3A_952, %shift_right_logical3A_843, %broadcast_in_dim3A_954 : vector<16xi1>, vector<16xi32>
    %reduce_sum3A_956 = arith.constant true
    %reduce_sum3A_957 = vector.broadcast %reduce_sum3A_956 : i1 to vector<16xi1>
    %reduce_sum3A_958 = tpu.scan <sum>, %select_n3A_955 masked %reduce_sum3A_957 : vector<16xi32>, vector<16xi1> -> vector<16xi32>
    %reduce_sum3A_959 = vector.extract %reduce_sum3A_958[15] : i32 from vector<16xi32>
    %lt3A_960 = arith.constant 781 : i32
    %lt3A_961 = arith.cmpi slt, %reduce_sum3A_959, %lt3A_960 : i32
    %convert_element_type3A_962 = arith.extui %lt3A_961 : i1 to i32
    %cond3A_963 = arith.constant 0 : i32
    %cond3A_964 = arith.cmpi ne, %convert_element_type3A_962, %cond3A_963 : i32
    scf.if %cond3A_964 {
      %eq3A_1121 = vector.broadcast %reduce_sum3A_959 : i32 to vector<16xi32>
      %eq3A_1122 = arith.cmpi eq, %shift_right_logical3A_843, %eq3A_1121 : vector<16xi32>
      %jit3A_1123 = arith.constant 1.000000e+00 : f32
      %jit3A_1124 = arith.constant 0.000000e+00 : f32
      %broadcast_in_dim3A_1125 = vector.broadcast %jit3A_1123 : f32 to vector<16xf32>
      %broadcast_in_dim3A_1126 = vector.broadcast %jit3A_1124 : f32 to vector<16xf32>
      %select_n3A_1127 = arith.select %eq3A_1122, %broadcast_in_dim3A_1125, %broadcast_in_dim3A_1126 : vector<16xi1>, vector<16xf32>
      tpu.vector_store_idx %arg7[%select_n3A_859, %and3A_846], %select_n3A_1127 masked %and3A_853 : memref<9x128xf32, #tpu.memory_space<vmem>>[vector<16xi32>, vector<16xi32>], vector<16xf32>, vector<16xi1>
      %add3A_1128 = arith.constant 16 : i32
      %add3A_1129 = arith.addi %mul3A_2, %add3A_1128 : i32
      %mul3A_1130 = arith.constant 128 : i32
      %mul3A_1131 = arith.muli %reduce_sum3A_959, %mul3A_1130 : i32
      %dma_start3A_1132 = arith.constant 0 : i32
      %dma_start3A_1133 = arith.constant 0 : i32
      %dma_start3A_1134 = tpu.memref_slice %arg7[%dma_start3A_1132, %dma_start3A_1133] : memref<9x128xf32, #tpu.memory_space<vmem>> -> memref<8x128xf32, #tpu.memory_space<vmem>>
      %dma_start3A_1135 = tpu.memref_slice %arg4[%add3A_1129, %mul3A_1131] : memref<1024x100000xf32, #tpu.memory_space<hbm>> -> memref<8x128xf32, #tpu.memory_space<hbm>>
      %dma_start3A_1136 = tpu.memref_slice %arg4[%add3A_1129, %mul3A_1131] : memref<1024x100000xf32, #tpu.memory_space<hbm>> -> memref<8x128xf32, #tpu.memory_space<hbm>>
      %dma_start3A_1137 = arith.constant 0 : i32
      %dma_start3A_1138 = arith.constant 0 : i32
      %dma_start3A_1139 = tpu.memref_slice %arg7[%dma_start3A_1137, %dma_start3A_1138] : memref<9x128xf32, #tpu.memory_space<vmem>> -> memref<8x128xf32, #tpu.memory_space<vmem>>
      tpu.enqueue_dma source(%dma_start3A_1139 : memref<8x128xf32, #tpu.memory_space<vmem>>) target(%dma_start3A_1136 : memref<8x128xf32, #tpu.memory_space<hbm>>) target_semaphore(%arg9 : memref<!tpu.dma_semaphore, #tpu.memory_space<semaphore_mem>>)
      %dma_wait3A_1140 = arith.constant 0 : i32
      %dma_wait3A_1141 = arith.constant 0 : i32
      %dma_wait3A_1142 = tpu.memref_slice %arg7[%dma_wait3A_1140, %dma_wait3A_1141] : memref<9x128xf32, #tpu.memory_space<vmem>> -> memref<8x128xf32, #tpu.memory_space<vmem>>
      %dma_wait3A_1143 = tpu.memref_slice %arg4[%add3A_1129, %mul3A_1131] : memref<1024x100000xf32, #tpu.memory_space<hbm>> -> memref<8x128xf32, #tpu.memory_space<hbm>>
      %dma_wait3A_1144 = tpu.memref_slice %arg4[%add3A_1129, %mul3A_1131] : memref<1024x100000xf32, #tpu.memory_space<hbm>> -> memref<8x128xf32, #tpu.memory_space<hbm>>
      %dma_wait3A_1145 = arith.constant 0 : i32
      %dma_wait3A_1146 = arith.constant 0 : i32
      %dma_wait3A_1147 = tpu.memref_slice %arg7[%dma_wait3A_1145, %dma_wait3A_1146] : memref<9x128xf32, #tpu.memory_space<vmem>> -> memref<8x128xf32, #tpu.memory_space<vmem>>
      tpu.wait_dma2 semaphore(%arg9 : memref<!tpu.dma_semaphore, #tpu.memory_space<semaphore_mem>>) src(%dma_wait3A_1147 : memref<8x128xf32, #tpu.memory_space<vmem>>) dst(%dma_wait3A_1144 : memref<8x128xf32, #tpu.memory_space<hbm>>)
      tpu.vector_store_idx %arg7[%select_n3A_859, %and3A_846], %broadcast_in_dim3A_313 masked %and3A_853 : memref<9x128xf32, #tpu.memory_space<vmem>>[vector<16xi32>, vector<16xi32>], vector<16xf32>, vector<16xi1>
    } else {
    }
    %eq3A_965 = arith.constant 7 : i32
    %eq3A_966 = vector.broadcast %eq3A_965 : i32 to vector<16xi32>
    %eq3A_967 = arith.cmpi eq, %iota3A, %eq3A_966 : vector<16xi32>
    %jit3A_968 = arith.constant 0 : i32
    %broadcast_in_dim3A_969 = vector.broadcast %jit3A_968 : i32 to vector<16xi32>
    %select_n3A_970 = arith.select %eq3A_967, %shift_right_logical3A_843, %broadcast_in_dim3A_969 : vector<16xi1>, vector<16xi32>
    %reduce_sum3A_971 = arith.constant true
    %reduce_sum3A_972 = vector.broadcast %reduce_sum3A_971 : i1 to vector<16xi1>
    %reduce_sum3A_973 = tpu.scan <sum>, %select_n3A_970 masked %reduce_sum3A_972 : vector<16xi32>, vector<16xi1> -> vector<16xi32>
    %reduce_sum3A_974 = vector.extract %reduce_sum3A_973[15] : i32 from vector<16xi32>
    %lt3A_975 = arith.constant 781 : i32
    %lt3A_976 = arith.cmpi slt, %reduce_sum3A_974, %lt3A_975 : i32
    %convert_element_type3A_977 = arith.extui %lt3A_976 : i1 to i32
    %cond3A_978 = arith.constant 0 : i32
    %cond3A_979 = arith.cmpi ne, %convert_element_type3A_977, %cond3A_978 : i32
    scf.if %cond3A_979 {
      %eq3A_1121 = vector.broadcast %reduce_sum3A_974 : i32 to vector<16xi32>
      %eq3A_1122 = arith.cmpi eq, %shift_right_logical3A_843, %eq3A_1121 : vector<16xi32>
      %jit3A_1123 = arith.constant 1.000000e+00 : f32
      %jit3A_1124 = arith.constant 0.000000e+00 : f32
      %broadcast_in_dim3A_1125 = vector.broadcast %jit3A_1123 : f32 to vector<16xf32>
      %broadcast_in_dim3A_1126 = vector.broadcast %jit3A_1124 : f32 to vector<16xf32>
      %select_n3A_1127 = arith.select %eq3A_1122, %broadcast_in_dim3A_1125, %broadcast_in_dim3A_1126 : vector<16xi1>, vector<16xf32>
      tpu.vector_store_idx %arg7[%select_n3A_859, %and3A_846], %select_n3A_1127 masked %and3A_853 : memref<9x128xf32, #tpu.memory_space<vmem>>[vector<16xi32>, vector<16xi32>], vector<16xf32>, vector<16xi1>
      %add3A_1128 = arith.constant 16 : i32
      %add3A_1129 = arith.addi %mul3A_2, %add3A_1128 : i32
      %mul3A_1130 = arith.constant 128 : i32
      %mul3A_1131 = arith.muli %reduce_sum3A_974, %mul3A_1130 : i32
      %dma_start3A_1132 = arith.constant 0 : i32
      %dma_start3A_1133 = arith.constant 0 : i32
      %dma_start3A_1134 = tpu.memref_slice %arg7[%dma_start3A_1132, %dma_start3A_1133] : memref<9x128xf32, #tpu.memory_space<vmem>> -> memref<8x128xf32, #tpu.memory_space<vmem>>
      %dma_start3A_1135 = tpu.memref_slice %arg4[%add3A_1129, %mul3A_1131] : memref<1024x100000xf32, #tpu.memory_space<hbm>> -> memref<8x128xf32, #tpu.memory_space<hbm>>
      %dma_start3A_1136 = tpu.memref_slice %arg4[%add3A_1129, %mul3A_1131] : memref<1024x100000xf32, #tpu.memory_space<hbm>> -> memref<8x128xf32, #tpu.memory_space<hbm>>
      %dma_start3A_1137 = arith.constant 0 : i32
      %dma_start3A_1138 = arith.constant 0 : i32
      %dma_start3A_1139 = tpu.memref_slice %arg7[%dma_start3A_1137, %dma_start3A_1138] : memref<9x128xf32, #tpu.memory_space<vmem>> -> memref<8x128xf32, #tpu.memory_space<vmem>>
      tpu.enqueue_dma source(%dma_start3A_1139 : memref<8x128xf32, #tpu.memory_space<vmem>>) target(%dma_start3A_1136 : memref<8x128xf32, #tpu.memory_space<hbm>>) target_semaphore(%arg9 : memref<!tpu.dma_semaphore, #tpu.memory_space<semaphore_mem>>)
      %dma_wait3A_1140 = arith.constant 0 : i32
      %dma_wait3A_1141 = arith.constant 0 : i32
      %dma_wait3A_1142 = tpu.memref_slice %arg7[%dma_wait3A_1140, %dma_wait3A_1141] : memref<9x128xf32, #tpu.memory_space<vmem>> -> memref<8x128xf32, #tpu.memory_space<vmem>>
      %dma_wait3A_1143 = tpu.memref_slice %arg4[%add3A_1129, %mul3A_1131] : memref<1024x100000xf32, #tpu.memory_space<hbm>> -> memref<8x128xf32, #tpu.memory_space<hbm>>
      %dma_wait3A_1144 = tpu.memref_slice %arg4[%add3A_1129, %mul3A_1131] : memref<1024x100000xf32, #tpu.memory_space<hbm>> -> memref<8x128xf32, #tpu.memory_space<hbm>>
      %dma_wait3A_1145 = arith.constant 0 : i32
      %dma_wait3A_1146 = arith.constant 0 : i32
      %dma_wait3A_1147 = tpu.memref_slice %arg7[%dma_wait3A_1145, %dma_wait3A_1146] : memref<9x128xf32, #tpu.memory_space<vmem>> -> memref<8x128xf32, #tpu.memory_space<vmem>>
      tpu.wait_dma2 semaphore(%arg9 : memref<!tpu.dma_semaphore, #tpu.memory_space<semaphore_mem>>) src(%dma_wait3A_1147 : memref<8x128xf32, #tpu.memory_space<vmem>>) dst(%dma_wait3A_1144 : memref<8x128xf32, #tpu.memory_space<hbm>>)
      tpu.vector_store_idx %arg7[%select_n3A_859, %and3A_846], %broadcast_in_dim3A_313 masked %and3A_853 : memref<9x128xf32, #tpu.memory_space<vmem>>[vector<16xi32>, vector<16xi32>], vector<16xf32>, vector<16xi1>
    } else {
    }
    %get3A_980 = arith.constant 16 : index
    %get3A_981 = tpu.vector_load %arg6[%get3A_980] {strides = array<i32>} : memref<32xi32, #tpu.memory_space<vmem>>, vector<16xi32>,
    %shift_right_logical3A_982 = arith.constant 7 : i32
    %shift_right_logical3A_983 = vector.broadcast %shift_right_logical3A_982 : i32 to vector<16xi32>
    %shift_right_logical3A_984 = arith.shrui %get3A_981, %shift_right_logical3A_983 : vector<16xi32>
    %and3A_985 = arith.constant 127 : i32
    %and3A_986 = vector.broadcast %and3A_985 : i32 to vector<16xi32>
    %and3A_987 = arith.andi %get3A_981, %and3A_986 : vector<16xi32>
    %ge3A_988 = arith.constant 8 : i32
    %ge3A_989 = vector.broadcast %ge3A_988 : i32 to vector<16xi32>
    %ge3A_990 = arith.cmpi sge, %iota3A, %ge3A_989 : vector<16xi32>
    %lt3A_991 = arith.constant 16 : i32
    %lt3A_992 = vector.broadcast %lt3A_991 : i32 to vector<16xi32>
    %lt3A_993 = arith.cmpi slt, %iota3A, %lt3A_992 : vector<16xi32>
    %and3A_994 = arith.andi %ge3A_990, %lt3A_993 : vector<16xi1>
    %sub3A_995 = arith.constant 8 : i32
    %sub3A_996 = vector.broadcast %sub3A_995 : i32 to vector<16xi32>
    %sub3A_997 = arith.subi %iota3A, %sub3A_996 : vector<16xi32>
    %jit3A_998 = arith.constant 8 : i32
    %broadcast_in_dim3A_999 = vector.broadcast %jit3A_998 : i32 to vector<16xi32>
    %select_n3A_1000 = arith.select %and3A_994, %sub3A_997, %broadcast_in_dim3A_999 : vector<16xi1>, vector<16xi32>
    %eq3A_1001 = arith.constant 8 : i32
    %eq3A_1002 = vector.broadcast %eq3A_1001 : i32 to vector<16xi32>
    %eq3A_1003 = arith.cmpi eq, %iota3A, %eq3A_1002 : vector<16xi32>
    %jit3A_1004 = arith.constant 0 : i32
    %broadcast_in_dim3A_1005 = vector.broadcast %jit3A_1004 : i32 to vector<16xi32>
    %select_n3A_1006 = arith.select %eq3A_1003, %shift_right_logical3A_984, %broadcast_in_dim3A_1005 : vector<16xi1>, vector<16xi32>
    %reduce_sum3A_1007 = arith.constant true
    %reduce_sum3A_1008 = vector.broadcast %reduce_sum3A_1007 : i1 to vector<16xi1>
    %reduce_sum3A_1009 = tpu.scan <sum>, %select_n3A_1006 masked %reduce_sum3A_1008 : vector<16xi32>, vector<16xi1> -> vector<16xi32>
    %reduce_sum3A_1010 = vector.extract %reduce_sum3A_1009[15] : i32 from vector<16xi32>
    %lt3A_1011 = arith.constant 781 : i32
    %lt3A_1012 = arith.cmpi slt, %reduce_sum3A_1010, %lt3A_1011 : i32
    %convert_element_type3A_1013 = arith.extui %lt3A_1012 : i1 to i32
    %cond3A_1014 = arith.constant 0 : i32
    %cond3A_1015 = arith.cmpi ne, %convert_element_type3A_1013, %cond3A_1014 : i32
    scf.if %cond3A_1015 {
      %eq3A_1121 = vector.broadcast %reduce_sum3A_1010 : i32 to vector<16xi32>
      %eq3A_1122 = arith.cmpi eq, %shift_right_logical3A_984, %eq3A_1121 : vector<16xi32>
      %jit3A_1123 = arith.constant 1.000000e+00 : f32
      %jit3A_1124 = arith.constant 0.000000e+00 : f32
      %broadcast_in_dim3A_1125 = vector.broadcast %jit3A_1123 : f32 to vector<16xf32>
      %broadcast_in_dim3A_1126 = vector.broadcast %jit3A_1124 : f32 to vector<16xf32>
      %select_n3A_1127 = arith.select %eq3A_1122, %broadcast_in_dim3A_1125, %broadcast_in_dim3A_1126 : vector<16xi1>, vector<16xf32>
      tpu.vector_store_idx %arg7[%select_n3A_1000, %and3A_987], %select_n3A_1127 masked %and3A_994 : memref<9x128xf32, #tpu.memory_space<vmem>>[vector<16xi32>, vector<16xi32>], vector<16xf32>, vector<16xi1>
      %add3A_1128 = arith.constant 24 : i32
      %add3A_1129 = arith.addi %mul3A_2, %add3A_1128 : i32
      %mul3A_1130 = arith.constant 128 : i32
      %mul3A_1131 = arith.muli %reduce_sum3A_1010, %mul3A_1130 : i32
      %dma_start3A_1132 = arith.constant 0 : i32
      %dma_start3A_1133 = arith.constant 0 : i32
      %dma_start3A_1134 = tpu.memref_slice %arg7[%dma_start3A_1132, %dma_start3A_1133] : memref<9x128xf32, #tpu.memory_space<vmem>> -> memref<8x128xf32, #tpu.memory_space<vmem>>
      %dma_start3A_1135 = tpu.memref_slice %arg4[%add3A_1129, %mul3A_1131] : memref<1024x100000xf32, #tpu.memory_space<hbm>> -> memref<8x128xf32, #tpu.memory_space<hbm>>
      %dma_start3A_1136 = tpu.memref_slice %arg4[%add3A_1129, %mul3A_1131] : memref<1024x100000xf32, #tpu.memory_space<hbm>> -> memref<8x128xf32, #tpu.memory_space<hbm>>
      %dma_start3A_1137 = arith.constant 0 : i32
      %dma_start3A_1138 = arith.constant 0 : i32
      %dma_start3A_1139 = tpu.memref_slice %arg7[%dma_start3A_1137, %dma_start3A_1138] : memref<9x128xf32, #tpu.memory_space<vmem>> -> memref<8x128xf32, #tpu.memory_space<vmem>>
      tpu.enqueue_dma source(%dma_start3A_1139 : memref<8x128xf32, #tpu.memory_space<vmem>>) target(%dma_start3A_1136 : memref<8x128xf32, #tpu.memory_space<hbm>>) target_semaphore(%arg9 : memref<!tpu.dma_semaphore, #tpu.memory_space<semaphore_mem>>)
      %dma_wait3A_1140 = arith.constant 0 : i32
      %dma_wait3A_1141 = arith.constant 0 : i32
      %dma_wait3A_1142 = tpu.memref_slice %arg7[%dma_wait3A_1140, %dma_wait3A_1141] : memref<9x128xf32, #tpu.memory_space<vmem>> -> memref<8x128xf32, #tpu.memory_space<vmem>>
      %dma_wait3A_1143 = tpu.memref_slice %arg4[%add3A_1129, %mul3A_1131] : memref<1024x100000xf32, #tpu.memory_space<hbm>> -> memref<8x128xf32, #tpu.memory_space<hbm>>
      %dma_wait3A_1144 = tpu.memref_slice %arg4[%add3A_1129, %mul3A_1131] : memref<1024x100000xf32, #tpu.memory_space<hbm>> -> memref<8x128xf32, #tpu.memory_space<hbm>>
      %dma_wait3A_1145 = arith.constant 0 : i32
      %dma_wait3A_1146 = arith.constant 0 : i32
      %dma_wait3A_1147 = tpu.memref_slice %arg7[%dma_wait3A_1145, %dma_wait3A_1146] : memref<9x128xf32, #tpu.memory_space<vmem>> -> memref<8x128xf32, #tpu.memory_space<vmem>>
      tpu.wait_dma2 semaphore(%arg9 : memref<!tpu.dma_semaphore, #tpu.memory_space<semaphore_mem>>) src(%dma_wait3A_1147 : memref<8x128xf32, #tpu.memory_space<vmem>>) dst(%dma_wait3A_1144 : memref<8x128xf32, #tpu.memory_space<hbm>>)
      tpu.vector_store_idx %arg7[%select_n3A_1000, %and3A_987], %broadcast_in_dim3A_313 masked %and3A_994 : memref<9x128xf32, #tpu.memory_space<vmem>>[vector<16xi32>, vector<16xi32>], vector<16xf32>, vector<16xi1>
    } else {
    }
    %eq3A_1016 = arith.constant 9 : i32
    %eq3A_1017 = vector.broadcast %eq3A_1016 : i32 to vector<16xi32>
    %eq3A_1018 = arith.cmpi eq, %iota3A, %eq3A_1017 : vector<16xi32>
    %jit3A_1019 = arith.constant 0 : i32
    %broadcast_in_dim3A_1020 = vector.broadcast %jit3A_1019 : i32 to vector<16xi32>
    %select_n3A_1021 = arith.select %eq3A_1018, %shift_right_logical3A_984, %broadcast_in_dim3A_1020 : vector<16xi1>, vector<16xi32>
    %reduce_sum3A_1022 = arith.constant true
    %reduce_sum3A_1023 = vector.broadcast %reduce_sum3A_1022 : i1 to vector<16xi1>
    %reduce_sum3A_1024 = tpu.scan <sum>, %select_n3A_1021 masked %reduce_sum3A_1023 : vector<16xi32>, vector<16xi1> -> vector<16xi32>
    %reduce_sum3A_1025 = vector.extract %reduce_sum3A_1024[15] : i32 from vector<16xi32>
    %lt3A_1026 = arith.constant 781 : i32
    %lt3A_1027 = arith.cmpi slt, %reduce_sum3A_1025, %lt3A_1026 : i32
    %convert_element_type3A_1028 = arith.extui %lt3A_1027 : i1 to i32
    %cond3A_1029 = arith.constant 0 : i32
    %cond3A_1030 = arith.cmpi ne, %convert_element_type3A_1028, %cond3A_1029 : i32
    scf.if %cond3A_1030 {
      %eq3A_1121 = vector.broadcast %reduce_sum3A_1025 : i32 to vector<16xi32>
      %eq3A_1122 = arith.cmpi eq, %shift_right_logical3A_984, %eq3A_1121 : vector<16xi32>
      %jit3A_1123 = arith.constant 1.000000e+00 : f32
      %jit3A_1124 = arith.constant 0.000000e+00 : f32
      %broadcast_in_dim3A_1125 = vector.broadcast %jit3A_1123 : f32 to vector<16xf32>
      %broadcast_in_dim3A_1126 = vector.broadcast %jit3A_1124 : f32 to vector<16xf32>
      %select_n3A_1127 = arith.select %eq3A_1122, %broadcast_in_dim3A_1125, %broadcast_in_dim3A_1126 : vector<16xi1>, vector<16xf32>
      tpu.vector_store_idx %arg7[%select_n3A_1000, %and3A_987], %select_n3A_1127 masked %and3A_994 : memref<9x128xf32, #tpu.memory_space<vmem>>[vector<16xi32>, vector<16xi32>], vector<16xf32>, vector<16xi1>
      %add3A_1128 = arith.constant 24 : i32
      %add3A_1129 = arith.addi %mul3A_2, %add3A_1128 : i32
      %mul3A_1130 = arith.constant 128 : i32
      %mul3A_1131 = arith.muli %reduce_sum3A_1025, %mul3A_1130 : i32
      %dma_start3A_1132 = arith.constant 0 : i32
      %dma_start3A_1133 = arith.constant 0 : i32
      %dma_start3A_1134 = tpu.memref_slice %arg7[%dma_start3A_1132, %dma_start3A_1133] : memref<9x128xf32, #tpu.memory_space<vmem>> -> memref<8x128xf32, #tpu.memory_space<vmem>>
      %dma_start3A_1135 = tpu.memref_slice %arg4[%add3A_1129, %mul3A_1131] : memref<1024x100000xf32, #tpu.memory_space<hbm>> -> memref<8x128xf32, #tpu.memory_space<hbm>>
      %dma_start3A_1136 = tpu.memref_slice %arg4[%add3A_1129, %mul3A_1131] : memref<1024x100000xf32, #tpu.memory_space<hbm>> -> memref<8x128xf32, #tpu.memory_space<hbm>>
      %dma_start3A_1137 = arith.constant 0 : i32
      %dma_start3A_1138 = arith.constant 0 : i32
      %dma_start3A_1139 = tpu.memref_slice %arg7[%dma_start3A_1137, %dma_start3A_1138] : memref<9x128xf32, #tpu.memory_space<vmem>> -> memref<8x128xf32, #tpu.memory_space<vmem>>
      tpu.enqueue_dma source(%dma_start3A_1139 : memref<8x128xf32, #tpu.memory_space<vmem>>) target(%dma_start3A_1136 : memref<8x128xf32, #tpu.memory_space<hbm>>) target_semaphore(%arg9 : memref<!tpu.dma_semaphore, #tpu.memory_space<semaphore_mem>>)
      %dma_wait3A_1140 = arith.constant 0 : i32
      %dma_wait3A_1141 = arith.constant 0 : i32
      %dma_wait3A_1142 = tpu.memref_slice %arg7[%dma_wait3A_1140, %dma_wait3A_1141] : memref<9x128xf32, #tpu.memory_space<vmem>> -> memref<8x128xf32, #tpu.memory_space<vmem>>
      %dma_wait3A_1143 = tpu.memref_slice %arg4[%add3A_1129, %mul3A_1131] : memref<1024x100000xf32, #tpu.memory_space<hbm>> -> memref<8x128xf32, #tpu.memory_space<hbm>>
      %dma_wait3A_1144 = tpu.memref_slice %arg4[%add3A_1129, %mul3A_1131] : memref<1024x100000xf32, #tpu.memory_space<hbm>> -> memref<8x128xf32, #tpu.memory_space<hbm>>
      %dma_wait3A_1145 = arith.constant 0 : i32
      %dma_wait3A_1146 = arith.constant 0 : i32
      %dma_wait3A_1147 = tpu.memref_slice %arg7[%dma_wait3A_1145, %dma_wait3A_1146] : memref<9x128xf32, #tpu.memory_space<vmem>> -> memref<8x128xf32, #tpu.memory_space<vmem>>
      tpu.wait_dma2 semaphore(%arg9 : memref<!tpu.dma_semaphore, #tpu.memory_space<semaphore_mem>>) src(%dma_wait3A_1147 : memref<8x128xf32, #tpu.memory_space<vmem>>) dst(%dma_wait3A_1144 : memref<8x128xf32, #tpu.memory_space<hbm>>)
      tpu.vector_store_idx %arg7[%select_n3A_1000, %and3A_987], %broadcast_in_dim3A_313 masked %and3A_994 : memref<9x128xf32, #tpu.memory_space<vmem>>[vector<16xi32>, vector<16xi32>], vector<16xf32>, vector<16xi1>
    } else {
    }
    %eq3A_1031 = arith.constant 10 : i32
    %eq3A_1032 = vector.broadcast %eq3A_1031 : i32 to vector<16xi32>
    %eq3A_1033 = arith.cmpi eq, %iota3A, %eq3A_1032 : vector<16xi32>
    %jit3A_1034 = arith.constant 0 : i32
    %broadcast_in_dim3A_1035 = vector.broadcast %jit3A_1034 : i32 to vector<16xi32>
    %select_n3A_1036 = arith.select %eq3A_1033, %shift_right_logical3A_984, %broadcast_in_dim3A_1035 : vector<16xi1>, vector<16xi32>
    %reduce_sum3A_1037 = arith.constant true
    %reduce_sum3A_1038 = vector.broadcast %reduce_sum3A_1037 : i1 to vector<16xi1>
    %reduce_sum3A_1039 = tpu.scan <sum>, %select_n3A_1036 masked %reduce_sum3A_1038 : vector<16xi32>, vector<16xi1> -> vector<16xi32>
    %reduce_sum3A_1040 = vector.extract %reduce_sum3A_1039[15] : i32 from vector<16xi32>
    %lt3A_1041 = arith.constant 781 : i32
    %lt3A_1042 = arith.cmpi slt, %reduce_sum3A_1040, %lt3A_1041 : i32
    %convert_element_type3A_1043 = arith.extui %lt3A_1042 : i1 to i32
    %cond3A_1044 = arith.constant 0 : i32
    %cond3A_1045 = arith.cmpi ne, %convert_element_type3A_1043, %cond3A_1044 : i32
    scf.if %cond3A_1045 {
      %eq3A_1121 = vector.broadcast %reduce_sum3A_1040 : i32 to vector<16xi32>
      %eq3A_1122 = arith.cmpi eq, %shift_right_logical3A_984, %eq3A_1121 : vector<16xi32>
      %jit3A_1123 = arith.constant 1.000000e+00 : f32
      %jit3A_1124 = arith.constant 0.000000e+00 : f32
      %broadcast_in_dim3A_1125 = vector.broadcast %jit3A_1123 : f32 to vector<16xf32>
      %broadcast_in_dim3A_1126 = vector.broadcast %jit3A_1124 : f32 to vector<16xf32>
      %select_n3A_1127 = arith.select %eq3A_1122, %broadcast_in_dim3A_1125, %broadcast_in_dim3A_1126 : vector<16xi1>, vector<16xf32>
      tpu.vector_store_idx %arg7[%select_n3A_1000, %and3A_987], %select_n3A_1127 masked %and3A_994 : memref<9x128xf32, #tpu.memory_space<vmem>>[vector<16xi32>, vector<16xi32>], vector<16xf32>, vector<16xi1>
      %add3A_1128 = arith.constant 24 : i32
      %add3A_1129 = arith.addi %mul3A_2, %add3A_1128 : i32
      %mul3A_1130 = arith.constant 128 : i32
      %mul3A_1131 = arith.muli %reduce_sum3A_1040, %mul3A_1130 : i32
      %dma_start3A_1132 = arith.constant 0 : i32
      %dma_start3A_1133 = arith.constant 0 : i32
      %dma_start3A_1134 = tpu.memref_slice %arg7[%dma_start3A_1132, %dma_start3A_1133] : memref<9x128xf32, #tpu.memory_space<vmem>> -> memref<8x128xf32, #tpu.memory_space<vmem>>
      %dma_start3A_1135 = tpu.memref_slice %arg4[%add3A_1129, %mul3A_1131] : memref<1024x100000xf32, #tpu.memory_space<hbm>> -> memref<8x128xf32, #tpu.memory_space<hbm>>
      %dma_start3A_1136 = tpu.memref_slice %arg4[%add3A_1129, %mul3A_1131] : memref<1024x100000xf32, #tpu.memory_space<hbm>> -> memref<8x128xf32, #tpu.memory_space<hbm>>
      %dma_start3A_1137 = arith.constant 0 : i32
      %dma_start3A_1138 = arith.constant 0 : i32
      %dma_start3A_1139 = tpu.memref_slice %arg7[%dma_start3A_1137, %dma_start3A_1138] : memref<9x128xf32, #tpu.memory_space<vmem>> -> memref<8x128xf32, #tpu.memory_space<vmem>>
      tpu.enqueue_dma source(%dma_start3A_1139 : memref<8x128xf32, #tpu.memory_space<vmem>>) target(%dma_start3A_1136 : memref<8x128xf32, #tpu.memory_space<hbm>>) target_semaphore(%arg9 : memref<!tpu.dma_semaphore, #tpu.memory_space<semaphore_mem>>)
      %dma_wait3A_1140 = arith.constant 0 : i32
      %dma_wait3A_1141 = arith.constant 0 : i32
      %dma_wait3A_1142 = tpu.memref_slice %arg7[%dma_wait3A_1140, %dma_wait3A_1141] : memref<9x128xf32, #tpu.memory_space<vmem>> -> memref<8x128xf32, #tpu.memory_space<vmem>>
      %dma_wait3A_1143 = tpu.memref_slice %arg4[%add3A_1129, %mul3A_1131] : memref<1024x100000xf32, #tpu.memory_space<hbm>> -> memref<8x128xf32, #tpu.memory_space<hbm>>
      %dma_wait3A_1144 = tpu.memref_slice %arg4[%add3A_1129, %mul3A_1131] : memref<1024x100000xf32, #tpu.memory_space<hbm>> -> memref<8x128xf32, #tpu.memory_space<hbm>>
      %dma_wait3A_1145 = arith.constant 0 : i32
      %dma_wait3A_1146 = arith.constant 0 : i32
      %dma_wait3A_1147 = tpu.memref_slice %arg7[%dma_wait3A_1145, %dma_wait3A_1146] : memref<9x128xf32, #tpu.memory_space<vmem>> -> memref<8x128xf32, #tpu.memory_space<vmem>>
      tpu.wait_dma2 semaphore(%arg9 : memref<!tpu.dma_semaphore, #tpu.memory_space<semaphore_mem>>) src(%dma_wait3A_1147 : memref<8x128xf32, #tpu.memory_space<vmem>>) dst(%dma_wait3A_1144 : memref<8x128xf32, #tpu.memory_space<hbm>>)
      tpu.vector_store_idx %arg7[%select_n3A_1000, %and3A_987], %broadcast_in_dim3A_313 masked %and3A_994 : memref<9x128xf32, #tpu.memory_space<vmem>>[vector<16xi32>, vector<16xi32>], vector<16xf32>, vector<16xi1>
    } else {
    }
    %eq3A_1046 = arith.constant 11 : i32
    %eq3A_1047 = vector.broadcast %eq3A_1046 : i32 to vector<16xi32>
    %eq3A_1048 = arith.cmpi eq, %iota3A, %eq3A_1047 : vector<16xi32>
    %jit3A_1049 = arith.constant 0 : i32
    %broadcast_in_dim3A_1050 = vector.broadcast %jit3A_1049 : i32 to vector<16xi32>
    %select_n3A_1051 = arith.select %eq3A_1048, %shift_right_logical3A_984, %broadcast_in_dim3A_1050 : vector<16xi1>, vector<16xi32>
    %reduce_sum3A_1052 = arith.constant true
    %reduce_sum3A_1053 = vector.broadcast %reduce_sum3A_1052 : i1 to vector<16xi1>
    %reduce_sum3A_1054 = tpu.scan <sum>, %select_n3A_1051 masked %reduce_sum3A_1053 : vector<16xi32>, vector<16xi1> -> vector<16xi32>
    %reduce_sum3A_1055 = vector.extract %reduce_sum3A_1054[15] : i32 from vector<16xi32>
    %lt3A_1056 = arith.constant 781 : i32
    %lt3A_1057 = arith.cmpi slt, %reduce_sum3A_1055, %lt3A_1056 : i32
    %convert_element_type3A_1058 = arith.extui %lt3A_1057 : i1 to i32
    %cond3A_1059 = arith.constant 0 : i32
    %cond3A_1060 = arith.cmpi ne, %convert_element_type3A_1058, %cond3A_1059 : i32
    scf.if %cond3A_1060 {
      %eq3A_1121 = vector.broadcast %reduce_sum3A_1055 : i32 to vector<16xi32>
      %eq3A_1122 = arith.cmpi eq, %shift_right_logical3A_984, %eq3A_1121 : vector<16xi32>
      %jit3A_1123 = arith.constant 1.000000e+00 : f32
      %jit3A_1124 = arith.constant 0.000000e+00 : f32
      %broadcast_in_dim3A_1125 = vector.broadcast %jit3A_1123 : f32 to vector<16xf32>
      %broadcast_in_dim3A_1126 = vector.broadcast %jit3A_1124 : f32 to vector<16xf32>
      %select_n3A_1127 = arith.select %eq3A_1122, %broadcast_in_dim3A_1125, %broadcast_in_dim3A_1126 : vector<16xi1>, vector<16xf32>
      tpu.vector_store_idx %arg7[%select_n3A_1000, %and3A_987], %select_n3A_1127 masked %and3A_994 : memref<9x128xf32, #tpu.memory_space<vmem>>[vector<16xi32>, vector<16xi32>], vector<16xf32>, vector<16xi1>
      %add3A_1128 = arith.constant 24 : i32
      %add3A_1129 = arith.addi %mul3A_2, %add3A_1128 : i32
      %mul3A_1130 = arith.constant 128 : i32
      %mul3A_1131 = arith.muli %reduce_sum3A_1055, %mul3A_1130 : i32
      %dma_start3A_1132 = arith.constant 0 : i32
      %dma_start3A_1133 = arith.constant 0 : i32
      %dma_start3A_1134 = tpu.memref_slice %arg7[%dma_start3A_1132, %dma_start3A_1133] : memref<9x128xf32, #tpu.memory_space<vmem>> -> memref<8x128xf32, #tpu.memory_space<vmem>>
      %dma_start3A_1135 = tpu.memref_slice %arg4[%add3A_1129, %mul3A_1131] : memref<1024x100000xf32, #tpu.memory_space<hbm>> -> memref<8x128xf32, #tpu.memory_space<hbm>>
      %dma_start3A_1136 = tpu.memref_slice %arg4[%add3A_1129, %mul3A_1131] : memref<1024x100000xf32, #tpu.memory_space<hbm>> -> memref<8x128xf32, #tpu.memory_space<hbm>>
      %dma_start3A_1137 = arith.constant 0 : i32
      %dma_start3A_1138 = arith.constant 0 : i32
      %dma_start3A_1139 = tpu.memref_slice %arg7[%dma_start3A_1137, %dma_start3A_1138] : memref<9x128xf32, #tpu.memory_space<vmem>> -> memref<8x128xf32, #tpu.memory_space<vmem>>
      tpu.enqueue_dma source(%dma_start3A_1139 : memref<8x128xf32, #tpu.memory_space<vmem>>) target(%dma_start3A_1136 : memref<8x128xf32, #tpu.memory_space<hbm>>) target_semaphore(%arg9 : memref<!tpu.dma_semaphore, #tpu.memory_space<semaphore_mem>>)
      %dma_wait3A_1140 = arith.constant 0 : i32
      %dma_wait3A_1141 = arith.constant 0 : i32
      %dma_wait3A_1142 = tpu.memref_slice %arg7[%dma_wait3A_1140, %dma_wait3A_1141] : memref<9x128xf32, #tpu.memory_space<vmem>> -> memref<8x128xf32, #tpu.memory_space<vmem>>
      %dma_wait3A_1143 = tpu.memref_slice %arg4[%add3A_1129, %mul3A_1131] : memref<1024x100000xf32, #tpu.memory_space<hbm>> -> memref<8x128xf32, #tpu.memory_space<hbm>>
      %dma_wait3A_1144 = tpu.memref_slice %arg4[%add3A_1129, %mul3A_1131] : memref<1024x100000xf32, #tpu.memory_space<hbm>> -> memref<8x128xf32, #tpu.memory_space<hbm>>
      %dma_wait3A_1145 = arith.constant 0 : i32
      %dma_wait3A_1146 = arith.constant 0 : i32
      %dma_wait3A_1147 = tpu.memref_slice %arg7[%dma_wait3A_1145, %dma_wait3A_1146] : memref<9x128xf32, #tpu.memory_space<vmem>> -> memref<8x128xf32, #tpu.memory_space<vmem>>
      tpu.wait_dma2 semaphore(%arg9 : memref<!tpu.dma_semaphore, #tpu.memory_space<semaphore_mem>>) src(%dma_wait3A_1147 : memref<8x128xf32, #tpu.memory_space<vmem>>) dst(%dma_wait3A_1144 : memref<8x128xf32, #tpu.memory_space<hbm>>)
      tpu.vector_store_idx %arg7[%select_n3A_1000, %and3A_987], %broadcast_in_dim3A_313 masked %and3A_994 : memref<9x128xf32, #tpu.memory_space<vmem>>[vector<16xi32>, vector<16xi32>], vector<16xf32>, vector<16xi1>
    } else {
    }
    %eq3A_1061 = arith.constant 12 : i32
    %eq3A_1062 = vector.broadcast %eq3A_1061 : i32 to vector<16xi32>
    %eq3A_1063 = arith.cmpi eq, %iota3A, %eq3A_1062 : vector<16xi32>
    %jit3A_1064 = arith.constant 0 : i32
    %broadcast_in_dim3A_1065 = vector.broadcast %jit3A_1064 : i32 to vector<16xi32>
    %select_n3A_1066 = arith.select %eq3A_1063, %shift_right_logical3A_984, %broadcast_in_dim3A_1065 : vector<16xi1>, vector<16xi32>
    %reduce_sum3A_1067 = arith.constant true
    %reduce_sum3A_1068 = vector.broadcast %reduce_sum3A_1067 : i1 to vector<16xi1>
    %reduce_sum3A_1069 = tpu.scan <sum>, %select_n3A_1066 masked %reduce_sum3A_1068 : vector<16xi32>, vector<16xi1> -> vector<16xi32>
    %reduce_sum3A_1070 = vector.extract %reduce_sum3A_1069[15] : i32 from vector<16xi32>
    %lt3A_1071 = arith.constant 781 : i32
    %lt3A_1072 = arith.cmpi slt, %reduce_sum3A_1070, %lt3A_1071 : i32
    %convert_element_type3A_1073 = arith.extui %lt3A_1072 : i1 to i32
    %cond3A_1074 = arith.constant 0 : i32
    %cond3A_1075 = arith.cmpi ne, %convert_element_type3A_1073, %cond3A_1074 : i32
    scf.if %cond3A_1075 {
      %eq3A_1121 = vector.broadcast %reduce_sum3A_1070 : i32 to vector<16xi32>
      %eq3A_1122 = arith.cmpi eq, %shift_right_logical3A_984, %eq3A_1121 : vector<16xi32>
      %jit3A_1123 = arith.constant 1.000000e+00 : f32
      %jit3A_1124 = arith.constant 0.000000e+00 : f32
      %broadcast_in_dim3A_1125 = vector.broadcast %jit3A_1123 : f32 to vector<16xf32>
      %broadcast_in_dim3A_1126 = vector.broadcast %jit3A_1124 : f32 to vector<16xf32>
      %select_n3A_1127 = arith.select %eq3A_1122, %broadcast_in_dim3A_1125, %broadcast_in_dim3A_1126 : vector<16xi1>, vector<16xf32>
      tpu.vector_store_idx %arg7[%select_n3A_1000, %and3A_987], %select_n3A_1127 masked %and3A_994 : memref<9x128xf32, #tpu.memory_space<vmem>>[vector<16xi32>, vector<16xi32>], vector<16xf32>, vector<16xi1>
      %add3A_1128 = arith.constant 24 : i32
      %add3A_1129 = arith.addi %mul3A_2, %add3A_1128 : i32
      %mul3A_1130 = arith.constant 128 : i32
      %mul3A_1131 = arith.muli %reduce_sum3A_1070, %mul3A_1130 : i32
      %dma_start3A_1132 = arith.constant 0 : i32
      %dma_start3A_1133 = arith.constant 0 : i32
      %dma_start3A_1134 = tpu.memref_slice %arg7[%dma_start3A_1132, %dma_start3A_1133] : memref<9x128xf32, #tpu.memory_space<vmem>> -> memref<8x128xf32, #tpu.memory_space<vmem>>
      %dma_start3A_1135 = tpu.memref_slice %arg4[%add3A_1129, %mul3A_1131] : memref<1024x100000xf32, #tpu.memory_space<hbm>> -> memref<8x128xf32, #tpu.memory_space<hbm>>
      %dma_start3A_1136 = tpu.memref_slice %arg4[%add3A_1129, %mul3A_1131] : memref<1024x100000xf32, #tpu.memory_space<hbm>> -> memref<8x128xf32, #tpu.memory_space<hbm>>
      %dma_start3A_1137 = arith.constant 0 : i32
      %dma_start3A_1138 = arith.constant 0 : i32
      %dma_start3A_1139 = tpu.memref_slice %arg7[%dma_start3A_1137, %dma_start3A_1138] : memref<9x128xf32, #tpu.memory_space<vmem>> -> memref<8x128xf32, #tpu.memory_space<vmem>>
      tpu.enqueue_dma source(%dma_start3A_1139 : memref<8x128xf32, #tpu.memory_space<vmem>>) target(%dma_start3A_1136 : memref<8x128xf32, #tpu.memory_space<hbm>>) target_semaphore(%arg9 : memref<!tpu.dma_semaphore, #tpu.memory_space<semaphore_mem>>)
      %dma_wait3A_1140 = arith.constant 0 : i32
      %dma_wait3A_1141 = arith.constant 0 : i32
      %dma_wait3A_1142 = tpu.memref_slice %arg7[%dma_wait3A_1140, %dma_wait3A_1141] : memref<9x128xf32, #tpu.memory_space<vmem>> -> memref<8x128xf32, #tpu.memory_space<vmem>>
      %dma_wait3A_1143 = tpu.memref_slice %arg4[%add3A_1129, %mul3A_1131] : memref<1024x100000xf32, #tpu.memory_space<hbm>> -> memref<8x128xf32, #tpu.memory_space<hbm>>
      %dma_wait3A_1144 = tpu.memref_slice %arg4[%add3A_1129, %mul3A_1131] : memref<1024x100000xf32, #tpu.memory_space<hbm>> -> memref<8x128xf32, #tpu.memory_space<hbm>>
      %dma_wait3A_1145 = arith.constant 0 : i32
      %dma_wait3A_1146 = arith.constant 0 : i32
      %dma_wait3A_1147 = tpu.memref_slice %arg7[%dma_wait3A_1145, %dma_wait3A_1146] : memref<9x128xf32, #tpu.memory_space<vmem>> -> memref<8x128xf32, #tpu.memory_space<vmem>>
      tpu.wait_dma2 semaphore(%arg9 : memref<!tpu.dma_semaphore, #tpu.memory_space<semaphore_mem>>) src(%dma_wait3A_1147 : memref<8x128xf32, #tpu.memory_space<vmem>>) dst(%dma_wait3A_1144 : memref<8x128xf32, #tpu.memory_space<hbm>>)
      tpu.vector_store_idx %arg7[%select_n3A_1000, %and3A_987], %broadcast_in_dim3A_313 masked %and3A_994 : memref<9x128xf32, #tpu.memory_space<vmem>>[vector<16xi32>, vector<16xi32>], vector<16xf32>, vector<16xi1>
    } else {
    }
    %eq3A_1076 = arith.constant 13 : i32
    %eq3A_1077 = vector.broadcast %eq3A_1076 : i32 to vector<16xi32>
    %eq3A_1078 = arith.cmpi eq, %iota3A, %eq3A_1077 : vector<16xi32>
    %jit3A_1079 = arith.constant 0 : i32
    %broadcast_in_dim3A_1080 = vector.broadcast %jit3A_1079 : i32 to vector<16xi32>
    %select_n3A_1081 = arith.select %eq3A_1078, %shift_right_logical3A_984, %broadcast_in_dim3A_1080 : vector<16xi1>, vector<16xi32>
    %reduce_sum3A_1082 = arith.constant true
    %reduce_sum3A_1083 = vector.broadcast %reduce_sum3A_1082 : i1 to vector<16xi1>
    %reduce_sum3A_1084 = tpu.scan <sum>, %select_n3A_1081 masked %reduce_sum3A_1083 : vector<16xi32>, vector<16xi1> -> vector<16xi32>
    %reduce_sum3A_1085 = vector.extract %reduce_sum3A_1084[15] : i32 from vector<16xi32>
    %lt3A_1086 = arith.constant 781 : i32
    %lt3A_1087 = arith.cmpi slt, %reduce_sum3A_1085, %lt3A_1086 : i32
    %convert_element_type3A_1088 = arith.extui %lt3A_1087 : i1 to i32
    %cond3A_1089 = arith.constant 0 : i32
    %cond3A_1090 = arith.cmpi ne, %convert_element_type3A_1088, %cond3A_1089 : i32
    scf.if %cond3A_1090 {
      %eq3A_1121 = vector.broadcast %reduce_sum3A_1085 : i32 to vector<16xi32>
      %eq3A_1122 = arith.cmpi eq, %shift_right_logical3A_984, %eq3A_1121 : vector<16xi32>
      %jit3A_1123 = arith.constant 1.000000e+00 : f32
      %jit3A_1124 = arith.constant 0.000000e+00 : f32
      %broadcast_in_dim3A_1125 = vector.broadcast %jit3A_1123 : f32 to vector<16xf32>
      %broadcast_in_dim3A_1126 = vector.broadcast %jit3A_1124 : f32 to vector<16xf32>
      %select_n3A_1127 = arith.select %eq3A_1122, %broadcast_in_dim3A_1125, %broadcast_in_dim3A_1126 : vector<16xi1>, vector<16xf32>
      tpu.vector_store_idx %arg7[%select_n3A_1000, %and3A_987], %select_n3A_1127 masked %and3A_994 : memref<9x128xf32, #tpu.memory_space<vmem>>[vector<16xi32>, vector<16xi32>], vector<16xf32>, vector<16xi1>
      %add3A_1128 = arith.constant 24 : i32
      %add3A_1129 = arith.addi %mul3A_2, %add3A_1128 : i32
      %mul3A_1130 = arith.constant 128 : i32
      %mul3A_1131 = arith.muli %reduce_sum3A_1085, %mul3A_1130 : i32
      %dma_start3A_1132 = arith.constant 0 : i32
      %dma_start3A_1133 = arith.constant 0 : i32
      %dma_start3A_1134 = tpu.memref_slice %arg7[%dma_start3A_1132, %dma_start3A_1133] : memref<9x128xf32, #tpu.memory_space<vmem>> -> memref<8x128xf32, #tpu.memory_space<vmem>>
      %dma_start3A_1135 = tpu.memref_slice %arg4[%add3A_1129, %mul3A_1131] : memref<1024x100000xf32, #tpu.memory_space<hbm>> -> memref<8x128xf32, #tpu.memory_space<hbm>>
      %dma_start3A_1136 = tpu.memref_slice %arg4[%add3A_1129, %mul3A_1131] : memref<1024x100000xf32, #tpu.memory_space<hbm>> -> memref<8x128xf32, #tpu.memory_space<hbm>>
      %dma_start3A_1137 = arith.constant 0 : i32
      %dma_start3A_1138 = arith.constant 0 : i32
      %dma_start3A_1139 = tpu.memref_slice %arg7[%dma_start3A_1137, %dma_start3A_1138] : memref<9x128xf32, #tpu.memory_space<vmem>> -> memref<8x128xf32, #tpu.memory_space<vmem>>
      tpu.enqueue_dma source(%dma_start3A_1139 : memref<8x128xf32, #tpu.memory_space<vmem>>) target(%dma_start3A_1136 : memref<8x128xf32, #tpu.memory_space<hbm>>) target_semaphore(%arg9 : memref<!tpu.dma_semaphore, #tpu.memory_space<semaphore_mem>>)
      %dma_wait3A_1140 = arith.constant 0 : i32
      %dma_wait3A_1141 = arith.constant 0 : i32
      %dma_wait3A_1142 = tpu.memref_slice %arg7[%dma_wait3A_1140, %dma_wait3A_1141] : memref<9x128xf32, #tpu.memory_space<vmem>> -> memref<8x128xf32, #tpu.memory_space<vmem>>
      %dma_wait3A_1143 = tpu.memref_slice %arg4[%add3A_1129, %mul3A_1131] : memref<1024x100000xf32, #tpu.memory_space<hbm>> -> memref<8x128xf32, #tpu.memory_space<hbm>>
      %dma_wait3A_1144 = tpu.memref_slice %arg4[%add3A_1129, %mul3A_1131] : memref<1024x100000xf32, #tpu.memory_space<hbm>> -> memref<8x128xf32, #tpu.memory_space<hbm>>
      %dma_wait3A_1145 = arith.constant 0 : i32
      %dma_wait3A_1146 = arith.constant 0 : i32
      %dma_wait3A_1147 = tpu.memref_slice %arg7[%dma_wait3A_1145, %dma_wait3A_1146] : memref<9x128xf32, #tpu.memory_space<vmem>> -> memref<8x128xf32, #tpu.memory_space<vmem>>
      tpu.wait_dma2 semaphore(%arg9 : memref<!tpu.dma_semaphore, #tpu.memory_space<semaphore_mem>>) src(%dma_wait3A_1147 : memref<8x128xf32, #tpu.memory_space<vmem>>) dst(%dma_wait3A_1144 : memref<8x128xf32, #tpu.memory_space<hbm>>)
      tpu.vector_store_idx %arg7[%select_n3A_1000, %and3A_987], %broadcast_in_dim3A_313 masked %and3A_994 : memref<9x128xf32, #tpu.memory_space<vmem>>[vector<16xi32>, vector<16xi32>], vector<16xf32>, vector<16xi1>
    } else {
    }
    %eq3A_1091 = arith.constant 14 : i32
    %eq3A_1092 = vector.broadcast %eq3A_1091 : i32 to vector<16xi32>
    %eq3A_1093 = arith.cmpi eq, %iota3A, %eq3A_1092 : vector<16xi32>
    %jit3A_1094 = arith.constant 0 : i32
    %broadcast_in_dim3A_1095 = vector.broadcast %jit3A_1094 : i32 to vector<16xi32>
    %select_n3A_1096 = arith.select %eq3A_1093, %shift_right_logical3A_984, %broadcast_in_dim3A_1095 : vector<16xi1>, vector<16xi32>
    %reduce_sum3A_1097 = arith.constant true
    %reduce_sum3A_1098 = vector.broadcast %reduce_sum3A_1097 : i1 to vector<16xi1>
    %reduce_sum3A_1099 = tpu.scan <sum>, %select_n3A_1096 masked %reduce_sum3A_1098 : vector<16xi32>, vector<16xi1> -> vector<16xi32>
    %reduce_sum3A_1100 = vector.extract %reduce_sum3A_1099[15] : i32 from vector<16xi32>
    %lt3A_1101 = arith.constant 781 : i32
    %lt3A_1102 = arith.cmpi slt, %reduce_sum3A_1100, %lt3A_1101 : i32
    %convert_element_type3A_1103 = arith.extui %lt3A_1102 : i1 to i32
    %cond3A_1104 = arith.constant 0 : i32
    %cond3A_1105 = arith.cmpi ne, %convert_element_type3A_1103, %cond3A_1104 : i32
    scf.if %cond3A_1105 {
      %eq3A_1121 = vector.broadcast %reduce_sum3A_1100 : i32 to vector<16xi32>
      %eq3A_1122 = arith.cmpi eq, %shift_right_logical3A_984, %eq3A_1121 : vector<16xi32>
      %jit3A_1123 = arith.constant 1.000000e+00 : f32
      %jit3A_1124 = arith.constant 0.000000e+00 : f32
      %broadcast_in_dim3A_1125 = vector.broadcast %jit3A_1123 : f32 to vector<16xf32>
      %broadcast_in_dim3A_1126 = vector.broadcast %jit3A_1124 : f32 to vector<16xf32>
      %select_n3A_1127 = arith.select %eq3A_1122, %broadcast_in_dim3A_1125, %broadcast_in_dim3A_1126 : vector<16xi1>, vector<16xf32>
      tpu.vector_store_idx %arg7[%select_n3A_1000, %and3A_987], %select_n3A_1127 masked %and3A_994 : memref<9x128xf32, #tpu.memory_space<vmem>>[vector<16xi32>, vector<16xi32>], vector<16xf32>, vector<16xi1>
      %add3A_1128 = arith.constant 24 : i32
      %add3A_1129 = arith.addi %mul3A_2, %add3A_1128 : i32
      %mul3A_1130 = arith.constant 128 : i32
      %mul3A_1131 = arith.muli %reduce_sum3A_1100, %mul3A_1130 : i32
      %dma_start3A_1132 = arith.constant 0 : i32
      %dma_start3A_1133 = arith.constant 0 : i32
      %dma_start3A_1134 = tpu.memref_slice %arg7[%dma_start3A_1132, %dma_start3A_1133] : memref<9x128xf32, #tpu.memory_space<vmem>> -> memref<8x128xf32, #tpu.memory_space<vmem>>
      %dma_start3A_1135 = tpu.memref_slice %arg4[%add3A_1129, %mul3A_1131] : memref<1024x100000xf32, #tpu.memory_space<hbm>> -> memref<8x128xf32, #tpu.memory_space<hbm>>
      %dma_start3A_1136 = tpu.memref_slice %arg4[%add3A_1129, %mul3A_1131] : memref<1024x100000xf32, #tpu.memory_space<hbm>> -> memref<8x128xf32, #tpu.memory_space<hbm>>
      %dma_start3A_1137 = arith.constant 0 : i32
      %dma_start3A_1138 = arith.constant 0 : i32
      %dma_start3A_1139 = tpu.memref_slice %arg7[%dma_start3A_1137, %dma_start3A_1138] : memref<9x128xf32, #tpu.memory_space<vmem>> -> memref<8x128xf32, #tpu.memory_space<vmem>>
      tpu.enqueue_dma source(%dma_start3A_1139 : memref<8x128xf32, #tpu.memory_space<vmem>>) target(%dma_start3A_1136 : memref<8x128xf32, #tpu.memory_space<hbm>>) target_semaphore(%arg9 : memref<!tpu.dma_semaphore, #tpu.memory_space<semaphore_mem>>)
      %dma_wait3A_1140 = arith.constant 0 : i32
      %dma_wait3A_1141 = arith.constant 0 : i32
      %dma_wait3A_1142 = tpu.memref_slice %arg7[%dma_wait3A_1140, %dma_wait3A_1141] : memref<9x128xf32, #tpu.memory_space<vmem>> -> memref<8x128xf32, #tpu.memory_space<vmem>>
      %dma_wait3A_1143 = tpu.memref_slice %arg4[%add3A_1129, %mul3A_1131] : memref<1024x100000xf32, #tpu.memory_space<hbm>> -> memref<8x128xf32, #tpu.memory_space<hbm>>
      %dma_wait3A_1144 = tpu.memref_slice %arg4[%add3A_1129, %mul3A_1131] : memref<1024x100000xf32, #tpu.memory_space<hbm>> -> memref<8x128xf32, #tpu.memory_space<hbm>>
      %dma_wait3A_1145 = arith.constant 0 : i32
      %dma_wait3A_1146 = arith.constant 0 : i32
      %dma_wait3A_1147 = tpu.memref_slice %arg7[%dma_wait3A_1145, %dma_wait3A_1146] : memref<9x128xf32, #tpu.memory_space<vmem>> -> memref<8x128xf32, #tpu.memory_space<vmem>>
      tpu.wait_dma2 semaphore(%arg9 : memref<!tpu.dma_semaphore, #tpu.memory_space<semaphore_mem>>) src(%dma_wait3A_1147 : memref<8x128xf32, #tpu.memory_space<vmem>>) dst(%dma_wait3A_1144 : memref<8x128xf32, #tpu.memory_space<hbm>>)
      tpu.vector_store_idx %arg7[%select_n3A_1000, %and3A_987], %broadcast_in_dim3A_313 masked %and3A_994 : memref<9x128xf32, #tpu.memory_space<vmem>>[vector<16xi32>, vector<16xi32>], vector<16xf32>, vector<16xi1>
    } else {
    }
    %eq3A_1106 = arith.constant 15 : i32
    %eq3A_1107 = vector.broadcast %eq3A_1106 : i32 to vector<16xi32>
    %eq3A_1108 = arith.cmpi eq, %iota3A, %eq3A_1107 : vector<16xi32>
    %jit3A_1109 = arith.constant 0 : i32
    %broadcast_in_dim3A_1110 = vector.broadcast %jit3A_1109 : i32 to vector<16xi32>
    %select_n3A_1111 = arith.select %eq3A_1108, %shift_right_logical3A_984, %broadcast_in_dim3A_1110 : vector<16xi1>, vector<16xi32>
    %reduce_sum3A_1112 = arith.constant true
    %reduce_sum3A_1113 = vector.broadcast %reduce_sum3A_1112 : i1 to vector<16xi1>
    %reduce_sum3A_1114 = tpu.scan <sum>, %select_n3A_1111 masked %reduce_sum3A_1113 : vector<16xi32>, vector<16xi1> -> vector<16xi32>
    %reduce_sum3A_1115 = vector.extract %reduce_sum3A_1114[15] : i32 from vector<16xi32>
    %lt3A_1116 = arith.constant 781 : i32
    %lt3A_1117 = arith.cmpi slt, %reduce_sum3A_1115, %lt3A_1116 : i32
    %convert_element_type3A_1118 = arith.extui %lt3A_1117 : i1 to i32
    %cond3A_1119 = arith.constant 0 : i32
    %cond3A_1120 = arith.cmpi ne, %convert_element_type3A_1118, %cond3A_1119 : i32
    scf.if %cond3A_1120 {
      %eq3A_1121 = vector.broadcast %reduce_sum3A_1115 : i32 to vector<16xi32>
      %eq3A_1122 = arith.cmpi eq, %shift_right_logical3A_984, %eq3A_1121 : vector<16xi32>
      %jit3A_1123 = arith.constant 1.000000e+00 : f32
      %jit3A_1124 = arith.constant 0.000000e+00 : f32
      %broadcast_in_dim3A_1125 = vector.broadcast %jit3A_1123 : f32 to vector<16xf32>
      %broadcast_in_dim3A_1126 = vector.broadcast %jit3A_1124 : f32 to vector<16xf32>
      %select_n3A_1127 = arith.select %eq3A_1122, %broadcast_in_dim3A_1125, %broadcast_in_dim3A_1126 : vector<16xi1>, vector<16xf32>
      tpu.vector_store_idx %arg7[%select_n3A_1000, %and3A_987], %select_n3A_1127 masked %and3A_994 : memref<9x128xf32, #tpu.memory_space<vmem>>[vector<16xi32>, vector<16xi32>], vector<16xf32>, vector<16xi1>
      %add3A_1128 = arith.constant 24 : i32
      %add3A_1129 = arith.addi %mul3A_2, %add3A_1128 : i32
      %mul3A_1130 = arith.constant 128 : i32
      %mul3A_1131 = arith.muli %reduce_sum3A_1115, %mul3A_1130 : i32
      %dma_start3A_1132 = arith.constant 0 : i32
      %dma_start3A_1133 = arith.constant 0 : i32
      %dma_start3A_1134 = tpu.memref_slice %arg7[%dma_start3A_1132, %dma_start3A_1133] : memref<9x128xf32, #tpu.memory_space<vmem>> -> memref<8x128xf32, #tpu.memory_space<vmem>>
      %dma_start3A_1135 = tpu.memref_slice %arg4[%add3A_1129, %mul3A_1131] : memref<1024x100000xf32, #tpu.memory_space<hbm>> -> memref<8x128xf32, #tpu.memory_space<hbm>>
      %dma_start3A_1136 = tpu.memref_slice %arg4[%add3A_1129, %mul3A_1131] : memref<1024x100000xf32, #tpu.memory_space<hbm>> -> memref<8x128xf32, #tpu.memory_space<hbm>>
      %dma_start3A_1137 = arith.constant 0 : i32
      %dma_start3A_1138 = arith.constant 0 : i32
      %dma_start3A_1139 = tpu.memref_slice %arg7[%dma_start3A_1137, %dma_start3A_1138] : memref<9x128xf32, #tpu.memory_space<vmem>> -> memref<8x128xf32, #tpu.memory_space<vmem>>
      tpu.enqueue_dma source(%dma_start3A_1139 : memref<8x128xf32, #tpu.memory_space<vmem>>) target(%dma_start3A_1136 : memref<8x128xf32, #tpu.memory_space<hbm>>) target_semaphore(%arg9 : memref<!tpu.dma_semaphore, #tpu.memory_space<semaphore_mem>>)
      %dma_wait3A_1140 = arith.constant 0 : i32
      %dma_wait3A_1141 = arith.constant 0 : i32
      %dma_wait3A_1142 = tpu.memref_slice %arg7[%dma_wait3A_1140, %dma_wait3A_1141] : memref<9x128xf32, #tpu.memory_space<vmem>> -> memref<8x128xf32, #tpu.memory_space<vmem>>
      %dma_wait3A_1143 = tpu.memref_slice %arg4[%add3A_1129, %mul3A_1131] : memref<1024x100000xf32, #tpu.memory_space<hbm>> -> memref<8x128xf32, #tpu.memory_space<hbm>>
      %dma_wait3A_1144 = tpu.memref_slice %arg4[%add3A_1129, %mul3A_1131] : memref<1024x100000xf32, #tpu.memory_space<hbm>> -> memref<8x128xf32, #tpu.memory_space<hbm>>
      %dma_wait3A_1145 = arith.constant 0 : i32
      %dma_wait3A_1146 = arith.constant 0 : i32
      %dma_wait3A_1147 = tpu.memref_slice %arg7[%dma_wait3A_1145, %dma_wait3A_1146] : memref<9x128xf32, #tpu.memory_space<vmem>> -> memref<8x128xf32, #tpu.memory_space<vmem>>
      tpu.wait_dma2 semaphore(%arg9 : memref<!tpu.dma_semaphore, #tpu.memory_space<semaphore_mem>>) src(%dma_wait3A_1147 : memref<8x128xf32, #tpu.memory_space<vmem>>) dst(%dma_wait3A_1144 : memref<8x128xf32, #tpu.memory_space<hbm>>)
      tpu.vector_store_idx %arg7[%select_n3A_1000, %and3A_987], %broadcast_in_dim3A_313 masked %and3A_994 : memref<9x128xf32, #tpu.memory_space<vmem>>[vector<16xi32>, vector<16xi32>], vector<16xf32>, vector<16xi1>
    } else {
    }
    return
  }
}

module attributes {stable_mosaic.version = 14 : i64} {
  func.func @_edge_body(%arg0: i32, %arg1: memref<1024x100000xf32, #tpu.memory_space<any>>, %arg2: memref<8x1xi32, #tpu.memory_space<vmem>>, %arg3: memref<8x128xf32, #tpu.memory_space<vmem>>) attributes {dimension_semantics = [#tpu.dimension_semantics<arbitrary>], iteration_bounds = array<i64: 128>, scalar_prefetch = 0 : i64, scratch_operands = 0 : i64, tpu.core_type = #tpu.core_type<tc>, window_params = [{}, {transform_indices = @transform_1, window_bounds = array<i64: 8, 1>}, {transform_indices = @transform_2, window_bounds = array<i64: 8, 128>}]} {
    %iota3A = tpu.iota {dimensions = array<i32: 1>} : vector<8x128xi32>
    %add3A = arith.constant 99968 : i32
    %add3A_0 = vector.broadcast %add3A : i32 to vector<8x128xi32>
    %add3A_1 = arith.addi %iota3A, %add3A_0 : vector<8x128xi32>
    %get3A = arith.constant 0 : index
    %get3A_2 = arith.constant 0 : index
    %get3A_3 = vector.load %arg2[%get3A, %get3A_2] : memref<8x1xi32, #tpu.memory_space<vmem>>, vector<8x1xi32>
    %eq3A = vector.broadcast %get3A_3 : vector<8x1xi32> to vector<8x128xi32>
    %eq3A_4 = arith.cmpi eq, %add3A_1, %eq3A : vector<8x128xi32>
    %convert_element_type3A = arith.extui %eq3A_4 : vector<8x128xi1> to vector<8x128xi32>
    %convert_element_type3A_5 = arith.sitofp %convert_element_type3A : vector<8x128xi32> to vector<8x128xf32>
    %swap3A = arith.constant 0 : index
    %swap3A_6 = arith.constant 0 : index
    %swap3A_7 = vector.load %arg3[%swap3A, %swap3A_6] : memref<8x128xf32, #tpu.memory_space<vmem>>, vector<8x128xf32>
    tpu.vector_store %arg3[%swap3A, %swap3A_6], %convert_element_type3A_5 {strides = array<i32>} : memref<8x128xf32, #tpu.memory_space<vmem>>, vector<8x128xf32>,
    return
  }
  func.func @transform_1(%arg0: i32) -> (i32, i32) {
    %c0_i32 = arith.constant 0 : i32
    %c0_i32_0 = arith.constant 0 : i32
    return %arg0, %c0_i32 : i32, i32
  }
  func.func @transform_2(%arg0: i32) -> (i32, i32) {
    %c781_i32 = arith.constant 781 : i32
    %c0_i32 = arith.constant 0 : i32
    return %arg0, %c781_i32 : i32, i32
  }
}

</mosaic_0001>

<sc_bundles>
// kernel: kernel.4.cloned.1.call-start
scs
__scs_entry_jumppad:
0x0: {  	(pc) =	sbr.rel $0x88, $3  }
0x1: {  	(tag) =	ssettag $0x0;
	lr =	simm.s32 $0x1  }
0x2: {  	[smem:$0x3F9F] =	sst lr;
	_ =	strace $0xD0000000  }
0x3: {  	_ = 	snop  }
0x4: {  	_ = 	snop  }
0x5: {  	_ = 	snop  }
0x6: {  	_ = 	snop  }
0x7: {  	_ = 	snop  }
__scs_overlays_trampoline_lowered:
0x8: {  	[smem:$0x3FAE] =	sst s0  }
0x9: {  	[smem:$0x3FAF] =	sst s1  }
0xa: {  	[smem:$0x3FB0] =	sst s2  }
0xb: {  	[smem:$0x3FB1] =	sst s3  }
0xc: {  	[smem:$0x3FB2] =	sst s4  }
0xd: {  	[smem:$0x3FB3] =	sst s5  }
0xe: {  	[smem:$0x3FB4] =	sst s6  }
0xf: {  	[smem:$0x3FB5] =	sst s7  }
0x10: {  	[smem:$0x3FB6] =	sst s8  }
0x11: {  	[smem:$0x3FB7] =	sst s9;
	s0 =	simm.s32 @!p0 $0x0  }
0x12: {  	s1 =	sld [smem:$0x3F9D];
	s0 =	simm.s32 @p0 $0x1  }
0x13: {  	[smem:$0x3FB8] =	sst s0;
	s0 =	simm.s32 @!p1 $0x0  }
0x14: {  	s2 =	sld [smem:$0x3F9C];
	s0 =	simm.s32 @p1 $0x1  }
0x15: {  	[smem:$0x3FB9] =	sst s0;
	s0 =	simm.s32 @!p2 $0x0  }
0x16: {  	s3 =	sld [smem:$0x3FDB];
	s0 =	simm.s32 @p2 $0x1  }
0x17: {  	s4 =	simm.s32 $0x1BF5;
	[smem:$0x3FBB] =	sst s0  }
0x18: {  	s0 =	sld [smem:$0x3F9E];
	_ =	swait.ge [sflag:s4], $0x0  }
0x19: {  	s7 =	sld [smem:$0x3F9F]  }
0x1a: {  	s8 =	sadd.s32 $0xFFFFE003, lr  }
0x1b: {  	s9 =	sadd.s32 $0xFFFFFEF7, lr;
	s5 =	simm.s32 $0xFFFFFFFF;
	p2 =	slt.u32 s8, $0xFFFFF086  }
0x1c: {  	p1 =	slt.u32 s9, $0xF7A;
	s5 =	simm.s32 @!p2 $0x0  }
0x1d: {  	s5 =	simm.s32 @p1 $0x1;
	p0 =	seq.s32 s7, s2  }
0x1e: {  	s7 =	smul.u32 @!p0 $0xF7A, s2;
	p2 =	seq.s32 @!p0 s5, $0x0  }
0x1f: {  	s9 =	smul.u32 $0xF7A, s1;
	s8 =	simm.s32 @!p0 $0x1BF5;
	p2 =	por !p2, p0  }
0x20: {  	[sflag:s8] =	ssyncset.s32 @!p0 $0xFFFFF086;
	s6 =	sadd.s32 @!p0 s3, s7;
	s7 =	simm.s32 @!p0 $0x108  }
0x21: {  	s3 =	sadd.s32 s3, s9;
	s6 =	sadd.s32 @!p0 $0x88, s6;
	s7 =	simm.s32 @p2 $0x1082  }
0x22: {  	[simem:s7], [sflag:s8] =	dma.local @!p0 [hbm:s6], $0xF7A  }
0x23: {  	s9 =	sor.u32 $0xD0000000, s2;
	s6 =	simm.s32 $0x108;
	_ =	swait.ge @!p0 [sflag:s8], $0x0  }
0x24: {  	s3 =	sadd.s32 $0x88, s3;
	s6 =	simm.s32 @!p1 $0x1082;
	[sflag:s4] =	ssyncset.s32 $0xFFFFF086  }
0x25: {  	[simem:s6], [sflag:s4] =	dma.local [hbm:s3], $0xF7A  }
0x26: {  	[smem:$0x3F9F] =	sst s1;
	(tag) =	ssettag s2;
	_ =	strace s9  }
0x27: {  	s1 =	sld [smem:$0x3FAF]  }
0x28: {  	s2 =	sld [smem:$0x3FB0]  }
0x29: {  	s4 =	sld [smem:$0x3FB2]  }
0x2a: {  	p0 =	seq.s32 s5, $0x0;
	s5 =	sld [smem:$0x3FB3]  }
0x2b: {  	s6 =	sld [smem:$0x3FB4]  }
0x2c: {  	s7 =	sld [smem:$0x3FB5]  }
0x2d: {  	s3 =	simm.s32 $0x108;
	s8 =	sld [smem:$0x3FB6]  }
0x2e: {  	s3 =	simm.s32 @!p0 $0x1082;
	s9 =	sld [smem:$0x3FB7]  }
0x2f: {  	lr =	sadd.s32 s0, s3;
	s0 =	sld [smem:$0x3FAE]  }
0x30: {  	s3 =	sld [smem:$0x3FB1]  }
0x31: {  	[smem:$0x3FBA] =	sst s10  }
0x32: {  	s10 =	sld [smem:$0x3FB8];
	_ =	sdelay $0x3  }
0x33: {  	p0 =	seq.s32 s10, $0x1;
	s10 =	sld [smem:$0x3FBA];
	_ =	sdelay $0x3  }
0x34: {  	[smem:$0x3FBA] =	sst s10  }
0x35: {  	s10 =	sld [smem:$0x3FB9];
	_ =	sdelay $0x3  }
0x36: {  	p1 =	seq.s32 s10, $0x1;
	s10 =	sld [smem:$0x3FBA];
	_ =	sdelay $0x3  }
0x37: {  	[smem:$0x3FBA] =	sst s10  }
0x38: {  	s10 =	sld [smem:$0x3FBB]  }
0x39: {  	_ = 	snop;
	(pc) =	sbr.ind lr, $3  }
0x3a: {  	_ = 	snop  }
0x3b: {  	_ = 	snop  }
0x3c: {  	p2 =	seq.s32 s10, $0x1;
	s10 =	sld [smem:$0x3FBA]  }
0x3d: {  	_ =	shalt  }
0x3e: {  	_ =	shalt  }
0x3f: {  	_ =	shalt  }
0x40: {  	_ =	shalt  }
0x41: {  	_ =	shalt  }
0x42: {  	_ =	shalt  }
0x43: {  	_ =	shalt  }
0x44: {  	_ =	shalt  }
0x45: {  	_ =	shalt  }
0x46: {  	_ =	shalt  }
0x47: {  	_ =	shalt  }
0x48: {  	_ =	shalt  }
0x49: {  	_ =	shalt  }
0x4a: {  	_ =	shalt  }
0x4b: {  	_ =	shalt  }
0x4c: {  	_ =	shalt  }
0x4d: {  	_ =	shalt  }
0x4e: {  	_ =	shalt  }
0x4f: {  	_ =	shalt  }
0x50: {  	_ =	shalt  }
0x51: {  	_ =	shalt  }
0x52: {  	_ =	shalt  }
0x53: {  	_ =	shalt  }
0x54: {  	_ =	shalt  }
0x55: {  	_ =	shalt  }
0x56: {  	_ =	shalt  }
0x57: {  	_ =	shalt  }
0x58: {  	_ =	shalt  }
0x59: {  	_ =	shalt  }
0x5a: {  	_ =	shalt  }
0x5b: {  	_ =	shalt  }
0x5c: {  	_ =	shalt  }
0x5d: {  	_ =	shalt  }
0x5e: {  	_ =	shalt  }
0x5f: {  	_ =	shalt  }
0x60: {  	_ =	shalt  }
0x61: {  	_ =	shalt  }
0x62: {  	_ =	shalt  }
0x63: {  	_ =	shalt  }
0x64: {  	_ =	shalt  }
0x65: {  	_ =	shalt  }
0x66: {  	_ =	shalt  }
0x67: {  	_ =	shalt  }
0x68: {  	_ =	shalt  }
0x69: {  	_ =	shalt  }
0x6a: {  	_ =	shalt  }
0x6b: {  	_ =	shalt  }
0x6c: {  	_ =	shalt  }
0x6d: {  	_ =	shalt  }
0x6e: {  	_ =	shalt  }
0x6f: {  	_ =	shalt  }
0x70: {  	_ =	shalt  }
0x71: {  	_ =	shalt  }
0x72: {  	_ =	shalt  }
0x73: {  	_ =	shalt  }
0x74: {  	_ =	shalt  }
0x75: {  	_ =	shalt  }
0x76: {  	_ =	shalt  }
0x77: {  	_ =	shalt  }
0x78: {  	_ =	shalt  }
0x79: {  	_ =	shalt  }
0x7a: {  	_ =	shalt  }
0x7b: {  	_ =	shalt  }
0x7c: {  	_ =	shalt  }
0x7d: {  	_ =	shalt  }
0x7e: {  	_ =	shalt  }
0x7f: {  	_ =	shalt  }
0x80: {  	_ =	shalt  }
0x81: {  	_ =	shalt  }
0x82: {  	_ =	shalt  }
0x83: {  	_ =	shalt  }
0x84: {  	_ =	shalt  }
0x85: {  	_ =	shalt  }
0x86: {  	_ =	shalt  }
0x87: {  	_ =	shalt  }
.Lfunc_end0:
.L_simem_size_0:
called_computation_lowered:
.L_overlay_start_0:
0x88: {  	s2 =	sld [smem:$0x3FD9]  }
0x89: {  	s3 =	sld [smem:$0x3FFE];
	_ =	sdelay $0x1  }
0x8a: {  	s1 =	srdreg.scid  }
0x8b: {  	s0 =	sand.u32 $0x1, s1  }
0x8c: {  	s15 =	sshll.u32 s0, $0xA;
	s2 =	sadd.s32 s3, s2  }
0x8d: {  	s2 =	sadd.s32 s2, s15  }
0x8e: {  	[smem:$0x3FC6] =	sst s2  }
0x8f: {  	_ = 	snop  }
0x90: {  	s2 =	sld [smem:$0x3FD0];
	_ =	sdelay $0x2  }
0x91: {  	s4 =	simm.s32 $0xA;
	s5 =	simm.s32 $0x10;
	s16 =	sld [smem:$0x3FC8]  }
0x92: {  	[smem:s5], [sflag:s4] =	dma.local [hbm:s2], $0x1  }
0x93: {  	_ =	swait.eq [sflag:s4], $0x1  }
0x94: {  	[sflag:s4] =	ssyncset.done $0x0  }
0x95: {  	s17 =	sld [smem:$0x10];
	[sflag:s4] =	ssyncadd.s32 $0xFFFFFFFF  }
0x96: {  	s18 =	sld [smem:$0x11];
	(tm) =	ssettm $0x1  }
0x97: {  	s19 =	sld [smem:$0x3FFB];
	_ =	sdelay $0x3  }
0x98: {  	_ =	strace s19  }
0x99: {  	s5 =	sld [smem:$0x3FFC];
	_ =	sdelay $0x3  }
0x9a: {  	_ =	strace s5  }
0x9b: {  	s5 =	sld [smem:$0x3FFD];
	_ =	sdelay $0x3  }
0x9c: {  	_ =	strace s5  }
0x9d: {  	_ =	strace $0x8FFFFFFF  }
0x9e: {  	s20 =	sld [smem:$0x3FDB];
	_ =	sdelay $0x1  }
0x9f: {  	s6 =	simm.s32 $_scs_section_size  }
0xa0: {  	s7 =	simm.s32 $_size__tile_overlayer_lowered;
	s8 =	simm.s32 $_tile_overlayer_lowered  }
0xa1: {  	s23 =	simm.s32 $0x1BFF;
	s22 =	sshll.u32 s8, $0x1;
	s5 =	sadd.s32 s6, s20  }
0xa2: {  	s9 =	simm.s32 $0x0;
	s21 =	sshll.u32 s7, $0x1;
	s7 =	sadd.s32 s22, s5  }
0xa3: {  	[timem:s9], [sflag:s23] =	dma.local [hbm:s7], s21  }
0xa4: {  	_ =	swait.ge [sflag:s23], s21  }
0xa5: {  	s6 =	ssub.s32 $0x0, s21;
	[sflag:s23] =	ssyncset.done $0x0  }
0xa6: {  	[sflag:s23] =	ssyncadd.s32 s6;
	_ =	sdelay $0x1  }
0xa7: {  	s24 =	simm.s32 $0x1B8B  }
0xa8: {  	_ =	swait.ge [sflag:s24], $0x1  }
0xa9: {  	[sflag:s24] =	ssyncset.done $0x0  }
0xaa: {  	s25 =	simm.s32 $0x1B8E;
	[sflag:s24] =	ssyncadd.s32 $0xFFFFFFFF  }
0xab: {  	s26 =	simm.s32 $execute0_lowered;
	[smem:$0x3FD2] =	sst s25  }
0xac: {  	s6 =	sshll.u32 s26, $0x1;
	_ =	strace $0x80000046;
	[dreg:$0x1] =	wrdreg $0xFFFFFFFF  }
0xad: {  	s28 =	simm.s32 $_size_execute0_lowered;
	s5 =	sadd.s32 s5, s6;
	[dreg:$0x0] =	wrdreg $0x0  }
0xae: {  	s6 =	sshll.u32 s28, $0x1;
	[dreg:$0x2] =	wrdreg s5  }
0xaf: {  	[dreg:$0x3] =	wrdreg s6  }
0xb0: {  	[dreg:$0x4] =	wrdreg $0xC0  }
0xb1: {  	_ =	task [dreg:s9], $0x5FFFF  }
0xb2: {  	[dreg:$0x1] =	wrdreg $0xFFFFFFFF  }
0xb3: {  	[dreg:$0x0] =	wrdreg $0x60  }
0xb4: {  	[dreg:$0x2] =	wrdreg s18  }
0xb5: {  	[dreg:$0x3] =	wrdreg s16  }
0xb6: {  	[dreg:$0x4] =	wrdreg s17  }
0xb7: {  	[dreg:$0x5] =	wrdreg $0x9  }
0xb8: {  	_ =	task.clear_ibuf [dreg:s9], $0x6FFFF;
	_ =	strace $0x90000046  }
0xb9: {  	s29 =	simm.s32 $0x9;
	_ =	strace $0x80000048  }
0xba: {  	_ =	swait.ge [sflag:s29], $0x1  }
0xbb: {  	[sflag:s29] =	ssyncadd.s32 $0xFFFFFFFF  }
0xbc: {  	_ =	strace $0x90000048  }
0xbd: {  	_ =	sfence  }
0xbe: {  	s30 =	sld [smem:$0x0];
	_ =	sdelay $0x2  }
0xbf: {  	s31 =	sshll.u32 s1, $0xD;
	s1 =	sshrl.u32 s1, $0x2  }
0xc0: {  	s3 =	sand.u32 $0x4000, s31;
	s1 =	sadd.s32 s1, s30  }
0xc1: {  	s0 =	sor.u32 s3, s0;
	s1 =	sshll.u32 s1, $0x11  }
0xc2: {  	s0 =	sor.u32 s1, s0  }
0xc3: {  	s0 =	sadd.s32 $0x8F2B, s0  }
0xc4: {  	[sflag:s0] =	ssyncadd.remote.s32 $0x1  }
0xc5: {  	_ =	sfence.sel $0xFFFF  }
0xc6: {  	[dreg:$0x0] =	wrdreg $0xFFFFFFFF;
	(pc) =	sbr.abs _section_cstart, $3  }
0xc7: {  	[dreg:$0x1] =	wrdreg $0xFFFFFFFF  }
0xc8: {  	_ =	task.clear_ibuf [dreg:s9], $0x2FFFF;
	_ =	strace $0x9FFFFFFF  }
0xc9: {  	(tm) =	ssettm $0x7FFFFFFF  }
tec
execute0_lowered:
.L_overlay_start_1:
0x0: {  	(tag) =	ssettag $0x1  }
0x1: {  	s1 =	srdreg.scid  }
0x2: {  	s0 =	stileid.u32;
	s9 =	sand.u32 $0x1, s1  }
0x3: {  	s2 =	rddreg [dreg:$0x0];
	s19 =	sshll.u32 s0, $0x3;
	s20 =	sshll.u32 s9, $0x2  }
0x4: {  	s5 =	rddreg [dreg:$0x1];
	s6 =	sor.u32 s20, s19  }
0x5: {  	[dreg:$0x4] =	wrdreg s2;
	s3 =	smul.u32 $0xC3800, s6  }
0x6: {  	s2 =	rddreg [dreg:$0x2]  }
0x7: {  	s4 =	simm.s32 $0x0;
	s1 =	rddreg [dreg:$0x3];
	s7 =	sshrl.u32 s3, $0x3  }
0x8: {  	[smem:$0x7FF] =	sst s4;
	s6 =	sadd.s32 s5, s6;
	s5 =	sadd.s32 s2, s7  }
0x9: {  	_ =	strace $0x80000047;
	[dreg:$0x5] =	wrdreg s6;
	s21 =	sadd.s32 $0x3200, s5  }
0xa: {  	s22 =	sadd.s32 $0x6400, s5;
	[dreg:$0x6] =	wrdreg s21  }
0xb: {  	s23 =	sadd.s32 $0x9600, s5;
	[dreg:$0x7] =	wrdreg s22  }
0xc: {  	s24 =	sadd.s32 $0xC800, s5;
	[dreg:$0x8] =	wrdreg s23  }
0xd: {  	s25 =	sadd.s32 $0xFA00, s5;
	[dreg:$0x9] =	wrdreg s24  }
0xe: {  	s6 =	sadd.s32 $0xC3800, s3;
	s7 =	sadd.s32 $0x12C00, s5;
	[dreg:$0xa] =	wrdreg s25  }
0xf: {  	s8 =	sshrl.u32 s6, $0x3;
	s26 =	sadd.s32 $0x15E00, s5;
	[dreg:$0xb] =	wrdreg s7  }
0x10: {  	s28 =	sadd.s32 s2, s8;
	[dreg:$0xc] =	wrdreg s26  }
0x11: {  	s29 =	sadd.s32 $0x1B900, s5;
	[dreg:$0xd] =	wrdreg s28  }
0x12: {  	s30 =	sadd.s32 $0x1EB00, s5;
	[dreg:$0xe] =	wrdreg s29  }
0x13: {  	s31 =	sadd.s32 $0x21D00, s5;
	[dreg:$0xf] =	wrdreg s30  }
0x14: {  	s8 =	sadd.s32 $0x24F00, s5;
	[dreg:$0x10] =	wrdreg s31  }
0x15: {  	s10 =	sadd.s32 $0x28100, s5;
	[dreg:$0x11] =	wrdreg s8  }
0x16: {  	s11 =	sadd.s32 $0x2B300, s5;
	[dreg:$0x12] =	wrdreg s10  }
0x17: {  	s12 =	sadd.s32 $0x2E500, s5;
	[dreg:$0x13] =	wrdreg s11  }
0x18: {  	s14 =	sadd.s32 $0x34000, s5;
	[dreg:$0x14] =	wrdreg s12  }
0x19: {  	s15 =	sadd.s32 $0x37200, s5;
	[dreg:$0x16] =	wrdreg s14  }
0x1a: {  	s16 =	sadd.s32 $0x3A400, s5;
	[dreg:$0x17] =	wrdreg s15  }
0x1b: {  	s17 =	sadd.s32 $0x3D600, s5;
	[dreg:$0x18] =	wrdreg s16  }
0x1c: {  	s18 =	sadd.s32 $0x40800, s5;
	[dreg:$0x19] =	wrdreg s17  }
0x1d: {  	s19 =	sadd.s32 $0x43A00, s5;
	[dreg:$0x1a] =	wrdreg s18  }
0x1e: {  	s20 =	sadd.s32 $0x46C00, s5;
	[dreg:$0x1b] =	wrdreg s19  }
0x1f: {  	[dreg:$0x1c] =	wrdreg s20;
	s22 =	sadd.s32 $0x4C700, s5  }
0x20: {  	s23 =	sadd.s32 $0x4F900, s5;
	[dreg:$0x1e] =	wrdreg s22  }
0x21: {  	s9 =	ssub.s32 $0x2, s9;
	s24 =	sadd.s32 $0x52B00, s5;
	[dreg:$0x1f] =	wrdreg s23  }
0x22: {  	s7 =	sadd.s32 $0x187000, s3;
	s25 =	sadd.s32 $0x55D00, s5;
	[smem:$0x7F8] =	sst s24  }
0x23: {  	s8 =	sadd.s32 $0x24A800, s3;
	s26 =	sadd.s32 $0x58F00, s5;
	[smem:$0x7F9] =	sst s25  }
0x24: {  	v0 =	vimm.f32 $0.0e+00;
	vm0 =	vmmov $0x1;
	v1 =	vimm.s32 $0x0;
	s28 =	sshrl.u32 s9, $0x1;
	s29 =	sadd.s32 $0x5C100, s5;
	[smem:$0x7FA] =	sst s26  }
0x25: {  	vm4 =	vcmask $0x308;
	vm5 =	vcmask $0x70C;
	vm6 =	vcmask $0xB10;
	s30 =	sadd.s32 $0x5F300, s5;
	s31 =	simm.s32 $0x19000;
	[smem:$0x7FB] =	sst s29  }
0x26: {  	vm7 =	vcmask $0xF14;
	vm8 =	vcmask $0x1318;
	v1 =	vsel vm0, $0xFFFFFFFF, v1;
	s10 =	sshrl.u32 s7, $0x3;
	s11 =	sshrl.u32 s8, $0x3;
	[smem:$0x7FC] =	sst s30  }
0x27: {  	vm9 =	vcmask $0x171C;
	vm0 =	vmmov $0x7fff;
	[tilespmem:$0x1FFE0] =	vst v1;
	v1 =	vimm.s32 $0x0;
	s9 =	ssub.s32 s9, s28;
	[smem:$0x7FD] =	sst s31;
	s13 =	sadd.s32 s2, s10  }
0x28: {  	vm10 =	vcmask $0x1B20;
	vm11 =	vcmask $0x1F24;
	v1 =	vsel vm0, $0xFFFFFFFF, v1;
	s21 =	sadd.s32 s2, s11;
	s9 =	smax.u32 s9, $0x1;
	[dreg:$0x15] =	wrdreg s13  }
0x29: {  	vm12 =	vcmask $0x2328;
	vm13 =	vcmask $0x272C;
	vm14 =	vcmask $0x2B30;
	[tilespmem:$0x1FFF0] =	vst v1;
	s10 =	simm.s32 $0x3;
	s11 =	simm.s32 $0x1;
	[dreg:$0x1d] =	wrdreg s21  }
.LBB2_1:
0x2a: {  	s13 =	sld [smem:$0x7FD];
	_ =	sdelay $0x1  }
0x2b: {  	s12 =	rddreg [dreg:$0x5]  }
0x2c: {  	[tilespmem:s13], [sflag:$0x3] =	stream.linear.gather [hbm4b:s12+s4], $0x20, $0x38;
	[tilespmem:$0x19880] =	vst v63  }
0x2d: {  	_ =	swait.ge [sflag:s10], $0x20  }
0x2e: {  	[sflag:s10] =	ssyncset.done $0x0  }
0x2f: {  	s16 =	rddreg [dreg:$0x4];
	[sflag:s10] =	ssyncadd.s32 $0xFFFFFFE0  }
0x30: {  	[tilespmem:s4], [sflag:$0x3] =	stream.linear.gather [hbm4b:s16+s4], $0x19000, $0x38;
	[tilespmem:$0x19880] =	vst v63  }
0x31: {  	_ =	swait.ge [sflag:s10], $0x19000  }
0x32: {  	[sflag:s10] =	ssyncset.done $0x0  }
0x33: {  	s17 =	rddreg [dreg:$0x6];
	[sflag:s10] =	ssyncadd.s32 $0xFFFE7000  }
0x34: {  	[hbm4b:s5+s4] =	stream.linear.scatter [tilespmem:s4], [sflag:$0x1], $0x19000, $0x38;
	[tilespmem:$0x19880] =	vst v63  }
0x35: {  	s18 =	rddreg [dreg:$0x7]  }
0x36: {  	[hbm4b:s17+s4] =	stream.linear.scatter [tilespmem:s4], [sflag:$0x1], $0x19000, $0x38;
	[tilespmem:$0x19880] =	vst v63  }
0x37: {  	s19 =	rddreg [dreg:$0x8]  }
0x38: {  	[hbm4b:s18+s4] =	stream.linear.scatter [tilespmem:s4], [sflag:$0x1], $0x19000, $0x38;
	[tilespmem:$0x19880] =	vst v63  }
0x39: {  	s20 =	rddreg [dreg:$0x9]  }
0x3a: {  	[hbm4b:s19+s4] =	stream.linear.scatter [tilespmem:s4], [sflag:$0x1], $0x19000, $0x38;
	[tilespmem:$0x19880] =	vst v63  }
0x3b: {  	s21 =	rddreg [dreg:$0xa]  }
0x3c: {  	[hbm4b:s20+s4] =	stream.linear.scatter [tilespmem:s4], [sflag:$0x1], $0x19000, $0x38;
	[tilespmem:$0x19880] =	vst v63  }
0x3d: {  	s22 =	rddreg [dreg:$0xb]  }
0x3e: {  	[hbm4b:s21+s4] =	stream.linear.scatter [tilespmem:s4], [sflag:$0x1], $0x19000, $0x38;
	[tilespmem:$0x19880] =	vst v63  }
0x3f: {  	s23 =	rddreg [dreg:$0xc]  }
0x40: {  	[hbm4b:s22+s4] =	stream.linear.scatter [tilespmem:s4], [sflag:$0x1], $0x19000, $0x38;
	[tilespmem:$0x19880] =	vst v63  }
0x41: {  	s24 =	rddreg [dreg:$0xd]  }
0x42: {  	[hbm4b:s23+s4] =	stream.linear.scatter [tilespmem:s4], [sflag:$0x1], $0x14400, $0x38;
	[tilespmem:$0x19880] =	vst v63  }
0x43: {  	s25 =	rddreg [dreg:$0xe]  }
0x44: {  	[hbm4b:s24+s4] =	stream.linear.scatter [tilespmem:s4], [sflag:$0x1], $0x19000, $0x38;
	[tilespmem:$0x19880] =	vst v63  }
0x45: {  	s26 =	rddreg [dreg:$0xf]  }
0x46: {  	[hbm4b:s25+s4] =	stream.linear.scatter [tilespmem:s4], [sflag:$0x1], $0x19000, $0x38;
	[tilespmem:$0x19880] =	vst v63  }
0x47: {  	s28 =	rddreg [dreg:$0x10]  }
0x48: {  	[hbm4b:s26+s4] =	stream.linear.scatter [tilespmem:s4], [sflag:$0x1], $0x19000, $0x38;
	[tilespmem:$0x19880] =	vst v63  }
0x49: {  	s29 =	rddreg [dreg:$0x11]  }
0x4a: {  	[hbm4b:s28+s4] =	stream.linear.scatter [tilespmem:s4], [sflag:$0x1], $0x19000, $0x38;
	[tilespmem:$0x19880] =	vst v63  }
0x4b: {  	s30 =	rddreg [dreg:$0x12]  }
0x4c: {  	[hbm4b:s29+s4] =	stream.linear.scatter [tilespmem:s4], [sflag:$0x1], $0x19000, $0x38;
	[tilespmem:$0x19880] =	vst v63  }
0x4d: {  	s31 =	rddreg [dreg:$0x13]  }
0x4e: {  	[hbm4b:s30+s4] =	stream.linear.scatter [tilespmem:s4], [sflag:$0x1], $0x19000, $0x38;
	[tilespmem:$0x19880] =	vst v63  }
0x4f: {  	s14 =	rddreg [dreg:$0x14]  }
0x50: {  	[hbm4b:s31+s4] =	stream.linear.scatter [tilespmem:s4], [sflag:$0x1], $0x19000, $0x38;
	[tilespmem:$0x19880] =	vst v63  }
0x51: {  	s15 =	rddreg [dreg:$0x15]  }
0x52: {  	[hbm4b:s14+s4] =	stream.linear.scatter [tilespmem:s4], [sflag:$0x1], $0x14400, $0x38;
	[tilespmem:$0x19880] =	vst v63  }
0x53: {  	s16 =	rddreg [dreg:$0x16]  }
0x54: {  	[hbm4b:s15+s4] =	stream.linear.scatter [tilespmem:s4], [sflag:$0x1], $0x19000, $0x38;
	[tilespmem:$0x19880] =	vst v63  }
0x55: {  	s17 =	rddreg [dreg:$0x17]  }
0x56: {  	[hbm4b:s16+s4] =	stream.linear.scatter [tilespmem:s4], [sflag:$0x1], $0x19000, $0x38;
	[tilespmem:$0x19880] =	vst v63  }
0x57: {  	s18 =	rddreg [dreg:$0x18]  }
0x58: {  	[hbm4b:s17+s4] =	stream.linear.scatter [tilespmem:s4], [sflag:$0x1], $0x19000, $0x38;
	[tilespmem:$0x19880] =	vst v63  }
0x59: {  	s19 =	rddreg [dreg:$0x19]  }
0x5a: {  	[hbm4b:s18+s4] =	stream.linear.scatter [tilespmem:s4], [sflag:$0x1], $0x19000, $0x38;
	[tilespmem:$0x19880] =	vst v63  }
0x5b: {  	s20 =	rddreg [dreg:$0x1a]  }
0x5c: {  	[hbm4b:s19+s4] =	stream.linear.scatter [tilespmem:s4], [sflag:$0x1], $0x19000, $0x38;
	[tilespmem:$0x19880] =	vst v63  }
0x5d: {  	s21 =	rddreg [dreg:$0x1b]  }
0x5e: {  	[hbm4b:s20+s4] =	stream.linear.scatter [tilespmem:s4], [sflag:$0x1], $0x19000, $0x38;
	[tilespmem:$0x19880] =	vst v63  }
0x5f: {  	s22 =	rddreg [dreg:$0x1c]  }
0x60: {  	[hbm4b:s21+s4] =	stream.linear.scatter [tilespmem:s4], [sflag:$0x1], $0x19000, $0x38;
	[tilespmem:$0x19880] =	vst v63  }
0x61: {  	s23 =	rddreg [dreg:$0x1d]  }
0x62: {  	[hbm4b:s22+s4] =	stream.linear.scatter [tilespmem:s4], [sflag:$0x1], $0x14400, $0x38;
	[tilespmem:$0x19880] =	vst v63  }
0x63: {  	s24 =	rddreg [dreg:$0x1e]  }
0x64: {  	[hbm4b:s23+s4] =	stream.linear.scatter [tilespmem:s4], [sflag:$0x1], $0x19000, $0x38;
	[tilespmem:$0x19880] =	vst v63  }
0x65: {  	s25 =	rddreg [dreg:$0x1f]  }
0x66: {  	[hbm4b:s24+s4] =	stream.linear.scatter [tilespmem:s4], [sflag:$0x1], $0x19000, $0x38;
	[tilespmem:$0x19880] =	vst v63  }
0x67: {  	s26 =	sld [smem:$0x7F8]  }
0x68: {  	[hbm4b:s25+s4] =	stream.linear.scatter [tilespmem:s4], [sflag:$0x1], $0x19000, $0x38;
	[tilespmem:$0x19880] =	vst v63  }
0x69: {  	s28 =	sld [smem:$0x7F9]  }
0x6a: {  	[hbm4b:s26+s4] =	stream.linear.scatter [tilespmem:s4], [sflag:$0x1], $0x19000, $0x38;
	[tilespmem:$0x19880] =	vst v63  }
0x6b: {  	s29 =	sld [smem:$0x7FA]  }
0x6c: {  	[hbm4b:s28+s4] =	stream.linear.scatter [tilespmem:s4], [sflag:$0x1], $0x19000, $0x38;
	[tilespmem:$0x19880] =	vst v63  }
0x6d: {  	s30 =	sld [smem:$0x7FB]  }
0x6e: {  	[hbm4b:s29+s4] =	stream.linear.scatter [tilespmem:s4], [sflag:$0x1], $0x19000, $0x38;
	[tilespmem:$0x19880] =	vst v63  }
0x6f: {  	s31 =	sld [smem:$0x7FC]  }
0x70: {  	[hbm4b:s30+s4] =	stream.linear.scatter [tilespmem:s4], [sflag:$0x1], $0x19000, $0x38;
	[tilespmem:$0x19880] =	vst v63  }
0x71: {  	_ = 	snop  }
0x72: {  	[hbm4b:s31+s4] =	stream.linear.scatter [tilespmem:s4], [sflag:$0x1], $0x14400, $0x38;
	[tilespmem:$0x19880] =	vst v63  }
0x73: {  	_ =	swait.ge [sflag:s11], $0x19000  }
0x74: {  	[sflag:s11] =	ssyncset.done $0x0  }
0x75: {  	[sflag:s11] =	ssyncadd.s32 $0xFFFE7000  }
0x76: {  	_ =	swait.ge [sflag:s11], $0x19000  }
0x77: {  	[sflag:s11] =	ssyncset.done $0x0  }
0x78: {  	[sflag:s11] =	ssyncadd.s32 $0xFFFE7000  }
0x79: {  	_ =	swait.ge [sflag:s11], $0x19000  }
0x7a: {  	[sflag:s11] =	ssyncset.done $0x0  }
0x7b: {  	[sflag:s11] =	ssyncadd.s32 $0xFFFE7000  }
0x7c: {  	_ =	swait.ge [sflag:s11], $0x19000  }
0x7d: {  	[sflag:s11] =	ssyncset.done $0x0  }
0x7e: {  	[sflag:s11] =	ssyncadd.s32 $0xFFFE7000  }
0x7f: {  	_ =	swait.ge [sflag:s11], $0x19000  }
0x80: {  	[sflag:s11] =	ssyncset.done $0x0  }
0x81: {  	[sflag:s11] =	ssyncadd.s32 $0xFFFE7000  }
0x82: {  	_ =	swait.ge [sflag:s11], $0x19000  }
0x83: {  	[sflag:s11] =	ssyncset.done $0x0  }
0x84: {  	[sflag:s11] =	ssyncadd.s32 $0xFFFE7000  }
0x85: {  	_ =	swait.ge [sflag:s11], $0x19000  }
0x86: {  	[sflag:s11] =	ssyncset.done $0x0  }
0x87: {  	[sflag:s11] =	ssyncadd.s32 $0xFFFE7000  }
0x88: {  	_ =	swait.ge [sflag:s11], $0x14400  }
0x89: {  	[sflag:s11] =	ssyncset.done $0x0  }
0x8a: {  	[sflag:s11] =	ssyncadd.s32 $0xFFFEBC00  }
0x8b: {  	_ =	swait.ge [sflag:s11], $0x19000  }
0x8c: {  	[sflag:s11] =	ssyncset.done $0x0  }
0x8d: {  	[sflag:s11] =	ssyncadd.s32 $0xFFFE7000  }
0x8e: {  	_ =	swait.ge [sflag:s11], $0x19000  }
0x8f: {  	[sflag:s11] =	ssyncset.done $0x0  }
0x90: {  	[sflag:s11] =	ssyncadd.s32 $0xFFFE7000  }
0x91: {  	_ =	swait.ge [sflag:s11], $0x19000  }
0x92: {  	[sflag:s11] =	ssyncset.done $0x0  }
0x93: {  	[sflag:s11] =	ssyncadd.s32 $0xFFFE7000  }
0x94: {  	_ =	swait.ge [sflag:s11], $0x19000  }
0x95: {  	[sflag:s11] =	ssyncset.done $0x0  }
0x96: {  	[sflag:s11] =	ssyncadd.s32 $0xFFFE7000  }
0x97: {  	_ =	swait.ge [sflag:s11], $0x19000  }
0x98: {  	[sflag:s11] =	ssyncset.done $0x0  }
0x99: {  	[sflag:s11] =	ssyncadd.s32 $0xFFFE7000  }
0x9a: {  	_ =	swait.ge [sflag:s11], $0x19000  }
0x9b: {  	[sflag:s11] =	ssyncset.done $0x0  }
0x9c: {  	[sflag:s11] =	ssyncadd.s32 $0xFFFE7000  }
0x9d: {  	_ =	swait.ge [sflag:s11], $0x19000  }
0x9e: {  	[sflag:s11] =	ssyncset.done $0x0  }
0x9f: {  	[sflag:s11] =	ssyncadd.s32 $0xFFFE7000  }
0xa0: {  	_ =	swait.ge [sflag:s11], $0x14400  }
0xa1: {  	[sflag:s11] =	ssyncset.done $0x0  }
0xa2: {  	[sflag:s11] =	ssyncadd.s32 $0xFFFEBC00  }
0xa3: {  	_ =	swait.ge [sflag:s11], $0x19000  }
0xa4: {  	[sflag:s11] =	ssyncset.done $0x0  }
0xa5: {  	[sflag:s11] =	ssyncadd.s32 $0xFFFE7000  }
0xa6: {  	_ =	swait.ge [sflag:s11], $0x19000  }
0xa7: {  	[sflag:s11] =	ssyncset.done $0x0  }
0xa8: {  	[sflag:s11] =	ssyncadd.s32 $0xFFFE7000  }
0xa9: {  	_ =	swait.ge [sflag:s11], $0x19000  }
0xaa: {  	[sflag:s11] =	ssyncset.done $0x0  }
0xab: {  	[sflag:s11] =	ssyncadd.s32 $0xFFFE7000  }
0xac: {  	_ =	swait.ge [sflag:s11], $0x19000  }
0xad: {  	[sflag:s11] =	ssyncset.done $0x0  }
0xae: {  	[sflag:s11] =	ssyncadd.s32 $0xFFFE7000  }
0xaf: {  	_ =	swait.ge [sflag:s11], $0x19000  }
0xb0: {  	[sflag:s11] =	ssyncset.done $0x0  }
0xb1: {  	[sflag:s11] =	ssyncadd.s32 $0xFFFE7000  }
0xb2: {  	_ =	swait.ge [sflag:s11], $0x19000  }
0xb3: {  	[sflag:s11] =	ssyncset.done $0x0  }
0xb4: {  	[sflag:s11] =	ssyncadd.s32 $0xFFFE7000  }
0xb5: {  	_ =	swait.ge [sflag:s11], $0x19000  }
0xb6: {  	[sflag:s11] =	ssyncset.done $0x0  }
0xb7: {  	[sflag:s11] =	ssyncadd.s32 $0xFFFE7000  }
0xb8: {  	_ =	swait.ge [sflag:s11], $0x14400  }
0xb9: {  	[sflag:s11] =	ssyncset.done $0x0  }
0xba: {  	[sflag:s11] =	ssyncadd.s32 $0xFFFEBC00  }
0xbb: {  	_ =	swait.ge [sflag:s11], $0x19000  }
0xbc: {  	[sflag:s11] =	ssyncset.done $0x0  }
0xbd: {  	[sflag:s11] =	ssyncadd.s32 $0xFFFE7000  }
0xbe: {  	_ =	swait.ge [sflag:s11], $0x19000  }
0xbf: {  	[sflag:s11] =	ssyncset.done $0x0  }
0xc0: {  	[sflag:s11] =	ssyncadd.s32 $0xFFFE7000  }
0xc1: {  	_ =	swait.ge [sflag:s11], $0x19000  }
0xc2: {  	[sflag:s11] =	ssyncset.done $0x0  }
0xc3: {  	[sflag:s11] =	ssyncadd.s32 $0xFFFE7000  }
0xc4: {  	_ =	swait.ge [sflag:s11], $0x19000  }
0xc5: {  	[sflag:s11] =	ssyncset.done $0x0  }
0xc6: {  	[sflag:s11] =	ssyncadd.s32 $0xFFFE7000  }
0xc7: {  	_ =	swait.ge [sflag:s11], $0x19000  }
0xc8: {  	[sflag:s11] =	ssyncset.done $0x0  }
0xc9: {  	[sflag:s11] =	ssyncadd.s32 $0xFFFE7000  }
0xca: {  	_ =	swait.ge [sflag:s11], $0x19000  }
0xcb: {  	[sflag:s11] =	ssyncset.done $0x0  }
0xcc: {  	[sflag:s11] =	ssyncadd.s32 $0xFFFE7000  }
0xcd: {  	_ =	swait.ge [sflag:s11], $0x19000  }
0xce: {  	[sflag:s11] =	ssyncset.done $0x0  }
0xcf: {  	[sflag:s11] =	ssyncadd.s32 $0xFFFE7000  }
0xd0: {  	_ =	swait.ge [sflag:s11], $0x14400  }
0xd1: {  	[sflag:s11] =	ssyncset.done $0x0  }
0xd2: {  	[sflag:s11] =	ssyncadd.s32 $0xFFFEBC00  }
0xd3: {  	[tilespmem:$0x19080] =	vst v0  }
0xd4: {  	[tilespmem:$0x19090] =	vst v0  }
0xd5: {  	[tilespmem:$0x190A0] =	vst v0  }
0xd6: {  	[tilespmem:$0x190B0] =	vst v0  }
0xd7: {  	[tilespmem:$0x190C0] =	vst v0  }
0xd8: {  	[tilespmem:$0x190D0] =	vst v0  }
0xd9: {  	[tilespmem:$0x190E0] =	vst v0  }
0xda: {  	[tilespmem:$0x190F0] =	vst v0  }
0xdb: {  	[tilespmem:$0x19100] =	vst v0  }
0xdc: {  	[tilespmem:$0x19110] =	vst v0  }
0xdd: {  	[tilespmem:$0x19120] =	vst v0  }
0xde: {  	[tilespmem:$0x19130] =	vst v0  }
0xdf: {  	[tilespmem:$0x19140] =	vst v0  }
0xe0: {  	[tilespmem:$0x19150] =	vst v0  }
0xe1: {  	[tilespmem:$0x19160] =	vst v0  }
0xe2: {  	[tilespmem:$0x19170] =	vst v0  }
0xe3: {  	[tilespmem:$0x19180] =	vst v0  }
0xe4: {  	[tilespmem:$0x19190] =	vst v0  }
0xe5: {  	v3 =	vld [tilespmem:$0x1FFE0];
	[tilespmem:$0x191A0] =	vst v0  }
0xe6: {  	[tilespmem:$0x191B0] =	vst v0;
	v2 =	vld [tilespmem:$0x19000]  }
0xe7: {  	[tilespmem:$0x191C0] =	vst v0  }
0xe8: {  	[tilespmem:$0x191D0] =	vst v0  }
0xe9: {  	[tilespmem:$0x191E0] =	vst v0  }
0xea: {  	[tilespmem:$0x191F0] =	vst v0  }
0xeb: {  	[tilespmem:$0x19200] =	vst v0;
	vm15 =	vnez.u8 v3;
	v1 =	vshrl.u32 v2, $0x7  }
0xec: {  	[tilespmem:$0x19210] =	vst v0;
	v3 =	vnsel vm15, $0x0, v1  }
0xed: {  	[tilespmem:$0x19220] =	vst v0;
	(xrf0) =	vadd.scan.msk.s32 $0xffff, v3  }
0xee: {  	[tilespmem:$0x19230] =	vst v0  }
0xef: {  	[tilespmem:$0x19240] =	vst v0  }
0xf0: {  	[tilespmem:$0x19250] =	vst v0  }
0xf1: {  	[tilespmem:$0x19260] =	vst v0  }
0xf2: {  	[tilespmem:$0x19270] =	vst v0  }
0xf3: {  	[tilespmem:$0x19280] =	vst v0;
	v3, _, _ =	vpop (xrf0)  }
0xf4: {  	[tilespmem:$0x19290] =	vst v0;
	(v2sf) =	vpush v3, $0xF  }
0xf5: {  	[tilespmem:$0x192A0] =	vst v0  }
0xf6: {  	[tilespmem:$0x192B0] =	vst v0  }
0xf7: {  	[tilespmem:$0x192C0] =	vst v0  }
0xf8: {  	[tilespmem:$0x192D0] =	vst v0  }
0xf9: {  	[tilespmem:$0x192E0] =	vst v0  }
0xfa: {  	[tilespmem:$0x192F0] =	vst v0  }
0xfb: {  	[tilespmem:$0x19300] =	vst v0  }
0xfc: {  	[tilespmem:$0x19310] =	vst v0  }
0xfd: {  	[tilespmem:$0x19320] =	vst v0  }
0xfe: {  	[tilespmem:$0x19330] =	vst v0  }
0xff: {  	[tilespmem:$0x19340] =	vst v0  }
0x100: {  	[tilespmem:$0x19350] =	vst v0  }
0x101: {  	[tilespmem:$0x19360] =	vst v0  }
0x102: {  	[tilespmem:$0x19370] =	vst v0  }
0x103: {  	[tilespmem:$0x19380] =	vst v0;
	s12 =	spop (v2sf)  }
0x104: {  	[tilespmem:$0x19390] =	vst v0;
	p0 =	sgt.s32 s12, $0x30C  }
0x105: {  	[tilespmem:$0x193A0] =	vst v0;
	v4 =	vimm.s32 @!p0 $0x400;
	vm1 =	vcmask @!p0 $0x300  }
0x106: {  	[tilespmem:$0x193B0] =	vst v0;
	v4 =	vsel @!p0 vm1, $0x0, v4;
	vm1 =	vcmask @!p0 $0x704  }
0x107: {  	[tilespmem:$0x193C0] =	vst v0;
	v4 =	vsel @!p0 vm1, $0x80, v4;
	vm1 =	vcmask @!p0 $0xB08  }
0x108: {  	[tilespmem:$0x193D0] =	vst v0;
	v4 =	vsel @!p0 vm1, $0x100, v4;
	vm1 =	vcmask @!p0 $0xF0C  }
0x109: {  	[tilespmem:$0x193E0] =	vst v0;
	v4 =	vsel @!p0 vm1, $0x180, v4;
	vm1 =	vcmask @!p0 $0x1310  }
0x10a: {  	[tilespmem:$0x193F0] =	vst v0;
	v4 =	vsel @!p0 vm1, $0x200, v4;
	vm1 =	vcmask @!p0 $0x1714  }
0x10b: {  	[tilespmem:$0x19400] =	vst v0;
	v4 =	vsel @!p0 vm1, $0x280, v4;
	vm1 =	vcmask @!p0 $0x1B18  }
0x10c: {  	[tilespmem:$0x19410] =	vst v0;
	v4 =	vsel @!p0 vm1, $0x300, v4;
	vm1 =	vcmask @!p0 $0x1F1C  }
0x10d: {  	[tilespmem:$0x19420] =	vst v0;
	v2 =	vand.u32 $0x7F, v2;
	v4 =	vsel @!p0 vm1, $0x380, v4  }
0x10e: {  	[tilespmem:$0x19430] =	vst v0;
	v4 =	vor.u32 @!p0 v4, v2  }
0x10f: {  	[tilespmem:$0x19440] =	vst v0;
	v3 =	vbroadcast @!p0 v3, $0xF  }
0x110: {  	[tilespmem:$0x19450] =	vst v0;
	s12 =	sshll.u32 @!p0 s12, $0xA  }
0x111: {  	[tilespmem:$0x19460] =	vst v0;
	s12 =	sadd.s32 @!p0 s3, s12;
	vm1 =	veq.s32 @!p0 v1, v3;
	v3 =	vimm.f32 @!p0 $0.0e+00  }
0x112: {  	[tilespmem:$0x19470] =	vst v0;
	s13 =	simm.s32 @!p0 $0x19080;
	s12 =	sshrl.u32 @!p0 s12, $0x3;
	v5 =	vsel @!p0 vm1, $0x3F800000, v3  }
0x113: {  	s14 =	simm.s32 @!p0 $0x0;
	s12 =	sadd.s32 @!p0 s2, s12;
	[tilespmem:v4+s13+$0x0] =	vst.idx.msk @!p0 $0xff, v5  }
0x114: {  	[hbm4b:s12+s14] =	stream.linear.scatter @!p0 [tilespmem:s13], [sflag:$0x2], $0x400, $0x38;
	[tilespmem:$0x19880] =	vst v63  }
0x115: {  	s12 =	simm.s32 @!p0 $0x2  }
0x116: {  	v48 =	vsel vm4, $0x0, v1;
	_ =	swait.ge @!p0 [sflag:s12], $0x400  }
0x117: {  	(xrf0) =	vadd.scan.msk.s32 $0xffff, v48;
	_ =	sdelay $0x5  }
0x118: {  	v5, _, _ =	vpop (xrf0)  }
0x119: {  	(v2sf) =	vpush v5, $0xF;
	_ =	sdelay $0xe  }
0x11a: {  	s14 =	spop (v2sf)  }
0x11b: {  	p1 =	sgt.s32 s14, $0x30C  }
0x11c: {  	v6 =	vimm.s32 @!p1 $0x400;
	vm1 =	vcmask @!p1 $0x300  }
0x11d: {  	v6 =	vsel @!p1 vm1, $0x0, v6;
	vm1 =	vcmask @!p1 $0x704  }
0x11e: {  	v6 =	vsel @!p1 vm1, $0x80, v6;
	vm1 =	vcmask @!p1 $0xB08  }
0x11f: {  	v6 =	vsel @!p1 vm1, $0x100, v6;
	vm1 =	vcmask @!p1 $0xF0C  }
0x120: {  	v6 =	vsel @!p1 vm1, $0x180, v6;
	vm1 =	vcmask @!p1 $0x1310  }
0x121: {  	v6 =	vsel @!p1 vm1, $0x200, v6;
	vm1 =	vcmask @!p1 $0x1714  }
0x122: {  	v6 =	vsel @!p1 vm1, $0x280, v6;
	vm1 =	vcmask @!p1 $0x1B18  }
0x123: {  	v6 =	vsel @!p1 vm1, $0x300, v6;
	vm1 =	vcmask @!p1 $0x1F1C  }
0x124: {  	v6 =	vsel @!p1 vm1, $0x380, v6  }
0x125: {  	v6 =	vor.u32 @!p1 v6, v2  }
0x126: {  	v5 =	vbroadcast @!p1 v5, $0xF  }
0x127: {  	[sflag:s12] =	ssyncset.done @!p0 $0x0;
	s14 =	sshll.u32 @!p1 s14, $0xA  }
0x128: {  	[sflag:s12] =	ssyncadd.s32 @!p0 $0xFFFFFC00;
	s12 =	sadd.s32 @!p1 s3, s14;
	vm1 =	veq.s32 @!p1 v1, v5;
	v5 =	vimm.f32 @!p1 $0.0e+00  }
0x129: {  	[tilespmem:v4+s13+$0x0] =	vst.idx.msk @!p0 $0xff, v3;
	s13 =	simm.s32 @!p1 $0x19080;
	s12 =	sshrl.u32 @!p1 s12, $0x3;
	v3 =	vsel @!p1 vm1, $0x3F800000, v5  }
0x12a: {  	s14 =	simm.s32 @!p1 $0x0;
	s12 =	sadd.s32 @!p1 s2, s12;
	[tilespmem:v6+s13+$0x0] =	vst.idx.msk @!p1 $0xff, v3  }
0x12b: {  	[hbm4b:s12+s14] =	stream.linear.scatter @!p1 [tilespmem:s13], [sflag:$0x2], $0x400, $0x38;
	[tilespmem:$0x19880] =	vst v63  }
0x12c: {  	s12 =	simm.s32 @!p1 $0x2  }
0x12d: {  	v3 =	vsel vm5, $0x0, v1;
	_ =	swait.ge @!p1 [sflag:s12], $0x400  }
0x12e: {  	(xrf0) =	vadd.scan.msk.s32 $0xffff, v3;
	_ =	sdelay $0x5  }
0x12f: {  	v3, _, _ =	vpop (xrf0)  }
0x130: {  	(v2sf) =	vpush v3, $0xF;
	_ =	sdelay $0xe  }
0x131: {  	s14 =	spop (v2sf)  }
0x132: {  	p0 =	sgt.s32 s14, $0x30C  }
0x133: {  	v4 =	vimm.s32 @!p0 $0x400;
	vm1 =	vcmask @!p0 $0x300  }
0x134: {  	v4 =	vsel @!p0 vm1, $0x0, v4;
	vm1 =	vcmask @!p0 $0x704  }
0x135: {  	v4 =	vsel @!p0 vm1, $0x80, v4;
	vm1 =	vcmask @!p0 $0xB08  }
0x136: {  	v4 =	vsel @!p0 vm1, $0x100, v4;
	vm1 =	vcmask @!p0 $0xF0C  }
0x137: {  	v4 =	vsel @!p0 vm1, $0x180, v4;
	vm1 =	vcmask @!p0 $0x1310  }
0x138: {  	v4 =	vsel @!p0 vm1, $0x200, v4;
	vm1 =	vcmask @!p0 $0x1714  }
0x139: {  	v4 =	vsel @!p0 vm1, $0x280, v4;
	vm1 =	vcmask @!p0 $0x1B18  }
0x13a: {  	v4 =	vsel @!p0 vm1, $0x300, v4;
	vm1 =	vcmask @!p0 $0x1F1C  }
0x13b: {  	v4 =	vsel @!p0 vm1, $0x380, v4  }
0x13c: {  	v4 =	vor.u32 @!p0 v4, v2  }
0x13d: {  	v3 =	vbroadcast @!p0 v3, $0xF  }
0x13e: {  	[sflag:s12] =	ssyncset.done @!p1 $0x0;
	s14 =	sshll.u32 @!p0 s14, $0xA  }
0x13f: {  	[sflag:s12] =	ssyncadd.s32 @!p1 $0xFFFFFC00;
	s12 =	sadd.s32 @!p0 s3, s14;
	vm1 =	veq.s32 @!p0 v1, v3;
	v3 =	vimm.f32 @!p0 $0.0e+00  }
0x140: {  	[tilespmem:v6+s13+$0x0] =	vst.idx.msk @!p1 $0xff, v5;
	s13 =	simm.s32 @!p0 $0x19080;
	s12 =	sshrl.u32 @!p0 s12, $0x3;
	v5 =	vsel @!p0 vm1, $0x3F800000, v3  }
0x141: {  	s14 =	simm.s32 @!p0 $0x0;
	s12 =	sadd.s32 @!p0 s2, s12;
	[tilespmem:v4+s13+$0x0] =	vst.idx.msk @!p0 $0xff, v5  }
0x142: {  	[hbm4b:s12+s14] =	stream.linear.scatter @!p0 [tilespmem:s13], [sflag:$0x2], $0x400, $0x38;
	[tilespmem:$0x19880] =	vst v63  }
0x143: {  	s12 =	simm.s32 @!p0 $0x2  }
0x144: {  	v49 =	vsel vm6, $0x0, v1;
	_ =	swait.ge @!p0 [sflag:s12], $0x400  }
0x145: {  	(xrf0) =	vadd.scan.msk.s32 $0xffff, v49;
	_ =	sdelay $0x5  }
0x146: {  	v5, _, _ =	vpop (xrf0)  }
0x147: {  	(v2sf) =	vpush v5, $0xF;
	_ =	sdelay $0xe  }
0x148: {  	s14 =	spop (v2sf)  }
0x149: {  	p1 =	sgt.s32 s14, $0x30C  }
0x14a: {  	v6 =	vimm.s32 @!p1 $0x400;
	vm1 =	vcmask @!p1 $0x300  }
0x14b: {  	v6 =	vsel @!p1 vm1, $0x0, v6;
	vm1 =	vcmask @!p1 $0x704  }
0x14c: {  	v6 =	vsel @!p1 vm1, $0x80, v6;
	vm1 =	vcmask @!p1 $0xB08  }
0x14d: {  	v6 =	vsel @!p1 vm1, $0x100, v6;
	vm1 =	vcmask @!p1 $0xF0C  }
0x14e: {  	v6 =	vsel @!p1 vm1, $0x180, v6;
	vm1 =	vcmask @!p1 $0x1310  }
0x14f: {  	v6 =	vsel @!p1 vm1, $0x200, v6;
	vm1 =	vcmask @!p1 $0x1714  }
0x150: {  	v6 =	vsel @!p1 vm1, $0x280, v6;
	vm1 =	vcmask @!p1 $0x1B18  }
0x151: {  	v6 =	vsel @!p1 vm1, $0x300, v6;
	vm1 =	vcmask @!p1 $0x1F1C  }
0x152: {  	v6 =	vsel @!p1 vm1, $0x380, v6  }
0x153: {  	v6 =	vor.u32 @!p1 v6, v2  }
0x154: {  	v5 =	vbroadcast @!p1 v5, $0xF  }
0x155: {  	[sflag:s12] =	ssyncset.done @!p0 $0x0;
	s14 =	sshll.u32 @!p1 s14, $0xA  }
0x156: {  	[sflag:s12] =	ssyncadd.s32 @!p0 $0xFFFFFC00;
	s12 =	sadd.s32 @!p1 s3, s14;
	vm1 =	veq.s32 @!p1 v1, v5;
	v5 =	vimm.f32 @!p1 $0.0e+00  }
0x157: {  	[tilespmem:v4+s13+$0x0] =	vst.idx.msk @!p0 $0xff, v3;
	s13 =	simm.s32 @!p1 $0x19080;
	s12 =	sshrl.u32 @!p1 s12, $0x3;
	v3 =	vsel @!p1 vm1, $0x3F800000, v5  }
0x158: {  	s14 =	simm.s32 @!p1 $0x0;
	s12 =	sadd.s32 @!p1 s2, s12;
	[tilespmem:v6+s13+$0x0] =	vst.idx.msk @!p1 $0xff, v3  }
0x159: {  	[hbm4b:s12+s14] =	stream.linear.scatter @!p1 [tilespmem:s13], [sflag:$0x2], $0x400, $0x38;
	[tilespmem:$0x19880] =	vst v63  }
0x15a: {  	s12 =	simm.s32 @!p1 $0x2  }
0x15b: {  	v3 =	vsel vm7, $0x0, v1;
	_ =	swait.ge @!p1 [sflag:s12], $0x400  }
0x15c: {  	(xrf0) =	vadd.scan.msk.s32 $0xffff, v3;
	_ =	sdelay $0x5  }
0x15d: {  	v3, _, _ =	vpop (xrf0)  }
0x15e: {  	(v2sf) =	vpush v3, $0xF;
	_ =	sdelay $0xe  }
0x15f: {  	s14 =	spop (v2sf)  }
0x160: {  	p0 =	sgt.s32 s14, $0x30C  }
0x161: {  	v4 =	vimm.s32 @!p0 $0x400;
	vm1 =	vcmask @!p0 $0x300  }
0x162: {  	v4 =	vsel @!p0 vm1, $0x0, v4;
	vm1 =	vcmask @!p0 $0x704  }
0x163: {  	v4 =	vsel @!p0 vm1, $0x80, v4;
	vm1 =	vcmask @!p0 $0xB08  }
0x164: {  	v4 =	vsel @!p0 vm1, $0x100, v4;
	vm1 =	vcmask @!p0 $0xF0C  }
0x165: {  	v4 =	vsel @!p0 vm1, $0x180, v4;
	vm1 =	vcmask @!p0 $0x1310  }
0x166: {  	v4 =	vsel @!p0 vm1, $0x200, v4;
	vm1 =	vcmask @!p0 $0x1714  }
0x167: {  	v4 =	vsel @!p0 vm1, $0x280, v4;
	vm1 =	vcmask @!p0 $0x1B18  }
0x168: {  	v4 =	vsel @!p0 vm1, $0x300, v4;
	vm1 =	vcmask @!p0 $0x1F1C  }
0x169: {  	v4 =	vsel @!p0 vm1, $0x380, v4  }
0x16a: {  	v4 =	vor.u32 @!p0 v4, v2  }
0x16b: {  	v3 =	vbroadcast @!p0 v3, $0xF  }
0x16c: {  	[sflag:s12] =	ssyncset.done @!p1 $0x0;
	s14 =	sshll.u32 @!p0 s14, $0xA  }
0x16d: {  	[sflag:s12] =	ssyncadd.s32 @!p1 $0xFFFFFC00;
	s12 =	sadd.s32 @!p0 s3, s14;
	vm1 =	veq.s32 @!p0 v1, v3;
	v3 =	vimm.f32 @!p0 $0.0e+00  }
0x16e: {  	[tilespmem:v6+s13+$0x0] =	vst.idx.msk @!p1 $0xff, v5;
	s13 =	simm.s32 @!p0 $0x19080;
	s12 =	sshrl.u32 @!p0 s12, $0x3;
	v5 =	vsel @!p0 vm1, $0x3F800000, v3  }
0x16f: {  	s14 =	simm.s32 @!p0 $0x0;
	s12 =	sadd.s32 @!p0 s2, s12;
	[tilespmem:v4+s13+$0x0] =	vst.idx.msk @!p0 $0xff, v5  }
0x170: {  	[hbm4b:s12+s14] =	stream.linear.scatter @!p0 [tilespmem:s13], [sflag:$0x2], $0x400, $0x38;
	[tilespmem:$0x19880] =	vst v63  }
0x171: {  	s12 =	simm.s32 @!p0 $0x2  }
0x172: {  	v50 =	vsel vm8, $0x0, v1;
	_ =	swait.ge @!p0 [sflag:s12], $0x400  }
0x173: {  	(xrf0) =	vadd.scan.msk.s32 $0xffff, v50;
	_ =	sdelay $0x5  }
0x174: {  	v5, _, _ =	vpop (xrf0)  }
0x175: {  	(v2sf) =	vpush v5, $0xF;
	_ =	sdelay $0xe  }
0x176: {  	s14 =	spop (v2sf)  }
0x177: {  	p1 =	sgt.s32 s14, $0x30C  }
0x178: {  	v6 =	vimm.s32 @!p1 $0x400;
	vm1 =	vcmask @!p1 $0x300  }
0x179: {  	v6 =	vsel @!p1 vm1, $0x0, v6;
	vm1 =	vcmask @!p1 $0x704  }
0x17a: {  	v6 =	vsel @!p1 vm1, $0x80, v6;
	vm1 =	vcmask @!p1 $0xB08  }
0x17b: {  	v6 =	vsel @!p1 vm1, $0x100, v6;
	vm1 =	vcmask @!p1 $0xF0C  }
0x17c: {  	v6 =	vsel @!p1 vm1, $0x180, v6;
	vm1 =	vcmask @!p1 $0x1310  }
0x17d: {  	v6 =	vsel @!p1 vm1, $0x200, v6;
	vm1 =	vcmask @!p1 $0x1714  }
0x17e: {  	v6 =	vsel @!p1 vm1, $0x280, v6;
	vm1 =	vcmask @!p1 $0x1B18  }
0x17f: {  	v6 =	vsel @!p1 vm1, $0x300, v6;
	vm1 =	vcmask @!p1 $0x1F1C  }
0x180: {  	v6 =	vsel @!p1 vm1, $0x380, v6  }
0x181: {  	v6 =	vor.u32 @!p1 v6, v2  }
0x182: {  	v5 =	vbroadcast @!p1 v5, $0xF  }
0x183: {  	[sflag:s12] =	ssyncset.done @!p0 $0x0;
	s14 =	sshll.u32 @!p1 s14, $0xA  }
0x184: {  	[sflag:s12] =	ssyncadd.s32 @!p0 $0xFFFFFC00;
	s12 =	sadd.s32 @!p1 s3, s14;
	vm1 =	veq.s32 @!p1 v1, v5;
	v5 =	vimm.f32 @!p1 $0.0e+00  }
0x185: {  	[tilespmem:v4+s13+$0x0] =	vst.idx.msk @!p0 $0xff, v3;
	s13 =	simm.s32 @!p1 $0x19080;
	s12 =	sshrl.u32 @!p1 s12, $0x3;
	v3 =	vsel @!p1 vm1, $0x3F800000, v5  }
0x186: {  	s14 =	simm.s32 @!p1 $0x0;
	s12 =	sadd.s32 @!p1 s2, s12;
	[tilespmem:v6+s13+$0x0] =	vst.idx.msk @!p1 $0xff, v3  }
0x187: {  	[hbm4b:s12+s14] =	stream.linear.scatter @!p1 [tilespmem:s13], [sflag:$0x2], $0x400, $0x38;
	[tilespmem:$0x19880] =	vst v63  }
0x188: {  	s12 =	simm.s32 @!p1 $0x2  }
0x189: {  	v3 =	vsel vm9, $0x0, v1;
	_ =	swait.ge @!p1 [sflag:s12], $0x400  }
0x18a: {  	(xrf0) =	vadd.scan.msk.s32 $0xffff, v3;
	_ =	sdelay $0x5  }
0x18b: {  	v3, _, _ =	vpop (xrf0)  }
0x18c: {  	(v2sf) =	vpush v3, $0xF;
	_ =	sdelay $0xe  }
0x18d: {  	s14 =	spop (v2sf)  }
0x18e: {  	p0 =	sgt.s32 s14, $0x30C  }
0x18f: {  	v4 =	vimm.s32 @!p0 $0x400;
	vm1 =	vcmask @!p0 $0x300  }
0x190: {  	v4 =	vsel @!p0 vm1, $0x0, v4;
	vm1 =	vcmask @!p0 $0x704  }
0x191: {  	v4 =	vsel @!p0 vm1, $0x80, v4;
	vm1 =	vcmask @!p0 $0xB08  }
0x192: {  	v4 =	vsel @!p0 vm1, $0x100, v4;
	vm1 =	vcmask @!p0 $0xF0C  }
0x193: {  	v4 =	vsel @!p0 vm1, $0x180, v4;
	vm1 =	vcmask @!p0 $0x1310  }
0x194: {  	v4 =	vsel @!p0 vm1, $0x200, v4;
	vm1 =	vcmask @!p0 $0x1714  }
0x195: {  	v4 =	vsel @!p0 vm1, $0x280, v4;
	vm1 =	vcmask @!p0 $0x1B18  }
0x196: {  	v4 =	vsel @!p0 vm1, $0x300, v4;
	vm1 =	vcmask @!p0 $0x1F1C  }
0x197: {  	v4 =	vsel @!p0 vm1, $0x380, v4  }
0x198: {  	v4 =	vor.u32 @!p0 v4, v2  }
0x199: {  	v3 =	vbroadcast @!p0 v3, $0xF  }
0x19a: {  	[sflag:s12] =	ssyncset.done @!p1 $0x0;
	s14 =	sshll.u32 @!p0 s14, $0xA  }
0x19b: {  	[sflag:s12] =	ssyncadd.s32 @!p1 $0xFFFFFC00;
	s12 =	sadd.s32 @!p0 s3, s14;
	vm1 =	veq.s32 @!p0 v1, v3;
	v3 =	vimm.f32 @!p0 $0.0e+00  }
0x19c: {  	[tilespmem:v6+s13+$0x0] =	vst.idx.msk @!p1 $0xff, v5;
	s13 =	simm.s32 @!p0 $0x19080;
	s12 =	sshrl.u32 @!p0 s12, $0x3;
	v5 =	vsel @!p0 vm1, $0x3F800000, v3  }
0x19d: {  	s14 =	simm.s32 @!p0 $0x0;
	s12 =	sadd.s32 @!p0 s2, s12;
	[tilespmem:v4+s13+$0x0] =	vst.idx.msk @!p0 $0xff, v5  }
0x19e: {  	[hbm4b:s12+s14] =	stream.linear.scatter @!p0 [tilespmem:s13], [sflag:$0x2], $0x400, $0x38;
	[tilespmem:$0x19880] =	vst v63  }
0x19f: {  	s12 =	simm.s32 @!p0 $0x2  }
0x1a0: {  	v51 =	vsel vm10, $0x0, v1;
	_ =	swait.ge @!p0 [sflag:s12], $0x400  }
0x1a1: {  	(xrf0) =	vadd.scan.msk.s32 $0xffff, v51;
	_ =	sdelay $0x5  }
0x1a2: {  	v5, _, _ =	vpop (xrf0)  }
0x1a3: {  	(v2sf) =	vpush v5, $0xF;
	_ =	sdelay $0xe  }
0x1a4: {  	s14 =	spop (v2sf)  }
0x1a5: {  	p1 =	sgt.s32 s14, $0x30C  }
0x1a6: {  	v6 =	vimm.s32 @!p1 $0x400;
	vm1 =	vcmask @!p1 $0x300  }
0x1a7: {  	v6 =	vsel @!p1 vm1, $0x0, v6;
	vm1 =	vcmask @!p1 $0x704  }
0x1a8: {  	v6 =	vsel @!p1 vm1, $0x80, v6;
	vm1 =	vcmask @!p1 $0xB08  }
0x1a9: {  	v6 =	vsel @!p1 vm1, $0x100, v6;
	vm1 =	vcmask @!p1 $0xF0C  }
0x1aa: {  	v6 =	vsel @!p1 vm1, $0x180, v6;
	vm1 =	vcmask @!p1 $0x1310  }
0x1ab: {  	v6 =	vsel @!p1 vm1, $0x200, v6;
	vm1 =	vcmask @!p1 $0x1714  }
0x1ac: {  	v6 =	vsel @!p1 vm1, $0x280, v6;
	vm1 =	vcmask @!p1 $0x1B18  }
0x1ad: {  	v6 =	vsel @!p1 vm1, $0x300, v6;
	vm1 =	vcmask @!p1 $0x1F1C  }
0x1ae: {  	v6 =	vsel @!p1 vm1, $0x380, v6  }
0x1af: {  	v2 =	vor.u32 @!p1 v6, v2  }
0x1b0: {  	v5 =	vbroadcast @!p1 v5, $0xF  }
0x1b1: {  	[sflag:s12] =	ssyncset.done @!p0 $0x0;
	s14 =	sshll.u32 @!p1 s14, $0xA  }
0x1b2: {  	[sflag:s12] =	ssyncadd.s32 @!p0 $0xFFFFFC00;
	s12 =	sadd.s32 @!p1 s3, s14;
	vm1 =	veq.s32 @!p1 v1, v5;
	v1 =	vimm.f32 @!p1 $0.0e+00  }
0x1b3: {  	[tilespmem:v4+s13+$0x0] =	vst.idx.msk @!p0 $0xff, v3;
	s13 =	simm.s32 @!p1 $0x19080;
	s12 =	sshrl.u32 @!p1 s12, $0x3;
	v3 =	vsel @!p1 vm1, $0x3F800000, v1  }
0x1b4: {  	s14 =	simm.s32 @!p1 $0x0;
	s12 =	sadd.s32 @!p1 s2, s12;
	[tilespmem:v2+s13+$0x0] =	vst.idx.msk @!p1 $0xff, v3  }
0x1b5: {  	[hbm4b:s12+s14] =	stream.linear.scatter @!p1 [tilespmem:s13], [sflag:$0x2], $0x400, $0x38;
	[tilespmem:$0x19880] =	vst v63  }
0x1b6: {  	s12 =	simm.s32 @!p1 $0x2  }
0x1b7: {  	_ =	swait.ge @!p1 [sflag:s12], $0x400  }
0x1b8: {  	[sflag:s12] =	ssyncset.done @!p1 $0x0  }
0x1b9: {  	[sflag:s12] =	ssyncadd.s32 @!p1 $0xFFFFFC00  }
0x1ba: {  	[tilespmem:v2+s13+$0x0] =	vst.idx.msk @!p1 $0xff, v1  }
0x1bb: {  	v2 =	vld [tilespmem:$0x19000];
	_ =	sdelay $0x4  }
0x1bc: {  	v1 =	vshrl.u32 v2, $0x7  }
0x1bd: {  	v3 =	vsel vm11, $0x0, v1  }
0x1be: {  	(xrf0) =	vadd.scan.msk.s32 $0xffff, v3;
	_ =	sdelay $0x5  }
0x1bf: {  	v3, _, _ =	vpop (xrf0)  }
0x1c0: {  	(v2sf) =	vpush v3, $0xF;
	_ =	sdelay $0xe  }
0x1c1: {  	s12 =	spop (v2sf)  }
0x1c2: {  	p1 =	sgt.s32 s12, $0x30C  }
0x1c3: {  	v4 =	vimm.s32 @!p1 $0x380;
	vm1 =	vcmask @!p1 $0x1F00  }
0x1c4: {  	v4 =	vsel @!p1 vm1, $0x400, v4;
	vm1 =	vcmask @!p1 $0x2320  }
0x1c5: {  	v4 =	vsel @!p1 vm1, $0x0, v4;
	vm1 =	vcmask @!p1 $0x2724  }
0x1c6: {  	v4 =	vsel @!p1 vm1, $0x80, v4;
	vm1 =	vcmask @!p1 $0x2B28  }
0x1c7: {  	v4 =	vsel @!p1 vm1, $0x100, v4;
	vm1 =	vcmask @!p1 $0x2F2C  }
0x1c8: {  	v4 =	vsel @!p1 vm1, $0x180, v4;
	vm1 =	vcmask @!p1 $0x3330  }
0x1c9: {  	v4 =	vsel @!p1 vm1, $0x200, v4;
	vm1 =	vcmask @!p1 $0x3734  }
0x1ca: {  	v4 =	vsel @!p1 vm1, $0x280, v4;
	vm1 =	vcmask @!p1 $0x3B38  }
0x1cb: {  	v2 =	vand.u32 $0x7F, v2;
	vm2 =	vcmask @!p1 $0x3F20;
	v4 =	vsel @!p1 vm1, $0x300, v4  }
0x1cc: {  	v4 =	vor.u32 @!p1 v4, v2  }
0x1cd: {  	v3 =	vbroadcast @!p1 v3, $0xF  }
0x1ce: {  	s12 =	sshll.u32 @!p1 s12, $0xA  }
0x1cf: {  	s12 =	sadd.s32 @!p1 s6, s12;
	vm1 =	veq.s32 @!p1 v1, v3;
	v3 =	vimm.f32 @!p1 $0.0e+00  }
0x1d0: {  	s13 =	simm.s32 @!p1 $0x19080;
	s12 =	sshrl.u32 @!p1 s12, $0x3;
	v5 =	vsel @!p1 vm1, $0x3F800000, v3  }
0x1d1: {  	s14 =	simm.s32 @!p1 $0x0;
	s12 =	sadd.s32 @!p1 s2, s12;
	[tilespmem:v4+s13+$0x0] =	vst.idx.msk @!p1 vm2, v5  }
0x1d2: {  	[hbm4b:s12+s14] =	stream.linear.scatter @!p1 [tilespmem:s13], [sflag:$0x2], $0x400, $0x38;
	[tilespmem:$0x19880] =	vst v63  }
0x1d3: {  	s12 =	simm.s32 @!p1 $0x2  }
0x1d4: {  	v52 =	vsel vm12, $0x0, v1;
	_ =	swait.ge @!p1 [sflag:s12], $0x400  }
0x1d5: {  	(xrf0) =	vadd.scan.msk.s32 $0xffff, v52;
	_ =	sdelay $0x5  }
0x1d6: {  	v5, _, _ =	vpop (xrf0)  }
0x1d7: {  	(v2sf) =	vpush v5, $0xF;
	_ =	sdelay $0xe  }
0x1d8: {  	s14 =	spop (v2sf)  }
0x1d9: {  	p0 =	sgt.s32 s14, $0x30C  }
0x1da: {  	v6 =	vimm.s32 @!p0 $0x380;
	vm1 =	vcmask @!p0 $0x1F00  }
0x1db: {  	v6 =	vsel @!p0 vm1, $0x400, v6;
	vm1 =	vcmask @!p0 $0x2320  }
0x1dc: {  	v6 =	vsel @!p0 vm1, $0x0, v6;
	vm1 =	vcmask @!p0 $0x2724  }
0x1dd: {  	v6 =	vsel @!p0 vm1, $0x80, v6;
	vm1 =	vcmask @!p0 $0x2B28  }
0x1de: {  	v6 =	vsel @!p0 vm1, $0x100, v6;
	vm1 =	vcmask @!p0 $0x2F2C  }
0x1df: {  	v6 =	vsel @!p0 vm1, $0x180, v6;
	vm1 =	vcmask @!p0 $0x3330  }
0x1e0: {  	v6 =	vsel @!p0 vm1, $0x200, v6;
	vm1 =	vcmask @!p0 $0x3734  }
0x1e1: {  	v6 =	vsel @!p0 vm1, $0x280, v6;
	vm1 =	vcmask @!p0 $0x3B38  }
0x1e2: {  	v6 =	vsel @!p0 vm1, $0x300, v6;
	vm1 =	vcmask @!p0 $0x3F20  }
0x1e3: {  	v6 =	vor.u32 @!p0 v6, v2  }
0x1e4: {  	v5 =	vbroadcast @!p0 v5, $0xF  }
0x1e5: {  	[sflag:s12] =	ssyncset.done @!p1 $0x0;
	s14 =	sshll.u32 @!p0 s14, $0xA  }
0x1e6: {  	[sflag:s12] =	ssyncadd.s32 @!p1 $0xFFFFFC00;
	s12 =	sadd.s32 @!p0 s6, s14;
	vm3 =	veq.s32 @!p0 v1, v5;
	v5 =	vimm.f32 @!p0 $0.0e+00  }
0x1e7: {  	[tilespmem:v4+s13+$0x0] =	vst.idx.msk @!p1 vm2, v3;
	s13 =	simm.s32 @!p0 $0x19080;
	s12 =	sshrl.u32 @!p0 s12, $0x3;
	v3 =	vsel @!p0 vm3, $0x3F800000, v5  }
0x1e8: {  	s14 =	simm.s32 @!p0 $0x0;
	s12 =	sadd.s32 @!p0 s2, s12;
	[tilespmem:v6+s13+$0x0] =	vst.idx.msk @!p0 vm1, v3  }
0x1e9: {  	[hbm4b:s12+s14] =	stream.linear.scatter @!p0 [tilespmem:s13], [sflag:$0x2], $0x400, $0x38;
	[tilespmem:$0x19880] =	vst v63  }
0x1ea: {  	s12 =	simm.s32 @!p0 $0x2  }
0x1eb: {  	v3 =	vsel vm13, $0x0, v1;
	_ =	swait.ge @!p0 [sflag:s12], $0x400  }
0x1ec: {  	(xrf0) =	vadd.scan.msk.s32 $0xffff, v3;
	_ =	sdelay $0x5  }
0x1ed: {  	v3, _, _ =	vpop (xrf0)  }
0x1ee: {  	(v2sf) =	vpush v3, $0xF;
	_ =	sdelay $0xe  }
0x1ef: {  	s14 =	spop (v2sf)  }
0x1f0: {  	p1 =	sgt.s32 s14, $0x30C  }
0x1f1: {  	v4 =	vimm.s32 @!p1 $0x380;
	vm2 =	vcmask @!p1 $0x1F00  }
0x1f2: {  	v4 =	vsel @!p1 vm2, $0x400, v4;
	vm2 =	vcmask @!p1 $0x2320  }
0x1f3: {  	v4 =	vsel @!p1 vm2, $0x0, v4;
	vm2 =	vcmask @!p1 $0x2724  }
0x1f4: {  	v4 =	vsel @!p1 vm2, $0x80, v4;
	vm2 =	vcmask @!p1 $0x2B28  }
0x1f5: {  	v4 =	vsel @!p1 vm2, $0x100, v4;
	vm2 =	vcmask @!p1 $0x2F2C  }
0x1f6: {  	v4 =	vsel @!p1 vm2, $0x180, v4;
	vm2 =	vcmask @!p1 $0x3330  }
0x1f7: {  	v4 =	vsel @!p1 vm2, $0x200, v4;
	vm2 =	vcmask @!p1 $0x3734  }
0x1f8: {  	v4 =	vsel @!p1 vm2, $0x280, v4;
	vm2 =	vcmask @!p1 $0x3B38  }
0x1f9: {  	v4 =	vsel @!p1 vm2, $0x300, v4;
	vm2 =	vcmask @!p1 $0x3F20  }
0x1fa: {  	v4 =	vor.u32 @!p1 v4, v2  }
0x1fb: {  	v3 =	vbroadcast @!p1 v3, $0xF  }
0x1fc: {  	[sflag:s12] =	ssyncset.done @!p0 $0x0;
	s14 =	sshll.u32 @!p1 s14, $0xA  }
0x1fd: {  	[sflag:s12] =	ssyncadd.s32 @!p0 $0xFFFFFC00;
	s12 =	sadd.s32 @!p1 s6, s14;
	vm3 =	veq.s32 @!p1 v1, v3;
	v3 =	vimm.f32 @!p1 $0.0e+00  }
0x1fe: {  	[tilespmem:v6+s13+$0x0] =	vst.idx.msk @!p0 vm1, v5;
	s13 =	simm.s32 @!p1 $0x19080;
	s12 =	sshrl.u32 @!p1 s12, $0x3;
	v5 =	vsel @!p1 vm3, $0x3F800000, v3  }
0x1ff: {  	s14 =	simm.s32 @!p1 $0x0;
	s12 =	sadd.s32 @!p1 s2, s12;
	[tilespmem:v4+s13+$0x0] =	vst.idx.msk @!p1 vm2, v5  }
0x200: {  	[hbm4b:s12+s14] =	stream.linear.scatter @!p1 [tilespmem:s13], [sflag:$0x2], $0x400, $0x38;
	[tilespmem:$0x19880] =	vst v63  }
0x201: {  	s12 =	simm.s32 @!p1 $0x2  }
0x202: {  	v53 =	vsel vm14, $0x0, v1;
	_ =	swait.ge @!p1 [sflag:s12], $0x400  }
0x203: {  	(xrf0) =	vadd.scan.msk.s32 $0xffff, v53;
	_ =	sdelay $0x5  }
0x204: {  	v5, _, _ =	vpop (xrf0)  }
0x205: {  	(v2sf) =	vpush v5, $0xF;
	_ =	sdelay $0xe  }
0x206: {  	s14 =	spop (v2sf)  }
0x207: {  	p0 =	sgt.s32 s14, $0x30C  }
0x208: {  	v6 =	vimm.s32 @!p0 $0x380;
	vm1 =	vcmask @!p0 $0x1F00  }
0x209: {  	v6 =	vsel @!p0 vm1, $0x400, v6;
	vm1 =	vcmask @!p0 $0x2320  }
0x20a: {  	v6 =	vsel @!p0 vm1, $0x0, v6;
	vm1 =	vcmask @!p0 $0x2724  }
0x20b: {  	v6 =	vsel @!p0 vm1, $0x80, v6;
	vm1 =	vcmask @!p0 $0x2B28  }
0x20c: {  	v6 =	vsel @!p0 vm1, $0x100, v6;
	vm1 =	vcmask @!p0 $0x2F2C  }
0x20d: {  	v6 =	vsel @!p0 vm1, $0x180, v6;
	vm1 =	vcmask @!p0 $0x3330  }
0x20e: {  	v6 =	vsel @!p0 vm1, $0x200, v6;
	vm1 =	vcmask @!p0 $0x3734  }
0x20f: {  	v6 =	vsel @!p0 vm1, $0x280, v6;
	vm1 =	vcmask @!p0 $0x3B38  }
0x210: {  	v6 =	vsel @!p0 vm1, $0x300, v6;
	vm1 =	vcmask @!p0 $0x3F20  }
0x211: {  	v6 =	vor.u32 @!p0 v6, v2  }
0x212: {  	v5 =	vbroadcast @!p0 v5, $0xF  }
0x213: {  	[sflag:s12] =	ssyncset.done @!p1 $0x0;
	s14 =	sshll.u32 @!p0 s14, $0xA  }
0x214: {  	[sflag:s12] =	ssyncadd.s32 @!p1 $0xFFFFFC00;
	s12 =	sadd.s32 @!p0 s6, s14;
	vm3 =	veq.s32 @!p0 v1, v5;
	v5 =	vimm.f32 @!p0 $0.0e+00  }
0x215: {  	[tilespmem:v4+s13+$0x0] =	vst.idx.msk @!p1 vm2, v3;
	s13 =	simm.s32 @!p0 $0x19080;
	s12 =	sshrl.u32 @!p0 s12, $0x3;
	v3 =	vsel @!p0 vm3, $0x3F800000, v5  }
0x216: {  	s14 =	simm.s32 @!p0 $0x0;
	s12 =	sadd.s32 @!p0 s2, s12;
	[tilespmem:v6+s13+$0x0] =	vst.idx.msk @!p0 vm1, v3  }
0x217: {  	[hbm4b:s12+s14] =	stream.linear.scatter @!p0 [tilespmem:s13], [sflag:$0x2], $0x400, $0x38;
	[tilespmem:$0x19880] =	vst v63  }
0x218: {  	vm0 =	vcmask $0x2F34;
	s12 =	simm.s32 @!p0 $0x2  }
0x219: {  	v3 =	vsel vm0, $0x0, v1;
	_ =	swait.ge @!p0 [sflag:s12], $0x400  }
0x21a: {  	(xrf0) =	vadd.scan.msk.s32 $0xffff, v3;
	_ =	sdelay $0x5  }
0x21b: {  	v3, _, _ =	vpop (xrf0)  }
0x21c: {  	(v2sf) =	vpush v3, $0xF;
	_ =	sdelay $0xe  }
0x21d: {  	s14 =	spop (v2sf)  }
0x21e: {  	p1 =	sgt.s32 s14, $0x30C  }
0x21f: {  	v4 =	vimm.s32 @!p1 $0x380;
	vm2 =	vcmask @!p1 $0x1F00  }
0x220: {  	v4 =	vsel @!p1 vm2, $0x400, v4;
	vm2 =	vcmask @!p1 $0x2320  }
0x221: {  	v4 =	vsel @!p1 vm2, $0x0, v4;
	vm2 =	vcmask @!p1 $0x2724  }
0x222: {  	v4 =	vsel @!p1 vm2, $0x80, v4;
	vm2 =	vcmask @!p1 $0x2B28  }
0x223: {  	v4 =	vsel @!p1 vm2, $0x100, v4;
	vm2 =	vcmask @!p1 $0x2F2C  }
0x224: {  	v4 =	vsel @!p1 vm2, $0x180, v4;
	vm2 =	vcmask @!p1 $0x3330  }
0x225: {  	v4 =	vsel @!p1 vm2, $0x200, v4;
	vm2 =	vcmask @!p1 $0x3734  }
0x226: {  	v4 =	vsel @!p1 vm2, $0x280, v4;
	vm2 =	vcmask @!p1 $0x3B38  }
0x227: {  	v4 =	vsel @!p1 vm2, $0x300, v4;
	vm2 =	vcmask @!p1 $0x3F20  }
0x228: {  	v4 =	vor.u32 @!p1 v4, v2  }
0x229: {  	v3 =	vbroadcast @!p1 v3, $0xF  }
0x22a: {  	[sflag:s12] =	ssyncset.done @!p0 $0x0;
	s14 =	sshll.u32 @!p1 s14, $0xA  }
0x22b: {  	[sflag:s12] =	ssyncadd.s32 @!p0 $0xFFFFFC00;
	s12 =	sadd.s32 @!p1 s6, s14;
	vm3 =	veq.s32 @!p1 v1, v3;
	v3 =	vimm.f32 @!p1 $0.0e+00  }
0x22c: {  	[tilespmem:v6+s13+$0x0] =	vst.idx.msk @!p0 vm1, v5;
	s13 =	simm.s32 @!p1 $0x19080;
	s12 =	sshrl.u32 @!p1 s12, $0x3;
	v5 =	vsel @!p1 vm3, $0x3F800000, v3  }
0x22d: {  	s14 =	simm.s32 @!p1 $0x0;
	s12 =	sadd.s32 @!p1 s2, s12;
	[tilespmem:v4+s13+$0x0] =	vst.idx.msk @!p1 vm2, v5  }
0x22e: {  	[hbm4b:s12+s14] =	stream.linear.scatter @!p1 [tilespmem:s13], [sflag:$0x2], $0x400, $0x38;
	[tilespmem:$0x19880] =	vst v63  }
0x22f: {  	vm1 =	vcmask $0x3338;
	s12 =	simm.s32 @!p1 $0x2  }
0x230: {  	v54 =	vsel vm1, $0x0, v1;
	_ =	swait.ge @!p1 [sflag:s12], $0x400  }
0x231: {  	(xrf0) =	vadd.scan.msk.s32 $0xffff, v54;
	_ =	sdelay $0x5  }
0x232: {  	v5, _, _ =	vpop (xrf0)  }
0x233: {  	(v2sf) =	vpush v5, $0xF;
	_ =	sdelay $0xe  }
0x234: {  	s14 =	spop (v2sf)  }
0x235: {  	p0 =	sgt.s32 s14, $0x30C  }
0x236: {  	v6 =	vimm.s32 @!p0 $0x380;
	vm1 =	vcmask @!p0 $0x1F00  }
0x237: {  	v6 =	vsel @!p0 vm1, $0x400, v6;
	vm1 =	vcmask @!p0 $0x2320  }
0x238: {  	v6 =	vsel @!p0 vm1, $0x0, v6;
	vm1 =	vcmask @!p0 $0x2724  }
0x239: {  	v6 =	vsel @!p0 vm1, $0x80, v6;
	vm1 =	vcmask @!p0 $0x2B28  }
0x23a: {  	v6 =	vsel @!p0 vm1, $0x100, v6;
	vm1 =	vcmask @!p0 $0x2F2C  }
0x23b: {  	v6 =	vsel @!p0 vm1, $0x180, v6;
	vm1 =	vcmask @!p0 $0x3330  }
0x23c: {  	v6 =	vsel @!p0 vm1, $0x200, v6;
	vm1 =	vcmask @!p0 $0x3734  }
0x23d: {  	v6 =	vsel @!p0 vm1, $0x280, v6;
	vm1 =	vcmask @!p0 $0x3B38  }
0x23e: {  	v6 =	vsel @!p0 vm1, $0x300, v6;
	vm1 =	vcmask @!p0 $0x3F20  }
0x23f: {  	v6 =	vor.u32 @!p0 v6, v2  }
0x240: {  	v5 =	vbroadcast @!p0 v5, $0xF  }
0x241: {  	[sflag:s12] =	ssyncset.done @!p1 $0x0;
	s14 =	sshll.u32 @!p0 s14, $0xA  }
0x242: {  	[sflag:s12] =	ssyncadd.s32 @!p1 $0xFFFFFC00;
	s12 =	sadd.s32 @!p0 s6, s14;
	vm3 =	veq.s32 @!p0 v1, v5;
	v5 =	vimm.f32 @!p0 $0.0e+00  }
0x243: {  	[tilespmem:v4+s13+$0x0] =	vst.idx.msk @!p1 vm2, v3;
	s13 =	simm.s32 @!p0 $0x19080;
	s12 =	sshrl.u32 @!p0 s12, $0x3;
	v3 =	vsel @!p0 vm3, $0x3F800000, v5  }
0x244: {  	s14 =	simm.s32 @!p0 $0x0;
	s12 =	sadd.s32 @!p0 s2, s12;
	[tilespmem:v6+s13+$0x0] =	vst.idx.msk @!p0 vm1, v3  }
0x245: {  	[hbm4b:s12+s14] =	stream.linear.scatter @!p0 [tilespmem:s13], [sflag:$0x2], $0x400, $0x38;
	[tilespmem:$0x19880] =	vst v63  }
0x246: {  	vm2 =	vcmask $0x373C;
	s12 =	simm.s32 @!p0 $0x2  }
0x247: {  	v3 =	vsel vm2, $0x0, v1;
	_ =	swait.ge @!p0 [sflag:s12], $0x400  }
0x248: {  	(xrf0) =	vadd.scan.msk.s32 $0xffff, v3;
	_ =	sdelay $0x5  }
0x249: {  	v3, _, _ =	vpop (xrf0)  }
0x24a: {  	(v2sf) =	vpush v3, $0xF;
	_ =	sdelay $0xe  }
0x24b: {  	s14 =	spop (v2sf)  }
0x24c: {  	p1 =	sgt.s32 s14, $0x30C  }
0x24d: {  	v4 =	vimm.s32 @!p1 $0x380;
	vm2 =	vcmask @!p1 $0x1F00  }
0x24e: {  	v4 =	vsel @!p1 vm2, $0x400, v4;
	vm2 =	vcmask @!p1 $0x2320  }
0x24f: {  	v4 =	vsel @!p1 vm2, $0x0, v4;
	vm2 =	vcmask @!p1 $0x2724  }
0x250: {  	v4 =	vsel @!p1 vm2, $0x80, v4;
	vm2 =	vcmask @!p1 $0x2B28  }
0x251: {  	v4 =	vsel @!p1 vm2, $0x100, v4;
	vm2 =	vcmask @!p1 $0x2F2C  }
0x252: {  	v4 =	vsel @!p1 vm2, $0x180, v4;
	vm2 =	vcmask @!p1 $0x3330  }
0x253: {  	v4 =	vsel @!p1 vm2, $0x200, v4;
	vm2 =	vcmask @!p1 $0x3734  }
0x254: {  	v4 =	vsel @!p1 vm2, $0x280, v4;
	vm2 =	vcmask @!p1 $0x3B38  }
0x255: {  	v4 =	vsel @!p1 vm2, $0x300, v4;
	vm2 =	vcmask @!p1 $0x3F20  }
0x256: {  	v4 =	vor.u32 @!p1 v4, v2  }
0x257: {  	v3 =	vbroadcast @!p1 v3, $0xF  }
0x258: {  	[sflag:s12] =	ssyncset.done @!p0 $0x0;
	s14 =	sshll.u32 @!p1 s14, $0xA  }
0x259: {  	[sflag:s12] =	ssyncadd.s32 @!p0 $0xFFFFFC00;
	s12 =	sadd.s32 @!p1 s6, s14;
	vm3 =	veq.s32 @!p1 v1, v3;
	v3 =	vimm.f32 @!p1 $0.0e+00  }
0x25a: {  	[tilespmem:v6+s13+$0x0] =	vst.idx.msk @!p0 vm1, v5;
	s13 =	simm.s32 @!p1 $0x19080;
	s12 =	sshrl.u32 @!p1 s12, $0x3;
	v5 =	vsel @!p1 vm3, $0x3F800000, v3  }
0x25b: {  	s14 =	simm.s32 @!p1 $0x0;
	s12 =	sadd.s32 @!p1 s2, s12;
	[tilespmem:v4+s13+$0x0] =	vst.idx.msk @!p1 vm2, v5  }
0x25c: {  	[hbm4b:s12+s14] =	stream.linear.scatter @!p1 [tilespmem:s13], [sflag:$0x2], $0x400, $0x38;
	[tilespmem:$0x19880] =	vst v63  }
0x25d: {  	s12 =	simm.s32 @!p1 $0x2  }
0x25e: {  	_ =	swait.ge @!p1 [sflag:s12], $0x400  }
0x25f: {  	v55 =	vld [tilespmem:$0x1FFF0];
	_ =	sdelay $0x4  }
0x260: {  	vm0 =	vnez.u8 v55  }
0x261: {  	v5 =	vsel vm0, $0x0, v1  }
0x262: {  	(xrf0) =	vadd.scan.msk.s32 $0xffff, v5;
	_ =	sdelay $0x5  }
0x263: {  	v5, _, _ =	vpop (xrf0)  }
0x264: {  	(v2sf) =	vpush v5, $0xF;
	_ =	sdelay $0xe  }
0x265: {  	s14 =	spop (v2sf)  }
0x266: {  	p0 =	sgt.s32 s14, $0x30C  }
0x267: {  	v6 =	vimm.s32 @!p0 $0x380;
	vm1 =	vcmask @!p0 $0x1F00  }
0x268: {  	v6 =	vsel @!p0 vm1, $0x400, v6;
	vm1 =	vcmask @!p0 $0x2320  }
0x269: {  	v6 =	vsel @!p0 vm1, $0x0, v6;
	vm1 =	vcmask @!p0 $0x2724  }
0x26a: {  	v6 =	vsel @!p0 vm1, $0x80, v6;
	vm1 =	vcmask @!p0 $0x2B28  }
0x26b: {  	v6 =	vsel @!p0 vm1, $0x100, v6;
	vm1 =	vcmask @!p0 $0x2F2C  }
0x26c: {  	v6 =	vsel @!p0 vm1, $0x180, v6;
	vm1 =	vcmask @!p0 $0x3330  }
0x26d: {  	v6 =	vsel @!p0 vm1, $0x200, v6;
	vm1 =	vcmask @!p0 $0x3734  }
0x26e: {  	v6 =	vsel @!p0 vm1, $0x280, v6;
	vm1 =	vcmask @!p0 $0x3B38  }
0x26f: {  	v6 =	vsel @!p0 vm1, $0x300, v6;
	vm1 =	vcmask @!p0 $0x3F20  }
0x270: {  	v2 =	vor.u32 @!p0 v6, v2  }
0x271: {  	v5 =	vbroadcast @!p0 v5, $0xF  }
0x272: {  	[sflag:s12] =	ssyncset.done @!p1 $0x0;
	s14 =	sshll.u32 @!p0 s14, $0xA  }
0x273: {  	[sflag:s12] =	ssyncadd.s32 @!p1 $0xFFFFFC00;
	s12 =	sadd.s32 @!p0 s6, s14;
	vm3 =	veq.s32 @!p0 v1, v5;
	v1 =	vimm.f32 @!p0 $0.0e+00  }
0x274: {  	[tilespmem:v4+s13+$0x0] =	vst.idx.msk @!p1 vm2, v3;
	s13 =	simm.s32 @!p0 $0x19080;
	s12 =	sshrl.u32 @!p0 s12, $0x3;
	v3 =	vsel @!p0 vm3, $0x3F800000, v1  }
0x275: {  	s14 =	simm.s32 @!p0 $0x0;
	s12 =	sadd.s32 @!p0 s2, s12;
	[tilespmem:v2+s13+$0x0] =	vst.idx.msk @!p0 vm1, v3  }
0x276: {  	[hbm4b:s12+s14] =	stream.linear.scatter @!p0 [tilespmem:s13], [sflag:$0x2], $0x400, $0x38;
	[tilespmem:$0x19880] =	vst v63  }
0x277: {  	s12 =	simm.s32 @!p0 $0x2  }
0x278: {  	_ =	swait.ge @!p0 [sflag:s12], $0x400  }
0x279: {  	[sflag:s12] =	ssyncset.done @!p0 $0x0  }
0x27a: {  	[sflag:s12] =	ssyncadd.s32 @!p0 $0xFFFFFC00  }
0x27b: {  	[tilespmem:v2+s13+$0x0] =	vst.idx.msk @!p0 vm1, v1  }
0x27c: {  	v2 =	vld [tilespmem:$0x19010];
	_ =	sdelay $0x4  }
0x27d: {  	v1 =	vshrl.u32 v2, $0x7  }
0x27e: {  	v3 =	vnsel vm15, $0x0, v1  }
0x27f: {  	(xrf0) =	vadd.scan.msk.s32 $0xffff, v3;
	_ =	sdelay $0x5  }
0x280: {  	v3, _, _ =	vpop (xrf0)  }
0x281: {  	(v2sf) =	vpush v3, $0xF;
	_ =	sdelay $0xe  }
0x282: {  	s12 =	spop (v2sf)  }
0x283: {  	p1 =	sgt.s32 s12, $0x30C  }
0x284: {  	v4 =	vimm.s32 @!p1 $0x400;
	vm1 =	vcmask @!p1 $0x300  }
0x285: {  	v4 =	vsel @!p1 vm1, $0x0, v4;
	vm1 =	vcmask @!p1 $0x704  }
0x286: {  	v4 =	vsel @!p1 vm1, $0x80, v4;
	vm1 =	vcmask @!p1 $0xB08  }
0x287: {  	v4 =	vsel @!p1 vm1, $0x100, v4;
	vm1 =	vcmask @!p1 $0xF0C  }
0x288: {  	v4 =	vsel @!p1 vm1, $0x180, v4;
	vm1 =	vcmask @!p1 $0x1310  }
0x289: {  	v4 =	vsel @!p1 vm1, $0x200, v4;
	vm1 =	vcmask @!p1 $0x1714  }
0x28a: {  	v4 =	vsel @!p1 vm1, $0x280, v4;
	vm1 =	vcmask @!p1 $0x1B18  }
0x28b: {  	v4 =	vsel @!p1 vm1, $0x300, v4;
	vm1 =	vcmask @!p1 $0x1F1C  }
0x28c: {  	v2 =	vand.u32 $0x7F, v2;
	v4 =	vsel @!p1 vm1, $0x380, v4  }
0x28d: {  	v4 =	vor.u32 @!p1 v4, v2  }
0x28e: {  	v3 =	vbroadcast @!p1 v3, $0xF  }
0x28f: {  	s12 =	sshll.u32 @!p1 s12, $0xA  }
0x290: {  	s12 =	sadd.s32 @!p1 s7, s12;
	vm1 =	veq.s32 @!p1 v1, v3;
	v3 =	vimm.f32 @!p1 $0.0e+00  }
0x291: {  	s13 =	simm.s32 @!p1 $0x19080;
	s12 =	sshrl.u32 @!p1 s12, $0x3;
	v5 =	vsel @!p1 vm1, $0x3F800000, v3  }
0x292: {  	s14 =	simm.s32 @!p1 $0x0;
	s12 =	sadd.s32 @!p1 s2, s12;
	[tilespmem:v4+s13+$0x0] =	vst.idx.msk @!p1 $0xff, v5  }
0x293: {  	[hbm4b:s12+s14] =	stream.linear.scatter @!p1 [tilespmem:s13], [sflag:$0x2], $0x400, $0x38;
	[tilespmem:$0x19880] =	vst v63  }
0x294: {  	s12 =	simm.s32 @!p1 $0x2  }
0x295: {  	v56 =	vsel vm4, $0x0, v1;
	_ =	swait.ge @!p1 [sflag:s12], $0x400  }
0x296: {  	(xrf0) =	vadd.scan.msk.s32 $0xffff, v56;
	_ =	sdelay $0x5  }
0x297: {  	v5, _, _ =	vpop (xrf0)  }
0x298: {  	(v2sf) =	vpush v5, $0xF;
	_ =	sdelay $0xe  }
0x299: {  	s14 =	spop (v2sf)  }
0x29a: {  	p0 =	sgt.s32 s14, $0x30C  }
0x29b: {  	v6 =	vimm.s32 @!p0 $0x400;
	vm1 =	vcmask @!p0 $0x300  }
0x29c: {  	v6 =	vsel @!p0 vm1, $0x0, v6;
	vm1 =	vcmask @!p0 $0x704  }
0x29d: {  	v6 =	vsel @!p0 vm1, $0x80, v6;
	vm1 =	vcmask @!p0 $0xB08  }
0x29e: {  	v6 =	vsel @!p0 vm1, $0x100, v6;
	vm1 =	vcmask @!p0 $0xF0C  }
0x29f: {  	v6 =	vsel @!p0 vm1, $0x180, v6;
	vm1 =	vcmask @!p0 $0x1310  }
0x2a0: {  	v6 =	vsel @!p0 vm1, $0x200, v6;
	vm1 =	vcmask @!p0 $0x1714  }
0x2a1: {  	v6 =	vsel @!p0 vm1, $0x280, v6;
	vm1 =	vcmask @!p0 $0x1B18  }
0x2a2: {  	v6 =	vsel @!p0 vm1, $0x300, v6;
	vm1 =	vcmask @!p0 $0x1F1C  }
0x2a3: {  	v6 =	vsel @!p0 vm1, $0x380, v6  }
0x2a4: {  	v6 =	vor.u32 @!p0 v6, v2  }
0x2a5: {  	v5 =	vbroadcast @!p0 v5, $0xF  }
0x2a6: {  	[sflag:s12] =	ssyncset.done @!p1 $0x0;
	s14 =	sshll.u32 @!p0 s14, $0xA  }
0x2a7: {  	[sflag:s12] =	ssyncadd.s32 @!p1 $0xFFFFFC00;
	s12 =	sadd.s32 @!p0 s7, s14;
	vm1 =	veq.s32 @!p0 v1, v5;
	v5 =	vimm.f32 @!p0 $0.0e+00  }
0x2a8: {  	[tilespmem:v4+s13+$0x0] =	vst.idx.msk @!p1 $0xff, v3;
	s13 =	simm.s32 @!p0 $0x19080;
	s12 =	sshrl.u32 @!p0 s12, $0x3;
	v3 =	vsel @!p0 vm1, $0x3F800000, v5  }
0x2a9: {  	s14 =	simm.s32 @!p0 $0x0;
	s12 =	sadd.s32 @!p0 s2, s12;
	[tilespmem:v6+s13+$0x0] =	vst.idx.msk @!p0 $0xff, v3  }
0x2aa: {  	[hbm4b:s12+s14] =	stream.linear.scatter @!p0 [tilespmem:s13], [sflag:$0x2], $0x400, $0x38;
	[tilespmem:$0x19880] =	vst v63  }
0x2ab: {  	s12 =	simm.s32 @!p0 $0x2  }
0x2ac: {  	v3 =	vsel vm5, $0x0, v1;
	_ =	swait.ge @!p0 [sflag:s12], $0x400  }
0x2ad: {  	(xrf0) =	vadd.scan.msk.s32 $0xffff, v3;
	_ =	sdelay $0x5  }
0x2ae: {  	v3, _, _ =	vpop (xrf0)  }
0x2af: {  	(v2sf) =	vpush v3, $0xF;
	_ =	sdelay $0xe  }
0x2b0: {  	s14 =	spop (v2sf)  }
0x2b1: {  	p1 =	sgt.s32 s14, $0x30C  }
0x2b2: {  	v4 =	vimm.s32 @!p1 $0x400;
	vm1 =	vcmask @!p1 $0x300  }
0x2b3: {  	v4 =	vsel @!p1 vm1, $0x0, v4;
	vm1 =	vcmask @!p1 $0x704  }
0x2b4: {  	v4 =	vsel @!p1 vm1, $0x80, v4;
	vm1 =	vcmask @!p1 $0xB08  }
0x2b5: {  	v4 =	vsel @!p1 vm1, $0x100, v4;
	vm1 =	vcmask @!p1 $0xF0C  }
0x2b6: {  	v4 =	vsel @!p1 vm1, $0x180, v4;
	vm1 =	vcmask @!p1 $0x1310  }
0x2b7: {  	v4 =	vsel @!p1 vm1, $0x200, v4;
	vm1 =	vcmask @!p1 $0x1714  }
0x2b8: {  	v4 =	vsel @!p1 vm1, $0x280, v4;
	vm1 =	vcmask @!p1 $0x1B18  }
0x2b9: {  	v4 =	vsel @!p1 vm1, $0x300, v4;
	vm1 =	vcmask @!p1 $0x1F1C  }
0x2ba: {  	v4 =	vsel @!p1 vm1, $0x380, v4  }
0x2bb: {  	v4 =	vor.u32 @!p1 v4, v2  }
0x2bc: {  	v3 =	vbroadcast @!p1 v3, $0xF  }
0x2bd: {  	[sflag:s12] =	ssyncset.done @!p0 $0x0;
	s14 =	sshll.u32 @!p1 s14, $0xA  }
0x2be: {  	[sflag:s12] =	ssyncadd.s32 @!p0 $0xFFFFFC00;
	s12 =	sadd.s32 @!p1 s7, s14;
	vm1 =	veq.s32 @!p1 v1, v3;
	v3 =	vimm.f32 @!p1 $0.0e+00  }
0x2bf: {  	[tilespmem:v6+s13+$0x0] =	vst.idx.msk @!p0 $0xff, v5;
	s13 =	simm.s32 @!p1 $0x19080;
	s12 =	sshrl.u32 @!p1 s12, $0x3;
	v5 =	vsel @!p1 vm1, $0x3F800000, v3  }
0x2c0: {  	s14 =	simm.s32 @!p1 $0x0;
	s12 =	sadd.s32 @!p1 s2, s12;
	[tilespmem:v4+s13+$0x0] =	vst.idx.msk @!p1 $0xff, v5  }
0x2c1: {  	[hbm4b:s12+s14] =	stream.linear.scatter @!p1 [tilespmem:s13], [sflag:$0x2], $0x400, $0x38;
	[tilespmem:$0x19880] =	vst v63  }
0x2c2: {  	s12 =	simm.s32 @!p1 $0x2  }
0x2c3: {  	v57 =	vsel vm6, $0x0, v1;
	_ =	swait.ge @!p1 [sflag:s12], $0x400  }
0x2c4: {  	(xrf0) =	vadd.scan.msk.s32 $0xffff, v57;
	_ =	sdelay $0x5  }
0x2c5: {  	v5, _, _ =	vpop (xrf0)  }
0x2c6: {  	(v2sf) =	vpush v5, $0xF;
	_ =	sdelay $0xe  }
0x2c7: {  	s14 =	spop (v2sf)  }
0x2c8: {  	p0 =	sgt.s32 s14, $0x30C  }
0x2c9: {  	v6 =	vimm.s32 @!p0 $0x400;
	vm1 =	vcmask @!p0 $0x300  }
0x2ca: {  	v6 =	vsel @!p0 vm1, $0x0, v6;
	vm1 =	vcmask @!p0 $0x704  }
0x2cb: {  	v6 =	vsel @!p0 vm1, $0x80, v6;
	vm1 =	vcmask @!p0 $0xB08  }
0x2cc: {  	v6 =	vsel @!p0 vm1, $0x100, v6;
	vm1 =	vcmask @!p0 $0xF0C  }
0x2cd: {  	v6 =	vsel @!p0 vm1, $0x180, v6;
	vm1 =	vcmask @!p0 $0x1310  }
0x2ce: {  	v6 =	vsel @!p0 vm1, $0x200, v6;
	vm1 =	vcmask @!p0 $0x1714  }
0x2cf: {  	v6 =	vsel @!p0 vm1, $0x280, v6;
	vm1 =	vcmask @!p0 $0x1B18  }
0x2d0: {  	v6 =	vsel @!p0 vm1, $0x300, v6;
	vm1 =	vcmask @!p0 $0x1F1C  }
0x2d1: {  	v6 =	vsel @!p0 vm1, $0x380, v6  }
0x2d2: {  	v6 =	vor.u32 @!p0 v6, v2  }
0x2d3: {  	v5 =	vbroadcast @!p0 v5, $0xF  }
0x2d4: {  	[sflag:s12] =	ssyncset.done @!p1 $0x0;
	s14 =	sshll.u32 @!p0 s14, $0xA  }
0x2d5: {  	[sflag:s12] =	ssyncadd.s32 @!p1 $0xFFFFFC00;
	s12 =	sadd.s32 @!p0 s7, s14;
	vm1 =	veq.s32 @!p0 v1, v5;
	v5 =	vimm.f32 @!p0 $0.0e+00  }
0x2d6: {  	[tilespmem:v4+s13+$0x0] =	vst.idx.msk @!p1 $0xff, v3;
	s13 =	simm.s32 @!p0 $0x19080;
	s12 =	sshrl.u32 @!p0 s12, $0x3;
	v3 =	vsel @!p0 vm1, $0x3F800000, v5  }
0x2d7: {  	s14 =	simm.s32 @!p0 $0x0;
	s12 =	sadd.s32 @!p0 s2, s12;
	[tilespmem:v6+s13+$0x0] =	vst.idx.msk @!p0 $0xff, v3  }
0x2d8: {  	[hbm4b:s12+s14] =	stream.linear.scatter @!p0 [tilespmem:s13], [sflag:$0x2], $0x400, $0x38;
	[tilespmem:$0x19880] =	vst v63  }
0x2d9: {  	s12 =	simm.s32 @!p0 $0x2  }
0x2da: {  	v3 =	vsel vm7, $0x0, v1;
	_ =	swait.ge @!p0 [sflag:s12], $0x400  }
0x2db: {  	(xrf0) =	vadd.scan.msk.s32 $0xffff, v3;
	_ =	sdelay $0x5  }
0x2dc: {  	v3, _, _ =	vpop (xrf0)  }
0x2dd: {  	(v2sf) =	vpush v3, $0xF;
	_ =	sdelay $0xe  }
0x2de: {  	s14 =	spop (v2sf)  }
0x2df: {  	p1 =	sgt.s32 s14, $0x30C  }
0x2e0: {  	v4 =	vimm.s32 @!p1 $0x400;
	vm1 =	vcmask @!p1 $0x300  }
0x2e1: {  	v4 =	vsel @!p1 vm1, $0x0, v4;
	vm1 =	vcmask @!p1 $0x704  }
0x2e2: {  	v4 =	vsel @!p1 vm1, $0x80, v4;
	vm1 =	vcmask @!p1 $0xB08  }
0x2e3: {  	v4 =	vsel @!p1 vm1, $0x100, v4;
	vm1 =	vcmask @!p1 $0xF0C  }
0x2e4: {  	v4 =	vsel @!p1 vm1, $0x180, v4;
	vm1 =	vcmask @!p1 $0x1310  }
0x2e5: {  	v4 =	vsel @!p1 vm1, $0x200, v4;
	vm1 =	vcmask @!p1 $0x1714  }
0x2e6: {  	v4 =	vsel @!p1 vm1, $0x280, v4;
	vm1 =	vcmask @!p1 $0x1B18  }
0x2e7: {  	v4 =	vsel @!p1 vm1, $0x300, v4;
	vm1 =	vcmask @!p1 $0x1F1C  }
0x2e8: {  	v4 =	vsel @!p1 vm1, $0x380, v4  }
0x2e9: {  	v4 =	vor.u32 @!p1 v4, v2  }
0x2ea: {  	v3 =	vbroadcast @!p1 v3, $0xF  }
0x2eb: {  	[sflag:s12] =	ssyncset.done @!p0 $0x0;
	s14 =	sshll.u32 @!p1 s14, $0xA  }
0x2ec: {  	[sflag:s12] =	ssyncadd.s32 @!p0 $0xFFFFFC00;
	s12 =	sadd.s32 @!p1 s7, s14;
	vm1 =	veq.s32 @!p1 v1, v3;
	v3 =	vimm.f32 @!p1 $0.0e+00  }
0x2ed: {  	[tilespmem:v6+s13+$0x0] =	vst.idx.msk @!p0 $0xff, v5;
	s13 =	simm.s32 @!p1 $0x19080;
	s12 =	sshrl.u32 @!p1 s12, $0x3;
	v5 =	vsel @!p1 vm1, $0x3F800000, v3  }
0x2ee: {  	s14 =	simm.s32 @!p1 $0x0;
	s12 =	sadd.s32 @!p1 s2, s12;
	[tilespmem:v4+s13+$0x0] =	vst.idx.msk @!p1 $0xff, v5  }
0x2ef: {  	[hbm4b:s12+s14] =	stream.linear.scatter @!p1 [tilespmem:s13], [sflag:$0x2], $0x400, $0x38;
	[tilespmem:$0x19880] =	vst v63  }
0x2f0: {  	s12 =	simm.s32 @!p1 $0x2  }
0x2f1: {  	v58 =	vsel vm8, $0x0, v1;
	_ =	swait.ge @!p1 [sflag:s12], $0x400  }
0x2f2: {  	(xrf0) =	vadd.scan.msk.s32 $0xffff, v58;
	_ =	sdelay $0x5  }
0x2f3: {  	v5, _, _ =	vpop (xrf0)  }
0x2f4: {  	(v2sf) =	vpush v5, $0xF;
	_ =	sdelay $0xe  }
0x2f5: {  	s14 =	spop (v2sf)  }
0x2f6: {  	p0 =	sgt.s32 s14, $0x30C  }
0x2f7: {  	v6 =	vimm.s32 @!p0 $0x400;
	vm1 =	vcmask @!p0 $0x300  }
0x2f8: {  	v6 =	vsel @!p0 vm1, $0x0, v6;
	vm1 =	vcmask @!p0 $0x704  }
0x2f9: {  	v6 =	vsel @!p0 vm1, $0x80, v6;
	vm1 =	vcmask @!p0 $0xB08  }
0x2fa: {  	v6 =	vsel @!p0 vm1, $0x100, v6;
	vm1 =	vcmask @!p0 $0xF0C  }
0x2fb: {  	v6 =	vsel @!p0 vm1, $0x180, v6;
	vm1 =	vcmask @!p0 $0x1310  }
0x2fc: {  	v6 =	vsel @!p0 vm1, $0x200, v6;
	vm1 =	vcmask @!p0 $0x1714  }
0x2fd: {  	v6 =	vsel @!p0 vm1, $0x280, v6;
	vm1 =	vcmask @!p0 $0x1B18  }
0x2fe: {  	v6 =	vsel @!p0 vm1, $0x300, v6;
	vm1 =	vcmask @!p0 $0x1F1C  }
0x2ff: {  	v6 =	vsel @!p0 vm1, $0x380, v6  }
0x300: {  	v6 =	vor.u32 @!p0 v6, v2  }
0x301: {  	v5 =	vbroadcast @!p0 v5, $0xF  }
0x302: {  	[sflag:s12] =	ssyncset.done @!p1 $0x0;
	s14 =	sshll.u32 @!p0 s14, $0xA  }
0x303: {  	[sflag:s12] =	ssyncadd.s32 @!p1 $0xFFFFFC00;
	s12 =	sadd.s32 @!p0 s7, s14;
	vm1 =	veq.s32 @!p0 v1, v5;
	v5 =	vimm.f32 @!p0 $0.0e+00  }
0x304: {  	[tilespmem:v4+s13+$0x0] =	vst.idx.msk @!p1 $0xff, v3;
	s13 =	simm.s32 @!p0 $0x19080;
	s12 =	sshrl.u32 @!p0 s12, $0x3;
	v3 =	vsel @!p0 vm1, $0x3F800000, v5  }
0x305: {  	s14 =	simm.s32 @!p0 $0x0;
	s12 =	sadd.s32 @!p0 s2, s12;
	[tilespmem:v6+s13+$0x0] =	vst.idx.msk @!p0 $0xff, v3  }
0x306: {  	[hbm4b:s12+s14] =	stream.linear.scatter @!p0 [tilespmem:s13], [sflag:$0x2], $0x400, $0x38;
	[tilespmem:$0x19880] =	vst v63  }
0x307: {  	s12 =	simm.s32 @!p0 $0x2  }
0x308: {  	v3 =	vsel vm9, $0x0, v1;
	_ =	swait.ge @!p0 [sflag:s12], $0x400  }
0x309: {  	(xrf0) =	vadd.scan.msk.s32 $0xffff, v3;
	_ =	sdelay $0x5  }
0x30a: {  	v3, _, _ =	vpop (xrf0)  }
0x30b: {  	(v2sf) =	vpush v3, $0xF;
	_ =	sdelay $0xe  }
0x30c: {  	s14 =	spop (v2sf)  }
0x30d: {  	p1 =	sgt.s32 s14, $0x30C  }
0x30e: {  	v4 =	vimm.s32 @!p1 $0x400;
	vm1 =	vcmask @!p1 $0x300  }
0x30f: {  	v4 =	vsel @!p1 vm1, $0x0, v4;
	vm1 =	vcmask @!p1 $0x704  }
0x310: {  	v4 =	vsel @!p1 vm1, $0x80, v4;
	vm1 =	vcmask @!p1 $0xB08  }
0x311: {  	v4 =	vsel @!p1 vm1, $0x100, v4;
	vm1 =	vcmask @!p1 $0xF0C  }
0x312: {  	v4 =	vsel @!p1 vm1, $0x180, v4;
	vm1 =	vcmask @!p1 $0x1310  }
0x313: {  	v4 =	vsel @!p1 vm1, $0x200, v4;
	vm1 =	vcmask @!p1 $0x1714  }
0x314: {  	v4 =	vsel @!p1 vm1, $0x280, v4;
	vm1 =	vcmask @!p1 $0x1B18  }
0x315: {  	v4 =	vsel @!p1 vm1, $0x300, v4;
	vm1 =	vcmask @!p1 $0x1F1C  }
0x316: {  	v4 =	vsel @!p1 vm1, $0x380, v4  }
0x317: {  	v4 =	vor.u32 @!p1 v4, v2  }
0x318: {  	v3 =	vbroadcast @!p1 v3, $0xF  }
0x319: {  	[sflag:s12] =	ssyncset.done @!p0 $0x0;
	s14 =	sshll.u32 @!p1 s14, $0xA  }
0x31a: {  	[sflag:s12] =	ssyncadd.s32 @!p0 $0xFFFFFC00;
	s12 =	sadd.s32 @!p1 s7, s14;
	vm1 =	veq.s32 @!p1 v1, v3;
	v3 =	vimm.f32 @!p1 $0.0e+00  }
0x31b: {  	[tilespmem:v6+s13+$0x0] =	vst.idx.msk @!p0 $0xff, v5;
	s13 =	simm.s32 @!p1 $0x19080;
	s12 =	sshrl.u32 @!p1 s12, $0x3;
	v5 =	vsel @!p1 vm1, $0x3F800000, v3  }
0x31c: {  	s14 =	simm.s32 @!p1 $0x0;
	s12 =	sadd.s32 @!p1 s2, s12;
	[tilespmem:v4+s13+$0x0] =	vst.idx.msk @!p1 $0xff, v5  }
0x31d: {  	[hbm4b:s12+s14] =	stream.linear.scatter @!p1 [tilespmem:s13], [sflag:$0x2], $0x400, $0x38;
	[tilespmem:$0x19880] =	vst v63  }
0x31e: {  	s12 =	simm.s32 @!p1 $0x2  }
0x31f: {  	v59 =	vsel vm10, $0x0, v1;
	_ =	swait.ge @!p1 [sflag:s12], $0x400  }
0x320: {  	(xrf0) =	vadd.scan.msk.s32 $0xffff, v59;
	_ =	sdelay $0x5  }
0x321: {  	v5, _, _ =	vpop (xrf0)  }
0x322: {  	(v2sf) =	vpush v5, $0xF;
	_ =	sdelay $0xe  }
0x323: {  	s14 =	spop (v2sf)  }
0x324: {  	p0 =	sgt.s32 s14, $0x30C  }
0x325: {  	v6 =	vimm.s32 @!p0 $0x400;
	vm1 =	vcmask @!p0 $0x300  }
0x326: {  	v6 =	vsel @!p0 vm1, $0x0, v6;
	vm1 =	vcmask @!p0 $0x704  }
0x327: {  	v6 =	vsel @!p0 vm1, $0x80, v6;
	vm1 =	vcmask @!p0 $0xB08  }
0x328: {  	v6 =	vsel @!p0 vm1, $0x100, v6;
	vm1 =	vcmask @!p0 $0xF0C  }
0x329: {  	v6 =	vsel @!p0 vm1, $0x180, v6;
	vm1 =	vcmask @!p0 $0x1310  }
0x32a: {  	v6 =	vsel @!p0 vm1, $0x200, v6;
	vm1 =	vcmask @!p0 $0x1714  }
0x32b: {  	v6 =	vsel @!p0 vm1, $0x280, v6;
	vm1 =	vcmask @!p0 $0x1B18  }
0x32c: {  	v6 =	vsel @!p0 vm1, $0x300, v6;
	vm1 =	vcmask @!p0 $0x1F1C  }
0x32d: {  	v6 =	vsel @!p0 vm1, $0x380, v6  }
0x32e: {  	v2 =	vor.u32 @!p0 v6, v2  }
0x32f: {  	v5 =	vbroadcast @!p0 v5, $0xF  }
0x330: {  	[sflag:s12] =	ssyncset.done @!p1 $0x0;
	s14 =	sshll.u32 @!p0 s14, $0xA  }
0x331: {  	[sflag:s12] =	ssyncadd.s32 @!p1 $0xFFFFFC00;
	s12 =	sadd.s32 @!p0 s7, s14;
	vm1 =	veq.s32 @!p0 v1, v5;
	v1 =	vimm.f32 @!p0 $0.0e+00  }
0x332: {  	[tilespmem:v4+s13+$0x0] =	vst.idx.msk @!p1 $0xff, v3;
	s13 =	simm.s32 @!p0 $0x19080;
	s12 =	sshrl.u32 @!p0 s12, $0x3;
	v3 =	vsel @!p0 vm1, $0x3F800000, v1  }
0x333: {  	s14 =	simm.s32 @!p0 $0x0;
	s12 =	sadd.s32 @!p0 s2, s12;
	[tilespmem:v2+s13+$0x0] =	vst.idx.msk @!p0 $0xff, v3  }
0x334: {  	[hbm4b:s12+s14] =	stream.linear.scatter @!p0 [tilespmem:s13], [sflag:$0x2], $0x400, $0x38;
	[tilespmem:$0x19880] =	vst v63  }
0x335: {  	s12 =	simm.s32 @!p0 $0x2  }
0x336: {  	_ =	swait.ge @!p0 [sflag:s12], $0x400  }
0x337: {  	[sflag:s12] =	ssyncset.done @!p0 $0x0  }
0x338: {  	[sflag:s12] =	ssyncadd.s32 @!p0 $0xFFFFFC00  }
0x339: {  	[tilespmem:v2+s13+$0x0] =	vst.idx.msk @!p0 $0xff, v1  }
0x33a: {  	v2 =	vld [tilespmem:$0x19010];
	_ =	sdelay $0x4  }
0x33b: {  	v1 =	vshrl.u32 v2, $0x7  }
0x33c: {  	v3 =	vsel vm11, $0x0, v1  }
0x33d: {  	(xrf0) =	vadd.scan.msk.s32 $0xffff, v3;
	_ =	sdelay $0x5  }
0x33e: {  	v3, _, _ =	vpop (xrf0)  }
0x33f: {  	(v2sf) =	vpush v3, $0xF;
	_ =	sdelay $0xe  }
0x340: {  	s12 =	spop (v2sf)  }
0x341: {  	p1 =	sgt.s32 s12, $0x30C  }
0x342: {  	v4 =	vimm.s32 @!p1 $0x380;
	vm1 =	vcmask @!p1 $0x1F00  }
0x343: {  	v4 =	vsel @!p1 vm1, $0x400, v4;
	vm1 =	vcmask @!p1 $0x2320  }
0x344: {  	v4 =	vsel @!p1 vm1, $0x0, v4;
	vm1 =	vcmask @!p1 $0x2724  }
0x345: {  	v4 =	vsel @!p1 vm1, $0x80, v4;
	vm1 =	vcmask @!p1 $0x2B28  }
0x346: {  	v4 =	vsel @!p1 vm1, $0x100, v4;
	vm1 =	vcmask @!p1 $0x2F2C  }
0x347: {  	v4 =	vsel @!p1 vm1, $0x180, v4;
	vm1 =	vcmask @!p1 $0x3330  }
0x348: {  	v4 =	vsel @!p1 vm1, $0x200, v4;
	vm1 =	vcmask @!p1 $0x3734  }
0x349: {  	v4 =	vsel @!p1 vm1, $0x280, v4;
	vm1 =	vcmask @!p1 $0x3B38  }
0x34a: {  	v2 =	vand.u32 $0x7F, v2;
	vm2 =	vcmask @!p1 $0x3F20;
	v4 =	vsel @!p1 vm1, $0x300, v4  }
0x34b: {  	v4 =	vor.u32 @!p1 v4, v2  }
0x34c: {  	v3 =	vbroadcast @!p1 v3, $0xF  }
0x34d: {  	s12 =	sshll.u32 @!p1 s12, $0xA  }
0x34e: {  	s12 =	sadd.s32 @!p1 s8, s12;
	vm1 =	veq.s32 @!p1 v1, v3;
	v3 =	vimm.f32 @!p1 $0.0e+00  }
0x34f: {  	s13 =	simm.s32 @!p1 $0x19080;
	s12 =	sshrl.u32 @!p1 s12, $0x3;
	v5 =	vsel @!p1 vm1, $0x3F800000, v3  }
0x350: {  	s14 =	simm.s32 @!p1 $0x0;
	s12 =	sadd.s32 @!p1 s2, s12;
	[tilespmem:v4+s13+$0x0] =	vst.idx.msk @!p1 vm2, v5  }
0x351: {  	[hbm4b:s12+s14] =	stream.linear.scatter @!p1 [tilespmem:s13], [sflag:$0x2], $0x400, $0x38;
	[tilespmem:$0x19880] =	vst v63  }
0x352: {  	s12 =	simm.s32 @!p1 $0x2  }
0x353: {  	v60 =	vsel vm12, $0x0, v1;
	_ =	swait.ge @!p1 [sflag:s12], $0x400  }
0x354: {  	(xrf0) =	vadd.scan.msk.s32 $0xffff, v60;
	_ =	sdelay $0x5  }
0x355: {  	v5, _, _ =	vpop (xrf0)  }
0x356: {  	(v2sf) =	vpush v5, $0xF;
	_ =	sdelay $0xe  }
0x357: {  	s14 =	spop (v2sf)  }
0x358: {  	p0 =	sgt.s32 s14, $0x30C  }
0x359: {  	v6 =	vimm.s32 @!p0 $0x380;
	vm1 =	vcmask @!p0 $0x1F00  }
0x35a: {  	v6 =	vsel @!p0 vm1, $0x400, v6;
	vm1 =	vcmask @!p0 $0x2320  }
0x35b: {  	v6 =	vsel @!p0 vm1, $0x0, v6;
	vm1 =	vcmask @!p0 $0x2724  }
0x35c: {  	v6 =	vsel @!p0 vm1, $0x80, v6;
	vm1 =	vcmask @!p0 $0x2B28  }
0x35d: {  	v6 =	vsel @!p0 vm1, $0x100, v6;
	vm1 =	vcmask @!p0 $0x2F2C  }
0x35e: {  	v6 =	vsel @!p0 vm1, $0x180, v6;
	vm1 =	vcmask @!p0 $0x3330  }
0x35f: {  	v6 =	vsel @!p0 vm1, $0x200, v6;
	vm1 =	vcmask @!p0 $0x3734  }
0x360: {  	v6 =	vsel @!p0 vm1, $0x280, v6;
	vm1 =	vcmask @!p0 $0x3B38  }
0x361: {  	v6 =	vsel @!p0 vm1, $0x300, v6;
	vm1 =	vcmask @!p0 $0x3F20  }
0x362: {  	v6 =	vor.u32 @!p0 v6, v2  }
0x363: {  	v5 =	vbroadcast @!p0 v5, $0xF  }
0x364: {  	[sflag:s12] =	ssyncset.done @!p1 $0x0;
	s14 =	sshll.u32 @!p0 s14, $0xA  }
0x365: {  	[sflag:s12] =	ssyncadd.s32 @!p1 $0xFFFFFC00;
	s12 =	sadd.s32 @!p0 s8, s14;
	vm3 =	veq.s32 @!p0 v1, v5;
	v5 =	vimm.f32 @!p0 $0.0e+00  }
0x366: {  	[tilespmem:v4+s13+$0x0] =	vst.idx.msk @!p1 vm2, v3;
	s13 =	simm.s32 @!p0 $0x19080;
	s12 =	sshrl.u32 @!p0 s12, $0x3;
	v3 =	vsel @!p0 vm3, $0x3F800000, v5  }
0x367: {  	s14 =	simm.s32 @!p0 $0x0;
	s12 =	sadd.s32 @!p0 s2, s12;
	[tilespmem:v6+s13+$0x0] =	vst.idx.msk @!p0 vm1, v3  }
0x368: {  	[hbm4b:s12+s14] =	stream.linear.scatter @!p0 [tilespmem:s13], [sflag:$0x2], $0x400, $0x38;
	[tilespmem:$0x19880] =	vst v63  }
0x369: {  	s12 =	simm.s32 @!p0 $0x2  }
0x36a: {  	v3 =	vsel vm13, $0x0, v1;
	_ =	swait.ge @!p0 [sflag:s12], $0x400  }
0x36b: {  	(xrf0) =	vadd.scan.msk.s32 $0xffff, v3;
	_ =	sdelay $0x5  }
0x36c: {  	v3, _, _ =	vpop (xrf0)  }
0x36d: {  	(v2sf) =	vpush v3, $0xF;
	_ =	sdelay $0xe  }
0x36e: {  	s14 =	spop (v2sf)  }
0x36f: {  	p1 =	sgt.s32 s14, $0x30C  }
0x370: {  	v4 =	vimm.s32 @!p1 $0x380;
	vm2 =	vcmask @!p1 $0x1F00  }
0x371: {  	v4 =	vsel @!p1 vm2, $0x400, v4;
	vm2 =	vcmask @!p1 $0x2320  }
0x372: {  	v4 =	vsel @!p1 vm2, $0x0, v4;
	vm2 =	vcmask @!p1 $0x2724  }
0x373: {  	v4 =	vsel @!p1 vm2, $0x80, v4;
	vm2 =	vcmask @!p1 $0x2B28  }
0x374: {  	v4 =	vsel @!p1 vm2, $0x100, v4;
	vm2 =	vcmask @!p1 $0x2F2C  }
0x375: {  	v4 =	vsel @!p1 vm2, $0x180, v4;
	vm2 =	vcmask @!p1 $0x3330  }
0x376: {  	v4 =	vsel @!p1 vm2, $0x200, v4;
	vm2 =	vcmask @!p1 $0x3734  }
0x377: {  	v4 =	vsel @!p1 vm2, $0x280, v4;
	vm2 =	vcmask @!p1 $0x3B38  }
0x378: {  	v4 =	vsel @!p1 vm2, $0x300, v4;
	vm2 =	vcmask @!p1 $0x3F20  }
0x379: {  	v4 =	vor.u32 @!p1 v4, v2  }
0x37a: {  	v3 =	vbroadcast @!p1 v3, $0xF  }
0x37b: {  	[sflag:s12] =	ssyncset.done @!p0 $0x0;
	s14 =	sshll.u32 @!p1 s14, $0xA  }
0x37c: {  	[sflag:s12] =	ssyncadd.s32 @!p0 $0xFFFFFC00;
	s12 =	sadd.s32 @!p1 s8, s14;
	vm3 =	veq.s32 @!p1 v1, v3;
	v3 =	vimm.f32 @!p1 $0.0e+00  }
0x37d: {  	[tilespmem:v6+s13+$0x0] =	vst.idx.msk @!p0 vm1, v5;
	s13 =	simm.s32 @!p1 $0x19080;
	s12 =	sshrl.u32 @!p1 s12, $0x3;
	v5 =	vsel @!p1 vm3, $0x3F800000, v3  }
0x37e: {  	s14 =	simm.s32 @!p1 $0x0;
	s12 =	sadd.s32 @!p1 s2, s12;
	[tilespmem:v4+s13+$0x0] =	vst.idx.msk @!p1 vm2, v5  }
0x37f: {  	[hbm4b:s12+s14] =	stream.linear.scatter @!p1 [tilespmem:s13], [sflag:$0x2], $0x400, $0x38;
	[tilespmem:$0x19880] =	vst v63  }
0x380: {  	s12 =	simm.s32 @!p1 $0x2  }
0x381: {  	v61 =	vsel vm14, $0x0, v1;
	_ =	swait.ge @!p1 [sflag:s12], $0x400  }
0x382: {  	(xrf0) =	vadd.scan.msk.s32 $0xffff, v61;
	_ =	sdelay $0x5  }
0x383: {  	v5, _, _ =	vpop (xrf0)  }
0x384: {  	(v2sf) =	vpush v5, $0xF;
	_ =	sdelay $0xe  }
0x385: {  	s14 =	spop (v2sf)  }
0x386: {  	p0 =	sgt.s32 s14, $0x30C  }
0x387: {  	v6 =	vimm.s32 @!p0 $0x380;
	vm1 =	vcmask @!p0 $0x1F00  }
0x388: {  	v6 =	vsel @!p0 vm1, $0x400, v6;
	vm1 =	vcmask @!p0 $0x2320  }
0x389: {  	v6 =	vsel @!p0 vm1, $0x0, v6;
	vm1 =	vcmask @!p0 $0x2724  }
0x38a: {  	v6 =	vsel @!p0 vm1, $0x80, v6;
	vm1 =	vcmask @!p0 $0x2B28  }
0x38b: {  	v6 =	vsel @!p0 vm1, $0x100, v6;
	vm1 =	vcmask @!p0 $0x2F2C  }
0x38c: {  	v6 =	vsel @!p0 vm1, $0x180, v6;
	vm1 =	vcmask @!p0 $0x3330  }
0x38d: {  	v6 =	vsel @!p0 vm1, $0x200, v6;
	vm1 =	vcmask @!p0 $0x3734  }
0x38e: {  	v6 =	vsel @!p0 vm1, $0x280, v6;
	vm1 =	vcmask @!p0 $0x3B38  }
0x38f: {  	v6 =	vsel @!p0 vm1, $0x300, v6;
	vm1 =	vcmask @!p0 $0x3F20  }
0x390: {  	v6 =	vor.u32 @!p0 v6, v2  }
0x391: {  	v5 =	vbroadcast @!p0 v5, $0xF  }
0x392: {  	[sflag:s12] =	ssyncset.done @!p1 $0x0;
	s14 =	sshll.u32 @!p0 s14, $0xA  }
0x393: {  	[sflag:s12] =	ssyncadd.s32 @!p1 $0xFFFFFC00;
	s12 =	sadd.s32 @!p0 s8, s14;
	vm3 =	veq.s32 @!p0 v1, v5;
	v5 =	vimm.f32 @!p0 $0.0e+00  }
0x394: {  	[tilespmem:v4+s13+$0x0] =	vst.idx.msk @!p1 vm2, v3;
	s13 =	simm.s32 @!p0 $0x19080;
	s12 =	sshrl.u32 @!p0 s12, $0x3;
	v3 =	vsel @!p0 vm3, $0x3F800000, v5  }
0x395: {  	s14 =	simm.s32 @!p0 $0x0;
	s12 =	sadd.s32 @!p0 s2, s12;
	[tilespmem:v6+s13+$0x0] =	vst.idx.msk @!p0 vm1, v3  }
0x396: {  	[hbm4b:s12+s14] =	stream.linear.scatter @!p0 [tilespmem:s13], [sflag:$0x2], $0x400, $0x38;
	[tilespmem:$0x19880] =	vst v63  }
0x397: {  	vm2 =	vcmask $0x2F34;
	s12 =	simm.s32 @!p0 $0x2  }
0x398: {  	v3 =	vsel vm2, $0x0, v1;
	_ =	swait.ge @!p0 [sflag:s12], $0x400  }
0x399: {  	(xrf0) =	vadd.scan.msk.s32 $0xffff, v3;
	_ =	sdelay $0x5  }
0x39a: {  	v3, _, _ =	vpop (xrf0)  }
0x39b: {  	(v2sf) =	vpush v3, $0xF;
	_ =	sdelay $0xe  }
0x39c: {  	s14 =	spop (v2sf)  }
0x39d: {  	p1 =	sgt.s32 s14, $0x30C  }
0x39e: {  	v4 =	vimm.s32 @!p1 $0x380;
	vm2 =	vcmask @!p1 $0x1F00  }
0x39f: {  	v4 =	vsel @!p1 vm2, $0x400, v4;
	vm2 =	vcmask @!p1 $0x2320  }
0x3a0: {  	v4 =	vsel @!p1 vm2, $0x0, v4;
	vm2 =	vcmask @!p1 $0x2724  }
0x3a1: {  	v4 =	vsel @!p1 vm2, $0x80, v4;
	vm2 =	vcmask @!p1 $0x2B28  }
0x3a2: {  	v4 =	vsel @!p1 vm2, $0x100, v4;
	vm2 =	vcmask @!p1 $0x2F2C  }
0x3a3: {  	v4 =	vsel @!p1 vm2, $0x180, v4;
	vm2 =	vcmask @!p1 $0x3330  }
0x3a4: {  	v4 =	vsel @!p1 vm2, $0x200, v4;
	vm2 =	vcmask @!p1 $0x3734  }
0x3a5: {  	v4 =	vsel @!p1 vm2, $0x280, v4;
	vm2 =	vcmask @!p1 $0x3B38  }
0x3a6: {  	v4 =	vsel @!p1 vm2, $0x300, v4;
	vm2 =	vcmask @!p1 $0x3F20  }
0x3a7: {  	v4 =	vor.u32 @!p1 v4, v2  }
0x3a8: {  	v3 =	vbroadcast @!p1 v3, $0xF  }
0x3a9: {  	[sflag:s12] =	ssyncset.done @!p0 $0x0;
	s14 =	sshll.u32 @!p1 s14, $0xA  }
0x3aa: {  	[sflag:s12] =	ssyncadd.s32 @!p0 $0xFFFFFC00;
	s12 =	sadd.s32 @!p1 s8, s14;
	vm3 =	veq.s32 @!p1 v1, v3;
	v3 =	vimm.f32 @!p1 $0.0e+00  }
0x3ab: {  	[tilespmem:v6+s13+$0x0] =	vst.idx.msk @!p0 vm1, v5;
	s13 =	simm.s32 @!p1 $0x19080;
	s12 =	sshrl.u32 @!p1 s12, $0x3;
	v5 =	vsel @!p1 vm3, $0x3F800000, v3  }
0x3ac: {  	s14 =	simm.s32 @!p1 $0x0;
	s12 =	sadd.s32 @!p1 s2, s12;
	[tilespmem:v4+s13+$0x0] =	vst.idx.msk @!p1 vm2, v5  }
0x3ad: {  	[hbm4b:s12+s14] =	stream.linear.scatter @!p1 [tilespmem:s13], [sflag:$0x2], $0x400, $0x38;
	[tilespmem:$0x19880] =	vst v63  }
0x3ae: {  	vm1 =	vcmask $0x3338;
	s12 =	simm.s32 @!p1 $0x2  }
0x3af: {  	v62 =	vsel vm1, $0x0, v1;
	_ =	swait.ge @!p1 [sflag:s12], $0x400  }
0x3b0: {  	(xrf0) =	vadd.scan.msk.s32 $0xffff, v62;
	_ =	sdelay $0x5  }
0x3b1: {  	v5, _, _ =	vpop (xrf0)  }
0x3b2: {  	(v2sf) =	vpush v5, $0xF;
	_ =	sdelay $0xe  }
0x3b3: {  	s14 =	spop (v2sf)  }
0x3b4: {  	p0 =	sgt.s32 s14, $0x30C  }
0x3b5: {  	v6 =	vimm.s32 @!p0 $0x380;
	vm1 =	vcmask @!p0 $0x1F00  }
0x3b6: {  	v6 =	vsel @!p0 vm1, $0x400, v6;
	vm1 =	vcmask @!p0 $0x2320  }
0x3b7: {  	v6 =	vsel @!p0 vm1, $0x0, v6;
	vm1 =	vcmask @!p0 $0x2724  }
0x3b8: {  	v6 =	vsel @!p0 vm1, $0x80, v6;
	vm1 =	vcmask @!p0 $0x2B28  }
0x3b9: {  	v6 =	vsel @!p0 vm1, $0x100, v6;
	vm1 =	vcmask @!p0 $0x2F2C  }
0x3ba: {  	v6 =	vsel @!p0 vm1, $0x180, v6;
	vm1 =	vcmask @!p0 $0x3330  }
0x3bb: {  	v6 =	vsel @!p0 vm1, $0x200, v6;
	vm1 =	vcmask @!p0 $0x3734  }
0x3bc: {  	v6 =	vsel @!p0 vm1, $0x280, v6;
	vm1 =	vcmask @!p0 $0x3B38  }
0x3bd: {  	v6 =	vsel @!p0 vm1, $0x300, v6;
	vm1 =	vcmask @!p0 $0x3F20  }
0x3be: {  	v6 =	vor.u32 @!p0 v6, v2  }
0x3bf: {  	v5 =	vbroadcast @!p0 v5, $0xF  }
0x3c0: {  	[sflag:s12] =	ssyncset.done @!p1 $0x0;
	s14 =	sshll.u32 @!p0 s14, $0xA  }
0x3c1: {  	[sflag:s12] =	ssyncadd.s32 @!p1 $0xFFFFFC00;
	s12 =	sadd.s32 @!p0 s8, s14;
	vm3 =	veq.s32 @!p0 v1, v5;
	v5 =	vimm.f32 @!p0 $0.0e+00  }
0x3c2: {  	[tilespmem:v4+s13+$0x0] =	vst.idx.msk @!p1 vm2, v3;
	s13 =	simm.s32 @!p0 $0x19080;
	s12 =	sshrl.u32 @!p0 s12, $0x3;
	v3 =	vsel @!p0 vm3, $0x3F800000, v5  }
0x3c3: {  	s14 =	simm.s32 @!p0 $0x0;
	s12 =	sadd.s32 @!p0 s2, s12;
	[tilespmem:v6+s13+$0x0] =	vst.idx.msk @!p0 vm1, v3  }
0x3c4: {  	[hbm4b:s12+s14] =	stream.linear.scatter @!p0 [tilespmem:s13], [sflag:$0x2], $0x400, $0x38;
	[tilespmem:$0x19880] =	vst v63  }
0x3c5: {  	vm2 =	vcmask $0x373C;
	s12 =	simm.s32 @!p0 $0x2  }
0x3c6: {  	v3 =	vsel vm2, $0x0, v1;
	_ =	swait.ge @!p0 [sflag:s12], $0x400  }
0x3c7: {  	(xrf0) =	vadd.scan.msk.s32 $0xffff, v3;
	_ =	sdelay $0x5  }
0x3c8: {  	v3, _, _ =	vpop (xrf0)  }
0x3c9: {  	(v2sf) =	vpush v3, $0xF;
	_ =	sdelay $0xe  }
0x3ca: {  	s14 =	spop (v2sf)  }
0x3cb: {  	p1 =	sgt.s32 s14, $0x30C  }
0x3cc: {  	v4 =	vimm.s32 @!p1 $0x380;
	vm2 =	vcmask @!p1 $0x1F00  }
0x3cd: {  	v4 =	vsel @!p1 vm2, $0x400, v4;
	vm2 =	vcmask @!p1 $0x2320  }
0x3ce: {  	v4 =	vsel @!p1 vm2, $0x0, v4;
	vm2 =	vcmask @!p1 $0x2724  }
0x3cf: {  	v4 =	vsel @!p1 vm2, $0x80, v4;
	vm2 =	vcmask @!p1 $0x2B28  }
0x3d0: {  	v4 =	vsel @!p1 vm2, $0x100, v4;
	vm2 =	vcmask @!p1 $0x2F2C  }
0x3d1: {  	v4 =	vsel @!p1 vm2, $0x180, v4;
	vm2 =	vcmask @!p1 $0x3330  }
0x3d2: {  	v4 =	vsel @!p1 vm2, $0x200, v4;
	vm2 =	vcmask @!p1 $0x3734  }
0x3d3: {  	v4 =	vsel @!p1 vm2, $0x280, v4;
	vm2 =	vcmask @!p1 $0x3B38  }
0x3d4: {  	v4 =	vsel @!p1 vm2, $0x300, v4;
	vm2 =	vcmask @!p1 $0x3F20  }
0x3d5: {  	v4 =	vor.u32 @!p1 v4, v2  }
0x3d6: {  	v3 =	vbroadcast @!p1 v3, $0xF  }
0x3d7: {  	[sflag:s12] =	ssyncset.done @!p0 $0x0;
	s14 =	sshll.u32 @!p1 s14, $0xA  }
0x3d8: {  	[sflag:s12] =	ssyncadd.s32 @!p0 $0xFFFFFC00;
	s12 =	sadd.s32 @!p1 s8, s14;
	vm3 =	veq.s32 @!p1 v1, v3;
	v3 =	vimm.f32 @!p1 $0.0e+00  }
0x3d9: {  	[tilespmem:v6+s13+$0x0] =	vst.idx.msk @!p0 vm1, v5;
	s13 =	simm.s32 @!p1 $0x19080;
	s12 =	sshrl.u32 @!p1 s12, $0x3;
	v5 =	vsel @!p1 vm3, $0x3F800000, v3  }
0x3da: {  	s14 =	simm.s32 @!p1 $0x0;
	s12 =	sadd.s32 @!p1 s2, s12;
	[tilespmem:v4+s13+$0x0] =	vst.idx.msk @!p1 vm2, v5  }
0x3db: {  	[hbm4b:s12+s14] =	stream.linear.scatter @!p1 [tilespmem:s13], [sflag:$0x2], $0x400, $0x38;
	[tilespmem:$0x19880] =	vst v63  }
0x3dc: {  	s12 =	simm.s32 @!p1 $0x2  }
0x3dd: {  	v63 =	vsel vm0, $0x0, v1;
	_ =	swait.ge @!p1 [sflag:s12], $0x400  }
0x3de: {  	(xrf0) =	vadd.scan.msk.s32 $0xffff, v63;
	_ =	sdelay $0x5  }
0x3df: {  	v5, _, _ =	vpop (xrf0)  }
0x3e0: {  	(v2sf) =	vpush v5, $0xF;
	_ =	sdelay $0xe  }
0x3e1: {  	s14 =	spop (v2sf)  }
0x3e2: {  	p0 =	sgt.s32 s14, $0x30C  }
0x3e3: {  	v6 =	vimm.s32 @!p0 $0x380;
	vm1 =	vcmask @!p0 $0x1F00  }
0x3e4: {  	v6 =	vsel @!p0 vm1, $0x400, v6;
	vm1 =	vcmask @!p0 $0x2320  }
0x3e5: {  	v6 =	vsel @!p0 vm1, $0x0, v6;
	vm1 =	vcmask @!p0 $0x2724  }
0x3e6: {  	v6 =	vsel @!p0 vm1, $0x80, v6;
	vm1 =	vcmask @!p0 $0x2B28  }
0x3e7: {  	v6 =	vsel @!p0 vm1, $0x100, v6;
	vm1 =	vcmask @!p0 $0x2F2C  }
0x3e8: {  	v6 =	vsel @!p0 vm1, $0x180, v6;
	vm1 =	vcmask @!p0 $0x3330  }
0x3e9: {  	v6 =	vsel @!p0 vm1, $0x200, v6;
	vm1 =	vcmask @!p0 $0x3734  }
0x3ea: {  	v6 =	vsel @!p0 vm1, $0x280, v6;
	vm1 =	vcmask @!p0 $0x3B38  }
0x3eb: {  	v6 =	vsel @!p0 vm1, $0x300, v6;
	vm1 =	vcmask @!p0 $0x3F20  }
0x3ec: {  	v2 =	vor.u32 @!p0 v6, v2  }
0x3ed: {  	v5 =	vbroadcast @!p0 v5, $0xF  }
0x3ee: {  	[sflag:s12] =	ssyncset.done @!p1 $0x0;
	s14 =	sshll.u32 @!p0 s14, $0xA  }
0x3ef: {  	[sflag:s12] =	ssyncadd.s32 @!p1 $0xFFFFFC00;
	s12 =	sadd.s32 @!p0 s8, s14;
	vm3 =	veq.s32 @!p0 v1, v5;
	v1 =	vimm.f32 @!p0 $0.0e+00  }
0x3f0: {  	s9 =	sadd.s32 $0xFFFFFFFF, s9;
	[tilespmem:v4+s13+$0x0] =	vst.idx.msk @!p1 vm2, v3;
	s13 =	simm.s32 @!p0 $0x19080;
	s12 =	sshrl.u32 @!p0 s12, $0x3;
	v3 =	vsel @!p0 vm3, $0x3F800000, v1  }
0x3f1: {  	p1 =	sne.s32 s9, $0x0;
	s14 =	simm.s32 @!p0 $0x0;
	s12 =	sadd.s32 @!p0 s2, s12;
	[tilespmem:v2+s13+$0x0] =	vst.idx.msk @!p0 vm1, v3  }
0x3f2: {  	[hbm4b:s12+s14] =	stream.linear.scatter @!p0 [tilespmem:s13], [sflag:$0x2], $0x400, $0x38;
	[tilespmem:$0x19880] =	vst v63  }
.Ltmp0:
0x3f3: {  	s12 =	simm.s32 @!p0 $0x2;
	(pc) =	sbr.rel @p1 .LBB2_1-.Ltmp0, $4  }
0x3f4: {  	_ =	swait.ge @!p0 [sflag:s12], $0x400  }
0x3f5: {  	[sflag:s12] =	ssyncset.done @!p0 $0x0  }
0x3f6: {  	[sflag:s12] =	ssyncadd.s32 @!p0 $0xFFFFFC00  }
0x3f7: {  	[tilespmem:v2+s13+$0x0] =	vst.idx.msk @!p0 vm1, v1  }
0x3f8: {  	_ =	sfence.sel $0x180000  }
0x3f9: {  	[bflag:$0x0] =	sbarrier.arrive $0xFFFF  }
0x3fa: {  	p0 =	sne.s32 s0, $0x0;
	_ =	strace $0x90000047  }
0x3fb: {  	s0 =	sadd.s32 @!p0 $0x100000, s1;
	[bflag:$0x2] =	sbarrier.arrive $0xFFFF  }
0x3fc: {  	[sflag:s0] =	ssyncadd.tile.s32 @!p0 $0x1;
	_ =	shalt  }
.Lfunc_end2:
_tile_overlayer_lowered:
.L_overlay_start_2:
0x3fd: {  	(tag) =	ssettag $0x2  }
0x3fe: {  	s0 =	rddreg [dreg:$0x0];
	s2 =	stileid.u32  }
0x3ff: {  	s1 =	rddreg [dreg:$0x1];
	p0 =	sne.s32 s2, $0x0  }
0x400: {  	s3 =	rddreg [dreg:$0x2];
	[bflag:$0x3] =	sbarrier.arrive $0xFFFF;
	s2 =	simm.s32 @!p0 $0x1C03  }
0x401: {  	[timem:s3], [sflag:s2] =	dma.local @!p0 [hbm:s0], s1  }
0x402: {  	s0 =	simm.s32 @!p0 $0x3  }
0x403: {  	_ =	swait.ge @!p0 [sflag:s0], s1  }
0x404: {  	s1 =	ssub.s32 @!p0 $0x0, s1;
	[sflag:s0] =	ssyncset.done @!p0 $0x0  }
0x405: {  	[sflag:s0] =	ssyncadd.s32 @!p0 s1  }
0x406: {  	[bflag:$0x3] =	sbarrier.arrive $0xFFFF  }
0x407: {  	_ =	shalt  }

</sc_bundles>
